<compile_context>
chip_gen: v7x
topology: tpu7x:2x2x1
jax: 0.10.2.dev20260603
libtpu: 0.0.44.dev20260713+nightly
codegen_flags: <defaults>
</compile_context>

<pallas_src>
import functools

import jax
import jax.numpy as jnp
from jax import lax
from jax.experimental import pallas as pl
from jax.experimental.pallas import tpu as pltpu
from jax.experimental.pallas import tpu_sc as plsc

EPS = 0.5
NC, NS = 2, 16
NW = NC * NS
LANES = 16


def _mlp1_body(x_ref, w_ref, b_ref, y_ref):
    y_ref[...] = (
        jnp.dot(x_ref[...], w_ref[...], preferred_element_type=jnp.float32)
        + 0.5 * b_ref[...]
    )


def _mlp1(x, w1, b1):
    n, d_in = x.shape
    d_h = w1.shape[1]
    blk = 2000
    return pl.pallas_call(
        _mlp1_body,
        grid=(n // blk,),
        in_specs=[
            pl.BlockSpec((blk, d_in), lambda i: (i, 0)),
            pl.BlockSpec((d_in, d_h), lambda i: (0, 0)),
            pl.BlockSpec((1, d_h), lambda i: (0, 0)),
        ],
        out_specs=pl.BlockSpec((blk, d_h), lambda i: (i, 0)),
        out_shape=jax.ShapeDtypeStruct((n, d_h), jnp.float32),
    )(x, w1, b1.reshape(1, -1))


def _mlp2_body(z_ref, w_ref, b_ref, o_ref):
    h = jnp.maximum(z_ref[...], 0.0)
    o_ref[...] = EPS * (
        jnp.dot(h, w_ref[...], preferred_element_type=jnp.float32) + b_ref[...]
    )


def _mlp2_body_aliased(z_ref, w_ref, b_ref, oprev_ref, o_ref):
    del oprev_ref
    _mlp2_body(z_ref, w_ref, b_ref, o_ref)


MLP2_BLK = 8000


def _mlp2_slice(z, w2, b2, e_total, base_blk, out_prev):
    e_s, d_h = z.shape
    d_out = w2.shape[1]
    blk = MLP2_BLK
    in_specs = [
        pl.BlockSpec((blk, d_h), lambda i: (i, 0)),
        pl.BlockSpec((d_h, d_out), lambda i: (0, 0)),
        pl.BlockSpec((1, d_out), lambda i: (0, 0)),
    ]
    args = [z, w2, b2.reshape(1, -1)]
    kwargs = {}
    body = _mlp2_body
    if out_prev is not None:
        in_specs.append(pl.BlockSpec(memory_space=pl.ANY))
        args.append(out_prev)
        kwargs["input_output_aliases"] = {3: 0}
        body = _mlp2_body_aliased
    return pl.pallas_call(
        body,
        grid=(e_s // blk,),
        in_specs=in_specs,
        out_specs=pl.BlockSpec((blk, d_out), lambda i: (base_blk + i, 0)),
        out_shape=jax.ShapeDtypeStruct((e_total, d_out), jnp.float32),
        **kwargs,
    )(*args)


CHUNK = 40


def _gather_sum_body(chunks_per_w, d_h, e_per_w,
                     y_hbm, idx2_hbm, z_hbm,
                     idx_all, y_sh, rows0, rows1, rows2,
                     gs0, gs1, gs2, ws0, ws1, ws2):
    sid = lax.axis_index("s")
    wid = sid * NC + lax.axis_index("c")
    base = wid * e_per_w
    rows = (rows0, rows1, rows2)
    gsem = (gs0, gs1, gs2)
    wsem = (ws0, ws1, ws2)
    ch = chunks_per_w

    n_nodes = y_hbm.shape[0]
    stripe = (n_nodes // NS) & ~7
    rem = n_nodes - NS * stripe
    pltpu.sync_copy(
        y_hbm.at[pl.ds(pl.multiple_of(sid * stripe, 8), stripe)],
        y_sh.at[pl.ds(pl.multiple_of(sid * stripe, 8), stripe)],
    )
    if rem:
        @pl.when(sid == 0)
        def _stage_rem():
            pltpu.sync_copy(
                y_hbm.at[pl.ds(NS * stripe, rem)],
                y_sh.at[pl.ds(NS * stripe, rem)],
            )
    pltpu.sync_copy(idx2_hbm.at[wid], idx_all)
    plsc.subcore_barrier()

    def issue(cur, b):
        pltpu.async_copy(y_sh.at[idx_all.at[cur]], rows[b], gsem[b])

    def wait_gather(cur, b):
        pltpu.make_async_copy(y_sh.at[idx_all.at[cur]], rows[b], gsem[b]).wait()

    def wait_write(b):
        pltpu.make_async_copy(
            rows[b].at[pl.ds(0, CHUNK)], z_hbm.at[pl.ds(0, CHUNK)], wsem[b]
        ).wait()

    def process(cur, b):
        wait_gather(cur, b)

        def add_row(i, c):
            for v in range(d_h // LANES):
                sl = pl.ds(v * LANES, LANES)
                plsc.addupdate(rows[b].at[i, sl], rows[b][CHUNK + i, sl])
            return c

        plsc.parallel_loop(0, CHUNK, 1, unroll=4)(
            lambda i: add_row(i, 0) and None
        )
        off = base + cur * CHUNK
        pltpu.async_copy(
            rows[b].at[pl.ds(0, CHUNK)], z_hbm.at[pl.ds(off, CHUNK)], wsem[b]
        )

    issue(0, 0)
    issue(1, 1)

    def body(k, carry):
        g = 3 * k
        for b in range(3):
            cur = g + b
            nxt = cur + 2
            bn = (b + 2) % 3

            @pl.when(nxt < ch)
            def _issue():
                if b == 0:
                    @pl.when(k > 0)
                    def _w():
                        wait_write(bn)
                else:
                    wait_write(bn)
                issue(nxt, bn)

            process(cur, b)
        return carry

    lax.fori_loop(0, ch // 3, body, 0)
    for cur in range(3 * (ch // 3), ch):
        b = cur % 3
        nxt = cur + 2
        if nxt < ch:
            wait_write((b + 2) % 3)
            issue(nxt, (b + 2) % 3)
        process(cur, b)
    wait_write(0)
    wait_write(1)
    wait_write(2)


def _gather_sum(y, idx2):
    n, d_h = y.shape
    nw, ch, twoc = idx2.shape
    e = nw * ch * CHUNK
    e_per_w = e // NW

    mesh = plsc.VectorSubcoreMesh(
        core_axis_name="c", subcore_axis_name="s", num_cores=NC, num_subcores=NS
    )
    body = functools.partial(_gather_sum_body, ch, d_h, e_per_w)
    return pl.kernel(
        body,
        out_type=jax.ShapeDtypeStruct((e, d_h), jnp.float32),
        mesh=mesh,
        scratch_types=[
            pltpu.VMEM((ch, twoc), jnp.int32),
            pltpu.VMEM_SHARED((n, d_h), jnp.float32),
            pltpu.VMEM((2 * CHUNK, d_h), jnp.float32),
            pltpu.VMEM((2 * CHUNK, d_h), jnp.float32),
            pltpu.VMEM((2 * CHUNK, d_h), jnp.float32),
            pltpu.SemaphoreType.DMA,
            pltpu.SemaphoreType.DMA,
            pltpu.SemaphoreType.DMA,
            pltpu.SemaphoreType.DMA,
            pltpu.SemaphoreType.DMA,
            pltpu.SemaphoreType.DMA,
        ],
    )(y, idx2)


SLICE_SIZES = (96000, 128000, 96000)


def kernel(x, edge_index, W1, b1, W2, b2):
    y = _mlp1(x, W1, b1)
    e = edge_index.shape[1]
    out = None
    lo = 0
    for e_s in SLICE_SIZES:
        ch = e_s // (NW * CHUNK)
        idx2 = jnp.stack(
            [
                lax.slice(edge_index[0], (lo,), (lo + e_s,)).reshape(NW, ch, CHUNK),
                lax.slice(edge_index[1], (lo,), (lo + e_s,)).reshape(NW, ch, CHUNK),
            ],
            axis=2,
        ).reshape(NW, ch, 2 * CHUNK)
        z = _gather_sum(y, idx2)
        out = _mlp2_slice(z, W2, b2, e, lo // MLP2_BLK, out)
        lo += e_s
    return out

# --- scband reference (transcript-rebuilt; emitter-appended) ---
"""Pipeline reference for scband-ginconv-88742614270550 (READ-ONLY COPY).

The authoritative reference and input builder live on the scoring server;
editing this copy changes nothing except your own understanding.
"""

import jax, jax.numpy as jnp
import numpy as np

N, E, D_IN, D_H, D_OUT = 10000, 320000, 128, 128, 128
EPS = 0.5

def setup_inputs(seed: int = 0) -> dict:
    key = jax.random.key(seed)
    k1, k2, k3, k4 = jax.random.split(key, 4)
    x = jax.random.normal(k1, (N, D_IN), dtype=jnp.float32)
    edge_index = jax.random.randint(k2, (2, E), 0, N, dtype=jnp.int32)
    W1 = jax.random.normal(k3, (D_IN, D_H), dtype=jnp.float32) * (1.0 / np.sqrt(D_IN))
    b1 = jnp.zeros((D_H,), dtype=jnp.float32)
    W2 = jax.random.normal(k4, (D_H, D_OUT), dtype=jnp.float32) * (1.0 / np.sqrt(D_H))
    b2 = jnp.zeros((D_OUT,), dtype=jnp.float32)
    return {"x": x, "edge_index": edge_index, "W1": W1, "b1": b1, "W2": W2, "b2": b2}

def reference(x, edge_index, W1, b1, W2, b2):
    # edge_attr = mlp(x[src] + x[dst]); return eps * edge_attr
    src = jnp.take(x, edge_index[0], axis=0)
    dst = jnp.take(x, edge_index[1], axis=0)
    h = src + dst
    h = jnp.maximum(h @ W1 + b1, 0.0)
    h = h @ W2 + b2
    return EPS * h

if __name__ == "__main__":
    import jax
    _d = setup_inputs()
    print(jax.jit(kernel)(*tuple(_d.values())))

</pallas_src>

<mosaic_0001>
#map = affine_map<(d0, d1) -> (0, 0)>
#map1 = affine_map<(d0, d1) -> (0, 0, 0)>
module attributes {stable_mosaic.version = 14 : i64} {
  func.func @_gather_sum_body(%arg0: i32, %arg1: i32, %arg2: memref<10000x128xf32, #tpu.memory_space<hbm>>, %arg3: memref<32x75x80xi32, #tpu.memory_space<hbm>>, %arg4: memref<96000x128xf32, #tpu.memory_space<hbm>>, %arg5: memref<75x80xi32, #tpu.memory_space<vmem>>, %arg6: memref<10000x128xf32, #tpu.memory_space<vmem_shared>>, %arg7: memref<80x128xf32, #tpu.memory_space<vmem>>, %arg8: memref<80x128xf32, #tpu.memory_space<vmem>>, %arg9: memref<80x128xf32, #tpu.memory_space<vmem>>, %arg10: memref<!tpu.dma_semaphore, #tpu.memory_space<semaphore_mem>>, %arg11: memref<!tpu.dma_semaphore, #tpu.memory_space<semaphore_mem>>, %arg12: memref<!tpu.dma_semaphore, #tpu.memory_space<semaphore_mem>>, %arg13: memref<!tpu.dma_semaphore, #tpu.memory_space<semaphore_mem>>, %arg14: memref<!tpu.dma_semaphore, #tpu.memory_space<semaphore_mem>>, %arg15: memref<!tpu.dma_semaphore, #tpu.memory_space<semaphore_mem>>) attributes {dimension_semantics = [#tpu.dimension_semantics<core_parallel>, #tpu.dimension_semantics<subcore_parallel>], iteration_bounds = array<i64: 2, 16>, scalar_prefetch = 0 : i64, scratch_operands = 11 : i64, tpu.core_type = #tpu.core_type<sc_vector_subcore>, window_params = [{transform_indices = #map}, {transform_indices = #map1}, {transform_indices = #map}]} {
    %mul3A = arith.constant 2 : i32
    %mul3A_0 = arith.muli %arg1, %mul3A : i32
    %add3A = arith.addi %mul3A_0, %arg0 : i32
    %mul3A_1 = arith.constant 3000 : i32
    %mul3A_2 = arith.muli %add3A, %mul3A_1 : i32
    %mul3A_3 = arith.constant 624 : i32
    %mul3A_4 = arith.muli %arg1, %mul3A_3 : i32
    %multiple_of3A = tpu.assume_multiple %mul3A_4, 8 : i32
    %mul3A_5 = arith.constant 624 : i32
    %mul3A_6 = arith.muli %arg1, %mul3A_5 : i32
    %multiple_of3A_7 = tpu.assume_multiple %mul3A_6, 8 : i32
    "tpu.region"() ({
      %run_scoped3A = tpu.sem_alloc : memref<!tpu.dma_semaphore, #tpu.memory_space<semaphore_mem>>
      %dma_start3A_63 = arith.constant 0 : i32
      %dma_start3A_64 = tpu.memref_slice %arg6[%multiple_of3A_7, %dma_start3A_63] : memref<10000x128xf32, #tpu.memory_space<vmem_shared>> -> memref<624x128xf32, #tpu.memory_space<vmem_shared>>
      %dma_start3A_65 = arith.constant 0 : i32
      %dma_start3A_66 = tpu.memref_slice %arg2[%multiple_of3A, %dma_start3A_65] : memref<10000x128xf32, #tpu.memory_space<hbm>> -> memref<624x128xf32, #tpu.memory_space<hbm>>
      tpu.enqueue_dma source(%dma_start3A_66 : memref<624x128xf32, #tpu.memory_space<hbm>>) target(%dma_start3A_64 : memref<624x128xf32, #tpu.memory_space<vmem_shared>>) target_semaphore(%run_scoped3A : memref<!tpu.dma_semaphore, #tpu.memory_space<semaphore_mem>>)
      %dma_wait3A_67 = arith.constant 0 : i32
      %dma_wait3A_68 = tpu.memref_slice %arg6[%multiple_of3A_7, %dma_wait3A_67] : memref<10000x128xf32, #tpu.memory_space<vmem_shared>> -> memref<624x128xf32, #tpu.memory_space<vmem_shared>>
      %dma_wait3A_69 = arith.constant 0 : i32
      %dma_wait3A_70 = tpu.memref_slice %arg2[%multiple_of3A, %dma_wait3A_69] : memref<10000x128xf32, #tpu.memory_space<hbm>> -> memref<624x128xf32, #tpu.memory_space<hbm>>
      tpu.wait_dma2 semaphore(%run_scoped3A : memref<!tpu.dma_semaphore, #tpu.memory_space<semaphore_mem>>) src(%dma_wait3A_70 : memref<624x128xf32, #tpu.memory_space<hbm>>) dst(%dma_wait3A_68 : memref<624x128xf32, #tpu.memory_space<vmem_shared>>)
      tpu.yield
    }) : () -> ()
    %eq3A = arith.constant 0 : i32
    %eq3A_8 = arith.cmpi eq, %arg1, %eq3A : i32
    %convert_element_type3A = arith.extui %eq3A_8 : i1 to i32
    %cond3A = arith.constant 0 : i32
    %cond3A_9 = arith.cmpi ne, %convert_element_type3A, %cond3A : i32
    scf.if %cond3A_9 {
      "tpu.region"() ({
        %run_scoped3A = tpu.sem_alloc : memref<!tpu.dma_semaphore, #tpu.memory_space<semaphore_mem>>
        %dma_start3A_63 = arith.constant 9984 : i32
        %dma_start3A_64 = arith.constant 0 : i32
        %dma_start3A_65 = tpu.memref_slice %arg6[%dma_start3A_63, %dma_start3A_64] : memref<10000x128xf32, #tpu.memory_space<vmem_shared>> -> memref<16x128xf32, #tpu.memory_space<vmem_shared>>
        %dma_start3A_66 = arith.constant 9984 : i32
        %dma_start3A_67 = arith.constant 0 : i32
        %dma_start3A_68 = tpu.memref_slice %arg2[%dma_start3A_66, %dma_start3A_67] : memref<10000x128xf32, #tpu.memory_space<hbm>> -> memref<16x128xf32, #tpu.memory_space<hbm>>
        tpu.enqueue_dma source(%dma_start3A_68 : memref<16x128xf32, #tpu.memory_space<hbm>>) target(%dma_start3A_65 : memref<16x128xf32, #tpu.memory_space<vmem_shared>>) target_semaphore(%run_scoped3A : memref<!tpu.dma_semaphore, #tpu.memory_space<semaphore_mem>>)
        %dma_wait3A_69 = arith.constant 9984 : i32
        %dma_wait3A_70 = arith.constant 0 : i32
        %dma_wait3A_71 = tpu.memref_slice %arg6[%dma_wait3A_69, %dma_wait3A_70] : memref<10000x128xf32, #tpu.memory_space<vmem_shared>> -> memref<16x128xf32, #tpu.memory_space<vmem_shared>>
        %dma_wait3A_72 = arith.constant 9984 : i32
        %dma_wait3A_73 = arith.constant 0 : i32
        %dma_wait3A_74 = tpu.memref_slice %arg2[%dma_wait3A_72, %dma_wait3A_73] : memref<10000x128xf32, #tpu.memory_space<hbm>> -> memref<16x128xf32, #tpu.memory_space<hbm>>
        tpu.wait_dma2 semaphore(%run_scoped3A : memref<!tpu.dma_semaphore, #tpu.memory_space<semaphore_mem>>) src(%dma_wait3A_74 : memref<16x128xf32, #tpu.memory_space<hbm>>) dst(%dma_wait3A_71 : memref<16x128xf32, #tpu.memory_space<vmem_shared>>)
        tpu.yield
      }) : () -> ()
    } else {
    }
    "tpu.region"() ({
      %run_scoped3A = tpu.sem_alloc : memref<!tpu.dma_semaphore, #tpu.memory_space<semaphore_mem>>
      %dma_start3A_63 = arith.constant 0 : i32
      %dma_start3A_64 = arith.constant 0 : i32
      %dma_start3A_65 = tpu.memref_slice %arg3[%add3A, %dma_start3A_63, %dma_start3A_64] : memref<32x75x80xi32, #tpu.memory_space<hbm>> -> memref<1x75x80xi32, #tpu.memory_space<hbm>>
      %dma_start3A_66 = tpu.memref_squeeze %dma_start3A_65 : memref<1x75x80xi32, #tpu.memory_space<hbm>> -> memref<75x80xi32, #tpu.memory_space<hbm>>
      %dma_start3A_67 = arith.constant 0 : i32
      %dma_start3A_68 = arith.constant 0 : i32
      %dma_start3A_69 = tpu.memref_slice %arg3[%add3A, %dma_start3A_67, %dma_start3A_68] : memref<32x75x80xi32, #tpu.memory_space<hbm>> -> memref<1x75x80xi32, #tpu.memory_space<hbm>>
      %dma_start3A_70 = tpu.memref_squeeze %dma_start3A_69 : memref<1x75x80xi32, #tpu.memory_space<hbm>> -> memref<75x80xi32, #tpu.memory_space<hbm>>
      tpu.enqueue_dma source(%dma_start3A_70 : memref<75x80xi32, #tpu.memory_space<hbm>>) target(%arg5 : memref<75x80xi32, #tpu.memory_space<vmem>>) target_semaphore(%run_scoped3A : memref<!tpu.dma_semaphore, #tpu.memory_space<semaphore_mem>>)
      %dma_wait3A_71 = arith.constant 0 : i32
      %dma_wait3A_72 = arith.constant 0 : i32
      %dma_wait3A_73 = tpu.memref_slice %arg3[%add3A, %dma_wait3A_71, %dma_wait3A_72] : memref<32x75x80xi32, #tpu.memory_space<hbm>> -> memref<1x75x80xi32, #tpu.memory_space<hbm>>
      %dma_wait3A_74 = tpu.memref_squeeze %dma_wait3A_73 : memref<1x75x80xi32, #tpu.memory_space<hbm>> -> memref<75x80xi32, #tpu.memory_space<hbm>>
      %dma_wait3A_75 = arith.constant 0 : i32
      %dma_wait3A_76 = arith.constant 0 : i32
      %dma_wait3A_77 = tpu.memref_slice %arg3[%add3A, %dma_wait3A_75, %dma_wait3A_76] : memref<32x75x80xi32, #tpu.memory_space<hbm>> -> memref<1x75x80xi32, #tpu.memory_space<hbm>>
      %dma_wait3A_78 = tpu.memref_squeeze %dma_wait3A_77 : memref<1x75x80xi32, #tpu.memory_space<hbm>> -> memref<75x80xi32, #tpu.memory_space<hbm>>
      tpu.wait_dma2 semaphore(%run_scoped3A : memref<!tpu.dma_semaphore, #tpu.memory_space<semaphore_mem>>) src(%dma_wait3A_78 : memref<75x80xi32, #tpu.memory_space<hbm>>) dst(%arg5 : memref<75x80xi32, #tpu.memory_space<vmem>>)
      tpu.yield
    }) : () -> ()
    %barrier3A = arith.constant 0 : index
    tpu.barrier barrier_id(%barrier3A)
    %dma_start3A = arith.constant 0 : i32
    %dma_start3A_10 = arith.constant 0 : i32
    %dma_start3A_11 = tpu.memref_slice %arg5[%dma_start3A, %dma_start3A_10] : memref<75x80xi32, #tpu.memory_space<vmem>> -> memref<1x80xi32, #tpu.memory_space<vmem>>
    %dma_start3A_12 = tpu.memref_squeeze %dma_start3A_11 : memref<1x80xi32, #tpu.memory_space<vmem>> -> memref<80xi32, #tpu.memory_space<vmem>>
    %dma_start3A_13 = arith.constant 0 : i32
    %dma_start3A_14 = arith.constant 0 : i32
    %dma_start3A_15 = tpu.memref_slice %arg6[%dma_start3A_13, %dma_start3A_14] : memref<10000x128xf32, #tpu.memory_space<vmem_shared>> -> memref<10000x128xf32, #tpu.memory_space<vmem_shared>>
    tpu.enqueue_indirect_dma source(%dma_start3A_15 : memref<10000x128xf32, #tpu.memory_space<vmem_shared>>) target(%arg7 : memref<80x128xf32, #tpu.memory_space<vmem>>) offsets(%dma_start3A_12 : memref<80xi32, #tpu.memory_space<vmem>>) semaphore(%arg10 : memref<!tpu.dma_semaphore, #tpu.memory_space<semaphore_mem>>)
    %dma_start3A_16 = arith.constant 1 : i32
    %dma_start3A_17 = arith.constant 0 : i32
    %dma_start3A_18 = tpu.memref_slice %arg5[%dma_start3A_16, %dma_start3A_17] : memref<75x80xi32, #tpu.memory_space<vmem>> -> memref<1x80xi32, #tpu.memory_space<vmem>>
    %dma_start3A_19 = tpu.memref_squeeze %dma_start3A_18 : memref<1x80xi32, #tpu.memory_space<vmem>> -> memref<80xi32, #tpu.memory_space<vmem>>
    %dma_start3A_20 = arith.constant 0 : i32
    %dma_start3A_21 = arith.constant 0 : i32
    %dma_start3A_22 = tpu.memref_slice %arg6[%dma_start3A_20, %dma_start3A_21] : memref<10000x128xf32, #tpu.memory_space<vmem_shared>> -> memref<10000x128xf32, #tpu.memory_space<vmem_shared>>
    tpu.enqueue_indirect_dma source(%dma_start3A_22 : memref<10000x128xf32, #tpu.memory_space<vmem_shared>>) target(%arg8 : memref<80x128xf32, #tpu.memory_space<vmem>>) offsets(%dma_start3A_19 : memref<80xi32, #tpu.memory_space<vmem>>) semaphore(%arg11 : memref<!tpu.dma_semaphore, #tpu.memory_space<semaphore_mem>>)
    %scan3A = arith.constant 0 : i32
    %scan3A_23 = arith.constant 0 : i32
    %scan3A_24 = arith.constant 25 : i32
    %scan3A_25 = arith.addi %scan3A_23, %scan3A_24 : i32
    %scan3A_26 = arith.constant 1 : i32
    scf.for %scan3A_63 = %scan3A_23 to %scan3A_25 step %scan3A_26  : i32 {
      %mul3A_64 = arith.constant 3 : i32
      %mul3A_65 = arith.muli %mul3A_64, %scan3A_63 : i32
      %add3A_66 = arith.constant 0 : i32
      %add3A_67 = arith.addi %mul3A_65, %add3A_66 : i32
      %add3A_68 = arith.constant 2 : i32
      %add3A_69 = arith.addi %add3A_67, %add3A_68 : i32
      %lt3A = arith.constant 75 : i32
      %lt3A_70 = arith.cmpi slt, %add3A_69, %lt3A : i32
      %convert_element_type3A_71 = arith.extui %lt3A_70 : i1 to i32
      %cond3A_72 = arith.constant 0 : i32
      %cond3A_73 = arith.cmpi ne, %convert_element_type3A_71, %cond3A_72 : i32
      scf.if %cond3A_73 {
        %gt3A = arith.constant 0 : i32
        %gt3A_157 = arith.cmpi sgt, %scan3A_63, %gt3A : i32
        %convert_element_type3A_158 = arith.extui %gt3A_157 : i1 to i32
        %cond3A_159 = arith.constant 0 : i32
        %cond3A_160 = arith.cmpi ne, %convert_element_type3A_158, %cond3A_159 : i32
        scf.if %cond3A_160 {
          %dma_wait3A_167 = arith.constant 0 : i32
          %dma_wait3A_168 = arith.constant 0 : i32
          %dma_wait3A_169 = tpu.memref_slice %arg9[%dma_wait3A_167, %dma_wait3A_168] : memref<80x128xf32, #tpu.memory_space<vmem>> -> memref<40x128xf32, #tpu.memory_space<vmem>>
          %dma_wait3A_170 = arith.constant 0 : i32
          %dma_wait3A_171 = arith.constant 0 : i32
          %dma_wait3A_172 = tpu.memref_slice %arg4[%dma_wait3A_170, %dma_wait3A_171] : memref<96000x128xf32, #tpu.memory_space<hbm>> -> memref<40x128xf32, #tpu.memory_space<hbm>>
          %dma_wait3A_173 = arith.constant 0 : i32
          %dma_wait3A_174 = arith.constant 0 : i32
          %dma_wait3A_175 = tpu.memref_slice %arg4[%dma_wait3A_173, %dma_wait3A_174] : memref<96000x128xf32, #tpu.memory_space<hbm>> -> memref<40x128xf32, #tpu.memory_space<hbm>>
          %dma_wait3A_176 = arith.constant 0 : i32
          %dma_wait3A_177 = arith.constant 0 : i32
          %dma_wait3A_178 = tpu.memref_slice %arg9[%dma_wait3A_176, %dma_wait3A_177] : memref<80x128xf32, #tpu.memory_space<vmem>> -> memref<40x128xf32, #tpu.memory_space<vmem>>
          tpu.wait_dma2 semaphore(%arg15 : memref<!tpu.dma_semaphore, #tpu.memory_space<semaphore_mem>>) src(%dma_wait3A_178 : memref<40x128xf32, #tpu.memory_space<vmem>>) dst(%dma_wait3A_175 : memref<40x128xf32, #tpu.memory_space<hbm>>)
        } else {
        }
        %dma_start3A_161 = arith.constant 0 : i32
        %dma_start3A_162 = tpu.memref_slice %arg5[%add3A_69, %dma_start3A_161] : memref<75x80xi32, #tpu.memory_space<vmem>> -> memref<1x80xi32, #tpu.memory_space<vmem>>
        %dma_start3A_163 = tpu.memref_squeeze %dma_start3A_162 : memref<1x80xi32, #tpu.memory_space<vmem>> -> memref<80xi32, #tpu.memory_space<vmem>>
        %dma_start3A_164 = arith.constant 0 : i32
        %dma_start3A_165 = arith.constant 0 : i32
        %dma_start3A_166 = tpu.memref_slice %arg6[%dma_start3A_164, %dma_start3A_165] : memref<10000x128xf32, #tpu.memory_space<vmem_shared>> -> memref<10000x128xf32, #tpu.memory_space<vmem_shared>>
        tpu.enqueue_indirect_dma source(%dma_start3A_166 : memref<10000x128xf32, #tpu.memory_space<vmem_shared>>) target(%arg9 : memref<80x128xf32, #tpu.memory_space<vmem>>) offsets(%dma_start3A_163 : memref<80xi32, #tpu.memory_space<vmem>>) semaphore(%arg12 : memref<!tpu.dma_semaphore, #tpu.memory_space<semaphore_mem>>)
      } else {
      }
      %dma_wait3A_74 = arith.constant 0 : i32
      %dma_wait3A_75 = tpu.memref_slice %arg5[%add3A_67, %dma_wait3A_74] : memref<75x80xi32, #tpu.memory_space<vmem>> -> memref<1x80xi32, #tpu.memory_space<vmem>>
      %dma_wait3A_76 = tpu.memref_squeeze %dma_wait3A_75 : memref<1x80xi32, #tpu.memory_space<vmem>> -> memref<80xi32, #tpu.memory_space<vmem>>
      %dma_wait3A_77 = arith.constant 0 : i32
      %dma_wait3A_78 = arith.constant 0 : i32
      %dma_wait3A_79 = tpu.memref_slice %arg6[%dma_wait3A_77, %dma_wait3A_78] : memref<10000x128xf32, #tpu.memory_space<vmem_shared>> -> memref<10000x128xf32, #tpu.memory_space<vmem_shared>>
      tpu.wait_indirect_dma semaphore(%arg10 : memref<!tpu.dma_semaphore, #tpu.memory_space<semaphore_mem>>) src(%dma_wait3A_79 : memref<10000x128xf32, #tpu.memory_space<vmem_shared>>) dst(%arg7 : memref<80x128xf32, #tpu.memory_space<vmem>>)
      %parallel_loop3A = arith.constant 0 : i32
      %parallel_loop3A_80 = arith.constant 40 : i32
      %parallel_loop3A_81 = arith.constant 1 : i32
      scf.for %parallel_loop3A_157 = %parallel_loop3A to %parallel_loop3A_80 step %parallel_loop3A_81  : i32 {
        %parallel_loop3A_158 = arith.constant 40 : i32
        %parallel_loop3A_159 = arith.addi %parallel_loop3A_158, %parallel_loop3A_157 : i32
        %parallel_loop3A_160 = arith.index_cast %parallel_loop3A_159 : i32 to index
        %parallel_loop3A_161 = arith.constant 0 : index
        %parallel_loop3A_162 = tpu.vector_load %arg7[%parallel_loop3A_160, %parallel_loop3A_161] {strides = array<i32>} : memref<80x128xf32, #tpu.memory_space<vmem>>, vector<1x16xf32>,
        %parallel_loop3A_163 = vector.shape_cast %parallel_loop3A_162 : vector<1x16xf32> to vector<16xf32>
        %parallel_loop3A_164 = arith.index_cast %parallel_loop3A_157 : i32 to index
        %parallel_loop3A_165 = arith.constant 0 : index
        %parallel_loop3A_166 = tpu.vector_load %arg7[%parallel_loop3A_164, %parallel_loop3A_165] {strides = array<i32>} : memref<80x128xf32, #tpu.memory_space<vmem>>, vector<1x16xf32>,
        %parallel_loop3A_167 = vector.shape_cast %parallel_loop3A_166 : vector<1x16xf32> to vector<16xf32>
        %parallel_loop3A_168 = vector.shape_cast %parallel_loop3A_163 : vector<16xf32> to vector<1x16xf32>
        tpu.vector_store %arg7[%parallel_loop3A_164, %parallel_loop3A_165], %parallel_loop3A_168 {add = true, strides = array<i32>} : memref<80x128xf32, #tpu.memory_space<vmem>>, vector<1x16xf32>,
        %parallel_loop3A_169 = arith.constant 40 : i32
        %parallel_loop3A_170 = arith.addi %parallel_loop3A_169, %parallel_loop3A_157 : i32
        %parallel_loop3A_171 = arith.index_cast %parallel_loop3A_170 : i32 to index
        %parallel_loop3A_172 = arith.constant 16 : index
        %parallel_loop3A_173 = tpu.vector_load %arg7[%parallel_loop3A_171, %parallel_loop3A_172] {strides = array<i32>} : memref<80x128xf32, #tpu.memory_space<vmem>>, vector<1x16xf32>,
        %parallel_loop3A_174 = vector.shape_cast %parallel_loop3A_173 : vector<1x16xf32> to vector<16xf32>
        %parallel_loop3A_175 = arith.index_cast %parallel_loop3A_157 : i32 to index
        %parallel_loop3A_176 = arith.constant 16 : index
        %parallel_loop3A_177 = tpu.vector_load %arg7[%parallel_loop3A_175, %parallel_loop3A_176] {strides = array<i32>} : memref<80x128xf32, #tpu.memory_space<vmem>>, vector<1x16xf32>,
        %parallel_loop3A_178 = vector.shape_cast %parallel_loop3A_177 : vector<1x16xf32> to vector<16xf32>
        %parallel_loop3A_179 = vector.shape_cast %parallel_loop3A_174 : vector<16xf32> to vector<1x16xf32>
        tpu.vector_store %arg7[%parallel_loop3A_175, %parallel_loop3A_176], %parallel_loop3A_179 {add = true, strides = array<i32>} : memref<80x128xf32, #tpu.memory_space<vmem>>, vector<1x16xf32>,
        %parallel_loop3A_180 = arith.constant 40 : i32
        %parallel_loop3A_181 = arith.addi %parallel_loop3A_180, %parallel_loop3A_157 : i32
        %parallel_loop3A_182 = arith.index_cast %parallel_loop3A_181 : i32 to index
        %parallel_loop3A_183 = arith.constant 32 : index
        %parallel_loop3A_184 = tpu.vector_load %arg7[%parallel_loop3A_182, %parallel_loop3A_183] {strides = array<i32>} : memref<80x128xf32, #tpu.memory_space<vmem>>, vector<1x16xf32>,
        %parallel_loop3A_185 = vector.shape_cast %parallel_loop3A_184 : vector<1x16xf32> to vector<16xf32>
        %parallel_loop3A_186 = arith.index_cast %parallel_loop3A_157 : i32 to index
        %parallel_loop3A_187 = arith.constant 32 : index
        %parallel_loop3A_188 = tpu.vector_load %arg7[%parallel_loop3A_186, %parallel_loop3A_187] {strides = array<i32>} : memref<80x128xf32, #tpu.memory_space<vmem>>, vector<1x16xf32>,
        %parallel_loop3A_189 = vector.shape_cast %parallel_loop3A_188 : vector<1x16xf32> to vector<16xf32>
        %parallel_loop3A_190 = vector.shape_cast %parallel_loop3A_185 : vector<16xf32> to vector<1x16xf32>
        tpu.vector_store %arg7[%parallel_loop3A_186, %parallel_loop3A_187], %parallel_loop3A_190 {add = true, strides = array<i32>} : memref<80x128xf32, #tpu.memory_space<vmem>>, vector<1x16xf32>,
        %parallel_loop3A_191 = arith.constant 40 : i32
        %parallel_loop3A_192 = arith.addi %parallel_loop3A_191, %parallel_loop3A_157 : i32
        %parallel_loop3A_193 = arith.index_cast %parallel_loop3A_192 : i32 to index
        %parallel_loop3A_194 = arith.constant 48 : index
        %parallel_loop3A_195 = tpu.vector_load %arg7[%parallel_loop3A_193, %parallel_loop3A_194] {strides = array<i32>} : memref<80x128xf32, #tpu.memory_space<vmem>>, vector<1x16xf32>,
        %parallel_loop3A_196 = vector.shape_cast %parallel_loop3A_195 : vector<1x16xf32> to vector<16xf32>
        %parallel_loop3A_197 = arith.index_cast %parallel_loop3A_157 : i32 to index
        %parallel_loop3A_198 = arith.constant 48 : index
        %parallel_loop3A_199 = tpu.vector_load %arg7[%parallel_loop3A_197, %parallel_loop3A_198] {strides = array<i32>} : memref<80x128xf32, #tpu.memory_space<vmem>>, vector<1x16xf32>,
        %parallel_loop3A_200 = vector.shape_cast %parallel_loop3A_199 : vector<1x16xf32> to vector<16xf32>
        %parallel_loop3A_201 = vector.shape_cast %parallel_loop3A_196 : vector<16xf32> to vector<1x16xf32>
        tpu.vector_store %arg7[%parallel_loop3A_197, %parallel_loop3A_198], %parallel_loop3A_201 {add = true, strides = array<i32>} : memref<80x128xf32, #tpu.memory_space<vmem>>, vector<1x16xf32>,
        %parallel_loop3A_202 = arith.constant 40 : i32
        %parallel_loop3A_203 = arith.addi %parallel_loop3A_202, %parallel_loop3A_157 : i32
        %parallel_loop3A_204 = arith.index_cast %parallel_loop3A_203 : i32 to index
        %parallel_loop3A_205 = arith.constant 64 : index
        %parallel_loop3A_206 = tpu.vector_load %arg7[%parallel_loop3A_204, %parallel_loop3A_205] {strides = array<i32>} : memref<80x128xf32, #tpu.memory_space<vmem>>, vector<1x16xf32>,
        %parallel_loop3A_207 = vector.shape_cast %parallel_loop3A_206 : vector<1x16xf32> to vector<16xf32>
        %parallel_loop3A_208 = arith.index_cast %parallel_loop3A_157 : i32 to index
        %parallel_loop3A_209 = arith.constant 64 : index
        %parallel_loop3A_210 = tpu.vector_load %arg7[%parallel_loop3A_208, %parallel_loop3A_209] {strides = array<i32>} : memref<80x128xf32, #tpu.memory_space<vmem>>, vector<1x16xf32>,
        %parallel_loop3A_211 = vector.shape_cast %parallel_loop3A_210 : vector<1x16xf32> to vector<16xf32>
        %parallel_loop3A_212 = vector.shape_cast %parallel_loop3A_207 : vector<16xf32> to vector<1x16xf32>
        tpu.vector_store %arg7[%parallel_loop3A_208, %parallel_loop3A_209], %parallel_loop3A_212 {add = true, strides = array<i32>} : memref<80x128xf32, #tpu.memory_space<vmem>>, vector<1x16xf32>,
        %parallel_loop3A_213 = arith.constant 40 : i32
        %parallel_loop3A_214 = arith.addi %parallel_loop3A_213, %parallel_loop3A_157 : i32
        %parallel_loop3A_215 = arith.index_cast %parallel_loop3A_214 : i32 to index
        %parallel_loop3A_216 = arith.constant 80 : index
        %parallel_loop3A_217 = tpu.vector_load %arg7[%parallel_loop3A_215, %parallel_loop3A_216] {strides = array<i32>} : memref<80x128xf32, #tpu.memory_space<vmem>>, vector<1x16xf32>,
        %parallel_loop3A_218 = vector.shape_cast %parallel_loop3A_217 : vector<1x16xf32> to vector<16xf32>
        %parallel_loop3A_219 = arith.index_cast %parallel_loop3A_157 : i32 to index
        %parallel_loop3A_220 = arith.constant 80 : index
        %parallel_loop3A_221 = tpu.vector_load %arg7[%parallel_loop3A_219, %parallel_loop3A_220] {strides = array<i32>} : memref<80x128xf32, #tpu.memory_space<vmem>>, vector<1x16xf32>,
        %parallel_loop3A_222 = vector.shape_cast %parallel_loop3A_221 : vector<1x16xf32> to vector<16xf32>
        %parallel_loop3A_223 = vector.shape_cast %parallel_loop3A_218 : vector<16xf32> to vector<1x16xf32>
        tpu.vector_store %arg7[%parallel_loop3A_219, %parallel_loop3A_220], %parallel_loop3A_223 {add = true, strides = array<i32>} : memref<80x128xf32, #tpu.memory_space<vmem>>, vector<1x16xf32>,
        %parallel_loop3A_224 = arith.constant 40 : i32
        %parallel_loop3A_225 = arith.addi %parallel_loop3A_224, %parallel_loop3A_157 : i32
        %parallel_loop3A_226 = arith.index_cast %parallel_loop3A_225 : i32 to index
        %parallel_loop3A_227 = arith.constant 96 : index
        %parallel_loop3A_228 = tpu.vector_load %arg7[%parallel_loop3A_226, %parallel_loop3A_227] {strides = array<i32>} : memref<80x128xf32, #tpu.memory_space<vmem>>, vector<1x16xf32>,
        %parallel_loop3A_229 = vector.shape_cast %parallel_loop3A_228 : vector<1x16xf32> to vector<16xf32>
        %parallel_loop3A_230 = arith.index_cast %parallel_loop3A_157 : i32 to index
        %parallel_loop3A_231 = arith.constant 96 : index
        %parallel_loop3A_232 = tpu.vector_load %arg7[%parallel_loop3A_230, %parallel_loop3A_231] {strides = array<i32>} : memref<80x128xf32, #tpu.memory_space<vmem>>, vector<1x16xf32>,
        %parallel_loop3A_233 = vector.shape_cast %parallel_loop3A_232 : vector<1x16xf32> to vector<16xf32>
        %parallel_loop3A_234 = vector.shape_cast %parallel_loop3A_229 : vector<16xf32> to vector<1x16xf32>
        tpu.vector_store %arg7[%parallel_loop3A_230, %parallel_loop3A_231], %parallel_loop3A_234 {add = true, strides = array<i32>} : memref<80x128xf32, #tpu.memory_space<vmem>>, vector<1x16xf32>,
        %parallel_loop3A_235 = arith.constant 40 : i32
        %parallel_loop3A_236 = arith.addi %parallel_loop3A_235, %parallel_loop3A_157 : i32
        %parallel_loop3A_237 = arith.index_cast %parallel_loop3A_236 : i32 to index
        %parallel_loop3A_238 = arith.constant 112 : index
        %parallel_loop3A_239 = tpu.vector_load %arg7[%parallel_loop3A_237, %parallel_loop3A_238] {strides = array<i32>} : memref<80x128xf32, #tpu.memory_space<vmem>>, vector<1x16xf32>,
        %parallel_loop3A_240 = vector.shape_cast %parallel_loop3A_239 : vector<1x16xf32> to vector<16xf32>
        %parallel_loop3A_241 = arith.index_cast %parallel_loop3A_157 : i32 to index
        %parallel_loop3A_242 = arith.constant 112 : index
        %parallel_loop3A_243 = tpu.vector_load %arg7[%parallel_loop3A_241, %parallel_loop3A_242] {strides = array<i32>} : memref<80x128xf32, #tpu.memory_space<vmem>>, vector<1x16xf32>,
        %parallel_loop3A_244 = vector.shape_cast %parallel_loop3A_243 : vector<1x16xf32> to vector<16xf32>
        %parallel_loop3A_245 = vector.shape_cast %parallel_loop3A_240 : vector<16xf32> to vector<1x16xf32>
        tpu.vector_store %arg7[%parallel_loop3A_241, %parallel_loop3A_242], %parallel_loop3A_245 {add = true, strides = array<i32>} : memref<80x128xf32, #tpu.memory_space<vmem>>, vector<1x16xf32>,
      } {sc.loop_unroll_factor = 4 : i64, sc.parallel_access}
      %mul3A_82 = arith.constant 40 : i32
      %mul3A_83 = arith.muli %add3A_67, %mul3A_82 : i32
      %add3A_84 = arith.addi %mul3A_2, %mul3A_83 : i32
      %dma_start3A_85 = arith.constant 0 : i32
      %dma_start3A_86 = arith.constant 0 : i32
      %dma_start3A_87 = tpu.memref_slice %arg7[%dma_start3A_85, %dma_start3A_86] : memref<80x128xf32, #tpu.memory_space<vmem>> -> memref<40x128xf32, #tpu.memory_space<vmem>>
      %dma_start3A_88 = arith.constant 0 : i32
      %dma_start3A_89 = tpu.memref_slice %arg4[%add3A_84, %dma_start3A_88] : memref<96000x128xf32, #tpu.memory_space<hbm>> -> memref<40x128xf32, #tpu.memory_space<hbm>>
      %dma_start3A_90 = arith.constant 0 : i32
      %dma_start3A_91 = tpu.memref_slice %arg4[%add3A_84, %dma_start3A_90] : memref<96000x128xf32, #tpu.memory_space<hbm>> -> memref<40x128xf32, #tpu.memory_space<hbm>>
      %dma_start3A_92 = arith.constant 0 : i32
      %dma_start3A_93 = arith.constant 0 : i32
      %dma_start3A_94 = tpu.memref_slice %arg7[%dma_start3A_92, %dma_start3A_93] : memref<80x128xf32, #tpu.memory_space<vmem>> -> memref<40x128xf32, #tpu.memory_space<vmem>>
      tpu.enqueue_dma source(%dma_start3A_94 : memref<40x128xf32, #tpu.memory_space<vmem>>) target(%dma_start3A_91 : memref<40x128xf32, #tpu.memory_space<hbm>>) target_semaphore(%arg13 : memref<!tpu.dma_semaphore, #tpu.memory_space<semaphore_mem>>)
      %add3A_95 = arith.constant 1 : i32
      %add3A_96 = arith.addi %mul3A_65, %add3A_95 : i32
      %add3A_97 = arith.constant 2 : i32
      %add3A_98 = arith.addi %add3A_96, %add3A_97 : i32
      %lt3A_99 = arith.constant 75 : i32
      %lt3A_100 = arith.cmpi slt, %add3A_98, %lt3A_99 : i32
      %convert_element_type3A_101 = arith.extui %lt3A_100 : i1 to i32
      %cond3A_102 = arith.constant 0 : i32
      %cond3A_103 = arith.cmpi ne, %convert_element_type3A_101, %cond3A_102 : i32
      scf.if %cond3A_103 {
        %dma_wait3A_157 = arith.constant 0 : i32
        %dma_wait3A_158 = arith.constant 0 : i32
        %dma_wait3A_159 = tpu.memref_slice %arg7[%dma_wait3A_157, %dma_wait3A_158] : memref<80x128xf32, #tpu.memory_space<vmem>> -> memref<40x128xf32, #tpu.memory_space<vmem>>
        %dma_wait3A_160 = arith.constant 0 : i32
        %dma_wait3A_161 = arith.constant 0 : i32
        %dma_wait3A_162 = tpu.memref_slice %arg4[%dma_wait3A_160, %dma_wait3A_161] : memref<96000x128xf32, #tpu.memory_space<hbm>> -> memref<40x128xf32, #tpu.memory_space<hbm>>
        %dma_wait3A_163 = arith.constant 0 : i32
        %dma_wait3A_164 = arith.constant 0 : i32
        %dma_wait3A_165 = tpu.memref_slice %arg4[%dma_wait3A_163, %dma_wait3A_164] : memref<96000x128xf32, #tpu.memory_space<hbm>> -> memref<40x128xf32, #tpu.memory_space<hbm>>
        %dma_wait3A_166 = arith.constant 0 : i32
        %dma_wait3A_167 = arith.constant 0 : i32
        %dma_wait3A_168 = tpu.memref_slice %arg7[%dma_wait3A_166, %dma_wait3A_167] : memref<80x128xf32, #tpu.memory_space<vmem>> -> memref<40x128xf32, #tpu.memory_space<vmem>>
        tpu.wait_dma2 semaphore(%arg13 : memref<!tpu.dma_semaphore, #tpu.memory_space<semaphore_mem>>) src(%dma_wait3A_168 : memref<40x128xf32, #tpu.memory_space<vmem>>) dst(%dma_wait3A_165 : memref<40x128xf32, #tpu.memory_space<hbm>>)
        %dma_start3A_169 = arith.constant 0 : i32
        %dma_start3A_170 = tpu.memref_slice %arg5[%add3A_98, %dma_start3A_169] : memref<75x80xi32, #tpu.memory_space<vmem>> -> memref<1x80xi32, #tpu.memory_space<vmem>>
        %dma_start3A_171 = tpu.memref_squeeze %dma_start3A_170 : memref<1x80xi32, #tpu.memory_space<vmem>> -> memref<80xi32, #tpu.memory_space<vmem>>
        %dma_start3A_172 = arith.constant 0 : i32
        %dma_start3A_173 = arith.constant 0 : i32
        %dma_start3A_174 = tpu.memref_slice %arg6[%dma_start3A_172, %dma_start3A_173] : memref<10000x128xf32, #tpu.memory_space<vmem_shared>> -> memref<10000x128xf32, #tpu.memory_space<vmem_shared>>
        tpu.enqueue_indirect_dma source(%dma_start3A_174 : memref<10000x128xf32, #tpu.memory_space<vmem_shared>>) target(%arg7 : memref<80x128xf32, #tpu.memory_space<vmem>>) offsets(%dma_start3A_171 : memref<80xi32, #tpu.memory_space<vmem>>) semaphore(%arg10 : memref<!tpu.dma_semaphore, #tpu.memory_space<semaphore_mem>>)
      } else {
      }
      %dma_wait3A_104 = arith.constant 0 : i32
      %dma_wait3A_105 = tpu.memref_slice %arg5[%add3A_96, %dma_wait3A_104] : memref<75x80xi32, #tpu.memory_space<vmem>> -> memref<1x80xi32, #tpu.memory_space<vmem>>
      %dma_wait3A_106 = tpu.memref_squeeze %dma_wait3A_105 : memref<1x80xi32, #tpu.memory_space<vmem>> -> memref<80xi32, #tpu.memory_space<vmem>>
      %dma_wait3A_107 = arith.constant 0 : i32
      %dma_wait3A_108 = arith.constant 0 : i32
      %dma_wait3A_109 = tpu.memref_slice %arg6[%dma_wait3A_107, %dma_wait3A_108] : memref<10000x128xf32, #tpu.memory_space<vmem_shared>> -> memref<10000x128xf32, #tpu.memory_space<vmem_shared>>
      tpu.wait_indirect_dma semaphore(%arg11 : memref<!tpu.dma_semaphore, #tpu.memory_space<semaphore_mem>>) src(%dma_wait3A_109 : memref<10000x128xf32, #tpu.memory_space<vmem_shared>>) dst(%arg8 : memref<80x128xf32, #tpu.memory_space<vmem>>)
      %parallel_loop3A_110 = arith.constant 0 : i32
      %parallel_loop3A_111 = arith.constant 40 : i32
      %parallel_loop3A_112 = arith.constant 1 : i32
      scf.for %parallel_loop3A_157 = %parallel_loop3A_110 to %parallel_loop3A_111 step %parallel_loop3A_112  : i32 {
        %parallel_loop3A_158 = arith.constant 40 : i32
        %parallel_loop3A_159 = arith.addi %parallel_loop3A_158, %parallel_loop3A_157 : i32
        %parallel_loop3A_160 = arith.index_cast %parallel_loop3A_159 : i32 to index
        %parallel_loop3A_161 = arith.constant 0 : index
        %parallel_loop3A_162 = tpu.vector_load %arg8[%parallel_loop3A_160, %parallel_loop3A_161] {strides = array<i32>} : memref<80x128xf32, #tpu.memory_space<vmem>>, vector<1x16xf32>,
        %parallel_loop3A_163 = vector.shape_cast %parallel_loop3A_162 : vector<1x16xf32> to vector<16xf32>
        %parallel_loop3A_164 = arith.index_cast %parallel_loop3A_157 : i32 to index
        %parallel_loop3A_165 = arith.constant 0 : index
        %parallel_loop3A_166 = tpu.vector_load %arg8[%parallel_loop3A_164, %parallel_loop3A_165] {strides = array<i32>} : memref<80x128xf32, #tpu.memory_space<vmem>>, vector<1x16xf32>,
        %parallel_loop3A_167 = vector.shape_cast %parallel_loop3A_166 : vector<1x16xf32> to vector<16xf32>
        %parallel_loop3A_168 = vector.shape_cast %parallel_loop3A_163 : vector<16xf32> to vector<1x16xf32>
        tpu.vector_store %arg8[%parallel_loop3A_164, %parallel_loop3A_165], %parallel_loop3A_168 {add = true, strides = array<i32>} : memref<80x128xf32, #tpu.memory_space<vmem>>, vector<1x16xf32>,
        %parallel_loop3A_169 = arith.constant 40 : i32
        %parallel_loop3A_170 = arith.addi %parallel_loop3A_169, %parallel_loop3A_157 : i32
        %parallel_loop3A_171 = arith.index_cast %parallel_loop3A_170 : i32 to index
        %parallel_loop3A_172 = arith.constant 16 : index
        %parallel_loop3A_173 = tpu.vector_load %arg8[%parallel_loop3A_171, %parallel_loop3A_172] {strides = array<i32>} : memref<80x128xf32, #tpu.memory_space<vmem>>, vector<1x16xf32>,
        %parallel_loop3A_174 = vector.shape_cast %parallel_loop3A_173 : vector<1x16xf32> to vector<16xf32>
        %parallel_loop3A_175 = arith.index_cast %parallel_loop3A_157 : i32 to index
        %parallel_loop3A_176 = arith.constant 16 : index
        %parallel_loop3A_177 = tpu.vector_load %arg8[%parallel_loop3A_175, %parallel_loop3A_176] {strides = array<i32>} : memref<80x128xf32, #tpu.memory_space<vmem>>, vector<1x16xf32>,
        %parallel_loop3A_178 = vector.shape_cast %parallel_loop3A_177 : vector<1x16xf32> to vector<16xf32>
        %parallel_loop3A_179 = vector.shape_cast %parallel_loop3A_174 : vector<16xf32> to vector<1x16xf32>
        tpu.vector_store %arg8[%parallel_loop3A_175, %parallel_loop3A_176], %parallel_loop3A_179 {add = true, strides = array<i32>} : memref<80x128xf32, #tpu.memory_space<vmem>>, vector<1x16xf32>,
        %parallel_loop3A_180 = arith.constant 40 : i32
        %parallel_loop3A_181 = arith.addi %parallel_loop3A_180, %parallel_loop3A_157 : i32
        %parallel_loop3A_182 = arith.index_cast %parallel_loop3A_181 : i32 to index
        %parallel_loop3A_183 = arith.constant 32 : index
        %parallel_loop3A_184 = tpu.vector_load %arg8[%parallel_loop3A_182, %parallel_loop3A_183] {strides = array<i32>} : memref<80x128xf32, #tpu.memory_space<vmem>>, vector<1x16xf32>,
        %parallel_loop3A_185 = vector.shape_cast %parallel_loop3A_184 : vector<1x16xf32> to vector<16xf32>
        %parallel_loop3A_186 = arith.index_cast %parallel_loop3A_157 : i32 to index
        %parallel_loop3A_187 = arith.constant 32 : index
        %parallel_loop3A_188 = tpu.vector_load %arg8[%parallel_loop3A_186, %parallel_loop3A_187] {strides = array<i32>} : memref<80x128xf32, #tpu.memory_space<vmem>>, vector<1x16xf32>,
        %parallel_loop3A_189 = vector.shape_cast %parallel_loop3A_188 : vector<1x16xf32> to vector<16xf32>
        %parallel_loop3A_190 = vector.shape_cast %parallel_loop3A_185 : vector<16xf32> to vector<1x16xf32>
        tpu.vector_store %arg8[%parallel_loop3A_186, %parallel_loop3A_187], %parallel_loop3A_190 {add = true, strides = array<i32>} : memref<80x128xf32, #tpu.memory_space<vmem>>, vector<1x16xf32>,
        %parallel_loop3A_191 = arith.constant 40 : i32
        %parallel_loop3A_192 = arith.addi %parallel_loop3A_191, %parallel_loop3A_157 : i32
        %parallel_loop3A_193 = arith.index_cast %parallel_loop3A_192 : i32 to index
        %parallel_loop3A_194 = arith.constant 48 : index
        %parallel_loop3A_195 = tpu.vector_load %arg8[%parallel_loop3A_193, %parallel_loop3A_194] {strides = array<i32>} : memref<80x128xf32, #tpu.memory_space<vmem>>, vector<1x16xf32>,
        %parallel_loop3A_196 = vector.shape_cast %parallel_loop3A_195 : vector<1x16xf32> to vector<16xf32>
        %parallel_loop3A_197 = arith.index_cast %parallel_loop3A_157 : i32 to index
        %parallel_loop3A_198 = arith.constant 48 : index
        %parallel_loop3A_199 = tpu.vector_load %arg8[%parallel_loop3A_197, %parallel_loop3A_198] {strides = array<i32>} : memref<80x128xf32, #tpu.memory_space<vmem>>, vector<1x16xf32>,
        %parallel_loop3A_200 = vector.shape_cast %parallel_loop3A_199 : vector<1x16xf32> to vector<16xf32>
        %parallel_loop3A_201 = vector.shape_cast %parallel_loop3A_196 : vector<16xf32> to vector<1x16xf32>
        tpu.vector_store %arg8[%parallel_loop3A_197, %parallel_loop3A_198], %parallel_loop3A_201 {add = true, strides = array<i32>} : memref<80x128xf32, #tpu.memory_space<vmem>>, vector<1x16xf32>,
        %parallel_loop3A_202 = arith.constant 40 : i32
        %parallel_loop3A_203 = arith.addi %parallel_loop3A_202, %parallel_loop3A_157 : i32
        %parallel_loop3A_204 = arith.index_cast %parallel_loop3A_203 : i32 to index
        %parallel_loop3A_205 = arith.constant 64 : index
        %parallel_loop3A_206 = tpu.vector_load %arg8[%parallel_loop3A_204, %parallel_loop3A_205] {strides = array<i32>} : memref<80x128xf32, #tpu.memory_space<vmem>>, vector<1x16xf32>,
        %parallel_loop3A_207 = vector.shape_cast %parallel_loop3A_206 : vector<1x16xf32> to vector<16xf32>
        %parallel_loop3A_208 = arith.index_cast %parallel_loop3A_157 : i32 to index
        %parallel_loop3A_209 = arith.constant 64 : index
        %parallel_loop3A_210 = tpu.vector_load %arg8[%parallel_loop3A_208, %parallel_loop3A_209] {strides = array<i32>} : memref<80x128xf32, #tpu.memory_space<vmem>>, vector<1x16xf32>,
        %parallel_loop3A_211 = vector.shape_cast %parallel_loop3A_210 : vector<1x16xf32> to vector<16xf32>
        %parallel_loop3A_212 = vector.shape_cast %parallel_loop3A_207 : vector<16xf32> to vector<1x16xf32>
        tpu.vector_store %arg8[%parallel_loop3A_208, %parallel_loop3A_209], %parallel_loop3A_212 {add = true, strides = array<i32>} : memref<80x128xf32, #tpu.memory_space<vmem>>, vector<1x16xf32>,
        %parallel_loop3A_213 = arith.constant 40 : i32
        %parallel_loop3A_214 = arith.addi %parallel_loop3A_213, %parallel_loop3A_157 : i32
        %parallel_loop3A_215 = arith.index_cast %parallel_loop3A_214 : i32 to index
        %parallel_loop3A_216 = arith.constant 80 : index
        %parallel_loop3A_217 = tpu.vector_load %arg8[%parallel_loop3A_215, %parallel_loop3A_216] {strides = array<i32>} : memref<80x128xf32, #tpu.memory_space<vmem>>, vector<1x16xf32>,
        %parallel_loop3A_218 = vector.shape_cast %parallel_loop3A_217 : vector<1x16xf32> to vector<16xf32>
        %parallel_loop3A_219 = arith.index_cast %parallel_loop3A_157 : i32 to index
        %parallel_loop3A_220 = arith.constant 80 : index
        %parallel_loop3A_221 = tpu.vector_load %arg8[%parallel_loop3A_219, %parallel_loop3A_220] {strides = array<i32>} : memref<80x128xf32, #tpu.memory_space<vmem>>, vector<1x16xf32>,
        %parallel_loop3A_222 = vector.shape_cast %parallel_loop3A_221 : vector<1x16xf32> to vector<16xf32>
        %parallel_loop3A_223 = vector.shape_cast %parallel_loop3A_218 : vector<16xf32> to vector<1x16xf32>
        tpu.vector_store %arg8[%parallel_loop3A_219, %parallel_loop3A_220], %parallel_loop3A_223 {add = true, strides = array<i32>} : memref<80x128xf32, #tpu.memory_space<vmem>>, vector<1x16xf32>,
        %parallel_loop3A_224 = arith.constant 40 : i32
        %parallel_loop3A_225 = arith.addi %parallel_loop3A_224, %parallel_loop3A_157 : i32
        %parallel_loop3A_226 = arith.index_cast %parallel_loop3A_225 : i32 to index
        %parallel_loop3A_227 = arith.constant 96 : index
        %parallel_loop3A_228 = tpu.vector_load %arg8[%parallel_loop3A_226, %parallel_loop3A_227] {strides = array<i32>} : memref<80x128xf32, #tpu.memory_space<vmem>>, vector<1x16xf32>,
        %parallel_loop3A_229 = vector.shape_cast %parallel_loop3A_228 : vector<1x16xf32> to vector<16xf32>
        %parallel_loop3A_230 = arith.index_cast %parallel_loop3A_157 : i32 to index
        %parallel_loop3A_231 = arith.constant 96 : index
        %parallel_loop3A_232 = tpu.vector_load %arg8[%parallel_loop3A_230, %parallel_loop3A_231] {strides = array<i32>} : memref<80x128xf32, #tpu.memory_space<vmem>>, vector<1x16xf32>,
        %parallel_loop3A_233 = vector.shape_cast %parallel_loop3A_232 : vector<1x16xf32> to vector<16xf32>
        %parallel_loop3A_234 = vector.shape_cast %parallel_loop3A_229 : vector<16xf32> to vector<1x16xf32>
        tpu.vector_store %arg8[%parallel_loop3A_230, %parallel_loop3A_231], %parallel_loop3A_234 {add = true, strides = array<i32>} : memref<80x128xf32, #tpu.memory_space<vmem>>, vector<1x16xf32>,
        %parallel_loop3A_235 = arith.constant 40 : i32
        %parallel_loop3A_236 = arith.addi %parallel_loop3A_235, %parallel_loop3A_157 : i32
        %parallel_loop3A_237 = arith.index_cast %parallel_loop3A_236 : i32 to index
        %parallel_loop3A_238 = arith.constant 112 : index
        %parallel_loop3A_239 = tpu.vector_load %arg8[%parallel_loop3A_237, %parallel_loop3A_238] {strides = array<i32>} : memref<80x128xf32, #tpu.memory_space<vmem>>, vector<1x16xf32>,
        %parallel_loop3A_240 = vector.shape_cast %parallel_loop3A_239 : vector<1x16xf32> to vector<16xf32>
        %parallel_loop3A_241 = arith.index_cast %parallel_loop3A_157 : i32 to index
        %parallel_loop3A_242 = arith.constant 112 : index
        %parallel_loop3A_243 = tpu.vector_load %arg8[%parallel_loop3A_241, %parallel_loop3A_242] {strides = array<i32>} : memref<80x128xf32, #tpu.memory_space<vmem>>, vector<1x16xf32>,
        %parallel_loop3A_244 = vector.shape_cast %parallel_loop3A_243 : vector<1x16xf32> to vector<16xf32>
        %parallel_loop3A_245 = vector.shape_cast %parallel_loop3A_240 : vector<16xf32> to vector<1x16xf32>
        tpu.vector_store %arg8[%parallel_loop3A_241, %parallel_loop3A_242], %parallel_loop3A_245 {add = true, strides = array<i32>} : memref<80x128xf32, #tpu.memory_space<vmem>>, vector<1x16xf32>,
      } {sc.loop_unroll_factor = 4 : i64, sc.parallel_access}
      %mul3A_113 = arith.constant 40 : i32
      %mul3A_114 = arith.muli %add3A_96, %mul3A_113 : i32
      %add3A_115 = arith.addi %mul3A_2, %mul3A_114 : i32
      %dma_start3A_116 = arith.constant 0 : i32
      %dma_start3A_117 = arith.constant 0 : i32
      %dma_start3A_118 = tpu.memref_slice %arg8[%dma_start3A_116, %dma_start3A_117] : memref<80x128xf32, #tpu.memory_space<vmem>> -> memref<40x128xf32, #tpu.memory_space<vmem>>
      %dma_start3A_119 = arith.constant 0 : i32
      %dma_start3A_120 = tpu.memref_slice %arg4[%add3A_115, %dma_start3A_119] : memref<96000x128xf32, #tpu.memory_space<hbm>> -> memref<40x128xf32, #tpu.memory_space<hbm>>
      %dma_start3A_121 = arith.constant 0 : i32
      %dma_start3A_122 = tpu.memref_slice %arg4[%add3A_115, %dma_start3A_121] : memref<96000x128xf32, #tpu.memory_space<hbm>> -> memref<40x128xf32, #tpu.memory_space<hbm>>
      %dma_start3A_123 = arith.constant 0 : i32
      %dma_start3A_124 = arith.constant 0 : i32
      %dma_start3A_125 = tpu.memref_slice %arg8[%dma_start3A_123, %dma_start3A_124] : memref<80x128xf32, #tpu.memory_space<vmem>> -> memref<40x128xf32, #tpu.memory_space<vmem>>
      tpu.enqueue_dma source(%dma_start3A_125 : memref<40x128xf32, #tpu.memory_space<vmem>>) target(%dma_start3A_122 : memref<40x128xf32, #tpu.memory_space<hbm>>) target_semaphore(%arg14 : memref<!tpu.dma_semaphore, #tpu.memory_space<semaphore_mem>>)
      %add3A_126 = arith.constant 2 : i32
      %add3A_127 = arith.addi %mul3A_65, %add3A_126 : i32
      %add3A_128 = arith.constant 2 : i32
      %add3A_129 = arith.addi %add3A_127, %add3A_128 : i32
      %lt3A_130 = arith.constant 75 : i32
      %lt3A_131 = arith.cmpi slt, %add3A_129, %lt3A_130 : i32
      %convert_element_type3A_132 = arith.extui %lt3A_131 : i1 to i32
      %cond3A_133 = arith.constant 0 : i32
      %cond3A_134 = arith.cmpi ne, %convert_element_type3A_132, %cond3A_133 : i32
      scf.if %cond3A_134 {
        %dma_wait3A_157 = arith.constant 0 : i32
        %dma_wait3A_158 = arith.constant 0 : i32
        %dma_wait3A_159 = tpu.memref_slice %arg8[%dma_wait3A_157, %dma_wait3A_158] : memref<80x128xf32, #tpu.memory_space<vmem>> -> memref<40x128xf32, #tpu.memory_space<vmem>>
        %dma_wait3A_160 = arith.constant 0 : i32
        %dma_wait3A_161 = arith.constant 0 : i32
        %dma_wait3A_162 = tpu.memref_slice %arg4[%dma_wait3A_160, %dma_wait3A_161] : memref<96000x128xf32, #tpu.memory_space<hbm>> -> memref<40x128xf32, #tpu.memory_space<hbm>>
        %dma_wait3A_163 = arith.constant 0 : i32
        %dma_wait3A_164 = arith.constant 0 : i32
        %dma_wait3A_165 = tpu.memref_slice %arg4[%dma_wait3A_163, %dma_wait3A_164] : memref<96000x128xf32, #tpu.memory_space<hbm>> -> memref<40x128xf32, #tpu.memory_space<hbm>>
        %dma_wait3A_166 = arith.constant 0 : i32
        %dma_wait3A_167 = arith.constant 0 : i32
        %dma_wait3A_168 = tpu.memref_slice %arg8[%dma_wait3A_166, %dma_wait3A_167] : memref<80x128xf32, #tpu.memory_space<vmem>> -> memref<40x128xf32, #tpu.memory_space<vmem>>
        tpu.wait_dma2 semaphore(%arg14 : memref<!tpu.dma_semaphore, #tpu.memory_space<semaphore_mem>>) src(%dma_wait3A_168 : memref<40x128xf32, #tpu.memory_space<vmem>>) dst(%dma_wait3A_165 : memref<40x128xf32, #tpu.memory_space<hbm>>)
        %dma_start3A_169 = arith.constant 0 : i32
        %dma_start3A_170 = tpu.memref_slice %arg5[%add3A_129, %dma_start3A_169] : memref<75x80xi32, #tpu.memory_space<vmem>> -> memref<1x80xi32, #tpu.memory_space<vmem>>
        %dma_start3A_171 = tpu.memref_squeeze %dma_start3A_170 : memref<1x80xi32, #tpu.memory_space<vmem>> -> memref<80xi32, #tpu.memory_space<vmem>>
        %dma_start3A_172 = arith.constant 0 : i32
        %dma_start3A_173 = arith.constant 0 : i32
        %dma_start3A_174 = tpu.memref_slice %arg6[%dma_start3A_172, %dma_start3A_173] : memref<10000x128xf32, #tpu.memory_space<vmem_shared>> -> memref<10000x128xf32, #tpu.memory_space<vmem_shared>>
        tpu.enqueue_indirect_dma source(%dma_start3A_174 : memref<10000x128xf32, #tpu.memory_space<vmem_shared>>) target(%arg8 : memref<80x128xf32, #tpu.memory_space<vmem>>) offsets(%dma_start3A_171 : memref<80xi32, #tpu.memory_space<vmem>>) semaphore(%arg11 : memref<!tpu.dma_semaphore, #tpu.memory_space<semaphore_mem>>)
      } else {
      }
      %dma_wait3A_135 = arith.constant 0 : i32
      %dma_wait3A_136 = tpu.memref_slice %arg5[%add3A_127, %dma_wait3A_135] : memref<75x80xi32, #tpu.memory_space<vmem>> -> memref<1x80xi32, #tpu.memory_space<vmem>>
      %dma_wait3A_137 = tpu.memref_squeeze %dma_wait3A_136 : memref<1x80xi32, #tpu.memory_space<vmem>> -> memref<80xi32, #tpu.memory_space<vmem>>
      %dma_wait3A_138 = arith.constant 0 : i32
      %dma_wait3A_139 = arith.constant 0 : i32
      %dma_wait3A_140 = tpu.memref_slice %arg6[%dma_wait3A_138, %dma_wait3A_139] : memref<10000x128xf32, #tpu.memory_space<vmem_shared>> -> memref<10000x128xf32, #tpu.memory_space<vmem_shared>>
      tpu.wait_indirect_dma semaphore(%arg12 : memref<!tpu.dma_semaphore, #tpu.memory_space<semaphore_mem>>) src(%dma_wait3A_140 : memref<10000x128xf32, #tpu.memory_space<vmem_shared>>) dst(%arg9 : memref<80x128xf32, #tpu.memory_space<vmem>>)
      %parallel_loop3A_141 = arith.constant 0 : i32
      %parallel_loop3A_142 = arith.constant 40 : i32
      %parallel_loop3A_143 = arith.constant 1 : i32
      scf.for %parallel_loop3A_157 = %parallel_loop3A_141 to %parallel_loop3A_142 step %parallel_loop3A_143  : i32 {
        %parallel_loop3A_158 = arith.constant 40 : i32
        %parallel_loop3A_159 = arith.addi %parallel_loop3A_158, %parallel_loop3A_157 : i32
        %parallel_loop3A_160 = arith.index_cast %parallel_loop3A_159 : i32 to index
        %parallel_loop3A_161 = arith.constant 0 : index
        %parallel_loop3A_162 = tpu.vector_load %arg9[%parallel_loop3A_160, %parallel_loop3A_161] {strides = array<i32>} : memref<80x128xf32, #tpu.memory_space<vmem>>, vector<1x16xf32>,
        %parallel_loop3A_163 = vector.shape_cast %parallel_loop3A_162 : vector<1x16xf32> to vector<16xf32>
        %parallel_loop3A_164 = arith.index_cast %parallel_loop3A_157 : i32 to index
        %parallel_loop3A_165 = arith.constant 0 : index
        %parallel_loop3A_166 = tpu.vector_load %arg9[%parallel_loop3A_164, %parallel_loop3A_165] {strides = array<i32>} : memref<80x128xf32, #tpu.memory_space<vmem>>, vector<1x16xf32>,
        %parallel_loop3A_167 = vector.shape_cast %parallel_loop3A_166 : vector<1x16xf32> to vector<16xf32>
        %parallel_loop3A_168 = vector.shape_cast %parallel_loop3A_163 : vector<16xf32> to vector<1x16xf32>
        tpu.vector_store %arg9[%parallel_loop3A_164, %parallel_loop3A_165], %parallel_loop3A_168 {add = true, strides = array<i32>} : memref<80x128xf32, #tpu.memory_space<vmem>>, vector<1x16xf32>,
        %parallel_loop3A_169 = arith.constant 40 : i32
        %parallel_loop3A_170 = arith.addi %parallel_loop3A_169, %parallel_loop3A_157 : i32
        %parallel_loop3A_171 = arith.index_cast %parallel_loop3A_170 : i32 to index
        %parallel_loop3A_172 = arith.constant 16 : index
        %parallel_loop3A_173 = tpu.vector_load %arg9[%parallel_loop3A_171, %parallel_loop3A_172] {strides = array<i32>} : memref<80x128xf32, #tpu.memory_space<vmem>>, vector<1x16xf32>,
        %parallel_loop3A_174 = vector.shape_cast %parallel_loop3A_173 : vector<1x16xf32> to vector<16xf32>
        %parallel_loop3A_175 = arith.index_cast %parallel_loop3A_157 : i32 to index
        %parallel_loop3A_176 = arith.constant 16 : index
        %parallel_loop3A_177 = tpu.vector_load %arg9[%parallel_loop3A_175, %parallel_loop3A_176] {strides = array<i32>} : memref<80x128xf32, #tpu.memory_space<vmem>>, vector<1x16xf32>,
        %parallel_loop3A_178 = vector.shape_cast %parallel_loop3A_177 : vector<1x16xf32> to vector<16xf32>
        %parallel_loop3A_179 = vector.shape_cast %parallel_loop3A_174 : vector<16xf32> to vector<1x16xf32>
        tpu.vector_store %arg9[%parallel_loop3A_175, %parallel_loop3A_176], %parallel_loop3A_179 {add = true, strides = array<i32>} : memref<80x128xf32, #tpu.memory_space<vmem>>, vector<1x16xf32>,
        %parallel_loop3A_180 = arith.constant 40 : i32
        %parallel_loop3A_181 = arith.addi %parallel_loop3A_180, %parallel_loop3A_157 : i32
        %parallel_loop3A_182 = arith.index_cast %parallel_loop3A_181 : i32 to index
        %parallel_loop3A_183 = arith.constant 32 : index
        %parallel_loop3A_184 = tpu.vector_load %arg9[%parallel_loop3A_182, %parallel_loop3A_183] {strides = array<i32>} : memref<80x128xf32, #tpu.memory_space<vmem>>, vector<1x16xf32>,
        %parallel_loop3A_185 = vector.shape_cast %parallel_loop3A_184 : vector<1x16xf32> to vector<16xf32>
        %parallel_loop3A_186 = arith.index_cast %parallel_loop3A_157 : i32 to index
        %parallel_loop3A_187 = arith.constant 32 : index
        %parallel_loop3A_188 = tpu.vector_load %arg9[%parallel_loop3A_186, %parallel_loop3A_187] {strides = array<i32>} : memref<80x128xf32, #tpu.memory_space<vmem>>, vector<1x16xf32>,
        %parallel_loop3A_189 = vector.shape_cast %parallel_loop3A_188 : vector<1x16xf32> to vector<16xf32>
        %parallel_loop3A_190 = vector.shape_cast %parallel_loop3A_185 : vector<16xf32> to vector<1x16xf32>
        tpu.vector_store %arg9[%parallel_loop3A_186, %parallel_loop3A_187], %parallel_loop3A_190 {add = true, strides = array<i32>} : memref<80x128xf32, #tpu.memory_space<vmem>>, vector<1x16xf32>,
        %parallel_loop3A_191 = arith.constant 40 : i32
        %parallel_loop3A_192 = arith.addi %parallel_loop3A_191, %parallel_loop3A_157 : i32
        %parallel_loop3A_193 = arith.index_cast %parallel_loop3A_192 : i32 to index
        %parallel_loop3A_194 = arith.constant 48 : index
        %parallel_loop3A_195 = tpu.vector_load %arg9[%parallel_loop3A_193, %parallel_loop3A_194] {strides = array<i32>} : memref<80x128xf32, #tpu.memory_space<vmem>>, vector<1x16xf32>,
        %parallel_loop3A_196 = vector.shape_cast %parallel_loop3A_195 : vector<1x16xf32> to vector<16xf32>
        %parallel_loop3A_197 = arith.index_cast %parallel_loop3A_157 : i32 to index
        %parallel_loop3A_198 = arith.constant 48 : index
        %parallel_loop3A_199 = tpu.vector_load %arg9[%parallel_loop3A_197, %parallel_loop3A_198] {strides = array<i32>} : memref<80x128xf32, #tpu.memory_space<vmem>>, vector<1x16xf32>,
        %parallel_loop3A_200 = vector.shape_cast %parallel_loop3A_199 : vector<1x16xf32> to vector<16xf32>
        %parallel_loop3A_201 = vector.shape_cast %parallel_loop3A_196 : vector<16xf32> to vector<1x16xf32>
        tpu.vector_store %arg9[%parallel_loop3A_197, %parallel_loop3A_198], %parallel_loop3A_201 {add = true, strides = array<i32>} : memref<80x128xf32, #tpu.memory_space<vmem>>, vector<1x16xf32>,
        %parallel_loop3A_202 = arith.constant 40 : i32
        %parallel_loop3A_203 = arith.addi %parallel_loop3A_202, %parallel_loop3A_157 : i32
        %parallel_loop3A_204 = arith.index_cast %parallel_loop3A_203 : i32 to index
        %parallel_loop3A_205 = arith.constant 64 : index
        %parallel_loop3A_206 = tpu.vector_load %arg9[%parallel_loop3A_204, %parallel_loop3A_205] {strides = array<i32>} : memref<80x128xf32, #tpu.memory_space<vmem>>, vector<1x16xf32>,
        %parallel_loop3A_207 = vector.shape_cast %parallel_loop3A_206 : vector<1x16xf32> to vector<16xf32>
        %parallel_loop3A_208 = arith.index_cast %parallel_loop3A_157 : i32 to index
        %parallel_loop3A_209 = arith.constant 64 : index
        %parallel_loop3A_210 = tpu.vector_load %arg9[%parallel_loop3A_208, %parallel_loop3A_209] {strides = array<i32>} : memref<80x128xf32, #tpu.memory_space<vmem>>, vector<1x16xf32>,
        %parallel_loop3A_211 = vector.shape_cast %parallel_loop3A_210 : vector<1x16xf32> to vector<16xf32>
        %parallel_loop3A_212 = vector.shape_cast %parallel_loop3A_207 : vector<16xf32> to vector<1x16xf32>
        tpu.vector_store %arg9[%parallel_loop3A_208, %parallel_loop3A_209], %parallel_loop3A_212 {add = true, strides = array<i32>} : memref<80x128xf32, #tpu.memory_space<vmem>>, vector<1x16xf32>,
        %parallel_loop3A_213 = arith.constant 40 : i32
        %parallel_loop3A_214 = arith.addi %parallel_loop3A_213, %parallel_loop3A_157 : i32
        %parallel_loop3A_215 = arith.index_cast %parallel_loop3A_214 : i32 to index
        %parallel_loop3A_216 = arith.constant 80 : index
        %parallel_loop3A_217 = tpu.vector_load %arg9[%parallel_loop3A_215, %parallel_loop3A_216] {strides = array<i32>} : memref<80x128xf32, #tpu.memory_space<vmem>>, vector<1x16xf32>,
        %parallel_loop3A_218 = vector.shape_cast %parallel_loop3A_217 : vector<1x16xf32> to vector<16xf32>
        %parallel_loop3A_219 = arith.index_cast %parallel_loop3A_157 : i32 to index
        %parallel_loop3A_220 = arith.constant 80 : index
        %parallel_loop3A_221 = tpu.vector_load %arg9[%parallel_loop3A_219, %parallel_loop3A_220] {strides = array<i32>} : memref<80x128xf32, #tpu.memory_space<vmem>>, vector<1x16xf32>,
        %parallel_loop3A_222 = vector.shape_cast %parallel_loop3A_221 : vector<1x16xf32> to vector<16xf32>
        %parallel_loop3A_223 = vector.shape_cast %parallel_loop3A_218 : vector<16xf32> to vector<1x16xf32>
        tpu.vector_store %arg9[%parallel_loop3A_219, %parallel_loop3A_220], %parallel_loop3A_223 {add = true, strides = array<i32>} : memref<80x128xf32, #tpu.memory_space<vmem>>, vector<1x16xf32>,
        %parallel_loop3A_224 = arith.constant 40 : i32
        %parallel_loop3A_225 = arith.addi %parallel_loop3A_224, %parallel_loop3A_157 : i32
        %parallel_loop3A_226 = arith.index_cast %parallel_loop3A_225 : i32 to index
        %parallel_loop3A_227 = arith.constant 96 : index
        %parallel_loop3A_228 = tpu.vector_load %arg9[%parallel_loop3A_226, %parallel_loop3A_227] {strides = array<i32>} : memref<80x128xf32, #tpu.memory_space<vmem>>, vector<1x16xf32>,
        %parallel_loop3A_229 = vector.shape_cast %parallel_loop3A_228 : vector<1x16xf32> to vector<16xf32>
        %parallel_loop3A_230 = arith.index_cast %parallel_loop3A_157 : i32 to index
        %parallel_loop3A_231 = arith.constant 96 : index
        %parallel_loop3A_232 = tpu.vector_load %arg9[%parallel_loop3A_230, %parallel_loop3A_231] {strides = array<i32>} : memref<80x128xf32, #tpu.memory_space<vmem>>, vector<1x16xf32>,
        %parallel_loop3A_233 = vector.shape_cast %parallel_loop3A_232 : vector<1x16xf32> to vector<16xf32>
        %parallel_loop3A_234 = vector.shape_cast %parallel_loop3A_229 : vector<16xf32> to vector<1x16xf32>
        tpu.vector_store %arg9[%parallel_loop3A_230, %parallel_loop3A_231], %parallel_loop3A_234 {add = true, strides = array<i32>} : memref<80x128xf32, #tpu.memory_space<vmem>>, vector<1x16xf32>,
        %parallel_loop3A_235 = arith.constant 40 : i32
        %parallel_loop3A_236 = arith.addi %parallel_loop3A_235, %parallel_loop3A_157 : i32
        %parallel_loop3A_237 = arith.index_cast %parallel_loop3A_236 : i32 to index
        %parallel_loop3A_238 = arith.constant 112 : index
        %parallel_loop3A_239 = tpu.vector_load %arg9[%parallel_loop3A_237, %parallel_loop3A_238] {strides = array<i32>} : memref<80x128xf32, #tpu.memory_space<vmem>>, vector<1x16xf32>,
        %parallel_loop3A_240 = vector.shape_cast %parallel_loop3A_239 : vector<1x16xf32> to vector<16xf32>
        %parallel_loop3A_241 = arith.index_cast %parallel_loop3A_157 : i32 to index
        %parallel_loop3A_242 = arith.constant 112 : index
        %parallel_loop3A_243 = tpu.vector_load %arg9[%parallel_loop3A_241, %parallel_loop3A_242] {strides = array<i32>} : memref<80x128xf32, #tpu.memory_space<vmem>>, vector<1x16xf32>,
        %parallel_loop3A_244 = vector.shape_cast %parallel_loop3A_243 : vector<1x16xf32> to vector<16xf32>
        %parallel_loop3A_245 = vector.shape_cast %parallel_loop3A_240 : vector<16xf32> to vector<1x16xf32>
        tpu.vector_store %arg9[%parallel_loop3A_241, %parallel_loop3A_242], %parallel_loop3A_245 {add = true, strides = array<i32>} : memref<80x128xf32, #tpu.memory_space<vmem>>, vector<1x16xf32>,
      } {sc.loop_unroll_factor = 4 : i64, sc.parallel_access}
      %mul3A_144 = arith.constant 40 : i32
      %mul3A_145 = arith.muli %add3A_127, %mul3A_144 : i32
      %add3A_146 = arith.addi %mul3A_2, %mul3A_145 : i32
      %dma_start3A_147 = arith.constant 0 : i32
      %dma_start3A_148 = arith.constant 0 : i32
      %dma_start3A_149 = tpu.memref_slice %arg9[%dma_start3A_147, %dma_start3A_148] : memref<80x128xf32, #tpu.memory_space<vmem>> -> memref<40x128xf32, #tpu.memory_space<vmem>>
      %dma_start3A_150 = arith.constant 0 : i32
      %dma_start3A_151 = tpu.memref_slice %arg4[%add3A_146, %dma_start3A_150] : memref<96000x128xf32, #tpu.memory_space<hbm>> -> memref<40x128xf32, #tpu.memory_space<hbm>>
      %dma_start3A_152 = arith.constant 0 : i32
      %dma_start3A_153 = tpu.memref_slice %arg4[%add3A_146, %dma_start3A_152] : memref<96000x128xf32, #tpu.memory_space<hbm>> -> memref<40x128xf32, #tpu.memory_space<hbm>>
      %dma_start3A_154 = arith.constant 0 : i32
      %dma_start3A_155 = arith.constant 0 : i32
      %dma_start3A_156 = tpu.memref_slice %arg9[%dma_start3A_154, %dma_start3A_155] : memref<80x128xf32, #tpu.memory_space<vmem>> -> memref<40x128xf32, #tpu.memory_space<vmem>>
      tpu.enqueue_dma source(%dma_start3A_156 : memref<40x128xf32, #tpu.memory_space<vmem>>) target(%dma_start3A_153 : memref<40x128xf32, #tpu.memory_space<hbm>>) target_semaphore(%arg15 : memref<!tpu.dma_semaphore, #tpu.memory_space<semaphore_mem>>)
    }
    %scan3A_27 = arith.constant 25 : i32
    %dma_wait3A = arith.constant 0 : i32
    %dma_wait3A_28 = arith.constant 0 : i32
    %dma_wait3A_29 = tpu.memref_slice %arg7[%dma_wait3A, %dma_wait3A_28] : memref<80x128xf32, #tpu.memory_space<vmem>> -> memref<40x128xf32, #tpu.memory_space<vmem>>
    %dma_wait3A_30 = arith.constant 0 : i32
    %dma_wait3A_31 = arith.constant 0 : i32
    %dma_wait3A_32 = tpu.memref_slice %arg4[%dma_wait3A_30, %dma_wait3A_31] : memref<96000x128xf32, #tpu.memory_space<hbm>> -> memref<40x128xf32, #tpu.memory_space<hbm>>
    %dma_wait3A_33 = arith.constant 0 : i32
    %dma_wait3A_34 = arith.constant 0 : i32
    %dma_wait3A_35 = tpu.memref_slice %arg4[%dma_wait3A_33, %dma_wait3A_34] : memref<96000x128xf32, #tpu.memory_space<hbm>> -> memref<40x128xf32, #tpu.memory_space<hbm>>
    %dma_wait3A_36 = arith.constant 0 : i32
    %dma_wait3A_37 = arith.constant 0 : i32
    %dma_wait3A_38 = tpu.memref_slice %arg7[%dma_wait3A_36, %dma_wait3A_37] : memref<80x128xf32, #tpu.memory_space<vmem>> -> memref<40x128xf32, #tpu.memory_space<vmem>>
    tpu.wait_dma2 semaphore(%arg13 : memref<!tpu.dma_semaphore, #tpu.memory_space<semaphore_mem>>) src(%dma_wait3A_38 : memref<40x128xf32, #tpu.memory_space<vmem>>) dst(%dma_wait3A_35 : memref<40x128xf32, #tpu.memory_space<hbm>>)
    %dma_wait3A_39 = arith.constant 0 : i32
    %dma_wait3A_40 = arith.constant 0 : i32
    %dma_wait3A_41 = tpu.memref_slice %arg8[%dma_wait3A_39, %dma_wait3A_40] : memref<80x128xf32, #tpu.memory_space<vmem>> -> memref<40x128xf32, #tpu.memory_space<vmem>>
    %dma_wait3A_42 = arith.constant 0 : i32
    %dma_wait3A_43 = arith.constant 0 : i32
    %dma_wait3A_44 = tpu.memref_slice %arg4[%dma_wait3A_42, %dma_wait3A_43] : memref<96000x128xf32, #tpu.memory_space<hbm>> -> memref<40x128xf32, #tpu.memory_space<hbm>>
    %dma_wait3A_45 = arith.constant 0 : i32
    %dma_wait3A_46 = arith.constant 0 : i32
    %dma_wait3A_47 = tpu.memref_slice %arg4[%dma_wait3A_45, %dma_wait3A_46] : memref<96000x128xf32, #tpu.memory_space<hbm>> -> memref<40x128xf32, #tpu.memory_space<hbm>>
    %dma_wait3A_48 = arith.constant 0 : i32
    %dma_wait3A_49 = arith.constant 0 : i32
    %dma_wait3A_50 = tpu.memref_slice %arg8[%dma_wait3A_48, %dma_wait3A_49] : memref<80x128xf32, #tpu.memory_space<vmem>> -> memref<40x128xf32, #tpu.memory_space<vmem>>
    tpu.wait_dma2 semaphore(%arg14 : memref<!tpu.dma_semaphore, #tpu.memory_space<semaphore_mem>>) src(%dma_wait3A_50 : memref<40x128xf32, #tpu.memory_space<vmem>>) dst(%dma_wait3A_47 : memref<40x128xf32, #tpu.memory_space<hbm>>)
    %dma_wait3A_51 = arith.constant 0 : i32
    %dma_wait3A_52 = arith.constant 0 : i32
    %dma_wait3A_53 = tpu.memref_slice %arg9[%dma_wait3A_51, %dma_wait3A_52] : memref<80x128xf32, #tpu.memory_space<vmem>> -> memref<40x128xf32, #tpu.memory_space<vmem>>
    %dma_wait3A_54 = arith.constant 0 : i32
    %dma_wait3A_55 = arith.constant 0 : i32
    %dma_wait3A_56 = tpu.memref_slice %arg4[%dma_wait3A_54, %dma_wait3A_55] : memref<96000x128xf32, #tpu.memory_space<hbm>> -> memref<40x128xf32, #tpu.memory_space<hbm>>
    %dma_wait3A_57 = arith.constant 0 : i32
    %dma_wait3A_58 = arith.constant 0 : i32
    %dma_wait3A_59 = tpu.memref_slice %arg4[%dma_wait3A_57, %dma_wait3A_58] : memref<96000x128xf32, #tpu.memory_space<hbm>> -> memref<40x128xf32, #tpu.memory_space<hbm>>
    %dma_wait3A_60 = arith.constant 0 : i32
    %dma_wait3A_61 = arith.constant 0 : i32
    %dma_wait3A_62 = tpu.memref_slice %arg9[%dma_wait3A_60, %dma_wait3A_61] : memref<80x128xf32, #tpu.memory_space<vmem>> -> memref<40x128xf32, #tpu.memory_space<vmem>>
    tpu.wait_dma2 semaphore(%arg15 : memref<!tpu.dma_semaphore, #tpu.memory_space<semaphore_mem>>) src(%dma_wait3A_62 : memref<40x128xf32, #tpu.memory_space<vmem>>) dst(%dma_wait3A_59 : memref<40x128xf32, #tpu.memory_space<hbm>>)
    return
  }
}

#map = affine_map<(d0, d1) -> (0, 0)>
#map1 = affine_map<(d0, d1) -> (0, 0, 0)>
module attributes {stable_mosaic.version = 14 : i64} {
  func.func @_gather_sum_body(%arg0: i32, %arg1: i32, %arg2: memref<10000x128xf32, #tpu.memory_space<hbm>>, %arg3: memref<32x75x80xi32, #tpu.memory_space<hbm>>, %arg4: memref<96000x128xf32, #tpu.memory_space<hbm>>, %arg5: memref<75x80xi32, #tpu.memory_space<vmem>>, %arg6: memref<10000x128xf32, #tpu.memory_space<vmem_shared>>, %arg7: memref<80x128xf32, #tpu.memory_space<vmem>>, %arg8: memref<80x128xf32, #tpu.memory_space<vmem>>, %arg9: memref<80x128xf32, #tpu.memory_space<vmem>>, %arg10: memref<!tpu.dma_semaphore, #tpu.memory_space<semaphore_mem>>, %arg11: memref<!tpu.dma_semaphore, #tpu.memory_space<semaphore_mem>>, %arg12: memref<!tpu.dma_semaphore, #tpu.memory_space<semaphore_mem>>, %arg13: memref<!tpu.dma_semaphore, #tpu.memory_space<semaphore_mem>>, %arg14: memref<!tpu.dma_semaphore, #tpu.memory_space<semaphore_mem>>, %arg15: memref<!tpu.dma_semaphore, #tpu.memory_space<semaphore_mem>>) attributes {dimension_semantics = [#tpu.dimension_semantics<core_parallel>, #tpu.dimension_semantics<subcore_parallel>], iteration_bounds = array<i64: 2, 16>, scalar_prefetch = 0 : i64, scratch_operands = 11 : i64, tpu.core_type = #tpu.core_type<sc_vector_subcore>, window_params = [{transform_indices = #map}, {transform_indices = #map1}, {transform_indices = #map}]} {
    %mul3A = arith.constant 2 : i32
    %mul3A_0 = arith.muli %arg1, %mul3A : i32
    %add3A = arith.addi %mul3A_0, %arg0 : i32
    %mul3A_1 = arith.constant 3000 : i32
    %mul3A_2 = arith.muli %add3A, %mul3A_1 : i32
    %mul3A_3 = arith.constant 624 : i32
    %mul3A_4 = arith.muli %arg1, %mul3A_3 : i32
    %multiple_of3A = tpu.assume_multiple %mul3A_4, 8 : i32
    %mul3A_5 = arith.constant 624 : i32
    %mul3A_6 = arith.muli %arg1, %mul3A_5 : i32
    %multiple_of3A_7 = tpu.assume_multiple %mul3A_6, 8 : i32
    "tpu.region"() ({
      %run_scoped3A = tpu.sem_alloc : memref<!tpu.dma_semaphore, #tpu.memory_space<semaphore_mem>>
      %dma_start3A_63 = arith.constant 0 : i32
      %dma_start3A_64 = tpu.memref_slice %arg6[%multiple_of3A_7, %dma_start3A_63] : memref<10000x128xf32, #tpu.memory_space<vmem_shared>> -> memref<624x128xf32, #tpu.memory_space<vmem_shared>>
      %dma_start3A_65 = arith.constant 0 : i32
      %dma_start3A_66 = tpu.memref_slice %arg2[%multiple_of3A, %dma_start3A_65] : memref<10000x128xf32, #tpu.memory_space<hbm>> -> memref<624x128xf32, #tpu.memory_space<hbm>>
      tpu.enqueue_dma source(%dma_start3A_66 : memref<624x128xf32, #tpu.memory_space<hbm>>) target(%dma_start3A_64 : memref<624x128xf32, #tpu.memory_space<vmem_shared>>) target_semaphore(%run_scoped3A : memref<!tpu.dma_semaphore, #tpu.memory_space<semaphore_mem>>)
      %dma_wait3A_67 = arith.constant 0 : i32
      %dma_wait3A_68 = tpu.memref_slice %arg6[%multiple_of3A_7, %dma_wait3A_67] : memref<10000x128xf32, #tpu.memory_space<vmem_shared>> -> memref<624x128xf32, #tpu.memory_space<vmem_shared>>
      %dma_wait3A_69 = arith.constant 0 : i32
      %dma_wait3A_70 = tpu.memref_slice %arg2[%multiple_of3A, %dma_wait3A_69] : memref<10000x128xf32, #tpu.memory_space<hbm>> -> memref<624x128xf32, #tpu.memory_space<hbm>>
      tpu.wait_dma2 semaphore(%run_scoped3A : memref<!tpu.dma_semaphore, #tpu.memory_space<semaphore_mem>>) src(%dma_wait3A_70 : memref<624x128xf32, #tpu.memory_space<hbm>>) dst(%dma_wait3A_68 : memref<624x128xf32, #tpu.memory_space<vmem_shared>>)
      tpu.yield
    }) : () -> ()
    %eq3A = arith.constant 0 : i32
    %eq3A_8 = arith.cmpi eq, %arg1, %eq3A : i32
    %convert_element_type3A = arith.extui %eq3A_8 : i1 to i32
    %cond3A = arith.constant 0 : i32
    %cond3A_9 = arith.cmpi ne, %convert_element_type3A, %cond3A : i32
    scf.if %cond3A_9 {
      "tpu.region"() ({
        %run_scoped3A = tpu.sem_alloc : memref<!tpu.dma_semaphore, #tpu.memory_space<semaphore_mem>>
        %dma_start3A_63 = arith.constant 9984 : i32
        %dma_start3A_64 = arith.constant 0 : i32
        %dma_start3A_65 = tpu.memref_slice %arg6[%dma_start3A_63, %dma_start3A_64] : memref<10000x128xf32, #tpu.memory_space<vmem_shared>> -> memref<16x128xf32, #tpu.memory_space<vmem_shared>>
        %dma_start3A_66 = arith.constant 9984 : i32
        %dma_start3A_67 = arith.constant 0 : i32
        %dma_start3A_68 = tpu.memref_slice %arg2[%dma_start3A_66, %dma_start3A_67] : memref<10000x128xf32, #tpu.memory_space<hbm>> -> memref<16x128xf32, #tpu.memory_space<hbm>>
        tpu.enqueue_dma source(%dma_start3A_68 : memref<16x128xf32, #tpu.memory_space<hbm>>) target(%dma_start3A_65 : memref<16x128xf32, #tpu.memory_space<vmem_shared>>) target_semaphore(%run_scoped3A : memref<!tpu.dma_semaphore, #tpu.memory_space<semaphore_mem>>)
        %dma_wait3A_69 = arith.constant 9984 : i32
        %dma_wait3A_70 = arith.constant 0 : i32
        %dma_wait3A_71 = tpu.memref_slice %arg6[%dma_wait3A_69, %dma_wait3A_70] : memref<10000x128xf32, #tpu.memory_space<vmem_shared>> -> memref<16x128xf32, #tpu.memory_space<vmem_shared>>
        %dma_wait3A_72 = arith.constant 9984 : i32
        %dma_wait3A_73 = arith.constant 0 : i32
        %dma_wait3A_74 = tpu.memref_slice %arg2[%dma_wait3A_72, %dma_wait3A_73] : memref<10000x128xf32, #tpu.memory_space<hbm>> -> memref<16x128xf32, #tpu.memory_space<hbm>>
        tpu.wait_dma2 semaphore(%run_scoped3A : memref<!tpu.dma_semaphore, #tpu.memory_space<semaphore_mem>>) src(%dma_wait3A_74 : memref<16x128xf32, #tpu.memory_space<hbm>>) dst(%dma_wait3A_71 : memref<16x128xf32, #tpu.memory_space<vmem_shared>>)
        tpu.yield
      }) : () -> ()
    } else {
    }
    "tpu.region"() ({
      %run_scoped3A = tpu.sem_alloc : memref<!tpu.dma_semaphore, #tpu.memory_space<semaphore_mem>>
      %dma_start3A_63 = arith.constant 0 : i32
      %dma_start3A_64 = arith.constant 0 : i32
      %dma_start3A_65 = tpu.memref_slice %arg3[%add3A, %dma_start3A_63, %dma_start3A_64] : memref<32x75x80xi32, #tpu.memory_space<hbm>> -> memref<1x75x80xi32, #tpu.memory_space<hbm>>
      %dma_start3A_66 = tpu.memref_squeeze %dma_start3A_65 : memref<1x75x80xi32, #tpu.memory_space<hbm>> -> memref<75x80xi32, #tpu.memory_space<hbm>>
      %dma_start3A_67 = arith.constant 0 : i32
      %dma_start3A_68 = arith.constant 0 : i32
      %dma_start3A_69 = tpu.memref_slice %arg3[%add3A, %dma_start3A_67, %dma_start3A_68] : memref<32x75x80xi32, #tpu.memory_space<hbm>> -> memref<1x75x80xi32, #tpu.memory_space<hbm>>
      %dma_start3A_70 = tpu.memref_squeeze %dma_start3A_69 : memref<1x75x80xi32, #tpu.memory_space<hbm>> -> memref<75x80xi32, #tpu.memory_space<hbm>>
      tpu.enqueue_dma source(%dma_start3A_70 : memref<75x80xi32, #tpu.memory_space<hbm>>) target(%arg5 : memref<75x80xi32, #tpu.memory_space<vmem>>) target_semaphore(%run_scoped3A : memref<!tpu.dma_semaphore, #tpu.memory_space<semaphore_mem>>)
      %dma_wait3A_71 = arith.constant 0 : i32
      %dma_wait3A_72 = arith.constant 0 : i32
      %dma_wait3A_73 = tpu.memref_slice %arg3[%add3A, %dma_wait3A_71, %dma_wait3A_72] : memref<32x75x80xi32, #tpu.memory_space<hbm>> -> memref<1x75x80xi32, #tpu.memory_space<hbm>>
      %dma_wait3A_74 = tpu.memref_squeeze %dma_wait3A_73 : memref<1x75x80xi32, #tpu.memory_space<hbm>> -> memref<75x80xi32, #tpu.memory_space<hbm>>
      %dma_wait3A_75 = arith.constant 0 : i32
      %dma_wait3A_76 = arith.constant 0 : i32
      %dma_wait3A_77 = tpu.memref_slice %arg3[%add3A, %dma_wait3A_75, %dma_wait3A_76] : memref<32x75x80xi32, #tpu.memory_space<hbm>> -> memref<1x75x80xi32, #tpu.memory_space<hbm>>
      %dma_wait3A_78 = tpu.memref_squeeze %dma_wait3A_77 : memref<1x75x80xi32, #tpu.memory_space<hbm>> -> memref<75x80xi32, #tpu.memory_space<hbm>>
      tpu.wait_dma2 semaphore(%run_scoped3A : memref<!tpu.dma_semaphore, #tpu.memory_space<semaphore_mem>>) src(%dma_wait3A_78 : memref<75x80xi32, #tpu.memory_space<hbm>>) dst(%arg5 : memref<75x80xi32, #tpu.memory_space<vmem>>)
      tpu.yield
    }) : () -> ()
    %barrier3A = arith.constant 0 : index
    tpu.barrier barrier_id(%barrier3A)
    %dma_start3A = arith.constant 0 : i32
    %dma_start3A_10 = arith.constant 0 : i32
    %dma_start3A_11 = tpu.memref_slice %arg5[%dma_start3A, %dma_start3A_10] : memref<75x80xi32, #tpu.memory_space<vmem>> -> memref<1x80xi32, #tpu.memory_space<vmem>>
    %dma_start3A_12 = tpu.memref_squeeze %dma_start3A_11 : memref<1x80xi32, #tpu.memory_space<vmem>> -> memref<80xi32, #tpu.memory_space<vmem>>
    %dma_start3A_13 = arith.constant 0 : i32
    %dma_start3A_14 = arith.constant 0 : i32
    %dma_start3A_15 = tpu.memref_slice %arg6[%dma_start3A_13, %dma_start3A_14] : memref<10000x128xf32, #tpu.memory_space<vmem_shared>> -> memref<10000x128xf32, #tpu.memory_space<vmem_shared>>
    tpu.enqueue_indirect_dma source(%dma_start3A_15 : memref<10000x128xf32, #tpu.memory_space<vmem_shared>>) target(%arg7 : memref<80x128xf32, #tpu.memory_space<vmem>>) offsets(%dma_start3A_12 : memref<80xi32, #tpu.memory_space<vmem>>) semaphore(%arg10 : memref<!tpu.dma_semaphore, #tpu.memory_space<semaphore_mem>>)
    %dma_start3A_16 = arith.constant 1 : i32
    %dma_start3A_17 = arith.constant 0 : i32
    %dma_start3A_18 = tpu.memref_slice %arg5[%dma_start3A_16, %dma_start3A_17] : memref<75x80xi32, #tpu.memory_space<vmem>> -> memref<1x80xi32, #tpu.memory_space<vmem>>
    %dma_start3A_19 = tpu.memref_squeeze %dma_start3A_18 : memref<1x80xi32, #tpu.memory_space<vmem>> -> memref<80xi32, #tpu.memory_space<vmem>>
    %dma_start3A_20 = arith.constant 0 : i32
    %dma_start3A_21 = arith.constant 0 : i32
    %dma_start3A_22 = tpu.memref_slice %arg6[%dma_start3A_20, %dma_start3A_21] : memref<10000x128xf32, #tpu.memory_space<vmem_shared>> -> memref<10000x128xf32, #tpu.memory_space<vmem_shared>>
    tpu.enqueue_indirect_dma source(%dma_start3A_22 : memref<10000x128xf32, #tpu.memory_space<vmem_shared>>) target(%arg8 : memref<80x128xf32, #tpu.memory_space<vmem>>) offsets(%dma_start3A_19 : memref<80xi32, #tpu.memory_space<vmem>>) semaphore(%arg11 : memref<!tpu.dma_semaphore, #tpu.memory_space<semaphore_mem>>)
    %scan3A = arith.constant 0 : i32
    %scan3A_23 = arith.constant 0 : i32
    %scan3A_24 = arith.constant 25 : i32
    %scan3A_25 = arith.addi %scan3A_23, %scan3A_24 : i32
    %scan3A_26 = arith.constant 1 : i32
    scf.for %scan3A_63 = %scan3A_23 to %scan3A_25 step %scan3A_26  : i32 {
      %mul3A_64 = arith.constant 3 : i32
      %mul3A_65 = arith.muli %mul3A_64, %scan3A_63 : i32
      %add3A_66 = arith.constant 0 : i32
      %add3A_67 = arith.addi %mul3A_65, %add3A_66 : i32
      %add3A_68 = arith.constant 2 : i32
      %add3A_69 = arith.addi %add3A_67, %add3A_68 : i32
      %lt3A = arith.constant 75 : i32
      %lt3A_70 = arith.cmpi slt, %add3A_69, %lt3A : i32
      %convert_element_type3A_71 = arith.extui %lt3A_70 : i1 to i32
      %cond3A_72 = arith.constant 0 : i32
      %cond3A_73 = arith.cmpi ne, %convert_element_type3A_71, %cond3A_72 : i32
      scf.if %cond3A_73 {
        %gt3A = arith.constant 0 : i32
        %gt3A_157 = arith.cmpi sgt, %scan3A_63, %gt3A : i32
        %convert_element_type3A_158 = arith.extui %gt3A_157 : i1 to i32
        %cond3A_159 = arith.constant 0 : i32
        %cond3A_160 = arith.cmpi ne, %convert_element_type3A_158, %cond3A_159 : i32
        scf.if %cond3A_160 {
          %dma_wait3A_167 = arith.constant 0 : i32
          %dma_wait3A_168 = arith.constant 0 : i32
          %dma_wait3A_169 = tpu.memref_slice %arg9[%dma_wait3A_167, %dma_wait3A_168] : memref<80x128xf32, #tpu.memory_space<vmem>> -> memref<40x128xf32, #tpu.memory_space<vmem>>
          %dma_wait3A_170 = arith.constant 0 : i32
          %dma_wait3A_171 = arith.constant 0 : i32
          %dma_wait3A_172 = tpu.memref_slice %arg4[%dma_wait3A_170, %dma_wait3A_171] : memref<96000x128xf32, #tpu.memory_space<hbm>> -> memref<40x128xf32, #tpu.memory_space<hbm>>
          %dma_wait3A_173 = arith.constant 0 : i32
          %dma_wait3A_174 = arith.constant 0 : i32
          %dma_wait3A_175 = tpu.memref_slice %arg4[%dma_wait3A_173, %dma_wait3A_174] : memref<96000x128xf32, #tpu.memory_space<hbm>> -> memref<40x128xf32, #tpu.memory_space<hbm>>
          %dma_wait3A_176 = arith.constant 0 : i32
          %dma_wait3A_177 = arith.constant 0 : i32
          %dma_wait3A_178 = tpu.memref_slice %arg9[%dma_wait3A_176, %dma_wait3A_177] : memref<80x128xf32, #tpu.memory_space<vmem>> -> memref<40x128xf32, #tpu.memory_space<vmem>>
          tpu.wait_dma2 semaphore(%arg15 : memref<!tpu.dma_semaphore, #tpu.memory_space<semaphore_mem>>) src(%dma_wait3A_178 : memref<40x128xf32, #tpu.memory_space<vmem>>) dst(%dma_wait3A_175 : memref<40x128xf32, #tpu.memory_space<hbm>>)
        } else {
        }
        %dma_start3A_161 = arith.constant 0 : i32
        %dma_start3A_162 = tpu.memref_slice %arg5[%add3A_69, %dma_start3A_161] : memref<75x80xi32, #tpu.memory_space<vmem>> -> memref<1x80xi32, #tpu.memory_space<vmem>>
        %dma_start3A_163 = tpu.memref_squeeze %dma_start3A_162 : memref<1x80xi32, #tpu.memory_space<vmem>> -> memref<80xi32, #tpu.memory_space<vmem>>
        %dma_start3A_164 = arith.constant 0 : i32
        %dma_start3A_165 = arith.constant 0 : i32
        %dma_start3A_166 = tpu.memref_slice %arg6[%dma_start3A_164, %dma_start3A_165] : memref<10000x128xf32, #tpu.memory_space<vmem_shared>> -> memref<10000x128xf32, #tpu.memory_space<vmem_shared>>
        tpu.enqueue_indirect_dma source(%dma_start3A_166 : memref<10000x128xf32, #tpu.memory_space<vmem_shared>>) target(%arg9 : memref<80x128xf32, #tpu.memory_space<vmem>>) offsets(%dma_start3A_163 : memref<80xi32, #tpu.memory_space<vmem>>) semaphore(%arg12 : memref<!tpu.dma_semaphore, #tpu.memory_space<semaphore_mem>>)
      } else {
      }
      %dma_wait3A_74 = arith.constant 0 : i32
      %dma_wait3A_75 = tpu.memref_slice %arg5[%add3A_67, %dma_wait3A_74] : memref<75x80xi32, #tpu.memory_space<vmem>> -> memref<1x80xi32, #tpu.memory_space<vmem>>
      %dma_wait3A_76 = tpu.memref_squeeze %dma_wait3A_75 : memref<1x80xi32, #tpu.memory_space<vmem>> -> memref<80xi32, #tpu.memory_space<vmem>>
      %dma_wait3A_77 = arith.constant 0 : i32
      %dma_wait3A_78 = arith.constant 0 : i32
      %dma_wait3A_79 = tpu.memref_slice %arg6[%dma_wait3A_77, %dma_wait3A_78] : memref<10000x128xf32, #tpu.memory_space<vmem_shared>> -> memref<10000x128xf32, #tpu.memory_space<vmem_shared>>
      tpu.wait_indirect_dma semaphore(%arg10 : memref<!tpu.dma_semaphore, #tpu.memory_space<semaphore_mem>>) src(%dma_wait3A_79 : memref<10000x128xf32, #tpu.memory_space<vmem_shared>>) dst(%arg7 : memref<80x128xf32, #tpu.memory_space<vmem>>)
      %parallel_loop3A = arith.constant 0 : i32
      %parallel_loop3A_80 = arith.constant 40 : i32
      %parallel_loop3A_81 = arith.constant 1 : i32
      scf.for %parallel_loop3A_157 = %parallel_loop3A to %parallel_loop3A_80 step %parallel_loop3A_81  : i32 {
        %parallel_loop3A_158 = arith.constant 40 : i32
        %parallel_loop3A_159 = arith.addi %parallel_loop3A_158, %parallel_loop3A_157 : i32
        %parallel_loop3A_160 = arith.index_cast %parallel_loop3A_159 : i32 to index
        %parallel_loop3A_161 = arith.constant 0 : index
        %parallel_loop3A_162 = tpu.vector_load %arg7[%parallel_loop3A_160, %parallel_loop3A_161] {strides = array<i32>} : memref<80x128xf32, #tpu.memory_space<vmem>>, vector<1x16xf32>,
        %parallel_loop3A_163 = vector.shape_cast %parallel_loop3A_162 : vector<1x16xf32> to vector<16xf32>
        %parallel_loop3A_164 = arith.index_cast %parallel_loop3A_157 : i32 to index
        %parallel_loop3A_165 = arith.constant 0 : index
        %parallel_loop3A_166 = tpu.vector_load %arg7[%parallel_loop3A_164, %parallel_loop3A_165] {strides = array<i32>} : memref<80x128xf32, #tpu.memory_space<vmem>>, vector<1x16xf32>,
        %parallel_loop3A_167 = vector.shape_cast %parallel_loop3A_166 : vector<1x16xf32> to vector<16xf32>
        %parallel_loop3A_168 = vector.shape_cast %parallel_loop3A_163 : vector<16xf32> to vector<1x16xf32>
        tpu.vector_store %arg7[%parallel_loop3A_164, %parallel_loop3A_165], %parallel_loop3A_168 {add = true, strides = array<i32>} : memref<80x128xf32, #tpu.memory_space<vmem>>, vector<1x16xf32>,
        %parallel_loop3A_169 = arith.constant 40 : i32
        %parallel_loop3A_170 = arith.addi %parallel_loop3A_169, %parallel_loop3A_157 : i32
        %parallel_loop3A_171 = arith.index_cast %parallel_loop3A_170 : i32 to index
        %parallel_loop3A_172 = arith.constant 16 : index
        %parallel_loop3A_173 = tpu.vector_load %arg7[%parallel_loop3A_171, %parallel_loop3A_172] {strides = array<i32>} : memref<80x128xf32, #tpu.memory_space<vmem>>, vector<1x16xf32>,
        %parallel_loop3A_174 = vector.shape_cast %parallel_loop3A_173 : vector<1x16xf32> to vector<16xf32>
        %parallel_loop3A_175 = arith.index_cast %parallel_loop3A_157 : i32 to index
        %parallel_loop3A_176 = arith.constant 16 : index
        %parallel_loop3A_177 = tpu.vector_load %arg7[%parallel_loop3A_175, %parallel_loop3A_176] {strides = array<i32>} : memref<80x128xf32, #tpu.memory_space<vmem>>, vector<1x16xf32>,
        %parallel_loop3A_178 = vector.shape_cast %parallel_loop3A_177 : vector<1x16xf32> to vector<16xf32>
        %parallel_loop3A_179 = vector.shape_cast %parallel_loop3A_174 : vector<16xf32> to vector<1x16xf32>
        tpu.vector_store %arg7[%parallel_loop3A_175, %parallel_loop3A_176], %parallel_loop3A_179 {add = true, strides = array<i32>} : memref<80x128xf32, #tpu.memory_space<vmem>>, vector<1x16xf32>,
        %parallel_loop3A_180 = arith.constant 40 : i32
        %parallel_loop3A_181 = arith.addi %parallel_loop3A_180, %parallel_loop3A_157 : i32
        %parallel_loop3A_182 = arith.index_cast %parallel_loop3A_181 : i32 to index
        %parallel_loop3A_183 = arith.constant 32 : index
        %parallel_loop3A_184 = tpu.vector_load %arg7[%parallel_loop3A_182, %parallel_loop3A_183] {strides = array<i32>} : memref<80x128xf32, #tpu.memory_space<vmem>>, vector<1x16xf32>,
        %parallel_loop3A_185 = vector.shape_cast %parallel_loop3A_184 : vector<1x16xf32> to vector<16xf32>
        %parallel_loop3A_186 = arith.index_cast %parallel_loop3A_157 : i32 to index
        %parallel_loop3A_187 = arith.constant 32 : index
        %parallel_loop3A_188 = tpu.vector_load %arg7[%parallel_loop3A_186, %parallel_loop3A_187] {strides = array<i32>} : memref<80x128xf32, #tpu.memory_space<vmem>>, vector<1x16xf32>,
        %parallel_loop3A_189 = vector.shape_cast %parallel_loop3A_188 : vector<1x16xf32> to vector<16xf32>
        %parallel_loop3A_190 = vector.shape_cast %parallel_loop3A_185 : vector<16xf32> to vector<1x16xf32>
        tpu.vector_store %arg7[%parallel_loop3A_186, %parallel_loop3A_187], %parallel_loop3A_190 {add = true, strides = array<i32>} : memref<80x128xf32, #tpu.memory_space<vmem>>, vector<1x16xf32>,
        %parallel_loop3A_191 = arith.constant 40 : i32
        %parallel_loop3A_192 = arith.addi %parallel_loop3A_191, %parallel_loop3A_157 : i32
        %parallel_loop3A_193 = arith.index_cast %parallel_loop3A_192 : i32 to index
        %parallel_loop3A_194 = arith.constant 48 : index
        %parallel_loop3A_195 = tpu.vector_load %arg7[%parallel_loop3A_193, %parallel_loop3A_194] {strides = array<i32>} : memref<80x128xf32, #tpu.memory_space<vmem>>, vector<1x16xf32>,
        %parallel_loop3A_196 = vector.shape_cast %parallel_loop3A_195 : vector<1x16xf32> to vector<16xf32>
        %parallel_loop3A_197 = arith.index_cast %parallel_loop3A_157 : i32 to index
        %parallel_loop3A_198 = arith.constant 48 : index
        %parallel_loop3A_199 = tpu.vector_load %arg7[%parallel_loop3A_197, %parallel_loop3A_198] {strides = array<i32>} : memref<80x128xf32, #tpu.memory_space<vmem>>, vector<1x16xf32>,
        %parallel_loop3A_200 = vector.shape_cast %parallel_loop3A_199 : vector<1x16xf32> to vector<16xf32>
        %parallel_loop3A_201 = vector.shape_cast %parallel_loop3A_196 : vector<16xf32> to vector<1x16xf32>
        tpu.vector_store %arg7[%parallel_loop3A_197, %parallel_loop3A_198], %parallel_loop3A_201 {add = true, strides = array<i32>} : memref<80x128xf32, #tpu.memory_space<vmem>>, vector<1x16xf32>,
        %parallel_loop3A_202 = arith.constant 40 : i32
        %parallel_loop3A_203 = arith.addi %parallel_loop3A_202, %parallel_loop3A_157 : i32
        %parallel_loop3A_204 = arith.index_cast %parallel_loop3A_203 : i32 to index
        %parallel_loop3A_205 = arith.constant 64 : index
        %parallel_loop3A_206 = tpu.vector_load %arg7[%parallel_loop3A_204, %parallel_loop3A_205] {strides = array<i32>} : memref<80x128xf32, #tpu.memory_space<vmem>>, vector<1x16xf32>,
        %parallel_loop3A_207 = vector.shape_cast %parallel_loop3A_206 : vector<1x16xf32> to vector<16xf32>
        %parallel_loop3A_208 = arith.index_cast %parallel_loop3A_157 : i32 to index
        %parallel_loop3A_209 = arith.constant 64 : index
        %parallel_loop3A_210 = tpu.vector_load %arg7[%parallel_loop3A_208, %parallel_loop3A_209] {strides = array<i32>} : memref<80x128xf32, #tpu.memory_space<vmem>>, vector<1x16xf32>,
        %parallel_loop3A_211 = vector.shape_cast %parallel_loop3A_210 : vector<1x16xf32> to vector<16xf32>
        %parallel_loop3A_212 = vector.shape_cast %parallel_loop3A_207 : vector<16xf32> to vector<1x16xf32>
        tpu.vector_store %arg7[%parallel_loop3A_208, %parallel_loop3A_209], %parallel_loop3A_212 {add = true, strides = array<i32>} : memref<80x128xf32, #tpu.memory_space<vmem>>, vector<1x16xf32>,
        %parallel_loop3A_213 = arith.constant 40 : i32
        %parallel_loop3A_214 = arith.addi %parallel_loop3A_213, %parallel_loop3A_157 : i32
        %parallel_loop3A_215 = arith.index_cast %parallel_loop3A_214 : i32 to index
        %parallel_loop3A_216 = arith.constant 80 : index
        %parallel_loop3A_217 = tpu.vector_load %arg7[%parallel_loop3A_215, %parallel_loop3A_216] {strides = array<i32>} : memref<80x128xf32, #tpu.memory_space<vmem>>, vector<1x16xf32>,
        %parallel_loop3A_218 = vector.shape_cast %parallel_loop3A_217 : vector<1x16xf32> to vector<16xf32>
        %parallel_loop3A_219 = arith.index_cast %parallel_loop3A_157 : i32 to index
        %parallel_loop3A_220 = arith.constant 80 : index
        %parallel_loop3A_221 = tpu.vector_load %arg7[%parallel_loop3A_219, %parallel_loop3A_220] {strides = array<i32>} : memref<80x128xf32, #tpu.memory_space<vmem>>, vector<1x16xf32>,
        %parallel_loop3A_222 = vector.shape_cast %parallel_loop3A_221 : vector<1x16xf32> to vector<16xf32>
        %parallel_loop3A_223 = vector.shape_cast %parallel_loop3A_218 : vector<16xf32> to vector<1x16xf32>
        tpu.vector_store %arg7[%parallel_loop3A_219, %parallel_loop3A_220], %parallel_loop3A_223 {add = true, strides = array<i32>} : memref<80x128xf32, #tpu.memory_space<vmem>>, vector<1x16xf32>,
        %parallel_loop3A_224 = arith.constant 40 : i32
        %parallel_loop3A_225 = arith.addi %parallel_loop3A_224, %parallel_loop3A_157 : i32
        %parallel_loop3A_226 = arith.index_cast %parallel_loop3A_225 : i32 to index
        %parallel_loop3A_227 = arith.constant 96 : index
        %parallel_loop3A_228 = tpu.vector_load %arg7[%parallel_loop3A_226, %parallel_loop3A_227] {strides = array<i32>} : memref<80x128xf32, #tpu.memory_space<vmem>>, vector<1x16xf32>,
        %parallel_loop3A_229 = vector.shape_cast %parallel_loop3A_228 : vector<1x16xf32> to vector<16xf32>
        %parallel_loop3A_230 = arith.index_cast %parallel_loop3A_157 : i32 to index
        %parallel_loop3A_231 = arith.constant 96 : index
        %parallel_loop3A_232 = tpu.vector_load %arg7[%parallel_loop3A_230, %parallel_loop3A_231] {strides = array<i32>} : memref<80x128xf32, #tpu.memory_space<vmem>>, vector<1x16xf32>,
        %parallel_loop3A_233 = vector.shape_cast %parallel_loop3A_232 : vector<1x16xf32> to vector<16xf32>
        %parallel_loop3A_234 = vector.shape_cast %parallel_loop3A_229 : vector<16xf32> to vector<1x16xf32>
        tpu.vector_store %arg7[%parallel_loop3A_230, %parallel_loop3A_231], %parallel_loop3A_234 {add = true, strides = array<i32>} : memref<80x128xf32, #tpu.memory_space<vmem>>, vector<1x16xf32>,
        %parallel_loop3A_235 = arith.constant 40 : i32
        %parallel_loop3A_236 = arith.addi %parallel_loop3A_235, %parallel_loop3A_157 : i32
        %parallel_loop3A_237 = arith.index_cast %parallel_loop3A_236 : i32 to index
        %parallel_loop3A_238 = arith.constant 112 : index
        %parallel_loop3A_239 = tpu.vector_load %arg7[%parallel_loop3A_237, %parallel_loop3A_238] {strides = array<i32>} : memref<80x128xf32, #tpu.memory_space<vmem>>, vector<1x16xf32>,
        %parallel_loop3A_240 = vector.shape_cast %parallel_loop3A_239 : vector<1x16xf32> to vector<16xf32>
        %parallel_loop3A_241 = arith.index_cast %parallel_loop3A_157 : i32 to index
        %parallel_loop3A_242 = arith.constant 112 : index
        %parallel_loop3A_243 = tpu.vector_load %arg7[%parallel_loop3A_241, %parallel_loop3A_242] {strides = array<i32>} : memref<80x128xf32, #tpu.memory_space<vmem>>, vector<1x16xf32>,
        %parallel_loop3A_244 = vector.shape_cast %parallel_loop3A_243 : vector<1x16xf32> to vector<16xf32>
        %parallel_loop3A_245 = vector.shape_cast %parallel_loop3A_240 : vector<16xf32> to vector<1x16xf32>
        tpu.vector_store %arg7[%parallel_loop3A_241, %parallel_loop3A_242], %parallel_loop3A_245 {add = true, strides = array<i32>} : memref<80x128xf32, #tpu.memory_space<vmem>>, vector<1x16xf32>,
      } {sc.loop_unroll_factor = 4 : i64, sc.parallel_access}
      %mul3A_82 = arith.constant 40 : i32
      %mul3A_83 = arith.muli %add3A_67, %mul3A_82 : i32
      %add3A_84 = arith.addi %mul3A_2, %mul3A_83 : i32
      %dma_start3A_85 = arith.constant 0 : i32
      %dma_start3A_86 = arith.constant 0 : i32
      %dma_start3A_87 = tpu.memref_slice %arg7[%dma_start3A_85, %dma_start3A_86] : memref<80x128xf32, #tpu.memory_space<vmem>> -> memref<40x128xf32, #tpu.memory_space<vmem>>
      %dma_start3A_88 = arith.constant 0 : i32
      %dma_start3A_89 = tpu.memref_slice %arg4[%add3A_84, %dma_start3A_88] : memref<96000x128xf32, #tpu.memory_space<hbm>> -> memref<40x128xf32, #tpu.memory_space<hbm>>
      %dma_start3A_90 = arith.constant 0 : i32
      %dma_start3A_91 = tpu.memref_slice %arg4[%add3A_84, %dma_start3A_90] : memref<96000x128xf32, #tpu.memory_space<hbm>> -> memref<40x128xf32, #tpu.memory_space<hbm>>
      %dma_start3A_92 = arith.constant 0 : i32
      %dma_start3A_93 = arith.constant 0 : i32
      %dma_start3A_94 = tpu.memref_slice %arg7[%dma_start3A_92, %dma_start3A_93] : memref<80x128xf32, #tpu.memory_space<vmem>> -> memref<40x128xf32, #tpu.memory_space<vmem>>
      tpu.enqueue_dma source(%dma_start3A_94 : memref<40x128xf32, #tpu.memory_space<vmem>>) target(%dma_start3A_91 : memref<40x128xf32, #tpu.memory_space<hbm>>) target_semaphore(%arg13 : memref<!tpu.dma_semaphore, #tpu.memory_space<semaphore_mem>>)
      %add3A_95 = arith.constant 1 : i32
      %add3A_96 = arith.addi %mul3A_65, %add3A_95 : i32
      %add3A_97 = arith.constant 2 : i32
      %add3A_98 = arith.addi %add3A_96, %add3A_97 : i32
      %lt3A_99 = arith.constant 75 : i32
      %lt3A_100 = arith.cmpi slt, %add3A_98, %lt3A_99 : i32
      %convert_element_type3A_101 = arith.extui %lt3A_100 : i1 to i32
      %cond3A_102 = arith.constant 0 : i32
      %cond3A_103 = arith.cmpi ne, %convert_element_type3A_101, %cond3A_102 : i32
      scf.if %cond3A_103 {
        %dma_wait3A_157 = arith.constant 0 : i32
        %dma_wait3A_158 = arith.constant 0 : i32
        %dma_wait3A_159 = tpu.memref_slice %arg7[%dma_wait3A_157, %dma_wait3A_158] : memref<80x128xf32, #tpu.memory_space<vmem>> -> memref<40x128xf32, #tpu.memory_space<vmem>>
        %dma_wait3A_160 = arith.constant 0 : i32
        %dma_wait3A_161 = arith.constant 0 : i32
        %dma_wait3A_162 = tpu.memref_slice %arg4[%dma_wait3A_160, %dma_wait3A_161] : memref<96000x128xf32, #tpu.memory_space<hbm>> -> memref<40x128xf32, #tpu.memory_space<hbm>>
        %dma_wait3A_163 = arith.constant 0 : i32
        %dma_wait3A_164 = arith.constant 0 : i32
        %dma_wait3A_165 = tpu.memref_slice %arg4[%dma_wait3A_163, %dma_wait3A_164] : memref<96000x128xf32, #tpu.memory_space<hbm>> -> memref<40x128xf32, #tpu.memory_space<hbm>>
        %dma_wait3A_166 = arith.constant 0 : i32
        %dma_wait3A_167 = arith.constant 0 : i32
        %dma_wait3A_168 = tpu.memref_slice %arg7[%dma_wait3A_166, %dma_wait3A_167] : memref<80x128xf32, #tpu.memory_space<vmem>> -> memref<40x128xf32, #tpu.memory_space<vmem>>
        tpu.wait_dma2 semaphore(%arg13 : memref<!tpu.dma_semaphore, #tpu.memory_space<semaphore_mem>>) src(%dma_wait3A_168 : memref<40x128xf32, #tpu.memory_space<vmem>>) dst(%dma_wait3A_165 : memref<40x128xf32, #tpu.memory_space<hbm>>)
        %dma_start3A_169 = arith.constant 0 : i32
        %dma_start3A_170 = tpu.memref_slice %arg5[%add3A_98, %dma_start3A_169] : memref<75x80xi32, #tpu.memory_space<vmem>> -> memref<1x80xi32, #tpu.memory_space<vmem>>
        %dma_start3A_171 = tpu.memref_squeeze %dma_start3A_170 : memref<1x80xi32, #tpu.memory_space<vmem>> -> memref<80xi32, #tpu.memory_space<vmem>>
        %dma_start3A_172 = arith.constant 0 : i32
        %dma_start3A_173 = arith.constant 0 : i32
        %dma_start3A_174 = tpu.memref_slice %arg6[%dma_start3A_172, %dma_start3A_173] : memref<10000x128xf32, #tpu.memory_space<vmem_shared>> -> memref<10000x128xf32, #tpu.memory_space<vmem_shared>>
        tpu.enqueue_indirect_dma source(%dma_start3A_174 : memref<10000x128xf32, #tpu.memory_space<vmem_shared>>) target(%arg7 : memref<80x128xf32, #tpu.memory_space<vmem>>) offsets(%dma_start3A_171 : memref<80xi32, #tpu.memory_space<vmem>>) semaphore(%arg10 : memref<!tpu.dma_semaphore, #tpu.memory_space<semaphore_mem>>)
      } else {
      }
      %dma_wait3A_104 = arith.constant 0 : i32
      %dma_wait3A_105 = tpu.memref_slice %arg5[%add3A_96, %dma_wait3A_104] : memref<75x80xi32, #tpu.memory_space<vmem>> -> memref<1x80xi32, #tpu.memory_space<vmem>>
      %dma_wait3A_106 = tpu.memref_squeeze %dma_wait3A_105 : memref<1x80xi32, #tpu.memory_space<vmem>> -> memref<80xi32, #tpu.memory_space<vmem>>
      %dma_wait3A_107 = arith.constant 0 : i32
      %dma_wait3A_108 = arith.constant 0 : i32
      %dma_wait3A_109 = tpu.memref_slice %arg6[%dma_wait3A_107, %dma_wait3A_108] : memref<10000x128xf32, #tpu.memory_space<vmem_shared>> -> memref<10000x128xf32, #tpu.memory_space<vmem_shared>>
      tpu.wait_indirect_dma semaphore(%arg11 : memref<!tpu.dma_semaphore, #tpu.memory_space<semaphore_mem>>) src(%dma_wait3A_109 : memref<10000x128xf32, #tpu.memory_space<vmem_shared>>) dst(%arg8 : memref<80x128xf32, #tpu.memory_space<vmem>>)
      %parallel_loop3A_110 = arith.constant 0 : i32
      %parallel_loop3A_111 = arith.constant 40 : i32
      %parallel_loop3A_112 = arith.constant 1 : i32
      scf.for %parallel_loop3A_157 = %parallel_loop3A_110 to %parallel_loop3A_111 step %parallel_loop3A_112  : i32 {
        %parallel_loop3A_158 = arith.constant 40 : i32
        %parallel_loop3A_159 = arith.addi %parallel_loop3A_158, %parallel_loop3A_157 : i32
        %parallel_loop3A_160 = arith.index_cast %parallel_loop3A_159 : i32 to index
        %parallel_loop3A_161 = arith.constant 0 : index
        %parallel_loop3A_162 = tpu.vector_load %arg8[%parallel_loop3A_160, %parallel_loop3A_161] {strides = array<i32>} : memref<80x128xf32, #tpu.memory_space<vmem>>, vector<1x16xf32>,
        %parallel_loop3A_163 = vector.shape_cast %parallel_loop3A_162 : vector<1x16xf32> to vector<16xf32>
        %parallel_loop3A_164 = arith.index_cast %parallel_loop3A_157 : i32 to index
        %parallel_loop3A_165 = arith.constant 0 : index
        %parallel_loop3A_166 = tpu.vector_load %arg8[%parallel_loop3A_164, %parallel_loop3A_165] {strides = array<i32>} : memref<80x128xf32, #tpu.memory_space<vmem>>, vector<1x16xf32>,
        %parallel_loop3A_167 = vector.shape_cast %parallel_loop3A_166 : vector<1x16xf32> to vector<16xf32>
        %parallel_loop3A_168 = vector.shape_cast %parallel_loop3A_163 : vector<16xf32> to vector<1x16xf32>
        tpu.vector_store %arg8[%parallel_loop3A_164, %parallel_loop3A_165], %parallel_loop3A_168 {add = true, strides = array<i32>} : memref<80x128xf32, #tpu.memory_space<vmem>>, vector<1x16xf32>,
        %parallel_loop3A_169 = arith.constant 40 : i32
        %parallel_loop3A_170 = arith.addi %parallel_loop3A_169, %parallel_loop3A_157 : i32
        %parallel_loop3A_171 = arith.index_cast %parallel_loop3A_170 : i32 to index
        %parallel_loop3A_172 = arith.constant 16 : index
        %parallel_loop3A_173 = tpu.vector_load %arg8[%parallel_loop3A_171, %parallel_loop3A_172] {strides = array<i32>} : memref<80x128xf32, #tpu.memory_space<vmem>>, vector<1x16xf32>,
        %parallel_loop3A_174 = vector.shape_cast %parallel_loop3A_173 : vector<1x16xf32> to vector<16xf32>
        %parallel_loop3A_175 = arith.index_cast %parallel_loop3A_157 : i32 to index
        %parallel_loop3A_176 = arith.constant 16 : index
        %parallel_loop3A_177 = tpu.vector_load %arg8[%parallel_loop3A_175, %parallel_loop3A_176] {strides = array<i32>} : memref<80x128xf32, #tpu.memory_space<vmem>>, vector<1x16xf32>,
        %parallel_loop3A_178 = vector.shape_cast %parallel_loop3A_177 : vector<1x16xf32> to vector<16xf32>
        %parallel_loop3A_179 = vector.shape_cast %parallel_loop3A_174 : vector<16xf32> to vector<1x16xf32>
        tpu.vector_store %arg8[%parallel_loop3A_175, %parallel_loop3A_176], %parallel_loop3A_179 {add = true, strides = array<i32>} : memref<80x128xf32, #tpu.memory_space<vmem>>, vector<1x16xf32>,
        %parallel_loop3A_180 = arith.constant 40 : i32
        %parallel_loop3A_181 = arith.addi %parallel_loop3A_180, %parallel_loop3A_157 : i32
        %parallel_loop3A_182 = arith.index_cast %parallel_loop3A_181 : i32 to index
        %parallel_loop3A_183 = arith.constant 32 : index
        %parallel_loop3A_184 = tpu.vector_load %arg8[%parallel_loop3A_182, %parallel_loop3A_183] {strides = array<i32>} : memref<80x128xf32, #tpu.memory_space<vmem>>, vector<1x16xf32>,
        %parallel_loop3A_185 = vector.shape_cast %parallel_loop3A_184 : vector<1x16xf32> to vector<16xf32>
        %parallel_loop3A_186 = arith.index_cast %parallel_loop3A_157 : i32 to index
        %parallel_loop3A_187 = arith.constant 32 : index
        %parallel_loop3A_188 = tpu.vector_load %arg8[%parallel_loop3A_186, %parallel_loop3A_187] {strides = array<i32>} : memref<80x128xf32, #tpu.memory_space<vmem>>, vector<1x16xf32>,
        %parallel_loop3A_189 = vector.shape_cast %parallel_loop3A_188 : vector<1x16xf32> to vector<16xf32>
        %parallel_loop3A_190 = vector.shape_cast %parallel_loop3A_185 : vector<16xf32> to vector<1x16xf32>
        tpu.vector_store %arg8[%parallel_loop3A_186, %parallel_loop3A_187], %parallel_loop3A_190 {add = true, strides = array<i32>} : memref<80x128xf32, #tpu.memory_space<vmem>>, vector<1x16xf32>,
        %parallel_loop3A_191 = arith.constant 40 : i32
        %parallel_loop3A_192 = arith.addi %parallel_loop3A_191, %parallel_loop3A_157 : i32
        %parallel_loop3A_193 = arith.index_cast %parallel_loop3A_192 : i32 to index
        %parallel_loop3A_194 = arith.constant 48 : index
        %parallel_loop3A_195 = tpu.vector_load %arg8[%parallel_loop3A_193, %parallel_loop3A_194] {strides = array<i32>} : memref<80x128xf32, #tpu.memory_space<vmem>>, vector<1x16xf32>,
        %parallel_loop3A_196 = vector.shape_cast %parallel_loop3A_195 : vector<1x16xf32> to vector<16xf32>
        %parallel_loop3A_197 = arith.index_cast %parallel_loop3A_157 : i32 to index
        %parallel_loop3A_198 = arith.constant 48 : index
        %parallel_loop3A_199 = tpu.vector_load %arg8[%parallel_loop3A_197, %parallel_loop3A_198] {strides = array<i32>} : memref<80x128xf32, #tpu.memory_space<vmem>>, vector<1x16xf32>,
        %parallel_loop3A_200 = vector.shape_cast %parallel_loop3A_199 : vector<1x16xf32> to vector<16xf32>
        %parallel_loop3A_201 = vector.shape_cast %parallel_loop3A_196 : vector<16xf32> to vector<1x16xf32>
        tpu.vector_store %arg8[%parallel_loop3A_197, %parallel_loop3A_198], %parallel_loop3A_201 {add = true, strides = array<i32>} : memref<80x128xf32, #tpu.memory_space<vmem>>, vector<1x16xf32>,
        %parallel_loop3A_202 = arith.constant 40 : i32
        %parallel_loop3A_203 = arith.addi %parallel_loop3A_202, %parallel_loop3A_157 : i32
        %parallel_loop3A_204 = arith.index_cast %parallel_loop3A_203 : i32 to index
        %parallel_loop3A_205 = arith.constant 64 : index
        %parallel_loop3A_206 = tpu.vector_load %arg8[%parallel_loop3A_204, %parallel_loop3A_205] {strides = array<i32>} : memref<80x128xf32, #tpu.memory_space<vmem>>, vector<1x16xf32>,
        %parallel_loop3A_207 = vector.shape_cast %parallel_loop3A_206 : vector<1x16xf32> to vector<16xf32>
        %parallel_loop3A_208 = arith.index_cast %parallel_loop3A_157 : i32 to index
        %parallel_loop3A_209 = arith.constant 64 : index
        %parallel_loop3A_210 = tpu.vector_load %arg8[%parallel_loop3A_208, %parallel_loop3A_209] {strides = array<i32>} : memref<80x128xf32, #tpu.memory_space<vmem>>, vector<1x16xf32>,
        %parallel_loop3A_211 = vector.shape_cast %parallel_loop3A_210 : vector<1x16xf32> to vector<16xf32>
        %parallel_loop3A_212 = vector.shape_cast %parallel_loop3A_207 : vector<16xf32> to vector<1x16xf32>
        tpu.vector_store %arg8[%parallel_loop3A_208, %parallel_loop3A_209], %parallel_loop3A_212 {add = true, strides = array<i32>} : memref<80x128xf32, #tpu.memory_space<vmem>>, vector<1x16xf32>,
        %parallel_loop3A_213 = arith.constant 40 : i32
        %parallel_loop3A_214 = arith.addi %parallel_loop3A_213, %parallel_loop3A_157 : i32
        %parallel_loop3A_215 = arith.index_cast %parallel_loop3A_214 : i32 to index
        %parallel_loop3A_216 = arith.constant 80 : index
        %parallel_loop3A_217 = tpu.vector_load %arg8[%parallel_loop3A_215, %parallel_loop3A_216] {strides = array<i32>} : memref<80x128xf32, #tpu.memory_space<vmem>>, vector<1x16xf32>,
        %parallel_loop3A_218 = vector.shape_cast %parallel_loop3A_217 : vector<1x16xf32> to vector<16xf32>
        %parallel_loop3A_219 = arith.index_cast %parallel_loop3A_157 : i32 to index
        %parallel_loop3A_220 = arith.constant 80 : index
        %parallel_loop3A_221 = tpu.vector_load %arg8[%parallel_loop3A_219, %parallel_loop3A_220] {strides = array<i32>} : memref<80x128xf32, #tpu.memory_space<vmem>>, vector<1x16xf32>,
        %parallel_loop3A_222 = vector.shape_cast %parallel_loop3A_221 : vector<1x16xf32> to vector<16xf32>
        %parallel_loop3A_223 = vector.shape_cast %parallel_loop3A_218 : vector<16xf32> to vector<1x16xf32>
        tpu.vector_store %arg8[%parallel_loop3A_219, %parallel_loop3A_220], %parallel_loop3A_223 {add = true, strides = array<i32>} : memref<80x128xf32, #tpu.memory_space<vmem>>, vector<1x16xf32>,
        %parallel_loop3A_224 = arith.constant 40 : i32
        %parallel_loop3A_225 = arith.addi %parallel_loop3A_224, %parallel_loop3A_157 : i32
        %parallel_loop3A_226 = arith.index_cast %parallel_loop3A_225 : i32 to index
        %parallel_loop3A_227 = arith.constant 96 : index
        %parallel_loop3A_228 = tpu.vector_load %arg8[%parallel_loop3A_226, %parallel_loop3A_227] {strides = array<i32>} : memref<80x128xf32, #tpu.memory_space<vmem>>, vector<1x16xf32>,
        %parallel_loop3A_229 = vector.shape_cast %parallel_loop3A_228 : vector<1x16xf32> to vector<16xf32>
        %parallel_loop3A_230 = arith.index_cast %parallel_loop3A_157 : i32 to index
        %parallel_loop3A_231 = arith.constant 96 : index
        %parallel_loop3A_232 = tpu.vector_load %arg8[%parallel_loop3A_230, %parallel_loop3A_231] {strides = array<i32>} : memref<80x128xf32, #tpu.memory_space<vmem>>, vector<1x16xf32>,
        %parallel_loop3A_233 = vector.shape_cast %parallel_loop3A_232 : vector<1x16xf32> to vector<16xf32>
        %parallel_loop3A_234 = vector.shape_cast %parallel_loop3A_229 : vector<16xf32> to vector<1x16xf32>
        tpu.vector_store %arg8[%parallel_loop3A_230, %parallel_loop3A_231], %parallel_loop3A_234 {add = true, strides = array<i32>} : memref<80x128xf32, #tpu.memory_space<vmem>>, vector<1x16xf32>,
        %parallel_loop3A_235 = arith.constant 40 : i32
        %parallel_loop3A_236 = arith.addi %parallel_loop3A_235, %parallel_loop3A_157 : i32
        %parallel_loop3A_237 = arith.index_cast %parallel_loop3A_236 : i32 to index
        %parallel_loop3A_238 = arith.constant 112 : index
        %parallel_loop3A_239 = tpu.vector_load %arg8[%parallel_loop3A_237, %parallel_loop3A_238] {strides = array<i32>} : memref<80x128xf32, #tpu.memory_space<vmem>>, vector<1x16xf32>,
        %parallel_loop3A_240 = vector.shape_cast %parallel_loop3A_239 : vector<1x16xf32> to vector<16xf32>
        %parallel_loop3A_241 = arith.index_cast %parallel_loop3A_157 : i32 to index
        %parallel_loop3A_242 = arith.constant 112 : index
        %parallel_loop3A_243 = tpu.vector_load %arg8[%parallel_loop3A_241, %parallel_loop3A_242] {strides = array<i32>} : memref<80x128xf32, #tpu.memory_space<vmem>>, vector<1x16xf32>,
        %parallel_loop3A_244 = vector.shape_cast %parallel_loop3A_243 : vector<1x16xf32> to vector<16xf32>
        %parallel_loop3A_245 = vector.shape_cast %parallel_loop3A_240 : vector<16xf32> to vector<1x16xf32>
        tpu.vector_store %arg8[%parallel_loop3A_241, %parallel_loop3A_242], %parallel_loop3A_245 {add = true, strides = array<i32>} : memref<80x128xf32, #tpu.memory_space<vmem>>, vector<1x16xf32>,
      } {sc.loop_unroll_factor = 4 : i64, sc.parallel_access}
      %mul3A_113 = arith.constant 40 : i32
      %mul3A_114 = arith.muli %add3A_96, %mul3A_113 : i32
      %add3A_115 = arith.addi %mul3A_2, %mul3A_114 : i32
      %dma_start3A_116 = arith.constant 0 : i32
      %dma_start3A_117 = arith.constant 0 : i32
      %dma_start3A_118 = tpu.memref_slice %arg8[%dma_start3A_116, %dma_start3A_117] : memref<80x128xf32, #tpu.memory_space<vmem>> -> memref<40x128xf32, #tpu.memory_space<vmem>>
      %dma_start3A_119 = arith.constant 0 : i32
      %dma_start3A_120 = tpu.memref_slice %arg4[%add3A_115, %dma_start3A_119] : memref<96000x128xf32, #tpu.memory_space<hbm>> -> memref<40x128xf32, #tpu.memory_space<hbm>>
      %dma_start3A_121 = arith.constant 0 : i32
      %dma_start3A_122 = tpu.memref_slice %arg4[%add3A_115, %dma_start3A_121] : memref<96000x128xf32, #tpu.memory_space<hbm>> -> memref<40x128xf32, #tpu.memory_space<hbm>>
      %dma_start3A_123 = arith.constant 0 : i32
      %dma_start3A_124 = arith.constant 0 : i32
      %dma_start3A_125 = tpu.memref_slice %arg8[%dma_start3A_123, %dma_start3A_124] : memref<80x128xf32, #tpu.memory_space<vmem>> -> memref<40x128xf32, #tpu.memory_space<vmem>>
      tpu.enqueue_dma source(%dma_start3A_125 : memref<40x128xf32, #tpu.memory_space<vmem>>) target(%dma_start3A_122 : memref<40x128xf32, #tpu.memory_space<hbm>>) target_semaphore(%arg14 : memref<!tpu.dma_semaphore, #tpu.memory_space<semaphore_mem>>)
      %add3A_126 = arith.constant 2 : i32
      %add3A_127 = arith.addi %mul3A_65, %add3A_126 : i32
      %add3A_128 = arith.constant 2 : i32
      %add3A_129 = arith.addi %add3A_127, %add3A_128 : i32
      %lt3A_130 = arith.constant 75 : i32
      %lt3A_131 = arith.cmpi slt, %add3A_129, %lt3A_130 : i32
      %convert_element_type3A_132 = arith.extui %lt3A_131 : i1 to i32
      %cond3A_133 = arith.constant 0 : i32
      %cond3A_134 = arith.cmpi ne, %convert_element_type3A_132, %cond3A_133 : i32
      scf.if %cond3A_134 {
        %dma_wait3A_157 = arith.constant 0 : i32
        %dma_wait3A_158 = arith.constant 0 : i32
        %dma_wait3A_159 = tpu.memref_slice %arg8[%dma_wait3A_157, %dma_wait3A_158] : memref<80x128xf32, #tpu.memory_space<vmem>> -> memref<40x128xf32, #tpu.memory_space<vmem>>
        %dma_wait3A_160 = arith.constant 0 : i32
        %dma_wait3A_161 = arith.constant 0 : i32
        %dma_wait3A_162 = tpu.memref_slice %arg4[%dma_wait3A_160, %dma_wait3A_161] : memref<96000x128xf32, #tpu.memory_space<hbm>> -> memref<40x128xf32, #tpu.memory_space<hbm>>
        %dma_wait3A_163 = arith.constant 0 : i32
        %dma_wait3A_164 = arith.constant 0 : i32
        %dma_wait3A_165 = tpu.memref_slice %arg4[%dma_wait3A_163, %dma_wait3A_164] : memref<96000x128xf32, #tpu.memory_space<hbm>> -> memref<40x128xf32, #tpu.memory_space<hbm>>
        %dma_wait3A_166 = arith.constant 0 : i32
        %dma_wait3A_167 = arith.constant 0 : i32
        %dma_wait3A_168 = tpu.memref_slice %arg8[%dma_wait3A_166, %dma_wait3A_167] : memref<80x128xf32, #tpu.memory_space<vmem>> -> memref<40x128xf32, #tpu.memory_space<vmem>>
        tpu.wait_dma2 semaphore(%arg14 : memref<!tpu.dma_semaphore, #tpu.memory_space<semaphore_mem>>) src(%dma_wait3A_168 : memref<40x128xf32, #tpu.memory_space<vmem>>) dst(%dma_wait3A_165 : memref<40x128xf32, #tpu.memory_space<hbm>>)
        %dma_start3A_169 = arith.constant 0 : i32
        %dma_start3A_170 = tpu.memref_slice %arg5[%add3A_129, %dma_start3A_169] : memref<75x80xi32, #tpu.memory_space<vmem>> -> memref<1x80xi32, #tpu.memory_space<vmem>>
        %dma_start3A_171 = tpu.memref_squeeze %dma_start3A_170 : memref<1x80xi32, #tpu.memory_space<vmem>> -> memref<80xi32, #tpu.memory_space<vmem>>
        %dma_start3A_172 = arith.constant 0 : i32
        %dma_start3A_173 = arith.constant 0 : i32
        %dma_start3A_174 = tpu.memref_slice %arg6[%dma_start3A_172, %dma_start3A_173] : memref<10000x128xf32, #tpu.memory_space<vmem_shared>> -> memref<10000x128xf32, #tpu.memory_space<vmem_shared>>
        tpu.enqueue_indirect_dma source(%dma_start3A_174 : memref<10000x128xf32, #tpu.memory_space<vmem_shared>>) target(%arg8 : memref<80x128xf32, #tpu.memory_space<vmem>>) offsets(%dma_start3A_171 : memref<80xi32, #tpu.memory_space<vmem>>) semaphore(%arg11 : memref<!tpu.dma_semaphore, #tpu.memory_space<semaphore_mem>>)
      } else {
      }
      %dma_wait3A_135 = arith.constant 0 : i32
      %dma_wait3A_136 = tpu.memref_slice %arg5[%add3A_127, %dma_wait3A_135] : memref<75x80xi32, #tpu.memory_space<vmem>> -> memref<1x80xi32, #tpu.memory_space<vmem>>
      %dma_wait3A_137 = tpu.memref_squeeze %dma_wait3A_136 : memref<1x80xi32, #tpu.memory_space<vmem>> -> memref<80xi32, #tpu.memory_space<vmem>>
      %dma_wait3A_138 = arith.constant 0 : i32
      %dma_wait3A_139 = arith.constant 0 : i32
      %dma_wait3A_140 = tpu.memref_slice %arg6[%dma_wait3A_138, %dma_wait3A_139] : memref<10000x128xf32, #tpu.memory_space<vmem_shared>> -> memref<10000x128xf32, #tpu.memory_space<vmem_shared>>
      tpu.wait_indirect_dma semaphore(%arg12 : memref<!tpu.dma_semaphore, #tpu.memory_space<semaphore_mem>>) src(%dma_wait3A_140 : memref<10000x128xf32, #tpu.memory_space<vmem_shared>>) dst(%arg9 : memref<80x128xf32, #tpu.memory_space<vmem>>)
      %parallel_loop3A_141 = arith.constant 0 : i32
      %parallel_loop3A_142 = arith.constant 40 : i32
      %parallel_loop3A_143 = arith.constant 1 : i32
      scf.for %parallel_loop3A_157 = %parallel_loop3A_141 to %parallel_loop3A_142 step %parallel_loop3A_143  : i32 {
        %parallel_loop3A_158 = arith.constant 40 : i32
        %parallel_loop3A_159 = arith.addi %parallel_loop3A_158, %parallel_loop3A_157 : i32
        %parallel_loop3A_160 = arith.index_cast %parallel_loop3A_159 : i32 to index
        %parallel_loop3A_161 = arith.constant 0 : index
        %parallel_loop3A_162 = tpu.vector_load %arg9[%parallel_loop3A_160, %parallel_loop3A_161] {strides = array<i32>} : memref<80x128xf32, #tpu.memory_space<vmem>>, vector<1x16xf32>,
        %parallel_loop3A_163 = vector.shape_cast %parallel_loop3A_162 : vector<1x16xf32> to vector<16xf32>
        %parallel_loop3A_164 = arith.index_cast %parallel_loop3A_157 : i32 to index
        %parallel_loop3A_165 = arith.constant 0 : index
        %parallel_loop3A_166 = tpu.vector_load %arg9[%parallel_loop3A_164, %parallel_loop3A_165] {strides = array<i32>} : memref<80x128xf32, #tpu.memory_space<vmem>>, vector<1x16xf32>,
        %parallel_loop3A_167 = vector.shape_cast %parallel_loop3A_166 : vector<1x16xf32> to vector<16xf32>
        %parallel_loop3A_168 = vector.shape_cast %parallel_loop3A_163 : vector<16xf32> to vector<1x16xf32>
        tpu.vector_store %arg9[%parallel_loop3A_164, %parallel_loop3A_165], %parallel_loop3A_168 {add = true, strides = array<i32>} : memref<80x128xf32, #tpu.memory_space<vmem>>, vector<1x16xf32>,
        %parallel_loop3A_169 = arith.constant 40 : i32
        %parallel_loop3A_170 = arith.addi %parallel_loop3A_169, %parallel_loop3A_157 : i32
        %parallel_loop3A_171 = arith.index_cast %parallel_loop3A_170 : i32 to index
        %parallel_loop3A_172 = arith.constant 16 : index
        %parallel_loop3A_173 = tpu.vector_load %arg9[%parallel_loop3A_171, %parallel_loop3A_172] {strides = array<i32>} : memref<80x128xf32, #tpu.memory_space<vmem>>, vector<1x16xf32>,
        %parallel_loop3A_174 = vector.shape_cast %parallel_loop3A_173 : vector<1x16xf32> to vector<16xf32>
        %parallel_loop3A_175 = arith.index_cast %parallel_loop3A_157 : i32 to index
        %parallel_loop3A_176 = arith.constant 16 : index
        %parallel_loop3A_177 = tpu.vector_load %arg9[%parallel_loop3A_175, %parallel_loop3A_176] {strides = array<i32>} : memref<80x128xf32, #tpu.memory_space<vmem>>, vector<1x16xf32>,
        %parallel_loop3A_178 = vector.shape_cast %parallel_loop3A_177 : vector<1x16xf32> to vector<16xf32>
        %parallel_loop3A_179 = vector.shape_cast %parallel_loop3A_174 : vector<16xf32> to vector<1x16xf32>
        tpu.vector_store %arg9[%parallel_loop3A_175, %parallel_loop3A_176], %parallel_loop3A_179 {add = true, strides = array<i32>} : memref<80x128xf32, #tpu.memory_space<vmem>>, vector<1x16xf32>,
        %parallel_loop3A_180 = arith.constant 40 : i32
        %parallel_loop3A_181 = arith.addi %parallel_loop3A_180, %parallel_loop3A_157 : i32
        %parallel_loop3A_182 = arith.index_cast %parallel_loop3A_181 : i32 to index
        %parallel_loop3A_183 = arith.constant 32 : index
        %parallel_loop3A_184 = tpu.vector_load %arg9[%parallel_loop3A_182, %parallel_loop3A_183] {strides = array<i32>} : memref<80x128xf32, #tpu.memory_space<vmem>>, vector<1x16xf32>,
        %parallel_loop3A_185 = vector.shape_cast %parallel_loop3A_184 : vector<1x16xf32> to vector<16xf32>
        %parallel_loop3A_186 = arith.index_cast %parallel_loop3A_157 : i32 to index
        %parallel_loop3A_187 = arith.constant 32 : index
        %parallel_loop3A_188 = tpu.vector_load %arg9[%parallel_loop3A_186, %parallel_loop3A_187] {strides = array<i32>} : memref<80x128xf32, #tpu.memory_space<vmem>>, vector<1x16xf32>,
        %parallel_loop3A_189 = vector.shape_cast %parallel_loop3A_188 : vector<1x16xf32> to vector<16xf32>
        %parallel_loop3A_190 = vector.shape_cast %parallel_loop3A_185 : vector<16xf32> to vector<1x16xf32>
        tpu.vector_store %arg9[%parallel_loop3A_186, %parallel_loop3A_187], %parallel_loop3A_190 {add = true, strides = array<i32>} : memref<80x128xf32, #tpu.memory_space<vmem>>, vector<1x16xf32>,
        %parallel_loop3A_191 = arith.constant 40 : i32
        %parallel_loop3A_192 = arith.addi %parallel_loop3A_191, %parallel_loop3A_157 : i32
        %parallel_loop3A_193 = arith.index_cast %parallel_loop3A_192 : i32 to index
        %parallel_loop3A_194 = arith.constant 48 : index
        %parallel_loop3A_195 = tpu.vector_load %arg9[%parallel_loop3A_193, %parallel_loop3A_194] {strides = array<i32>} : memref<80x128xf32, #tpu.memory_space<vmem>>, vector<1x16xf32>,
        %parallel_loop3A_196 = vector.shape_cast %parallel_loop3A_195 : vector<1x16xf32> to vector<16xf32>
        %parallel_loop3A_197 = arith.index_cast %parallel_loop3A_157 : i32 to index
        %parallel_loop3A_198 = arith.constant 48 : index
        %parallel_loop3A_199 = tpu.vector_load %arg9[%parallel_loop3A_197, %parallel_loop3A_198] {strides = array<i32>} : memref<80x128xf32, #tpu.memory_space<vmem>>, vector<1x16xf32>,
        %parallel_loop3A_200 = vector.shape_cast %parallel_loop3A_199 : vector<1x16xf32> to vector<16xf32>
        %parallel_loop3A_201 = vector.shape_cast %parallel_loop3A_196 : vector<16xf32> to vector<1x16xf32>
        tpu.vector_store %arg9[%parallel_loop3A_197, %parallel_loop3A_198], %parallel_loop3A_201 {add = true, strides = array<i32>} : memref<80x128xf32, #tpu.memory_space<vmem>>, vector<1x16xf32>,
        %parallel_loop3A_202 = arith.constant 40 : i32
        %parallel_loop3A_203 = arith.addi %parallel_loop3A_202, %parallel_loop3A_157 : i32
        %parallel_loop3A_204 = arith.index_cast %parallel_loop3A_203 : i32 to index
        %parallel_loop3A_205 = arith.constant 64 : index
        %parallel_loop3A_206 = tpu.vector_load %arg9[%parallel_loop3A_204, %parallel_loop3A_205] {strides = array<i32>} : memref<80x128xf32, #tpu.memory_space<vmem>>, vector<1x16xf32>,
        %parallel_loop3A_207 = vector.shape_cast %parallel_loop3A_206 : vector<1x16xf32> to vector<16xf32>
        %parallel_loop3A_208 = arith.index_cast %parallel_loop3A_157 : i32 to index
        %parallel_loop3A_209 = arith.constant 64 : index
        %parallel_loop3A_210 = tpu.vector_load %arg9[%parallel_loop3A_208, %parallel_loop3A_209] {strides = array<i32>} : memref<80x128xf32, #tpu.memory_space<vmem>>, vector<1x16xf32>,
        %parallel_loop3A_211 = vector.shape_cast %parallel_loop3A_210 : vector<1x16xf32> to vector<16xf32>
        %parallel_loop3A_212 = vector.shape_cast %parallel_loop3A_207 : vector<16xf32> to vector<1x16xf32>
        tpu.vector_store %arg9[%parallel_loop3A_208, %parallel_loop3A_209], %parallel_loop3A_212 {add = true, strides = array<i32>} : memref<80x128xf32, #tpu.memory_space<vmem>>, vector<1x16xf32>,
        %parallel_loop3A_213 = arith.constant 40 : i32
        %parallel_loop3A_214 = arith.addi %parallel_loop3A_213, %parallel_loop3A_157 : i32
        %parallel_loop3A_215 = arith.index_cast %parallel_loop3A_214 : i32 to index
        %parallel_loop3A_216 = arith.constant 80 : index
        %parallel_loop3A_217 = tpu.vector_load %arg9[%parallel_loop3A_215, %parallel_loop3A_216] {strides = array<i32>} : memref<80x128xf32, #tpu.memory_space<vmem>>, vector<1x16xf32>,
        %parallel_loop3A_218 = vector.shape_cast %parallel_loop3A_217 : vector<1x16xf32> to vector<16xf32>
        %parallel_loop3A_219 = arith.index_cast %parallel_loop3A_157 : i32 to index
        %parallel_loop3A_220 = arith.constant 80 : index
        %parallel_loop3A_221 = tpu.vector_load %arg9[%parallel_loop3A_219, %parallel_loop3A_220] {strides = array<i32>} : memref<80x128xf32, #tpu.memory_space<vmem>>, vector<1x16xf32>,
        %parallel_loop3A_222 = vector.shape_cast %parallel_loop3A_221 : vector<1x16xf32> to vector<16xf32>
        %parallel_loop3A_223 = vector.shape_cast %parallel_loop3A_218 : vector<16xf32> to vector<1x16xf32>
        tpu.vector_store %arg9[%parallel_loop3A_219, %parallel_loop3A_220], %parallel_loop3A_223 {add = true, strides = array<i32>} : memref<80x128xf32, #tpu.memory_space<vmem>>, vector<1x16xf32>,
        %parallel_loop3A_224 = arith.constant 40 : i32
        %parallel_loop3A_225 = arith.addi %parallel_loop3A_224, %parallel_loop3A_157 : i32
        %parallel_loop3A_226 = arith.index_cast %parallel_loop3A_225 : i32 to index
        %parallel_loop3A_227 = arith.constant 96 : index
        %parallel_loop3A_228 = tpu.vector_load %arg9[%parallel_loop3A_226, %parallel_loop3A_227] {strides = array<i32>} : memref<80x128xf32, #tpu.memory_space<vmem>>, vector<1x16xf32>,
        %parallel_loop3A_229 = vector.shape_cast %parallel_loop3A_228 : vector<1x16xf32> to vector<16xf32>
        %parallel_loop3A_230 = arith.index_cast %parallel_loop3A_157 : i32 to index
        %parallel_loop3A_231 = arith.constant 96 : index
        %parallel_loop3A_232 = tpu.vector_load %arg9[%parallel_loop3A_230, %parallel_loop3A_231] {strides = array<i32>} : memref<80x128xf32, #tpu.memory_space<vmem>>, vector<1x16xf32>,
        %parallel_loop3A_233 = vector.shape_cast %parallel_loop3A_232 : vector<1x16xf32> to vector<16xf32>
        %parallel_loop3A_234 = vector.shape_cast %parallel_loop3A_229 : vector<16xf32> to vector<1x16xf32>
        tpu.vector_store %arg9[%parallel_loop3A_230, %parallel_loop3A_231], %parallel_loop3A_234 {add = true, strides = array<i32>} : memref<80x128xf32, #tpu.memory_space<vmem>>, vector<1x16xf32>,
        %parallel_loop3A_235 = arith.constant 40 : i32
        %parallel_loop3A_236 = arith.addi %parallel_loop3A_235, %parallel_loop3A_157 : i32
        %parallel_loop3A_237 = arith.index_cast %parallel_loop3A_236 : i32 to index
        %parallel_loop3A_238 = arith.constant 112 : index
        %parallel_loop3A_239 = tpu.vector_load %arg9[%parallel_loop3A_237, %parallel_loop3A_238] {strides = array<i32>} : memref<80x128xf32, #tpu.memory_space<vmem>>, vector<1x16xf32>,
        %parallel_loop3A_240 = vector.shape_cast %parallel_loop3A_239 : vector<1x16xf32> to vector<16xf32>
        %parallel_loop3A_241 = arith.index_cast %parallel_loop3A_157 : i32 to index
        %parallel_loop3A_242 = arith.constant 112 : index
        %parallel_loop3A_243 = tpu.vector_load %arg9[%parallel_loop3A_241, %parallel_loop3A_242] {strides = array<i32>} : memref<80x128xf32, #tpu.memory_space<vmem>>, vector<1x16xf32>,
        %parallel_loop3A_244 = vector.shape_cast %parallel_loop3A_243 : vector<1x16xf32> to vector<16xf32>
        %parallel_loop3A_245 = vector.shape_cast %parallel_loop3A_240 : vector<16xf32> to vector<1x16xf32>
        tpu.vector_store %arg9[%parallel_loop3A_241, %parallel_loop3A_242], %parallel_loop3A_245 {add = true, strides = array<i32>} : memref<80x128xf32, #tpu.memory_space<vmem>>, vector<1x16xf32>,
      } {sc.loop_unroll_factor = 4 : i64, sc.parallel_access}
      %mul3A_144 = arith.constant 40 : i32
      %mul3A_145 = arith.muli %add3A_127, %mul3A_144 : i32
      %add3A_146 = arith.addi %mul3A_2, %mul3A_145 : i32
      %dma_start3A_147 = arith.constant 0 : i32
      %dma_start3A_148 = arith.constant 0 : i32
      %dma_start3A_149 = tpu.memref_slice %arg9[%dma_start3A_147, %dma_start3A_148] : memref<80x128xf32, #tpu.memory_space<vmem>> -> memref<40x128xf32, #tpu.memory_space<vmem>>
      %dma_start3A_150 = arith.constant 0 : i32
      %dma_start3A_151 = tpu.memref_slice %arg4[%add3A_146, %dma_start3A_150] : memref<96000x128xf32, #tpu.memory_space<hbm>> -> memref<40x128xf32, #tpu.memory_space<hbm>>
      %dma_start3A_152 = arith.constant 0 : i32
      %dma_start3A_153 = tpu.memref_slice %arg4[%add3A_146, %dma_start3A_152] : memref<96000x128xf32, #tpu.memory_space<hbm>> -> memref<40x128xf32, #tpu.memory_space<hbm>>
      %dma_start3A_154 = arith.constant 0 : i32
      %dma_start3A_155 = arith.constant 0 : i32
      %dma_start3A_156 = tpu.memref_slice %arg9[%dma_start3A_154, %dma_start3A_155] : memref<80x128xf32, #tpu.memory_space<vmem>> -> memref<40x128xf32, #tpu.memory_space<vmem>>
      tpu.enqueue_dma source(%dma_start3A_156 : memref<40x128xf32, #tpu.memory_space<vmem>>) target(%dma_start3A_153 : memref<40x128xf32, #tpu.memory_space<hbm>>) target_semaphore(%arg15 : memref<!tpu.dma_semaphore, #tpu.memory_space<semaphore_mem>>)
    }
    %scan3A_27 = arith.constant 25 : i32
    %dma_wait3A = arith.constant 0 : i32
    %dma_wait3A_28 = arith.constant 0 : i32
    %dma_wait3A_29 = tpu.memref_slice %arg7[%dma_wait3A, %dma_wait3A_28] : memref<80x128xf32, #tpu.memory_space<vmem>> -> memref<40x128xf32, #tpu.memory_space<vmem>>
    %dma_wait3A_30 = arith.constant 0 : i32
    %dma_wait3A_31 = arith.constant 0 : i32
    %dma_wait3A_32 = tpu.memref_slice %arg4[%dma_wait3A_30, %dma_wait3A_31] : memref<96000x128xf32, #tpu.memory_space<hbm>> -> memref<40x128xf32, #tpu.memory_space<hbm>>
    %dma_wait3A_33 = arith.constant 0 : i32
    %dma_wait3A_34 = arith.constant 0 : i32
    %dma_wait3A_35 = tpu.memref_slice %arg4[%dma_wait3A_33, %dma_wait3A_34] : memref<96000x128xf32, #tpu.memory_space<hbm>> -> memref<40x128xf32, #tpu.memory_space<hbm>>
    %dma_wait3A_36 = arith.constant 0 : i32
    %dma_wait3A_37 = arith.constant 0 : i32
    %dma_wait3A_38 = tpu.memref_slice %arg7[%dma_wait3A_36, %dma_wait3A_37] : memref<80x128xf32, #tpu.memory_space<vmem>> -> memref<40x128xf32, #tpu.memory_space<vmem>>
    tpu.wait_dma2 semaphore(%arg13 : memref<!tpu.dma_semaphore, #tpu.memory_space<semaphore_mem>>) src(%dma_wait3A_38 : memref<40x128xf32, #tpu.memory_space<vmem>>) dst(%dma_wait3A_35 : memref<40x128xf32, #tpu.memory_space<hbm>>)
    %dma_wait3A_39 = arith.constant 0 : i32
    %dma_wait3A_40 = arith.constant 0 : i32
    %dma_wait3A_41 = tpu.memref_slice %arg8[%dma_wait3A_39, %dma_wait3A_40] : memref<80x128xf32, #tpu.memory_space<vmem>> -> memref<40x128xf32, #tpu.memory_space<vmem>>
    %dma_wait3A_42 = arith.constant 0 : i32
    %dma_wait3A_43 = arith.constant 0 : i32
    %dma_wait3A_44 = tpu.memref_slice %arg4[%dma_wait3A_42, %dma_wait3A_43] : memref<96000x128xf32, #tpu.memory_space<hbm>> -> memref<40x128xf32, #tpu.memory_space<hbm>>
    %dma_wait3A_45 = arith.constant 0 : i32
    %dma_wait3A_46 = arith.constant 0 : i32
    %dma_wait3A_47 = tpu.memref_slice %arg4[%dma_wait3A_45, %dma_wait3A_46] : memref<96000x128xf32, #tpu.memory_space<hbm>> -> memref<40x128xf32, #tpu.memory_space<hbm>>
    %dma_wait3A_48 = arith.constant 0 : i32
    %dma_wait3A_49 = arith.constant 0 : i32
    %dma_wait3A_50 = tpu.memref_slice %arg8[%dma_wait3A_48, %dma_wait3A_49] : memref<80x128xf32, #tpu.memory_space<vmem>> -> memref<40x128xf32, #tpu.memory_space<vmem>>
    tpu.wait_dma2 semaphore(%arg14 : memref<!tpu.dma_semaphore, #tpu.memory_space<semaphore_mem>>) src(%dma_wait3A_50 : memref<40x128xf32, #tpu.memory_space<vmem>>) dst(%dma_wait3A_47 : memref<40x128xf32, #tpu.memory_space<hbm>>)
    %dma_wait3A_51 = arith.constant 0 : i32
    %dma_wait3A_52 = arith.constant 0 : i32
    %dma_wait3A_53 = tpu.memref_slice %arg9[%dma_wait3A_51, %dma_wait3A_52] : memref<80x128xf32, #tpu.memory_space<vmem>> -> memref<40x128xf32, #tpu.memory_space<vmem>>
    %dma_wait3A_54 = arith.constant 0 : i32
    %dma_wait3A_55 = arith.constant 0 : i32
    %dma_wait3A_56 = tpu.memref_slice %arg4[%dma_wait3A_54, %dma_wait3A_55] : memref<96000x128xf32, #tpu.memory_space<hbm>> -> memref<40x128xf32, #tpu.memory_space<hbm>>
    %dma_wait3A_57 = arith.constant 0 : i32
    %dma_wait3A_58 = arith.constant 0 : i32
    %dma_wait3A_59 = tpu.memref_slice %arg4[%dma_wait3A_57, %dma_wait3A_58] : memref<96000x128xf32, #tpu.memory_space<hbm>> -> memref<40x128xf32, #tpu.memory_space<hbm>>
    %dma_wait3A_60 = arith.constant 0 : i32
    %dma_wait3A_61 = arith.constant 0 : i32
    %dma_wait3A_62 = tpu.memref_slice %arg9[%dma_wait3A_60, %dma_wait3A_61] : memref<80x128xf32, #tpu.memory_space<vmem>> -> memref<40x128xf32, #tpu.memory_space<vmem>>
    tpu.wait_dma2 semaphore(%arg15 : memref<!tpu.dma_semaphore, #tpu.memory_space<semaphore_mem>>) src(%dma_wait3A_62 : memref<40x128xf32, #tpu.memory_space<vmem>>) dst(%dma_wait3A_59 : memref<40x128xf32, #tpu.memory_space<hbm>>)
    return
  }
}

#map = affine_map<(d0, d1) -> (0, 0)>
#map1 = affine_map<(d0, d1) -> (0, 0, 0)>
module attributes {stable_mosaic.version = 14 : i64} {
  func.func @_gather_sum_body(%arg0: i32, %arg1: i32, %arg2: memref<10000x128xf32, #tpu.memory_space<hbm>>, %arg3: memref<32x100x80xi32, #tpu.memory_space<hbm>>, %arg4: memref<128000x128xf32, #tpu.memory_space<hbm>>, %arg5: memref<100x80xi32, #tpu.memory_space<vmem>>, %arg6: memref<10000x128xf32, #tpu.memory_space<vmem_shared>>, %arg7: memref<80x128xf32, #tpu.memory_space<vmem>>, %arg8: memref<80x128xf32, #tpu.memory_space<vmem>>, %arg9: memref<80x128xf32, #tpu.memory_space<vmem>>, %arg10: memref<!tpu.dma_semaphore, #tpu.memory_space<semaphore_mem>>, %arg11: memref<!tpu.dma_semaphore, #tpu.memory_space<semaphore_mem>>, %arg12: memref<!tpu.dma_semaphore, #tpu.memory_space<semaphore_mem>>, %arg13: memref<!tpu.dma_semaphore, #tpu.memory_space<semaphore_mem>>, %arg14: memref<!tpu.dma_semaphore, #tpu.memory_space<semaphore_mem>>, %arg15: memref<!tpu.dma_semaphore, #tpu.memory_space<semaphore_mem>>) attributes {dimension_semantics = [#tpu.dimension_semantics<core_parallel>, #tpu.dimension_semantics<subcore_parallel>], iteration_bounds = array<i64: 2, 16>, scalar_prefetch = 0 : i64, scratch_operands = 11 : i64, tpu.core_type = #tpu.core_type<sc_vector_subcore>, window_params = [{transform_indices = #map}, {transform_indices = #map1}, {transform_indices = #map}]} {
    %mul3A = arith.constant 2 : i32
    %mul3A_0 = arith.muli %arg1, %mul3A : i32
    %add3A = arith.addi %mul3A_0, %arg0 : i32
    %mul3A_1 = arith.constant 4000 : i32
    %mul3A_2 = arith.muli %add3A, %mul3A_1 : i32
    %mul3A_3 = arith.constant 624 : i32
    %mul3A_4 = arith.muli %arg1, %mul3A_3 : i32
    %multiple_of3A = tpu.assume_multiple %mul3A_4, 8 : i32
    %mul3A_5 = arith.constant 624 : i32
    %mul3A_6 = arith.muli %arg1, %mul3A_5 : i32
    %multiple_of3A_7 = tpu.assume_multiple %mul3A_6, 8 : i32
    "tpu.region"() ({
      %run_scoped3A = tpu.sem_alloc : memref<!tpu.dma_semaphore, #tpu.memory_space<semaphore_mem>>
      %dma_start3A_84 = arith.constant 0 : i32
      %dma_start3A_85 = tpu.memref_slice %arg6[%multiple_of3A_7, %dma_start3A_84] : memref<10000x128xf32, #tpu.memory_space<vmem_shared>> -> memref<624x128xf32, #tpu.memory_space<vmem_shared>>
      %dma_start3A_86 = arith.constant 0 : i32
      %dma_start3A_87 = tpu.memref_slice %arg2[%multiple_of3A, %dma_start3A_86] : memref<10000x128xf32, #tpu.memory_space<hbm>> -> memref<624x128xf32, #tpu.memory_space<hbm>>
      tpu.enqueue_dma source(%dma_start3A_87 : memref<624x128xf32, #tpu.memory_space<hbm>>) target(%dma_start3A_85 : memref<624x128xf32, #tpu.memory_space<vmem_shared>>) target_semaphore(%run_scoped3A : memref<!tpu.dma_semaphore, #tpu.memory_space<semaphore_mem>>)
      %dma_wait3A_88 = arith.constant 0 : i32
      %dma_wait3A_89 = tpu.memref_slice %arg6[%multiple_of3A_7, %dma_wait3A_88] : memref<10000x128xf32, #tpu.memory_space<vmem_shared>> -> memref<624x128xf32, #tpu.memory_space<vmem_shared>>
      %dma_wait3A_90 = arith.constant 0 : i32
      %dma_wait3A_91 = tpu.memref_slice %arg2[%multiple_of3A, %dma_wait3A_90] : memref<10000x128xf32, #tpu.memory_space<hbm>> -> memref<624x128xf32, #tpu.memory_space<hbm>>
      tpu.wait_dma2 semaphore(%run_scoped3A : memref<!tpu.dma_semaphore, #tpu.memory_space<semaphore_mem>>) src(%dma_wait3A_91 : memref<624x128xf32, #tpu.memory_space<hbm>>) dst(%dma_wait3A_89 : memref<624x128xf32, #tpu.memory_space<vmem_shared>>)
      tpu.yield
    }) : () -> ()
    %eq3A = arith.constant 0 : i32
    %eq3A_8 = arith.cmpi eq, %arg1, %eq3A : i32
    %convert_element_type3A = arith.extui %eq3A_8 : i1 to i32
    %cond3A = arith.constant 0 : i32
    %cond3A_9 = arith.cmpi ne, %convert_element_type3A, %cond3A : i32
    scf.if %cond3A_9 {
      "tpu.region"() ({
        %run_scoped3A = tpu.sem_alloc : memref<!tpu.dma_semaphore, #tpu.memory_space<semaphore_mem>>
        %dma_start3A_84 = arith.constant 9984 : i32
        %dma_start3A_85 = arith.constant 0 : i32
        %dma_start3A_86 = tpu.memref_slice %arg6[%dma_start3A_84, %dma_start3A_85] : memref<10000x128xf32, #tpu.memory_space<vmem_shared>> -> memref<16x128xf32, #tpu.memory_space<vmem_shared>>
        %dma_start3A_87 = arith.constant 9984 : i32
        %dma_start3A_88 = arith.constant 0 : i32
        %dma_start3A_89 = tpu.memref_slice %arg2[%dma_start3A_87, %dma_start3A_88] : memref<10000x128xf32, #tpu.memory_space<hbm>> -> memref<16x128xf32, #tpu.memory_space<hbm>>
        tpu.enqueue_dma source(%dma_start3A_89 : memref<16x128xf32, #tpu.memory_space<hbm>>) target(%dma_start3A_86 : memref<16x128xf32, #tpu.memory_space<vmem_shared>>) target_semaphore(%run_scoped3A : memref<!tpu.dma_semaphore, #tpu.memory_space<semaphore_mem>>)
        %dma_wait3A_90 = arith.constant 9984 : i32
        %dma_wait3A_91 = arith.constant 0 : i32
        %dma_wait3A_92 = tpu.memref_slice %arg6[%dma_wait3A_90, %dma_wait3A_91] : memref<10000x128xf32, #tpu.memory_space<vmem_shared>> -> memref<16x128xf32, #tpu.memory_space<vmem_shared>>
        %dma_wait3A_93 = arith.constant 9984 : i32
        %dma_wait3A_94 = arith.constant 0 : i32
        %dma_wait3A_95 = tpu.memref_slice %arg2[%dma_wait3A_93, %dma_wait3A_94] : memref<10000x128xf32, #tpu.memory_space<hbm>> -> memref<16x128xf32, #tpu.memory_space<hbm>>
        tpu.wait_dma2 semaphore(%run_scoped3A : memref<!tpu.dma_semaphore, #tpu.memory_space<semaphore_mem>>) src(%dma_wait3A_95 : memref<16x128xf32, #tpu.memory_space<hbm>>) dst(%dma_wait3A_92 : memref<16x128xf32, #tpu.memory_space<vmem_shared>>)
        tpu.yield
      }) : () -> ()
    } else {
    }
    "tpu.region"() ({
      %run_scoped3A = tpu.sem_alloc : memref<!tpu.dma_semaphore, #tpu.memory_space<semaphore_mem>>
      %dma_start3A_84 = arith.constant 0 : i32
      %dma_start3A_85 = arith.constant 0 : i32
      %dma_start3A_86 = tpu.memref_slice %arg3[%add3A, %dma_start3A_84, %dma_start3A_85] : memref<32x100x80xi32, #tpu.memory_space<hbm>> -> memref<1x100x80xi32, #tpu.memory_space<hbm>>
      %dma_start3A_87 = tpu.memref_squeeze %dma_start3A_86 : memref<1x100x80xi32, #tpu.memory_space<hbm>> -> memref<100x80xi32, #tpu.memory_space<hbm>>
      %dma_start3A_88 = arith.constant 0 : i32
      %dma_start3A_89 = arith.constant 0 : i32
      %dma_start3A_90 = tpu.memref_slice %arg3[%add3A, %dma_start3A_88, %dma_start3A_89] : memref<32x100x80xi32, #tpu.memory_space<hbm>> -> memref<1x100x80xi32, #tpu.memory_space<hbm>>
      %dma_start3A_91 = tpu.memref_squeeze %dma_start3A_90 : memref<1x100x80xi32, #tpu.memory_space<hbm>> -> memref<100x80xi32, #tpu.memory_space<hbm>>
      tpu.enqueue_dma source(%dma_start3A_91 : memref<100x80xi32, #tpu.memory_space<hbm>>) target(%arg5 : memref<100x80xi32, #tpu.memory_space<vmem>>) target_semaphore(%run_scoped3A : memref<!tpu.dma_semaphore, #tpu.memory_space<semaphore_mem>>)
      %dma_wait3A_92 = arith.constant 0 : i32
      %dma_wait3A_93 = arith.constant 0 : i32
      %dma_wait3A_94 = tpu.memref_slice %arg3[%add3A, %dma_wait3A_92, %dma_wait3A_93] : memref<32x100x80xi32, #tpu.memory_space<hbm>> -> memref<1x100x80xi32, #tpu.memory_space<hbm>>
      %dma_wait3A_95 = tpu.memref_squeeze %dma_wait3A_94 : memref<1x100x80xi32, #tpu.memory_space<hbm>> -> memref<100x80xi32, #tpu.memory_space<hbm>>
      %dma_wait3A_96 = arith.constant 0 : i32
      %dma_wait3A_97 = arith.constant 0 : i32
      %dma_wait3A_98 = tpu.memref_slice %arg3[%add3A, %dma_wait3A_96, %dma_wait3A_97] : memref<32x100x80xi32, #tpu.memory_space<hbm>> -> memref<1x100x80xi32, #tpu.memory_space<hbm>>
      %dma_wait3A_99 = tpu.memref_squeeze %dma_wait3A_98 : memref<1x100x80xi32, #tpu.memory_space<hbm>> -> memref<100x80xi32, #tpu.memory_space<hbm>>
      tpu.wait_dma2 semaphore(%run_scoped3A : memref<!tpu.dma_semaphore, #tpu.memory_space<semaphore_mem>>) src(%dma_wait3A_99 : memref<100x80xi32, #tpu.memory_space<hbm>>) dst(%arg5 : memref<100x80xi32, #tpu.memory_space<vmem>>)
      tpu.yield
    }) : () -> ()
    %barrier3A = arith.constant 0 : index
    tpu.barrier barrier_id(%barrier3A)
    %dma_start3A = arith.constant 0 : i32
    %dma_start3A_10 = arith.constant 0 : i32
    %dma_start3A_11 = tpu.memref_slice %arg5[%dma_start3A, %dma_start3A_10] : memref<100x80xi32, #tpu.memory_space<vmem>> -> memref<1x80xi32, #tpu.memory_space<vmem>>
    %dma_start3A_12 = tpu.memref_squeeze %dma_start3A_11 : memref<1x80xi32, #tpu.memory_space<vmem>> -> memref<80xi32, #tpu.memory_space<vmem>>
    %dma_start3A_13 = arith.constant 0 : i32
    %dma_start3A_14 = arith.constant 0 : i32
    %dma_start3A_15 = tpu.memref_slice %arg6[%dma_start3A_13, %dma_start3A_14] : memref<10000x128xf32, #tpu.memory_space<vmem_shared>> -> memref<10000x128xf32, #tpu.memory_space<vmem_shared>>
    tpu.enqueue_indirect_dma source(%dma_start3A_15 : memref<10000x128xf32, #tpu.memory_space<vmem_shared>>) target(%arg7 : memref<80x128xf32, #tpu.memory_space<vmem>>) offsets(%dma_start3A_12 : memref<80xi32, #tpu.memory_space<vmem>>) semaphore(%arg10 : memref<!tpu.dma_semaphore, #tpu.memory_space<semaphore_mem>>)
    %dma_start3A_16 = arith.constant 1 : i32
    %dma_start3A_17 = arith.constant 0 : i32
    %dma_start3A_18 = tpu.memref_slice %arg5[%dma_start3A_16, %dma_start3A_17] : memref<100x80xi32, #tpu.memory_space<vmem>> -> memref<1x80xi32, #tpu.memory_space<vmem>>
    %dma_start3A_19 = tpu.memref_squeeze %dma_start3A_18 : memref<1x80xi32, #tpu.memory_space<vmem>> -> memref<80xi32, #tpu.memory_space<vmem>>
    %dma_start3A_20 = arith.constant 0 : i32
    %dma_start3A_21 = arith.constant 0 : i32
    %dma_start3A_22 = tpu.memref_slice %arg6[%dma_start3A_20, %dma_start3A_21] : memref<10000x128xf32, #tpu.memory_space<vmem_shared>> -> memref<10000x128xf32, #tpu.memory_space<vmem_shared>>
    tpu.enqueue_indirect_dma source(%dma_start3A_22 : memref<10000x128xf32, #tpu.memory_space<vmem_shared>>) target(%arg8 : memref<80x128xf32, #tpu.memory_space<vmem>>) offsets(%dma_start3A_19 : memref<80xi32, #tpu.memory_space<vmem>>) semaphore(%arg11 : memref<!tpu.dma_semaphore, #tpu.memory_space<semaphore_mem>>)
    %scan3A = arith.constant 0 : i32
    %scan3A_23 = arith.constant 0 : i32
    %scan3A_24 = arith.constant 33 : i32
    %scan3A_25 = arith.addi %scan3A_23, %scan3A_24 : i32
    %scan3A_26 = arith.constant 1 : i32
    scf.for %scan3A_84 = %scan3A_23 to %scan3A_25 step %scan3A_26  : i32 {
      %mul3A_85 = arith.constant 3 : i32
      %mul3A_86 = arith.muli %mul3A_85, %scan3A_84 : i32
      %add3A_87 = arith.constant 0 : i32
      %add3A_88 = arith.addi %mul3A_86, %add3A_87 : i32
      %add3A_89 = arith.constant 2 : i32
      %add3A_90 = arith.addi %add3A_88, %add3A_89 : i32
      %lt3A = arith.constant 100 : i32
      %lt3A_91 = arith.cmpi slt, %add3A_90, %lt3A : i32
      %convert_element_type3A_92 = arith.extui %lt3A_91 : i1 to i32
      %cond3A_93 = arith.constant 0 : i32
      %cond3A_94 = arith.cmpi ne, %convert_element_type3A_92, %cond3A_93 : i32
      scf.if %cond3A_94 {
        %gt3A = arith.constant 0 : i32
        %gt3A_179 = arith.cmpi sgt, %scan3A_84, %gt3A : i32
        %convert_element_type3A_180 = arith.extui %gt3A_179 : i1 to i32
        %cond3A_181 = arith.constant 0 : i32
        %cond3A_182 = arith.cmpi ne, %convert_element_type3A_180, %cond3A_181 : i32
        scf.if %cond3A_182 {
          %dma_wait3A_189 = arith.constant 0 : i32
          %dma_wait3A_190 = arith.constant 0 : i32
          %dma_wait3A_191 = tpu.memref_slice %arg9[%dma_wait3A_189, %dma_wait3A_190] : memref<80x128xf32, #tpu.memory_space<vmem>> -> memref<40x128xf32, #tpu.memory_space<vmem>>
          %dma_wait3A_192 = arith.constant 0 : i32
          %dma_wait3A_193 = arith.constant 0 : i32
          %dma_wait3A_194 = tpu.memref_slice %arg4[%dma_wait3A_192, %dma_wait3A_193] : memref<128000x128xf32, #tpu.memory_space<hbm>> -> memref<40x128xf32, #tpu.memory_space<hbm>>
          %dma_wait3A_195 = arith.constant 0 : i32
          %dma_wait3A_196 = arith.constant 0 : i32
          %dma_wait3A_197 = tpu.memref_slice %arg4[%dma_wait3A_195, %dma_wait3A_196] : memref<128000x128xf32, #tpu.memory_space<hbm>> -> memref<40x128xf32, #tpu.memory_space<hbm>>
          %dma_wait3A_198 = arith.constant 0 : i32
          %dma_wait3A_199 = arith.constant 0 : i32
          %dma_wait3A_200 = tpu.memref_slice %arg9[%dma_wait3A_198, %dma_wait3A_199] : memref<80x128xf32, #tpu.memory_space<vmem>> -> memref<40x128xf32, #tpu.memory_space<vmem>>
          tpu.wait_dma2 semaphore(%arg15 : memref<!tpu.dma_semaphore, #tpu.memory_space<semaphore_mem>>) src(%dma_wait3A_200 : memref<40x128xf32, #tpu.memory_space<vmem>>) dst(%dma_wait3A_197 : memref<40x128xf32, #tpu.memory_space<hbm>>)
        } else {
        }
        %dma_start3A_183 = arith.constant 0 : i32
        %dma_start3A_184 = tpu.memref_slice %arg5[%add3A_90, %dma_start3A_183] : memref<100x80xi32, #tpu.memory_space<vmem>> -> memref<1x80xi32, #tpu.memory_space<vmem>>
        %dma_start3A_185 = tpu.memref_squeeze %dma_start3A_184 : memref<1x80xi32, #tpu.memory_space<vmem>> -> memref<80xi32, #tpu.memory_space<vmem>>
        %dma_start3A_186 = arith.constant 0 : i32
        %dma_start3A_187 = arith.constant 0 : i32
        %dma_start3A_188 = tpu.memref_slice %arg6[%dma_start3A_186, %dma_start3A_187] : memref<10000x128xf32, #tpu.memory_space<vmem_shared>> -> memref<10000x128xf32, #tpu.memory_space<vmem_shared>>
        tpu.enqueue_indirect_dma source(%dma_start3A_188 : memref<10000x128xf32, #tpu.memory_space<vmem_shared>>) target(%arg9 : memref<80x128xf32, #tpu.memory_space<vmem>>) offsets(%dma_start3A_185 : memref<80xi32, #tpu.memory_space<vmem>>) semaphore(%arg12 : memref<!tpu.dma_semaphore, #tpu.memory_space<semaphore_mem>>)
      } else {
      }
      %dma_wait3A_95 = arith.constant 0 : i32
      %dma_wait3A_96 = tpu.memref_slice %arg5[%add3A_88, %dma_wait3A_95] : memref<100x80xi32, #tpu.memory_space<vmem>> -> memref<1x80xi32, #tpu.memory_space<vmem>>
      %dma_wait3A_97 = tpu.memref_squeeze %dma_wait3A_96 : memref<1x80xi32, #tpu.memory_space<vmem>> -> memref<80xi32, #tpu.memory_space<vmem>>
      %dma_wait3A_98 = arith.constant 0 : i32
      %dma_wait3A_99 = arith.constant 0 : i32
      %dma_wait3A_100 = tpu.memref_slice %arg6[%dma_wait3A_98, %dma_wait3A_99] : memref<10000x128xf32, #tpu.memory_space<vmem_shared>> -> memref<10000x128xf32, #tpu.memory_space<vmem_shared>>
      tpu.wait_indirect_dma semaphore(%arg10 : memref<!tpu.dma_semaphore, #tpu.memory_space<semaphore_mem>>) src(%dma_wait3A_100 : memref<10000x128xf32, #tpu.memory_space<vmem_shared>>) dst(%arg7 : memref<80x128xf32, #tpu.memory_space<vmem>>)
      %parallel_loop3A_101 = arith.constant 0 : i32
      %parallel_loop3A_102 = arith.constant 40 : i32
      %parallel_loop3A_103 = arith.constant 1 : i32
      scf.for %parallel_loop3A_179 = %parallel_loop3A_101 to %parallel_loop3A_102 step %parallel_loop3A_103  : i32 {
        %parallel_loop3A_180 = arith.constant 40 : i32
        %parallel_loop3A_181 = arith.addi %parallel_loop3A_180, %parallel_loop3A_179 : i32
        %parallel_loop3A_182 = arith.index_cast %parallel_loop3A_181 : i32 to index
        %parallel_loop3A_183 = arith.constant 0 : index
        %parallel_loop3A_184 = tpu.vector_load %arg7[%parallel_loop3A_182, %parallel_loop3A_183] {strides = array<i32>} : memref<80x128xf32, #tpu.memory_space<vmem>>, vector<1x16xf32>,
        %parallel_loop3A_185 = vector.shape_cast %parallel_loop3A_184 : vector<1x16xf32> to vector<16xf32>
        %parallel_loop3A_186 = arith.index_cast %parallel_loop3A_179 : i32 to index
        %parallel_loop3A_187 = arith.constant 0 : index
        %parallel_loop3A_188 = tpu.vector_load %arg7[%parallel_loop3A_186, %parallel_loop3A_187] {strides = array<i32>} : memref<80x128xf32, #tpu.memory_space<vmem>>, vector<1x16xf32>,
        %parallel_loop3A_189 = vector.shape_cast %parallel_loop3A_188 : vector<1x16xf32> to vector<16xf32>
        %parallel_loop3A_190 = vector.shape_cast %parallel_loop3A_185 : vector<16xf32> to vector<1x16xf32>
        tpu.vector_store %arg7[%parallel_loop3A_186, %parallel_loop3A_187], %parallel_loop3A_190 {add = true, strides = array<i32>} : memref<80x128xf32, #tpu.memory_space<vmem>>, vector<1x16xf32>,
        %parallel_loop3A_191 = arith.constant 40 : i32
        %parallel_loop3A_192 = arith.addi %parallel_loop3A_191, %parallel_loop3A_179 : i32
        %parallel_loop3A_193 = arith.index_cast %parallel_loop3A_192 : i32 to index
        %parallel_loop3A_194 = arith.constant 16 : index
        %parallel_loop3A_195 = tpu.vector_load %arg7[%parallel_loop3A_193, %parallel_loop3A_194] {strides = array<i32>} : memref<80x128xf32, #tpu.memory_space<vmem>>, vector<1x16xf32>,
        %parallel_loop3A_196 = vector.shape_cast %parallel_loop3A_195 : vector<1x16xf32> to vector<16xf32>
        %parallel_loop3A_197 = arith.index_cast %parallel_loop3A_179 : i32 to index
        %parallel_loop3A_198 = arith.constant 16 : index
        %parallel_loop3A_199 = tpu.vector_load %arg7[%parallel_loop3A_197, %parallel_loop3A_198] {strides = array<i32>} : memref<80x128xf32, #tpu.memory_space<vmem>>, vector<1x16xf32>,
        %parallel_loop3A_200 = vector.shape_cast %parallel_loop3A_199 : vector<1x16xf32> to vector<16xf32>
        %parallel_loop3A_201 = vector.shape_cast %parallel_loop3A_196 : vector<16xf32> to vector<1x16xf32>
        tpu.vector_store %arg7[%parallel_loop3A_197, %parallel_loop3A_198], %parallel_loop3A_201 {add = true, strides = array<i32>} : memref<80x128xf32, #tpu.memory_space<vmem>>, vector<1x16xf32>,
        %parallel_loop3A_202 = arith.constant 40 : i32
        %parallel_loop3A_203 = arith.addi %parallel_loop3A_202, %parallel_loop3A_179 : i32
        %parallel_loop3A_204 = arith.index_cast %parallel_loop3A_203 : i32 to index
        %parallel_loop3A_205 = arith.constant 32 : index
        %parallel_loop3A_206 = tpu.vector_load %arg7[%parallel_loop3A_204, %parallel_loop3A_205] {strides = array<i32>} : memref<80x128xf32, #tpu.memory_space<vmem>>, vector<1x16xf32>,
        %parallel_loop3A_207 = vector.shape_cast %parallel_loop3A_206 : vector<1x16xf32> to vector<16xf32>
        %parallel_loop3A_208 = arith.index_cast %parallel_loop3A_179 : i32 to index
        %parallel_loop3A_209 = arith.constant 32 : index
        %parallel_loop3A_210 = tpu.vector_load %arg7[%parallel_loop3A_208, %parallel_loop3A_209] {strides = array<i32>} : memref<80x128xf32, #tpu.memory_space<vmem>>, vector<1x16xf32>,
        %parallel_loop3A_211 = vector.shape_cast %parallel_loop3A_210 : vector<1x16xf32> to vector<16xf32>
        %parallel_loop3A_212 = vector.shape_cast %parallel_loop3A_207 : vector<16xf32> to vector<1x16xf32>
        tpu.vector_store %arg7[%parallel_loop3A_208, %parallel_loop3A_209], %parallel_loop3A_212 {add = true, strides = array<i32>} : memref<80x128xf32, #tpu.memory_space<vmem>>, vector<1x16xf32>,
        %parallel_loop3A_213 = arith.constant 40 : i32
        %parallel_loop3A_214 = arith.addi %parallel_loop3A_213, %parallel_loop3A_179 : i32
        %parallel_loop3A_215 = arith.index_cast %parallel_loop3A_214 : i32 to index
        %parallel_loop3A_216 = arith.constant 48 : index
        %parallel_loop3A_217 = tpu.vector_load %arg7[%parallel_loop3A_215, %parallel_loop3A_216] {strides = array<i32>} : memref<80x128xf32, #tpu.memory_space<vmem>>, vector<1x16xf32>,
        %parallel_loop3A_218 = vector.shape_cast %parallel_loop3A_217 : vector<1x16xf32> to vector<16xf32>
        %parallel_loop3A_219 = arith.index_cast %parallel_loop3A_179 : i32 to index
        %parallel_loop3A_220 = arith.constant 48 : index
        %parallel_loop3A_221 = tpu.vector_load %arg7[%parallel_loop3A_219, %parallel_loop3A_220] {strides = array<i32>} : memref<80x128xf32, #tpu.memory_space<vmem>>, vector<1x16xf32>,
        %parallel_loop3A_222 = vector.shape_cast %parallel_loop3A_221 : vector<1x16xf32> to vector<16xf32>
        %parallel_loop3A_223 = vector.shape_cast %parallel_loop3A_218 : vector<16xf32> to vector<1x16xf32>
        tpu.vector_store %arg7[%parallel_loop3A_219, %parallel_loop3A_220], %parallel_loop3A_223 {add = true, strides = array<i32>} : memref<80x128xf32, #tpu.memory_space<vmem>>, vector<1x16xf32>,
        %parallel_loop3A_224 = arith.constant 40 : i32
        %parallel_loop3A_225 = arith.addi %parallel_loop3A_224, %parallel_loop3A_179 : i32
        %parallel_loop3A_226 = arith.index_cast %parallel_loop3A_225 : i32 to index
        %parallel_loop3A_227 = arith.constant 64 : index
        %parallel_loop3A_228 = tpu.vector_load %arg7[%parallel_loop3A_226, %parallel_loop3A_227] {strides = array<i32>} : memref<80x128xf32, #tpu.memory_space<vmem>>, vector<1x16xf32>,
        %parallel_loop3A_229 = vector.shape_cast %parallel_loop3A_228 : vector<1x16xf32> to vector<16xf32>
        %parallel_loop3A_230 = arith.index_cast %parallel_loop3A_179 : i32 to index
        %parallel_loop3A_231 = arith.constant 64 : index
        %parallel_loop3A_232 = tpu.vector_load %arg7[%parallel_loop3A_230, %parallel_loop3A_231] {strides = array<i32>} : memref<80x128xf32, #tpu.memory_space<vmem>>, vector<1x16xf32>,
        %parallel_loop3A_233 = vector.shape_cast %parallel_loop3A_232 : vector<1x16xf32> to vector<16xf32>
        %parallel_loop3A_234 = vector.shape_cast %parallel_loop3A_229 : vector<16xf32> to vector<1x16xf32>
        tpu.vector_store %arg7[%parallel_loop3A_230, %parallel_loop3A_231], %parallel_loop3A_234 {add = true, strides = array<i32>} : memref<80x128xf32, #tpu.memory_space<vmem>>, vector<1x16xf32>,
        %parallel_loop3A_235 = arith.constant 40 : i32
        %parallel_loop3A_236 = arith.addi %parallel_loop3A_235, %parallel_loop3A_179 : i32
        %parallel_loop3A_237 = arith.index_cast %parallel_loop3A_236 : i32 to index
        %parallel_loop3A_238 = arith.constant 80 : index
        %parallel_loop3A_239 = tpu.vector_load %arg7[%parallel_loop3A_237, %parallel_loop3A_238] {strides = array<i32>} : memref<80x128xf32, #tpu.memory_space<vmem>>, vector<1x16xf32>,
        %parallel_loop3A_240 = vector.shape_cast %parallel_loop3A_239 : vector<1x16xf32> to vector<16xf32>
        %parallel_loop3A_241 = arith.index_cast %parallel_loop3A_179 : i32 to index
        %parallel_loop3A_242 = arith.constant 80 : index
        %parallel_loop3A_243 = tpu.vector_load %arg7[%parallel_loop3A_241, %parallel_loop3A_242] {strides = array<i32>} : memref<80x128xf32, #tpu.memory_space<vmem>>, vector<1x16xf32>,
        %parallel_loop3A_244 = vector.shape_cast %parallel_loop3A_243 : vector<1x16xf32> to vector<16xf32>
        %parallel_loop3A_245 = vector.shape_cast %parallel_loop3A_240 : vector<16xf32> to vector<1x16xf32>
        tpu.vector_store %arg7[%parallel_loop3A_241, %parallel_loop3A_242], %parallel_loop3A_245 {add = true, strides = array<i32>} : memref<80x128xf32, #tpu.memory_space<vmem>>, vector<1x16xf32>,
        %parallel_loop3A_246 = arith.constant 40 : i32
        %parallel_loop3A_247 = arith.addi %parallel_loop3A_246, %parallel_loop3A_179 : i32
        %parallel_loop3A_248 = arith.index_cast %parallel_loop3A_247 : i32 to index
        %parallel_loop3A_249 = arith.constant 96 : index
        %parallel_loop3A_250 = tpu.vector_load %arg7[%parallel_loop3A_248, %parallel_loop3A_249] {strides = array<i32>} : memref<80x128xf32, #tpu.memory_space<vmem>>, vector<1x16xf32>,
        %parallel_loop3A_251 = vector.shape_cast %parallel_loop3A_250 : vector<1x16xf32> to vector<16xf32>
        %parallel_loop3A_252 = arith.index_cast %parallel_loop3A_179 : i32 to index
        %parallel_loop3A_253 = arith.constant 96 : index
        %parallel_loop3A_254 = tpu.vector_load %arg7[%parallel_loop3A_252, %parallel_loop3A_253] {strides = array<i32>} : memref<80x128xf32, #tpu.memory_space<vmem>>, vector<1x16xf32>,
        %parallel_loop3A_255 = vector.shape_cast %parallel_loop3A_254 : vector<1x16xf32> to vector<16xf32>
        %parallel_loop3A_256 = vector.shape_cast %parallel_loop3A_251 : vector<16xf32> to vector<1x16xf32>
        tpu.vector_store %arg7[%parallel_loop3A_252, %parallel_loop3A_253], %parallel_loop3A_256 {add = true, strides = array<i32>} : memref<80x128xf32, #tpu.memory_space<vmem>>, vector<1x16xf32>,
        %parallel_loop3A_257 = arith.constant 40 : i32
        %parallel_loop3A_258 = arith.addi %parallel_loop3A_257, %parallel_loop3A_179 : i32
        %parallel_loop3A_259 = arith.index_cast %parallel_loop3A_258 : i32 to index
        %parallel_loop3A_260 = arith.constant 112 : index
        %parallel_loop3A_261 = tpu.vector_load %arg7[%parallel_loop3A_259, %parallel_loop3A_260] {strides = array<i32>} : memref<80x128xf32, #tpu.memory_space<vmem>>, vector<1x16xf32>,
        %parallel_loop3A_262 = vector.shape_cast %parallel_loop3A_261 : vector<1x16xf32> to vector<16xf32>
        %parallel_loop3A_263 = arith.index_cast %parallel_loop3A_179 : i32 to index
        %parallel_loop3A_264 = arith.constant 112 : index
        %parallel_loop3A_265 = tpu.vector_load %arg7[%parallel_loop3A_263, %parallel_loop3A_264] {strides = array<i32>} : memref<80x128xf32, #tpu.memory_space<vmem>>, vector<1x16xf32>,
        %parallel_loop3A_266 = vector.shape_cast %parallel_loop3A_265 : vector<1x16xf32> to vector<16xf32>
        %parallel_loop3A_267 = vector.shape_cast %parallel_loop3A_262 : vector<16xf32> to vector<1x16xf32>
        tpu.vector_store %arg7[%parallel_loop3A_263, %parallel_loop3A_264], %parallel_loop3A_267 {add = true, strides = array<i32>} : memref<80x128xf32, #tpu.memory_space<vmem>>, vector<1x16xf32>,
      } {sc.loop_unroll_factor = 4 : i64, sc.parallel_access}
      %mul3A_104 = arith.constant 40 : i32
      %mul3A_105 = arith.muli %add3A_88, %mul3A_104 : i32
      %add3A_106 = arith.addi %mul3A_2, %mul3A_105 : i32
      %dma_start3A_107 = arith.constant 0 : i32
      %dma_start3A_108 = arith.constant 0 : i32
      %dma_start3A_109 = tpu.memref_slice %arg7[%dma_start3A_107, %dma_start3A_108] : memref<80x128xf32, #tpu.memory_space<vmem>> -> memref<40x128xf32, #tpu.memory_space<vmem>>
      %dma_start3A_110 = arith.constant 0 : i32
      %dma_start3A_111 = tpu.memref_slice %arg4[%add3A_106, %dma_start3A_110] : memref<128000x128xf32, #tpu.memory_space<hbm>> -> memref<40x128xf32, #tpu.memory_space<hbm>>
      %dma_start3A_112 = arith.constant 0 : i32
      %dma_start3A_113 = tpu.memref_slice %arg4[%add3A_106, %dma_start3A_112] : memref<128000x128xf32, #tpu.memory_space<hbm>> -> memref<40x128xf32, #tpu.memory_space<hbm>>
      %dma_start3A_114 = arith.constant 0 : i32
      %dma_start3A_115 = arith.constant 0 : i32
      %dma_start3A_116 = tpu.memref_slice %arg7[%dma_start3A_114, %dma_start3A_115] : memref<80x128xf32, #tpu.memory_space<vmem>> -> memref<40x128xf32, #tpu.memory_space<vmem>>
      tpu.enqueue_dma source(%dma_start3A_116 : memref<40x128xf32, #tpu.memory_space<vmem>>) target(%dma_start3A_113 : memref<40x128xf32, #tpu.memory_space<hbm>>) target_semaphore(%arg13 : memref<!tpu.dma_semaphore, #tpu.memory_space<semaphore_mem>>)
      %add3A_117 = arith.constant 1 : i32
      %add3A_118 = arith.addi %mul3A_86, %add3A_117 : i32
      %add3A_119 = arith.constant 2 : i32
      %add3A_120 = arith.addi %add3A_118, %add3A_119 : i32
      %lt3A_121 = arith.constant 100 : i32
      %lt3A_122 = arith.cmpi slt, %add3A_120, %lt3A_121 : i32
      %convert_element_type3A_123 = arith.extui %lt3A_122 : i1 to i32
      %cond3A_124 = arith.constant 0 : i32
      %cond3A_125 = arith.cmpi ne, %convert_element_type3A_123, %cond3A_124 : i32
      scf.if %cond3A_125 {
        %dma_wait3A_179 = arith.constant 0 : i32
        %dma_wait3A_180 = arith.constant 0 : i32
        %dma_wait3A_181 = tpu.memref_slice %arg7[%dma_wait3A_179, %dma_wait3A_180] : memref<80x128xf32, #tpu.memory_space<vmem>> -> memref<40x128xf32, #tpu.memory_space<vmem>>
        %dma_wait3A_182 = arith.constant 0 : i32
        %dma_wait3A_183 = arith.constant 0 : i32
        %dma_wait3A_184 = tpu.memref_slice %arg4[%dma_wait3A_182, %dma_wait3A_183] : memref<128000x128xf32, #tpu.memory_space<hbm>> -> memref<40x128xf32, #tpu.memory_space<hbm>>
        %dma_wait3A_185 = arith.constant 0 : i32
        %dma_wait3A_186 = arith.constant 0 : i32
        %dma_wait3A_187 = tpu.memref_slice %arg4[%dma_wait3A_185, %dma_wait3A_186] : memref<128000x128xf32, #tpu.memory_space<hbm>> -> memref<40x128xf32, #tpu.memory_space<hbm>>
        %dma_wait3A_188 = arith.constant 0 : i32
        %dma_wait3A_189 = arith.constant 0 : i32
        %dma_wait3A_190 = tpu.memref_slice %arg7[%dma_wait3A_188, %dma_wait3A_189] : memref<80x128xf32, #tpu.memory_space<vmem>> -> memref<40x128xf32, #tpu.memory_space<vmem>>
        tpu.wait_dma2 semaphore(%arg13 : memref<!tpu.dma_semaphore, #tpu.memory_space<semaphore_mem>>) src(%dma_wait3A_190 : memref<40x128xf32, #tpu.memory_space<vmem>>) dst(%dma_wait3A_187 : memref<40x128xf32, #tpu.memory_space<hbm>>)
        %dma_start3A_191 = arith.constant 0 : i32
        %dma_start3A_192 = tpu.memref_slice %arg5[%add3A_120, %dma_start3A_191] : memref<100x80xi32, #tpu.memory_space<vmem>> -> memref<1x80xi32, #tpu.memory_space<vmem>>
        %dma_start3A_193 = tpu.memref_squeeze %dma_start3A_192 : memref<1x80xi32, #tpu.memory_space<vmem>> -> memref<80xi32, #tpu.memory_space<vmem>>
        %dma_start3A_194 = arith.constant 0 : i32
        %dma_start3A_195 = arith.constant 0 : i32
        %dma_start3A_196 = tpu.memref_slice %arg6[%dma_start3A_194, %dma_start3A_195] : memref<10000x128xf32, #tpu.memory_space<vmem_shared>> -> memref<10000x128xf32, #tpu.memory_space<vmem_shared>>
        tpu.enqueue_indirect_dma source(%dma_start3A_196 : memref<10000x128xf32, #tpu.memory_space<vmem_shared>>) target(%arg7 : memref<80x128xf32, #tpu.memory_space<vmem>>) offsets(%dma_start3A_193 : memref<80xi32, #tpu.memory_space<vmem>>) semaphore(%arg10 : memref<!tpu.dma_semaphore, #tpu.memory_space<semaphore_mem>>)
      } else {
      }
      %dma_wait3A_126 = arith.constant 0 : i32
      %dma_wait3A_127 = tpu.memref_slice %arg5[%add3A_118, %dma_wait3A_126] : memref<100x80xi32, #tpu.memory_space<vmem>> -> memref<1x80xi32, #tpu.memory_space<vmem>>
      %dma_wait3A_128 = tpu.memref_squeeze %dma_wait3A_127 : memref<1x80xi32, #tpu.memory_space<vmem>> -> memref<80xi32, #tpu.memory_space<vmem>>
      %dma_wait3A_129 = arith.constant 0 : i32
      %dma_wait3A_130 = arith.constant 0 : i32
      %dma_wait3A_131 = tpu.memref_slice %arg6[%dma_wait3A_129, %dma_wait3A_130] : memref<10000x128xf32, #tpu.memory_space<vmem_shared>> -> memref<10000x128xf32, #tpu.memory_space<vmem_shared>>
      tpu.wait_indirect_dma semaphore(%arg11 : memref<!tpu.dma_semaphore, #tpu.memory_space<semaphore_mem>>) src(%dma_wait3A_131 : memref<10000x128xf32, #tpu.memory_space<vmem_shared>>) dst(%arg8 : memref<80x128xf32, #tpu.memory_space<vmem>>)
      %parallel_loop3A_132 = arith.constant 0 : i32
      %parallel_loop3A_133 = arith.constant 40 : i32
      %parallel_loop3A_134 = arith.constant 1 : i32
      scf.for %parallel_loop3A_179 = %parallel_loop3A_132 to %parallel_loop3A_133 step %parallel_loop3A_134  : i32 {
        %parallel_loop3A_180 = arith.constant 40 : i32
        %parallel_loop3A_181 = arith.addi %parallel_loop3A_180, %parallel_loop3A_179 : i32
        %parallel_loop3A_182 = arith.index_cast %parallel_loop3A_181 : i32 to index
        %parallel_loop3A_183 = arith.constant 0 : index
        %parallel_loop3A_184 = tpu.vector_load %arg8[%parallel_loop3A_182, %parallel_loop3A_183] {strides = array<i32>} : memref<80x128xf32, #tpu.memory_space<vmem>>, vector<1x16xf32>,
        %parallel_loop3A_185 = vector.shape_cast %parallel_loop3A_184 : vector<1x16xf32> to vector<16xf32>
        %parallel_loop3A_186 = arith.index_cast %parallel_loop3A_179 : i32 to index
        %parallel_loop3A_187 = arith.constant 0 : index
        %parallel_loop3A_188 = tpu.vector_load %arg8[%parallel_loop3A_186, %parallel_loop3A_187] {strides = array<i32>} : memref<80x128xf32, #tpu.memory_space<vmem>>, vector<1x16xf32>,
        %parallel_loop3A_189 = vector.shape_cast %parallel_loop3A_188 : vector<1x16xf32> to vector<16xf32>
        %parallel_loop3A_190 = vector.shape_cast %parallel_loop3A_185 : vector<16xf32> to vector<1x16xf32>
        tpu.vector_store %arg8[%parallel_loop3A_186, %parallel_loop3A_187], %parallel_loop3A_190 {add = true, strides = array<i32>} : memref<80x128xf32, #tpu.memory_space<vmem>>, vector<1x16xf32>,
        %parallel_loop3A_191 = arith.constant 40 : i32
        %parallel_loop3A_192 = arith.addi %parallel_loop3A_191, %parallel_loop3A_179 : i32
        %parallel_loop3A_193 = arith.index_cast %parallel_loop3A_192 : i32 to index
        %parallel_loop3A_194 = arith.constant 16 : index
        %parallel_loop3A_195 = tpu.vector_load %arg8[%parallel_loop3A_193, %parallel_loop3A_194] {strides = array<i32>} : memref<80x128xf32, #tpu.memory_space<vmem>>, vector<1x16xf32>,
        %parallel_loop3A_196 = vector.shape_cast %parallel_loop3A_195 : vector<1x16xf32> to vector<16xf32>
        %parallel_loop3A_197 = arith.index_cast %parallel_loop3A_179 : i32 to index
        %parallel_loop3A_198 = arith.constant 16 : index
        %parallel_loop3A_199 = tpu.vector_load %arg8[%parallel_loop3A_197, %parallel_loop3A_198] {strides = array<i32>} : memref<80x128xf32, #tpu.memory_space<vmem>>, vector<1x16xf32>,
        %parallel_loop3A_200 = vector.shape_cast %parallel_loop3A_199 : vector<1x16xf32> to vector<16xf32>
        %parallel_loop3A_201 = vector.shape_cast %parallel_loop3A_196 : vector<16xf32> to vector<1x16xf32>
        tpu.vector_store %arg8[%parallel_loop3A_197, %parallel_loop3A_198], %parallel_loop3A_201 {add = true, strides = array<i32>} : memref<80x128xf32, #tpu.memory_space<vmem>>, vector<1x16xf32>,
        %parallel_loop3A_202 = arith.constant 40 : i32
        %parallel_loop3A_203 = arith.addi %parallel_loop3A_202, %parallel_loop3A_179 : i32
        %parallel_loop3A_204 = arith.index_cast %parallel_loop3A_203 : i32 to index
        %parallel_loop3A_205 = arith.constant 32 : index
        %parallel_loop3A_206 = tpu.vector_load %arg8[%parallel_loop3A_204, %parallel_loop3A_205] {strides = array<i32>} : memref<80x128xf32, #tpu.memory_space<vmem>>, vector<1x16xf32>,
        %parallel_loop3A_207 = vector.shape_cast %parallel_loop3A_206 : vector<1x16xf32> to vector<16xf32>
        %parallel_loop3A_208 = arith.index_cast %parallel_loop3A_179 : i32 to index
        %parallel_loop3A_209 = arith.constant 32 : index
        %parallel_loop3A_210 = tpu.vector_load %arg8[%parallel_loop3A_208, %parallel_loop3A_209] {strides = array<i32>} : memref<80x128xf32, #tpu.memory_space<vmem>>, vector<1x16xf32>,
        %parallel_loop3A_211 = vector.shape_cast %parallel_loop3A_210 : vector<1x16xf32> to vector<16xf32>
        %parallel_loop3A_212 = vector.shape_cast %parallel_loop3A_207 : vector<16xf32> to vector<1x16xf32>
        tpu.vector_store %arg8[%parallel_loop3A_208, %parallel_loop3A_209], %parallel_loop3A_212 {add = true, strides = array<i32>} : memref<80x128xf32, #tpu.memory_space<vmem>>, vector<1x16xf32>,
        %parallel_loop3A_213 = arith.constant 40 : i32
        %parallel_loop3A_214 = arith.addi %parallel_loop3A_213, %parallel_loop3A_179 : i32
        %parallel_loop3A_215 = arith.index_cast %parallel_loop3A_214 : i32 to index
        %parallel_loop3A_216 = arith.constant 48 : index
        %parallel_loop3A_217 = tpu.vector_load %arg8[%parallel_loop3A_215, %parallel_loop3A_216] {strides = array<i32>} : memref<80x128xf32, #tpu.memory_space<vmem>>, vector<1x16xf32>,
        %parallel_loop3A_218 = vector.shape_cast %parallel_loop3A_217 : vector<1x16xf32> to vector<16xf32>
        %parallel_loop3A_219 = arith.index_cast %parallel_loop3A_179 : i32 to index
        %parallel_loop3A_220 = arith.constant 48 : index
        %parallel_loop3A_221 = tpu.vector_load %arg8[%parallel_loop3A_219, %parallel_loop3A_220] {strides = array<i32>} : memref<80x128xf32, #tpu.memory_space<vmem>>, vector<1x16xf32>,
        %parallel_loop3A_222 = vector.shape_cast %parallel_loop3A_221 : vector<1x16xf32> to vector<16xf32>
        %parallel_loop3A_223 = vector.shape_cast %parallel_loop3A_218 : vector<16xf32> to vector<1x16xf32>
        tpu.vector_store %arg8[%parallel_loop3A_219, %parallel_loop3A_220], %parallel_loop3A_223 {add = true, strides = array<i32>} : memref<80x128xf32, #tpu.memory_space<vmem>>, vector<1x16xf32>,
        %parallel_loop3A_224 = arith.constant 40 : i32
        %parallel_loop3A_225 = arith.addi %parallel_loop3A_224, %parallel_loop3A_179 : i32
        %parallel_loop3A_226 = arith.index_cast %parallel_loop3A_225 : i32 to index
        %parallel_loop3A_227 = arith.constant 64 : index
        %parallel_loop3A_228 = tpu.vector_load %arg8[%parallel_loop3A_226, %parallel_loop3A_227] {strides = array<i32>} : memref<80x128xf32, #tpu.memory_space<vmem>>, vector<1x16xf32>,
        %parallel_loop3A_229 = vector.shape_cast %parallel_loop3A_228 : vector<1x16xf32> to vector<16xf32>
        %parallel_loop3A_230 = arith.index_cast %parallel_loop3A_179 : i32 to index
        %parallel_loop3A_231 = arith.constant 64 : index
        %parallel_loop3A_232 = tpu.vector_load %arg8[%parallel_loop3A_230, %parallel_loop3A_231] {strides = array<i32>} : memref<80x128xf32, #tpu.memory_space<vmem>>, vector<1x16xf32>,
        %parallel_loop3A_233 = vector.shape_cast %parallel_loop3A_232 : vector<1x16xf32> to vector<16xf32>
        %parallel_loop3A_234 = vector.shape_cast %parallel_loop3A_229 : vector<16xf32> to vector<1x16xf32>
        tpu.vector_store %arg8[%parallel_loop3A_230, %parallel_loop3A_231], %parallel_loop3A_234 {add = true, strides = array<i32>} : memref<80x128xf32, #tpu.memory_space<vmem>>, vector<1x16xf32>,
        %parallel_loop3A_235 = arith.constant 40 : i32
        %parallel_loop3A_236 = arith.addi %parallel_loop3A_235, %parallel_loop3A_179 : i32
        %parallel_loop3A_237 = arith.index_cast %parallel_loop3A_236 : i32 to index
        %parallel_loop3A_238 = arith.constant 80 : index
        %parallel_loop3A_239 = tpu.vector_load %arg8[%parallel_loop3A_237, %parallel_loop3A_238] {strides = array<i32>} : memref<80x128xf32, #tpu.memory_space<vmem>>, vector<1x16xf32>,
        %parallel_loop3A_240 = vector.shape_cast %parallel_loop3A_239 : vector<1x16xf32> to vector<16xf32>
        %parallel_loop3A_241 = arith.index_cast %parallel_loop3A_179 : i32 to index
        %parallel_loop3A_242 = arith.constant 80 : index
        %parallel_loop3A_243 = tpu.vector_load %arg8[%parallel_loop3A_241, %parallel_loop3A_242] {strides = array<i32>} : memref<80x128xf32, #tpu.memory_space<vmem>>, vector<1x16xf32>,
        %parallel_loop3A_244 = vector.shape_cast %parallel_loop3A_243 : vector<1x16xf32> to vector<16xf32>
        %parallel_loop3A_245 = vector.shape_cast %parallel_loop3A_240 : vector<16xf32> to vector<1x16xf32>
        tpu.vector_store %arg8[%parallel_loop3A_241, %parallel_loop3A_242], %parallel_loop3A_245 {add = true, strides = array<i32>} : memref<80x128xf32, #tpu.memory_space<vmem>>, vector<1x16xf32>,
        %parallel_loop3A_246 = arith.constant 40 : i32
        %parallel_loop3A_247 = arith.addi %parallel_loop3A_246, %parallel_loop3A_179 : i32
        %parallel_loop3A_248 = arith.index_cast %parallel_loop3A_247 : i32 to index
        %parallel_loop3A_249 = arith.constant 96 : index
        %parallel_loop3A_250 = tpu.vector_load %arg8[%parallel_loop3A_248, %parallel_loop3A_249] {strides = array<i32>} : memref<80x128xf32, #tpu.memory_space<vmem>>, vector<1x16xf32>,
        %parallel_loop3A_251 = vector.shape_cast %parallel_loop3A_250 : vector<1x16xf32> to vector<16xf32>
        %parallel_loop3A_252 = arith.index_cast %parallel_loop3A_179 : i32 to index
        %parallel_loop3A_253 = arith.constant 96 : index
        %parallel_loop3A_254 = tpu.vector_load %arg8[%parallel_loop3A_252, %parallel_loop3A_253] {strides = array<i32>} : memref<80x128xf32, #tpu.memory_space<vmem>>, vector<1x16xf32>,
        %parallel_loop3A_255 = vector.shape_cast %parallel_loop3A_254 : vector<1x16xf32> to vector<16xf32>
        %parallel_loop3A_256 = vector.shape_cast %parallel_loop3A_251 : vector<16xf32> to vector<1x16xf32>
        tpu.vector_store %arg8[%parallel_loop3A_252, %parallel_loop3A_253], %parallel_loop3A_256 {add = true, strides = array<i32>} : memref<80x128xf32, #tpu.memory_space<vmem>>, vector<1x16xf32>,
        %parallel_loop3A_257 = arith.constant 40 : i32
        %parallel_loop3A_258 = arith.addi %parallel_loop3A_257, %parallel_loop3A_179 : i32
        %parallel_loop3A_259 = arith.index_cast %parallel_loop3A_258 : i32 to index
        %parallel_loop3A_260 = arith.constant 112 : index
        %parallel_loop3A_261 = tpu.vector_load %arg8[%parallel_loop3A_259, %parallel_loop3A_260] {strides = array<i32>} : memref<80x128xf32, #tpu.memory_space<vmem>>, vector<1x16xf32>,
        %parallel_loop3A_262 = vector.shape_cast %parallel_loop3A_261 : vector<1x16xf32> to vector<16xf32>
        %parallel_loop3A_263 = arith.index_cast %parallel_loop3A_179 : i32 to index
        %parallel_loop3A_264 = arith.constant 112 : index
        %parallel_loop3A_265 = tpu.vector_load %arg8[%parallel_loop3A_263, %parallel_loop3A_264] {strides = array<i32>} : memref<80x128xf32, #tpu.memory_space<vmem>>, vector<1x16xf32>,
        %parallel_loop3A_266 = vector.shape_cast %parallel_loop3A_265 : vector<1x16xf32> to vector<16xf32>
        %parallel_loop3A_267 = vector.shape_cast %parallel_loop3A_262 : vector<16xf32> to vector<1x16xf32>
        tpu.vector_store %arg8[%parallel_loop3A_263, %parallel_loop3A_264], %parallel_loop3A_267 {add = true, strides = array<i32>} : memref<80x128xf32, #tpu.memory_space<vmem>>, vector<1x16xf32>,
      } {sc.loop_unroll_factor = 4 : i64, sc.parallel_access}
      %mul3A_135 = arith.constant 40 : i32
      %mul3A_136 = arith.muli %add3A_118, %mul3A_135 : i32
      %add3A_137 = arith.addi %mul3A_2, %mul3A_136 : i32
      %dma_start3A_138 = arith.constant 0 : i32
      %dma_start3A_139 = arith.constant 0 : i32
      %dma_start3A_140 = tpu.memref_slice %arg8[%dma_start3A_138, %dma_start3A_139] : memref<80x128xf32, #tpu.memory_space<vmem>> -> memref<40x128xf32, #tpu.memory_space<vmem>>
      %dma_start3A_141 = arith.constant 0 : i32
      %dma_start3A_142 = tpu.memref_slice %arg4[%add3A_137, %dma_start3A_141] : memref<128000x128xf32, #tpu.memory_space<hbm>> -> memref<40x128xf32, #tpu.memory_space<hbm>>
      %dma_start3A_143 = arith.constant 0 : i32
      %dma_start3A_144 = tpu.memref_slice %arg4[%add3A_137, %dma_start3A_143] : memref<128000x128xf32, #tpu.memory_space<hbm>> -> memref<40x128xf32, #tpu.memory_space<hbm>>
      %dma_start3A_145 = arith.constant 0 : i32
      %dma_start3A_146 = arith.constant 0 : i32
      %dma_start3A_147 = tpu.memref_slice %arg8[%dma_start3A_145, %dma_start3A_146] : memref<80x128xf32, #tpu.memory_space<vmem>> -> memref<40x128xf32, #tpu.memory_space<vmem>>
      tpu.enqueue_dma source(%dma_start3A_147 : memref<40x128xf32, #tpu.memory_space<vmem>>) target(%dma_start3A_144 : memref<40x128xf32, #tpu.memory_space<hbm>>) target_semaphore(%arg14 : memref<!tpu.dma_semaphore, #tpu.memory_space<semaphore_mem>>)
      %add3A_148 = arith.constant 2 : i32
      %add3A_149 = arith.addi %mul3A_86, %add3A_148 : i32
      %add3A_150 = arith.constant 2 : i32
      %add3A_151 = arith.addi %add3A_149, %add3A_150 : i32
      %lt3A_152 = arith.constant 100 : i32
      %lt3A_153 = arith.cmpi slt, %add3A_151, %lt3A_152 : i32
      %convert_element_type3A_154 = arith.extui %lt3A_153 : i1 to i32
      %cond3A_155 = arith.constant 0 : i32
      %cond3A_156 = arith.cmpi ne, %convert_element_type3A_154, %cond3A_155 : i32
      scf.if %cond3A_156 {
        %dma_wait3A_179 = arith.constant 0 : i32
        %dma_wait3A_180 = arith.constant 0 : i32
        %dma_wait3A_181 = tpu.memref_slice %arg8[%dma_wait3A_179, %dma_wait3A_180] : memref<80x128xf32, #tpu.memory_space<vmem>> -> memref<40x128xf32, #tpu.memory_space<vmem>>
        %dma_wait3A_182 = arith.constant 0 : i32
        %dma_wait3A_183 = arith.constant 0 : i32
        %dma_wait3A_184 = tpu.memref_slice %arg4[%dma_wait3A_182, %dma_wait3A_183] : memref<128000x128xf32, #tpu.memory_space<hbm>> -> memref<40x128xf32, #tpu.memory_space<hbm>>
        %dma_wait3A_185 = arith.constant 0 : i32
        %dma_wait3A_186 = arith.constant 0 : i32
        %dma_wait3A_187 = tpu.memref_slice %arg4[%dma_wait3A_185, %dma_wait3A_186] : memref<128000x128xf32, #tpu.memory_space<hbm>> -> memref<40x128xf32, #tpu.memory_space<hbm>>
        %dma_wait3A_188 = arith.constant 0 : i32
        %dma_wait3A_189 = arith.constant 0 : i32
        %dma_wait3A_190 = tpu.memref_slice %arg8[%dma_wait3A_188, %dma_wait3A_189] : memref<80x128xf32, #tpu.memory_space<vmem>> -> memref<40x128xf32, #tpu.memory_space<vmem>>
        tpu.wait_dma2 semaphore(%arg14 : memref<!tpu.dma_semaphore, #tpu.memory_space<semaphore_mem>>) src(%dma_wait3A_190 : memref<40x128xf32, #tpu.memory_space<vmem>>) dst(%dma_wait3A_187 : memref<40x128xf32, #tpu.memory_space<hbm>>)
        %dma_start3A_191 = arith.constant 0 : i32
        %dma_start3A_192 = tpu.memref_slice %arg5[%add3A_151, %dma_start3A_191] : memref<100x80xi32, #tpu.memory_space<vmem>> -> memref<1x80xi32, #tpu.memory_space<vmem>>
        %dma_start3A_193 = tpu.memref_squeeze %dma_start3A_192 : memref<1x80xi32, #tpu.memory_space<vmem>> -> memref<80xi32, #tpu.memory_space<vmem>>
        %dma_start3A_194 = arith.constant 0 : i32
        %dma_start3A_195 = arith.constant 0 : i32
        %dma_start3A_196 = tpu.memref_slice %arg6[%dma_start3A_194, %dma_start3A_195] : memref<10000x128xf32, #tpu.memory_space<vmem_shared>> -> memref<10000x128xf32, #tpu.memory_space<vmem_shared>>
        tpu.enqueue_indirect_dma source(%dma_start3A_196 : memref<10000x128xf32, #tpu.memory_space<vmem_shared>>) target(%arg8 : memref<80x128xf32, #tpu.memory_space<vmem>>) offsets(%dma_start3A_193 : memref<80xi32, #tpu.memory_space<vmem>>) semaphore(%arg11 : memref<!tpu.dma_semaphore, #tpu.memory_space<semaphore_mem>>)
      } else {
      }
      %dma_wait3A_157 = arith.constant 0 : i32
      %dma_wait3A_158 = tpu.memref_slice %arg5[%add3A_149, %dma_wait3A_157] : memref<100x80xi32, #tpu.memory_space<vmem>> -> memref<1x80xi32, #tpu.memory_space<vmem>>
      %dma_wait3A_159 = tpu.memref_squeeze %dma_wait3A_158 : memref<1x80xi32, #tpu.memory_space<vmem>> -> memref<80xi32, #tpu.memory_space<vmem>>
      %dma_wait3A_160 = arith.constant 0 : i32
      %dma_wait3A_161 = arith.constant 0 : i32
      %dma_wait3A_162 = tpu.memref_slice %arg6[%dma_wait3A_160, %dma_wait3A_161] : memref<10000x128xf32, #tpu.memory_space<vmem_shared>> -> memref<10000x128xf32, #tpu.memory_space<vmem_shared>>
      tpu.wait_indirect_dma semaphore(%arg12 : memref<!tpu.dma_semaphore, #tpu.memory_space<semaphore_mem>>) src(%dma_wait3A_162 : memref<10000x128xf32, #tpu.memory_space<vmem_shared>>) dst(%arg9 : memref<80x128xf32, #tpu.memory_space<vmem>>)
      %parallel_loop3A_163 = arith.constant 0 : i32
      %parallel_loop3A_164 = arith.constant 40 : i32
      %parallel_loop3A_165 = arith.constant 1 : i32
      scf.for %parallel_loop3A_179 = %parallel_loop3A_163 to %parallel_loop3A_164 step %parallel_loop3A_165  : i32 {
        %parallel_loop3A_180 = arith.constant 40 : i32
        %parallel_loop3A_181 = arith.addi %parallel_loop3A_180, %parallel_loop3A_179 : i32
        %parallel_loop3A_182 = arith.index_cast %parallel_loop3A_181 : i32 to index
        %parallel_loop3A_183 = arith.constant 0 : index
        %parallel_loop3A_184 = tpu.vector_load %arg9[%parallel_loop3A_182, %parallel_loop3A_183] {strides = array<i32>} : memref<80x128xf32, #tpu.memory_space<vmem>>, vector<1x16xf32>,
        %parallel_loop3A_185 = vector.shape_cast %parallel_loop3A_184 : vector<1x16xf32> to vector<16xf32>
        %parallel_loop3A_186 = arith.index_cast %parallel_loop3A_179 : i32 to index
        %parallel_loop3A_187 = arith.constant 0 : index
        %parallel_loop3A_188 = tpu.vector_load %arg9[%parallel_loop3A_186, %parallel_loop3A_187] {strides = array<i32>} : memref<80x128xf32, #tpu.memory_space<vmem>>, vector<1x16xf32>,
        %parallel_loop3A_189 = vector.shape_cast %parallel_loop3A_188 : vector<1x16xf32> to vector<16xf32>
        %parallel_loop3A_190 = vector.shape_cast %parallel_loop3A_185 : vector<16xf32> to vector<1x16xf32>
        tpu.vector_store %arg9[%parallel_loop3A_186, %parallel_loop3A_187], %parallel_loop3A_190 {add = true, strides = array<i32>} : memref<80x128xf32, #tpu.memory_space<vmem>>, vector<1x16xf32>,
        %parallel_loop3A_191 = arith.constant 40 : i32
        %parallel_loop3A_192 = arith.addi %parallel_loop3A_191, %parallel_loop3A_179 : i32
        %parallel_loop3A_193 = arith.index_cast %parallel_loop3A_192 : i32 to index
        %parallel_loop3A_194 = arith.constant 16 : index
        %parallel_loop3A_195 = tpu.vector_load %arg9[%parallel_loop3A_193, %parallel_loop3A_194] {strides = array<i32>} : memref<80x128xf32, #tpu.memory_space<vmem>>, vector<1x16xf32>,
        %parallel_loop3A_196 = vector.shape_cast %parallel_loop3A_195 : vector<1x16xf32> to vector<16xf32>
        %parallel_loop3A_197 = arith.index_cast %parallel_loop3A_179 : i32 to index
        %parallel_loop3A_198 = arith.constant 16 : index
        %parallel_loop3A_199 = tpu.vector_load %arg9[%parallel_loop3A_197, %parallel_loop3A_198] {strides = array<i32>} : memref<80x128xf32, #tpu.memory_space<vmem>>, vector<1x16xf32>,
        %parallel_loop3A_200 = vector.shape_cast %parallel_loop3A_199 : vector<1x16xf32> to vector<16xf32>
        %parallel_loop3A_201 = vector.shape_cast %parallel_loop3A_196 : vector<16xf32> to vector<1x16xf32>
        tpu.vector_store %arg9[%parallel_loop3A_197, %parallel_loop3A_198], %parallel_loop3A_201 {add = true, strides = array<i32>} : memref<80x128xf32, #tpu.memory_space<vmem>>, vector<1x16xf32>,
        %parallel_loop3A_202 = arith.constant 40 : i32
        %parallel_loop3A_203 = arith.addi %parallel_loop3A_202, %parallel_loop3A_179 : i32
        %parallel_loop3A_204 = arith.index_cast %parallel_loop3A_203 : i32 to index
        %parallel_loop3A_205 = arith.constant 32 : index
        %parallel_loop3A_206 = tpu.vector_load %arg9[%parallel_loop3A_204, %parallel_loop3A_205] {strides = array<i32>} : memref<80x128xf32, #tpu.memory_space<vmem>>, vector<1x16xf32>,
        %parallel_loop3A_207 = vector.shape_cast %parallel_loop3A_206 : vector<1x16xf32> to vector<16xf32>
        %parallel_loop3A_208 = arith.index_cast %parallel_loop3A_179 : i32 to index
        %parallel_loop3A_209 = arith.constant 32 : index
        %parallel_loop3A_210 = tpu.vector_load %arg9[%parallel_loop3A_208, %parallel_loop3A_209] {strides = array<i32>} : memref<80x128xf32, #tpu.memory_space<vmem>>, vector<1x16xf32>,
        %parallel_loop3A_211 = vector.shape_cast %parallel_loop3A_210 : vector<1x16xf32> to vector<16xf32>
        %parallel_loop3A_212 = vector.shape_cast %parallel_loop3A_207 : vector<16xf32> to vector<1x16xf32>
        tpu.vector_store %arg9[%parallel_loop3A_208, %parallel_loop3A_209], %parallel_loop3A_212 {add = true, strides = array<i32>} : memref<80x128xf32, #tpu.memory_space<vmem>>, vector<1x16xf32>,
        %parallel_loop3A_213 = arith.constant 40 : i32
        %parallel_loop3A_214 = arith.addi %parallel_loop3A_213, %parallel_loop3A_179 : i32
        %parallel_loop3A_215 = arith.index_cast %parallel_loop3A_214 : i32 to index
        %parallel_loop3A_216 = arith.constant 48 : index
        %parallel_loop3A_217 = tpu.vector_load %arg9[%parallel_loop3A_215, %parallel_loop3A_216] {strides = array<i32>} : memref<80x128xf32, #tpu.memory_space<vmem>>, vector<1x16xf32>,
        %parallel_loop3A_218 = vector.shape_cast %parallel_loop3A_217 : vector<1x16xf32> to vector<16xf32>
        %parallel_loop3A_219 = arith.index_cast %parallel_loop3A_179 : i32 to index
        %parallel_loop3A_220 = arith.constant 48 : index
        %parallel_loop3A_221 = tpu.vector_load %arg9[%parallel_loop3A_219, %parallel_loop3A_220] {strides = array<i32>} : memref<80x128xf32, #tpu.memory_space<vmem>>, vector<1x16xf32>,
        %parallel_loop3A_222 = vector.shape_cast %parallel_loop3A_221 : vector<1x16xf32> to vector<16xf32>
        %parallel_loop3A_223 = vector.shape_cast %parallel_loop3A_218 : vector<16xf32> to vector<1x16xf32>
        tpu.vector_store %arg9[%parallel_loop3A_219, %parallel_loop3A_220], %parallel_loop3A_223 {add = true, strides = array<i32>} : memref<80x128xf32, #tpu.memory_space<vmem>>, vector<1x16xf32>,
        %parallel_loop3A_224 = arith.constant 40 : i32
        %parallel_loop3A_225 = arith.addi %parallel_loop3A_224, %parallel_loop3A_179 : i32
        %parallel_loop3A_226 = arith.index_cast %parallel_loop3A_225 : i32 to index
        %parallel_loop3A_227 = arith.constant 64 : index
        %parallel_loop3A_228 = tpu.vector_load %arg9[%parallel_loop3A_226, %parallel_loop3A_227] {strides = array<i32>} : memref<80x128xf32, #tpu.memory_space<vmem>>, vector<1x16xf32>,
        %parallel_loop3A_229 = vector.shape_cast %parallel_loop3A_228 : vector<1x16xf32> to vector<16xf32>
        %parallel_loop3A_230 = arith.index_cast %parallel_loop3A_179 : i32 to index
        %parallel_loop3A_231 = arith.constant 64 : index
        %parallel_loop3A_232 = tpu.vector_load %arg9[%parallel_loop3A_230, %parallel_loop3A_231] {strides = array<i32>} : memref<80x128xf32, #tpu.memory_space<vmem>>, vector<1x16xf32>,
        %parallel_loop3A_233 = vector.shape_cast %parallel_loop3A_232 : vector<1x16xf32> to vector<16xf32>
        %parallel_loop3A_234 = vector.shape_cast %parallel_loop3A_229 : vector<16xf32> to vector<1x16xf32>
        tpu.vector_store %arg9[%parallel_loop3A_230, %parallel_loop3A_231], %parallel_loop3A_234 {add = true, strides = array<i32>} : memref<80x128xf32, #tpu.memory_space<vmem>>, vector<1x16xf32>,
        %parallel_loop3A_235 = arith.constant 40 : i32
        %parallel_loop3A_236 = arith.addi %parallel_loop3A_235, %parallel_loop3A_179 : i32
        %parallel_loop3A_237 = arith.index_cast %parallel_loop3A_236 : i32 to index
        %parallel_loop3A_238 = arith.constant 80 : index
        %parallel_loop3A_239 = tpu.vector_load %arg9[%parallel_loop3A_237, %parallel_loop3A_238] {strides = array<i32>} : memref<80x128xf32, #tpu.memory_space<vmem>>, vector<1x16xf32>,
        %parallel_loop3A_240 = vector.shape_cast %parallel_loop3A_239 : vector<1x16xf32> to vector<16xf32>
        %parallel_loop3A_241 = arith.index_cast %parallel_loop3A_179 : i32 to index
        %parallel_loop3A_242 = arith.constant 80 : index
        %parallel_loop3A_243 = tpu.vector_load %arg9[%parallel_loop3A_241, %parallel_loop3A_242] {strides = array<i32>} : memref<80x128xf32, #tpu.memory_space<vmem>>, vector<1x16xf32>,
        %parallel_loop3A_244 = vector.shape_cast %parallel_loop3A_243 : vector<1x16xf32> to vector<16xf32>
        %parallel_loop3A_245 = vector.shape_cast %parallel_loop3A_240 : vector<16xf32> to vector<1x16xf32>
        tpu.vector_store %arg9[%parallel_loop3A_241, %parallel_loop3A_242], %parallel_loop3A_245 {add = true, strides = array<i32>} : memref<80x128xf32, #tpu.memory_space<vmem>>, vector<1x16xf32>,
        %parallel_loop3A_246 = arith.constant 40 : i32
        %parallel_loop3A_247 = arith.addi %parallel_loop3A_246, %parallel_loop3A_179 : i32
        %parallel_loop3A_248 = arith.index_cast %parallel_loop3A_247 : i32 to index
        %parallel_loop3A_249 = arith.constant 96 : index
        %parallel_loop3A_250 = tpu.vector_load %arg9[%parallel_loop3A_248, %parallel_loop3A_249] {strides = array<i32>} : memref<80x128xf32, #tpu.memory_space<vmem>>, vector<1x16xf32>,
        %parallel_loop3A_251 = vector.shape_cast %parallel_loop3A_250 : vector<1x16xf32> to vector<16xf32>
        %parallel_loop3A_252 = arith.index_cast %parallel_loop3A_179 : i32 to index
        %parallel_loop3A_253 = arith.constant 96 : index
        %parallel_loop3A_254 = tpu.vector_load %arg9[%parallel_loop3A_252, %parallel_loop3A_253] {strides = array<i32>} : memref<80x128xf32, #tpu.memory_space<vmem>>, vector<1x16xf32>,
        %parallel_loop3A_255 = vector.shape_cast %parallel_loop3A_254 : vector<1x16xf32> to vector<16xf32>
        %parallel_loop3A_256 = vector.shape_cast %parallel_loop3A_251 : vector<16xf32> to vector<1x16xf32>
        tpu.vector_store %arg9[%parallel_loop3A_252, %parallel_loop3A_253], %parallel_loop3A_256 {add = true, strides = array<i32>} : memref<80x128xf32, #tpu.memory_space<vmem>>, vector<1x16xf32>,
        %parallel_loop3A_257 = arith.constant 40 : i32
        %parallel_loop3A_258 = arith.addi %parallel_loop3A_257, %parallel_loop3A_179 : i32
        %parallel_loop3A_259 = arith.index_cast %parallel_loop3A_258 : i32 to index
        %parallel_loop3A_260 = arith.constant 112 : index
        %parallel_loop3A_261 = tpu.vector_load %arg9[%parallel_loop3A_259, %parallel_loop3A_260] {strides = array<i32>} : memref<80x128xf32, #tpu.memory_space<vmem>>, vector<1x16xf32>,
        %parallel_loop3A_262 = vector.shape_cast %parallel_loop3A_261 : vector<1x16xf32> to vector<16xf32>
        %parallel_loop3A_263 = arith.index_cast %parallel_loop3A_179 : i32 to index
        %parallel_loop3A_264 = arith.constant 112 : index
        %parallel_loop3A_265 = tpu.vector_load %arg9[%parallel_loop3A_263, %parallel_loop3A_264] {strides = array<i32>} : memref<80x128xf32, #tpu.memory_space<vmem>>, vector<1x16xf32>,
        %parallel_loop3A_266 = vector.shape_cast %parallel_loop3A_265 : vector<1x16xf32> to vector<16xf32>
        %parallel_loop3A_267 = vector.shape_cast %parallel_loop3A_262 : vector<16xf32> to vector<1x16xf32>
        tpu.vector_store %arg9[%parallel_loop3A_263, %parallel_loop3A_264], %parallel_loop3A_267 {add = true, strides = array<i32>} : memref<80x128xf32, #tpu.memory_space<vmem>>, vector<1x16xf32>,
      } {sc.loop_unroll_factor = 4 : i64, sc.parallel_access}
      %mul3A_166 = arith.constant 40 : i32
      %mul3A_167 = arith.muli %add3A_149, %mul3A_166 : i32
      %add3A_168 = arith.addi %mul3A_2, %mul3A_167 : i32
      %dma_start3A_169 = arith.constant 0 : i32
      %dma_start3A_170 = arith.constant 0 : i32
      %dma_start3A_171 = tpu.memref_slice %arg9[%dma_start3A_169, %dma_start3A_170] : memref<80x128xf32, #tpu.memory_space<vmem>> -> memref<40x128xf32, #tpu.memory_space<vmem>>
      %dma_start3A_172 = arith.constant 0 : i32
      %dma_start3A_173 = tpu.memref_slice %arg4[%add3A_168, %dma_start3A_172] : memref<128000x128xf32, #tpu.memory_space<hbm>> -> memref<40x128xf32, #tpu.memory_space<hbm>>
      %dma_start3A_174 = arith.constant 0 : i32
      %dma_start3A_175 = tpu.memref_slice %arg4[%add3A_168, %dma_start3A_174] : memref<128000x128xf32, #tpu.memory_space<hbm>> -> memref<40x128xf32, #tpu.memory_space<hbm>>
      %dma_start3A_176 = arith.constant 0 : i32
      %dma_start3A_177 = arith.constant 0 : i32
      %dma_start3A_178 = tpu.memref_slice %arg9[%dma_start3A_176, %dma_start3A_177] : memref<80x128xf32, #tpu.memory_space<vmem>> -> memref<40x128xf32, #tpu.memory_space<vmem>>
      tpu.enqueue_dma source(%dma_start3A_178 : memref<40x128xf32, #tpu.memory_space<vmem>>) target(%dma_start3A_175 : memref<40x128xf32, #tpu.memory_space<hbm>>) target_semaphore(%arg15 : memref<!tpu.dma_semaphore, #tpu.memory_space<semaphore_mem>>)
    }
    %scan3A_27 = arith.constant 33 : i32
    %dma_wait3A = arith.constant 99 : i32
    %dma_wait3A_28 = arith.constant 0 : i32
    %dma_wait3A_29 = tpu.memref_slice %arg5[%dma_wait3A, %dma_wait3A_28] : memref<100x80xi32, #tpu.memory_space<vmem>> -> memref<1x80xi32, #tpu.memory_space<vmem>>
    %dma_wait3A_30 = tpu.memref_squeeze %dma_wait3A_29 : memref<1x80xi32, #tpu.memory_space<vmem>> -> memref<80xi32, #tpu.memory_space<vmem>>
    %dma_wait3A_31 = arith.constant 0 : i32
    %dma_wait3A_32 = arith.constant 0 : i32
    %dma_wait3A_33 = tpu.memref_slice %arg6[%dma_wait3A_31, %dma_wait3A_32] : memref<10000x128xf32, #tpu.memory_space<vmem_shared>> -> memref<10000x128xf32, #tpu.memory_space<vmem_shared>>
    tpu.wait_indirect_dma semaphore(%arg10 : memref<!tpu.dma_semaphore, #tpu.memory_space<semaphore_mem>>) src(%dma_wait3A_33 : memref<10000x128xf32, #tpu.memory_space<vmem_shared>>) dst(%arg7 : memref<80x128xf32, #tpu.memory_space<vmem>>)
    %parallel_loop3A = arith.constant 0 : i32
    %parallel_loop3A_34 = arith.constant 40 : i32
    %parallel_loop3A_35 = arith.constant 1 : i32
    scf.for %parallel_loop3A_84 = %parallel_loop3A to %parallel_loop3A_34 step %parallel_loop3A_35  : i32 {
      %parallel_loop3A_85 = arith.constant 40 : i32
      %parallel_loop3A_86 = arith.addi %parallel_loop3A_85, %parallel_loop3A_84 : i32
      %parallel_loop3A_87 = arith.index_cast %parallel_loop3A_86 : i32 to index
      %parallel_loop3A_88 = arith.constant 0 : index
      %parallel_loop3A_89 = tpu.vector_load %arg7[%parallel_loop3A_87, %parallel_loop3A_88] {strides = array<i32>} : memref<80x128xf32, #tpu.memory_space<vmem>>, vector<1x16xf32>,
      %parallel_loop3A_90 = vector.shape_cast %parallel_loop3A_89 : vector<1x16xf32> to vector<16xf32>
      %parallel_loop3A_91 = arith.index_cast %parallel_loop3A_84 : i32 to index
      %parallel_loop3A_92 = arith.constant 0 : index
      %parallel_loop3A_93 = tpu.vector_load %arg7[%parallel_loop3A_91, %parallel_loop3A_92] {strides = array<i32>} : memref<80x128xf32, #tpu.memory_space<vmem>>, vector<1x16xf32>,
      %parallel_loop3A_94 = vector.shape_cast %parallel_loop3A_93 : vector<1x16xf32> to vector<16xf32>
      %parallel_loop3A_95 = vector.shape_cast %parallel_loop3A_90 : vector<16xf32> to vector<1x16xf32>
      tpu.vector_store %arg7[%parallel_loop3A_91, %parallel_loop3A_92], %parallel_loop3A_95 {add = true, strides = array<i32>} : memref<80x128xf32, #tpu.memory_space<vmem>>, vector<1x16xf32>,
      %parallel_loop3A_96 = arith.constant 40 : i32
      %parallel_loop3A_97 = arith.addi %parallel_loop3A_96, %parallel_loop3A_84 : i32
      %parallel_loop3A_98 = arith.index_cast %parallel_loop3A_97 : i32 to index
      %parallel_loop3A_99 = arith.constant 16 : index
      %parallel_loop3A_100 = tpu.vector_load %arg7[%parallel_loop3A_98, %parallel_loop3A_99] {strides = array<i32>} : memref<80x128xf32, #tpu.memory_space<vmem>>, vector<1x16xf32>,
      %parallel_loop3A_101 = vector.shape_cast %parallel_loop3A_100 : vector<1x16xf32> to vector<16xf32>
      %parallel_loop3A_102 = arith.index_cast %parallel_loop3A_84 : i32 to index
      %parallel_loop3A_103 = arith.constant 16 : index
      %parallel_loop3A_104 = tpu.vector_load %arg7[%parallel_loop3A_102, %parallel_loop3A_103] {strides = array<i32>} : memref<80x128xf32, #tpu.memory_space<vmem>>, vector<1x16xf32>,
      %parallel_loop3A_105 = vector.shape_cast %parallel_loop3A_104 : vector<1x16xf32> to vector<16xf32>
      %parallel_loop3A_106 = vector.shape_cast %parallel_loop3A_101 : vector<16xf32> to vector<1x16xf32>
      tpu.vector_store %arg7[%parallel_loop3A_102, %parallel_loop3A_103], %parallel_loop3A_106 {add = true, strides = array<i32>} : memref<80x128xf32, #tpu.memory_space<vmem>>, vector<1x16xf32>,
      %parallel_loop3A_107 = arith.constant 40 : i32
      %parallel_loop3A_108 = arith.addi %parallel_loop3A_107, %parallel_loop3A_84 : i32
      %parallel_loop3A_109 = arith.index_cast %parallel_loop3A_108 : i32 to index
      %parallel_loop3A_110 = arith.constant 32 : index
      %parallel_loop3A_111 = tpu.vector_load %arg7[%parallel_loop3A_109, %parallel_loop3A_110] {strides = array<i32>} : memref<80x128xf32, #tpu.memory_space<vmem>>, vector<1x16xf32>,
      %parallel_loop3A_112 = vector.shape_cast %parallel_loop3A_111 : vector<1x16xf32> to vector<16xf32>
      %parallel_loop3A_113 = arith.index_cast %parallel_loop3A_84 : i32 to index
      %parallel_loop3A_114 = arith.constant 32 : index
      %parallel_loop3A_115 = tpu.vector_load %arg7[%parallel_loop3A_113, %parallel_loop3A_114] {strides = array<i32>} : memref<80x128xf32, #tpu.memory_space<vmem>>, vector<1x16xf32>,
      %parallel_loop3A_116 = vector.shape_cast %parallel_loop3A_115 : vector<1x16xf32> to vector<16xf32>
      %parallel_loop3A_117 = vector.shape_cast %parallel_loop3A_112 : vector<16xf32> to vector<1x16xf32>
      tpu.vector_store %arg7[%parallel_loop3A_113, %parallel_loop3A_114], %parallel_loop3A_117 {add = true, strides = array<i32>} : memref<80x128xf32, #tpu.memory_space<vmem>>, vector<1x16xf32>,
      %parallel_loop3A_118 = arith.constant 40 : i32
      %parallel_loop3A_119 = arith.addi %parallel_loop3A_118, %parallel_loop3A_84 : i32
      %parallel_loop3A_120 = arith.index_cast %parallel_loop3A_119 : i32 to index
      %parallel_loop3A_121 = arith.constant 48 : index
      %parallel_loop3A_122 = tpu.vector_load %arg7[%parallel_loop3A_120, %parallel_loop3A_121] {strides = array<i32>} : memref<80x128xf32, #tpu.memory_space<vmem>>, vector<1x16xf32>,
      %parallel_loop3A_123 = vector.shape_cast %parallel_loop3A_122 : vector<1x16xf32> to vector<16xf32>
      %parallel_loop3A_124 = arith.index_cast %parallel_loop3A_84 : i32 to index
      %parallel_loop3A_125 = arith.constant 48 : index
      %parallel_loop3A_126 = tpu.vector_load %arg7[%parallel_loop3A_124, %parallel_loop3A_125] {strides = array<i32>} : memref<80x128xf32, #tpu.memory_space<vmem>>, vector<1x16xf32>,
      %parallel_loop3A_127 = vector.shape_cast %parallel_loop3A_126 : vector<1x16xf32> to vector<16xf32>
      %parallel_loop3A_128 = vector.shape_cast %parallel_loop3A_123 : vector<16xf32> to vector<1x16xf32>
      tpu.vector_store %arg7[%parallel_loop3A_124, %parallel_loop3A_125], %parallel_loop3A_128 {add = true, strides = array<i32>} : memref<80x128xf32, #tpu.memory_space<vmem>>, vector<1x16xf32>,
      %parallel_loop3A_129 = arith.constant 40 : i32
      %parallel_loop3A_130 = arith.addi %parallel_loop3A_129, %parallel_loop3A_84 : i32
      %parallel_loop3A_131 = arith.index_cast %parallel_loop3A_130 : i32 to index
      %parallel_loop3A_132 = arith.constant 64 : index
      %parallel_loop3A_133 = tpu.vector_load %arg7[%parallel_loop3A_131, %parallel_loop3A_132] {strides = array<i32>} : memref<80x128xf32, #tpu.memory_space<vmem>>, vector<1x16xf32>,
      %parallel_loop3A_134 = vector.shape_cast %parallel_loop3A_133 : vector<1x16xf32> to vector<16xf32>
      %parallel_loop3A_135 = arith.index_cast %parallel_loop3A_84 : i32 to index
      %parallel_loop3A_136 = arith.constant 64 : index
      %parallel_loop3A_137 = tpu.vector_load %arg7[%parallel_loop3A_135, %parallel_loop3A_136] {strides = array<i32>} : memref<80x128xf32, #tpu.memory_space<vmem>>, vector<1x16xf32>,
      %parallel_loop3A_138 = vector.shape_cast %parallel_loop3A_137 : vector<1x16xf32> to vector<16xf32>
      %parallel_loop3A_139 = vector.shape_cast %parallel_loop3A_134 : vector<16xf32> to vector<1x16xf32>
      tpu.vector_store %arg7[%parallel_loop3A_135, %parallel_loop3A_136], %parallel_loop3A_139 {add = true, strides = array<i32>} : memref<80x128xf32, #tpu.memory_space<vmem>>, vector<1x16xf32>,
      %parallel_loop3A_140 = arith.constant 40 : i32
      %parallel_loop3A_141 = arith.addi %parallel_loop3A_140, %parallel_loop3A_84 : i32
      %parallel_loop3A_142 = arith.index_cast %parallel_loop3A_141 : i32 to index
      %parallel_loop3A_143 = arith.constant 80 : index
      %parallel_loop3A_144 = tpu.vector_load %arg7[%parallel_loop3A_142, %parallel_loop3A_143] {strides = array<i32>} : memref<80x128xf32, #tpu.memory_space<vmem>>, vector<1x16xf32>,
      %parallel_loop3A_145 = vector.shape_cast %parallel_loop3A_144 : vector<1x16xf32> to vector<16xf32>
      %parallel_loop3A_146 = arith.index_cast %parallel_loop3A_84 : i32 to index
      %parallel_loop3A_147 = arith.constant 80 : index
      %parallel_loop3A_148 = tpu.vector_load %arg7[%parallel_loop3A_146, %parallel_loop3A_147] {strides = array<i32>} : memref<80x128xf32, #tpu.memory_space<vmem>>, vector<1x16xf32>,
      %parallel_loop3A_149 = vector.shape_cast %parallel_loop3A_148 : vector<1x16xf32> to vector<16xf32>
      %parallel_loop3A_150 = vector.shape_cast %parallel_loop3A_145 : vector<16xf32> to vector<1x16xf32>
      tpu.vector_store %arg7[%parallel_loop3A_146, %parallel_loop3A_147], %parallel_loop3A_150 {add = true, strides = array<i32>} : memref<80x128xf32, #tpu.memory_space<vmem>>, vector<1x16xf32>,
      %parallel_loop3A_151 = arith.constant 40 : i32
      %parallel_loop3A_152 = arith.addi %parallel_loop3A_151, %parallel_loop3A_84 : i32
      %parallel_loop3A_153 = arith.index_cast %parallel_loop3A_152 : i32 to index
      %parallel_loop3A_154 = arith.constant 96 : index
      %parallel_loop3A_155 = tpu.vector_load %arg7[%parallel_loop3A_153, %parallel_loop3A_154] {strides = array<i32>} : memref<80x128xf32, #tpu.memory_space<vmem>>, vector<1x16xf32>,
      %parallel_loop3A_156 = vector.shape_cast %parallel_loop3A_155 : vector<1x16xf32> to vector<16xf32>
      %parallel_loop3A_157 = arith.index_cast %parallel_loop3A_84 : i32 to index
      %parallel_loop3A_158 = arith.constant 96 : index
      %parallel_loop3A_159 = tpu.vector_load %arg7[%parallel_loop3A_157, %parallel_loop3A_158] {strides = array<i32>} : memref<80x128xf32, #tpu.memory_space<vmem>>, vector<1x16xf32>,
      %parallel_loop3A_160 = vector.shape_cast %parallel_loop3A_159 : vector<1x16xf32> to vector<16xf32>
      %parallel_loop3A_161 = vector.shape_cast %parallel_loop3A_156 : vector<16xf32> to vector<1x16xf32>
      tpu.vector_store %arg7[%parallel_loop3A_157, %parallel_loop3A_158], %parallel_loop3A_161 {add = true, strides = array<i32>} : memref<80x128xf32, #tpu.memory_space<vmem>>, vector<1x16xf32>,
      %parallel_loop3A_162 = arith.constant 40 : i32
      %parallel_loop3A_163 = arith.addi %parallel_loop3A_162, %parallel_loop3A_84 : i32
      %parallel_loop3A_164 = arith.index_cast %parallel_loop3A_163 : i32 to index
      %parallel_loop3A_165 = arith.constant 112 : index
      %parallel_loop3A_166 = tpu.vector_load %arg7[%parallel_loop3A_164, %parallel_loop3A_165] {strides = array<i32>} : memref<80x128xf32, #tpu.memory_space<vmem>>, vector<1x16xf32>,
      %parallel_loop3A_167 = vector.shape_cast %parallel_loop3A_166 : vector<1x16xf32> to vector<16xf32>
      %parallel_loop3A_168 = arith.index_cast %parallel_loop3A_84 : i32 to index
      %parallel_loop3A_169 = arith.constant 112 : index
      %parallel_loop3A_170 = tpu.vector_load %arg7[%parallel_loop3A_168, %parallel_loop3A_169] {strides = array<i32>} : memref<80x128xf32, #tpu.memory_space<vmem>>, vector<1x16xf32>,
      %parallel_loop3A_171 = vector.shape_cast %parallel_loop3A_170 : vector<1x16xf32> to vector<16xf32>
      %parallel_loop3A_172 = vector.shape_cast %parallel_loop3A_167 : vector<16xf32> to vector<1x16xf32>
      tpu.vector_store %arg7[%parallel_loop3A_168, %parallel_loop3A_169], %parallel_loop3A_172 {add = true, strides = array<i32>} : memref<80x128xf32, #tpu.memory_space<vmem>>, vector<1x16xf32>,
    } {sc.loop_unroll_factor = 4 : i64, sc.parallel_access}
    %add3A_36 = arith.constant 3960 : i32
    %add3A_37 = arith.addi %mul3A_2, %add3A_36 : i32
    %dma_start3A_38 = arith.constant 0 : i32
    %dma_start3A_39 = arith.constant 0 : i32
    %dma_start3A_40 = tpu.memref_slice %arg7[%dma_start3A_38, %dma_start3A_39] : memref<80x128xf32, #tpu.memory_space<vmem>> -> memref<40x128xf32, #tpu.memory_space<vmem>>
    %dma_start3A_41 = arith.constant 0 : i32
    %dma_start3A_42 = tpu.memref_slice %arg4[%add3A_37, %dma_start3A_41] : memref<128000x128xf32, #tpu.memory_space<hbm>> -> memref<40x128xf32, #tpu.memory_space<hbm>>
    %dma_start3A_43 = arith.constant 0 : i32
    %dma_start3A_44 = tpu.memref_slice %arg4[%add3A_37, %dma_start3A_43] : memref<128000x128xf32, #tpu.memory_space<hbm>> -> memref<40x128xf32, #tpu.memory_space<hbm>>
    %dma_start3A_45 = arith.constant 0 : i32
    %dma_start3A_46 = arith.constant 0 : i32
    %dma_start3A_47 = tpu.memref_slice %arg7[%dma_start3A_45, %dma_start3A_46] : memref<80x128xf32, #tpu.memory_space<vmem>> -> memref<40x128xf32, #tpu.memory_space<vmem>>
    tpu.enqueue_dma source(%dma_start3A_47 : memref<40x128xf32, #tpu.memory_space<vmem>>) target(%dma_start3A_44 : memref<40x128xf32, #tpu.memory_space<hbm>>) target_semaphore(%arg13 : memref<!tpu.dma_semaphore, #tpu.memory_space<semaphore_mem>>)
    %dma_wait3A_48 = arith.constant 0 : i32
    %dma_wait3A_49 = arith.constant 0 : i32
    %dma_wait3A_50 = tpu.memref_slice %arg7[%dma_wait3A_48, %dma_wait3A_49] : memref<80x128xf32, #tpu.memory_space<vmem>> -> memref<40x128xf32, #tpu.memory_space<vmem>>
    %dma_wait3A_51 = arith.constant 0 : i32
    %dma_wait3A_52 = arith.constant 0 : i32
    %dma_wait3A_53 = tpu.memref_slice %arg4[%dma_wait3A_51, %dma_wait3A_52] : memref<128000x128xf32, #tpu.memory_space<hbm>> -> memref<40x128xf32, #tpu.memory_space<hbm>>
    %dma_wait3A_54 = arith.constant 0 : i32
    %dma_wait3A_55 = arith.constant 0 : i32
    %dma_wait3A_56 = tpu.memref_slice %arg4[%dma_wait3A_54, %dma_wait3A_55] : memref<128000x128xf32, #tpu.memory_space<hbm>> -> memref<40x128xf32, #tpu.memory_space<hbm>>
    %dma_wait3A_57 = arith.constant 0 : i32
    %dma_wait3A_58 = arith.constant 0 : i32
    %dma_wait3A_59 = tpu.memref_slice %arg7[%dma_wait3A_57, %dma_wait3A_58] : memref<80x128xf32, #tpu.memory_space<vmem>> -> memref<40x128xf32, #tpu.memory_space<vmem>>
    tpu.wait_dma2 semaphore(%arg13 : memref<!tpu.dma_semaphore, #tpu.memory_space<semaphore_mem>>) src(%dma_wait3A_59 : memref<40x128xf32, #tpu.memory_space<vmem>>) dst(%dma_wait3A_56 : memref<40x128xf32, #tpu.memory_space<hbm>>)
    %dma_wait3A_60 = arith.constant 0 : i32
    %dma_wait3A_61 = arith.constant 0 : i32
    %dma_wait3A_62 = tpu.memref_slice %arg8[%dma_wait3A_60, %dma_wait3A_61] : memref<80x128xf32, #tpu.memory_space<vmem>> -> memref<40x128xf32, #tpu.memory_space<vmem>>
    %dma_wait3A_63 = arith.constant 0 : i32
    %dma_wait3A_64 = arith.constant 0 : i32
    %dma_wait3A_65 = tpu.memref_slice %arg4[%dma_wait3A_63, %dma_wait3A_64] : memref<128000x128xf32, #tpu.memory_space<hbm>> -> memref<40x128xf32, #tpu.memory_space<hbm>>
    %dma_wait3A_66 = arith.constant 0 : i32
    %dma_wait3A_67 = arith.constant 0 : i32
    %dma_wait3A_68 = tpu.memref_slice %arg4[%dma_wait3A_66, %dma_wait3A_67] : memref<128000x128xf32, #tpu.memory_space<hbm>> -> memref<40x128xf32, #tpu.memory_space<hbm>>
    %dma_wait3A_69 = arith.constant 0 : i32
    %dma_wait3A_70 = arith.constant 0 : i32
    %dma_wait3A_71 = tpu.memref_slice %arg8[%dma_wait3A_69, %dma_wait3A_70] : memref<80x128xf32, #tpu.memory_space<vmem>> -> memref<40x128xf32, #tpu.memory_space<vmem>>
    tpu.wait_dma2 semaphore(%arg14 : memref<!tpu.dma_semaphore, #tpu.memory_space<semaphore_mem>>) src(%dma_wait3A_71 : memref<40x128xf32, #tpu.memory_space<vmem>>) dst(%dma_wait3A_68 : memref<40x128xf32, #tpu.memory_space<hbm>>)
    %dma_wait3A_72 = arith.constant 0 : i32
    %dma_wait3A_73 = arith.constant 0 : i32
    %dma_wait3A_74 = tpu.memref_slice %arg9[%dma_wait3A_72, %dma_wait3A_73] : memref<80x128xf32, #tpu.memory_space<vmem>> -> memref<40x128xf32, #tpu.memory_space<vmem>>
    %dma_wait3A_75 = arith.constant 0 : i32
    %dma_wait3A_76 = arith.constant 0 : i32
    %dma_wait3A_77 = tpu.memref_slice %arg4[%dma_wait3A_75, %dma_wait3A_76] : memref<128000x128xf32, #tpu.memory_space<hbm>> -> memref<40x128xf32, #tpu.memory_space<hbm>>
    %dma_wait3A_78 = arith.constant 0 : i32
    %dma_wait3A_79 = arith.constant 0 : i32
    %dma_wait3A_80 = tpu.memref_slice %arg4[%dma_wait3A_78, %dma_wait3A_79] : memref<128000x128xf32, #tpu.memory_space<hbm>> -> memref<40x128xf32, #tpu.memory_space<hbm>>
    %dma_wait3A_81 = arith.constant 0 : i32
    %dma_wait3A_82 = arith.constant 0 : i32
    %dma_wait3A_83 = tpu.memref_slice %arg9[%dma_wait3A_81, %dma_wait3A_82] : memref<80x128xf32, #tpu.memory_space<vmem>> -> memref<40x128xf32, #tpu.memory_space<vmem>>
    tpu.wait_dma2 semaphore(%arg15 : memref<!tpu.dma_semaphore, #tpu.memory_space<semaphore_mem>>) src(%dma_wait3A_83 : memref<40x128xf32, #tpu.memory_space<vmem>>) dst(%dma_wait3A_80 : memref<40x128xf32, #tpu.memory_space<hbm>>)
    return
  }
}

module attributes {stable_mosaic.version = 14 : i64} {
  func.func @_mlp1_body(%arg0: i32, %arg1: memref<2000x128xf32, #tpu.memory_space<vmem>>, %arg2: memref<128x128xf32, #tpu.memory_space<vmem>>, %arg3: memref<1x128xf32, #tpu.memory_space<vmem>>, %arg4: memref<2000x128xf32, #tpu.memory_space<vmem>>) attributes {dimension_semantics = [#tpu.dimension_semantics<arbitrary>], iteration_bounds = array<i64: 5>, scalar_prefetch = 0 : i64, scratch_operands = 0 : i64, tpu.core_type = #tpu.core_type<tc>, window_params = [{transform_indices = @transform_0, window_bounds = array<i64: 2000, 128>}, {pipeline_mode = #tpu.pipeline_mode<synchronous>, transform_indices = @transform_1, window_bounds = array<i64: 128, 128>}, {pipeline_mode = #tpu.pipeline_mode<synchronous>, transform_indices = @transform_2, window_bounds = array<i64: 1, 128>}, {transform_indices = @transform_3, window_bounds = array<i64: 2000, 128>}]} {
    %get3A = arith.constant 0 : index
    %get3A_0 = arith.constant 0 : index
    %get3A_1 = vector.load %arg1[%get3A, %get3A_0] : memref<2000x128xf32, #tpu.memory_space<vmem>>, vector<2000x128xf32>
    %get3A_2 = arith.constant 0 : index
    %get3A_3 = arith.constant 0 : index
    %get3A_4 = vector.load %arg2[%get3A_2, %get3A_3] : memref<128x128xf32, #tpu.memory_space<vmem>>, vector<128x128xf32>
    %dot_general3A = arith.constant dense<0.000000e+00> : vector<2000x128xf32>
    %dot_general3A_5 = tpu.matmul %get3A_1, %get3A_4, %dot_general3A {dimension_numbers = #tpu.dot_dimension_numbers<[1], [0], [0], [1], [0, 0, 1, 1], [], []>, transpose_lhs_hint = false} : vector<2000x128xf32>, vector<128x128xf32>, vector<2000x128xf32> -> vector<2000x128xf32>
    %get3A_6 = arith.constant 0 : index
    %get3A_7 = arith.constant 0 : index
    %get3A_8 = vector.load %arg3[%get3A_6, %get3A_7] : memref<1x128xf32, #tpu.memory_space<vmem>>, vector<1x128xf32>
    %mul3A = arith.constant 5.000000e-01 : f32
    %mul3A_9 = vector.broadcast %mul3A : f32 to vector<1x128xf32>
    %mul3A_10 = arith.mulf %mul3A_9, %get3A_8 : vector<1x128xf32>
    %add3A = vector.broadcast %mul3A_10 : vector<1x128xf32> to vector<2000x128xf32>
    %add3A_11 = arith.addf %dot_general3A_5, %add3A : vector<2000x128xf32>
    %swap3A = arith.constant 0 : index
    %swap3A_12 = arith.constant 0 : index
    %swap3A_13 = vector.load %arg4[%swap3A, %swap3A_12] : memref<2000x128xf32, #tpu.memory_space<vmem>>, vector<2000x128xf32>
    tpu.vector_store %arg4[%swap3A, %swap3A_12], %add3A_11 {strides = array<i32>} : memref<2000x128xf32, #tpu.memory_space<vmem>>, vector<2000x128xf32>,
    return
  }
  func.func @transform_0(%arg0: i32) -> (i32, i32) {
    %c0_i32 = arith.constant 0 : i32
    %c0_i32_0 = arith.constant 0 : i32
    return %arg0, %c0_i32 : i32, i32
  }
  func.func @transform_1(%arg0: i32) -> (i32, i32) {
    %c0_i32 = arith.constant 0 : i32
    %c0_i32_0 = arith.constant 0 : i32
    %c0_i32_1 = arith.constant 0 : i32
    return %c0_i32, %c0_i32_0 : i32, i32
  }
  func.func @transform_2(%arg0: i32) -> (i32, i32) {
    %c0_i32 = arith.constant 0 : i32
    %c0_i32_0 = arith.constant 0 : i32
    %c0_i32_1 = arith.constant 0 : i32
    return %c0_i32, %c0_i32_0 : i32, i32
  }
  func.func @transform_3(%arg0: i32) -> (i32, i32) {
    %c0_i32 = arith.constant 0 : i32
    %c0_i32_0 = arith.constant 0 : i32
    return %arg0, %c0_i32 : i32, i32
  }
}

module attributes {stable_mosaic.version = 14 : i64} {
  func.func @_mlp2_body(%arg0: i32, %arg1: memref<8000x128xf32, #tpu.memory_space<vmem>>, %arg2: memref<128x128xf32, #tpu.memory_space<vmem>>, %arg3: memref<1x128xf32, #tpu.memory_space<vmem>>, %arg4: memref<8000x128xf32, #tpu.memory_space<vmem>>) attributes {dimension_semantics = [#tpu.dimension_semantics<arbitrary>], iteration_bounds = array<i64: 12>, scalar_prefetch = 0 : i64, scratch_operands = 0 : i64, tpu.core_type = #tpu.core_type<tc>, window_params = [{transform_indices = @transform_0, window_bounds = array<i64: 8000, 128>}, {pipeline_mode = #tpu.pipeline_mode<synchronous>, transform_indices = @transform_1, window_bounds = array<i64: 128, 128>}, {pipeline_mode = #tpu.pipeline_mode<synchronous>, transform_indices = @transform_2, window_bounds = array<i64: 1, 128>}, {transform_indices = @transform_3, window_bounds = array<i64: 8000, 128>}]} {
    %get3A = arith.constant 0 : index
    %get3A_0 = arith.constant 0 : index
    %get3A_1 = vector.load %arg1[%get3A, %get3A_0] : memref<8000x128xf32, #tpu.memory_space<vmem>>, vector<8000x128xf32>
    %max3A = arith.constant 0.000000e+00 : f32
    %max3A_2 = vector.broadcast %max3A : f32 to vector<8000x128xf32>
    %max3A_3 = arith.maximumf %get3A_1, %max3A_2 : vector<8000x128xf32>
    %get3A_4 = arith.constant 0 : index
    %get3A_5 = arith.constant 0 : index
    %get3A_6 = vector.load %arg2[%get3A_4, %get3A_5] : memref<128x128xf32, #tpu.memory_space<vmem>>, vector<128x128xf32>
    %dot_general3A = arith.constant dense<0.000000e+00> : vector<8000x128xf32>
    %dot_general3A_7 = tpu.matmul %max3A_3, %get3A_6, %dot_general3A {dimension_numbers = #tpu.dot_dimension_numbers<[1], [0], [0], [1], [0, 0, 1, 1], [], []>, transpose_lhs_hint = false} : vector<8000x128xf32>, vector<128x128xf32>, vector<8000x128xf32> -> vector<8000x128xf32>
    %get3A_8 = arith.constant 0 : index
    %get3A_9 = arith.constant 0 : index
    %get3A_10 = vector.load %arg3[%get3A_8, %get3A_9] : memref<1x128xf32, #tpu.memory_space<vmem>>, vector<1x128xf32>
    %add3A = vector.broadcast %get3A_10 : vector<1x128xf32> to vector<8000x128xf32>
    %add3A_11 = arith.addf %dot_general3A_7, %add3A : vector<8000x128xf32>
    %mul3A = arith.constant 5.000000e-01 : f32
    %mul3A_12 = vector.broadcast %mul3A : f32 to vector<8000x128xf32>
    %mul3A_13 = arith.mulf %mul3A_12, %add3A_11 : vector<8000x128xf32>
    %swap3A = arith.constant 0 : index
    %swap3A_14 = arith.constant 0 : index
    %swap3A_15 = vector.load %arg4[%swap3A, %swap3A_14] : memref<8000x128xf32, #tpu.memory_space<vmem>>, vector<8000x128xf32>
    tpu.vector_store %arg4[%swap3A, %swap3A_14], %mul3A_13 {strides = array<i32>} : memref<8000x128xf32, #tpu.memory_space<vmem>>, vector<8000x128xf32>,
    return
  }
  func.func @transform_0(%arg0: i32) -> (i32, i32) {
    %c0_i32 = arith.constant 0 : i32
    %c0_i32_0 = arith.constant 0 : i32
    return %arg0, %c0_i32 : i32, i32
  }
  func.func @transform_1(%arg0: i32) -> (i32, i32) {
    %c0_i32 = arith.constant 0 : i32
    %c0_i32_0 = arith.constant 0 : i32
    %c0_i32_1 = arith.constant 0 : i32
    return %c0_i32, %c0_i32_0 : i32, i32
  }
  func.func @transform_2(%arg0: i32) -> (i32, i32) {
    %c0_i32 = arith.constant 0 : i32
    %c0_i32_0 = arith.constant 0 : i32
    %c0_i32_1 = arith.constant 0 : i32
    return %c0_i32, %c0_i32_0 : i32, i32
  }
  func.func @transform_3(%arg0: i32) -> (i32, i32) {
    %add3A = arith.constant 0 : i32
    %add3A_0 = arith.addi %add3A, %arg0 : i32
    %c0_i32 = arith.constant 0 : i32
    %c0_i32_1 = arith.constant 0 : i32
    return %add3A_0, %c0_i32 : i32, i32
  }
}

module attributes {stable_mosaic.version = 14 : i64} {
  func.func @_mlp2_body_aliased(%arg0: i32, %arg1: memref<8000x128xf32, #tpu.memory_space<vmem>>, %arg2: memref<128x128xf32, #tpu.memory_space<vmem>>, %arg3: memref<1x128xf32, #tpu.memory_space<vmem>>, %arg4: memref<320000x128xf32, #tpu.memory_space<any>>, %arg5: memref<8000x128xf32, #tpu.memory_space<vmem>>) attributes {dimension_semantics = [#tpu.dimension_semantics<arbitrary>], iteration_bounds = array<i64: 16>, scalar_prefetch = 0 : i64, scratch_operands = 0 : i64, tpu.core_type = #tpu.core_type<tc>, window_params = [{transform_indices = @transform_0, window_bounds = array<i64: 8000, 128>}, {pipeline_mode = #tpu.pipeline_mode<synchronous>, transform_indices = @transform_1, window_bounds = array<i64: 128, 128>}, {pipeline_mode = #tpu.pipeline_mode<synchronous>, transform_indices = @transform_2, window_bounds = array<i64: 1, 128>}, {}, {transform_indices = @transform_4, window_bounds = array<i64: 8000, 128>}]} {
    %get3A = arith.constant 0 : index
    %get3A_0 = arith.constant 0 : index
    %get3A_1 = vector.load %arg1[%get3A, %get3A_0] : memref<8000x128xf32, #tpu.memory_space<vmem>>, vector<8000x128xf32>
    %max3A = arith.constant 0.000000e+00 : f32
    %max3A_2 = vector.broadcast %max3A : f32 to vector<8000x128xf32>
    %max3A_3 = arith.maximumf %get3A_1, %max3A_2 : vector<8000x128xf32>
    %get3A_4 = arith.constant 0 : index
    %get3A_5 = arith.constant 0 : index
    %get3A_6 = vector.load %arg2[%get3A_4, %get3A_5] : memref<128x128xf32, #tpu.memory_space<vmem>>, vector<128x128xf32>
    %dot_general3A = arith.constant dense<0.000000e+00> : vector<8000x128xf32>
    %dot_general3A_7 = tpu.matmul %max3A_3, %get3A_6, %dot_general3A {dimension_numbers = #tpu.dot_dimension_numbers<[1], [0], [0], [1], [0, 0, 1, 1], [], []>, transpose_lhs_hint = false} : vector<8000x128xf32>, vector<128x128xf32>, vector<8000x128xf32> -> vector<8000x128xf32>
    %get3A_8 = arith.constant 0 : index
    %get3A_9 = arith.constant 0 : index
    %get3A_10 = vector.load %arg3[%get3A_8, %get3A_9] : memref<1x128xf32, #tpu.memory_space<vmem>>, vector<1x128xf32>
    %add3A = vector.broadcast %get3A_10 : vector<1x128xf32> to vector<8000x128xf32>
    %add3A_11 = arith.addf %dot_general3A_7, %add3A : vector<8000x128xf32>
    %mul3A = arith.constant 5.000000e-01 : f32
    %mul3A_12 = vector.broadcast %mul3A : f32 to vector<8000x128xf32>
    %mul3A_13 = arith.mulf %mul3A_12, %add3A_11 : vector<8000x128xf32>
    %swap3A = arith.constant 0 : index
    %swap3A_14 = arith.constant 0 : index
    %swap3A_15 = vector.load %arg5[%swap3A, %swap3A_14] : memref<8000x128xf32, #tpu.memory_space<vmem>>, vector<8000x128xf32>
    tpu.vector_store %arg5[%swap3A, %swap3A_14], %mul3A_13 {strides = array<i32>} : memref<8000x128xf32, #tpu.memory_space<vmem>>, vector<8000x128xf32>,
    return
  }
  func.func @transform_0(%arg0: i32) -> (i32, i32) {
    %c0_i32 = arith.constant 0 : i32
    %c0_i32_0 = arith.constant 0 : i32
    return %arg0, %c0_i32 : i32, i32
  }
  func.func @transform_1(%arg0: i32) -> (i32, i32) {
    %c0_i32 = arith.constant 0 : i32
    %c0_i32_0 = arith.constant 0 : i32
    %c0_i32_1 = arith.constant 0 : i32
    return %c0_i32, %c0_i32_0 : i32, i32
  }
  func.func @transform_2(%arg0: i32) -> (i32, i32) {
    %c0_i32 = arith.constant 0 : i32
    %c0_i32_0 = arith.constant 0 : i32
    %c0_i32_1 = arith.constant 0 : i32
    return %c0_i32, %c0_i32_0 : i32, i32
  }
  func.func @transform_4(%arg0: i32) -> (i32, i32) {
    %add3A = arith.constant 12 : i32
    %add3A_0 = arith.addi %add3A, %arg0 : i32
    %c0_i32 = arith.constant 0 : i32
    %c0_i32_1 = arith.constant 0 : i32
    return %add3A_0, %c0_i32 : i32, i32
  }
}

module attributes {stable_mosaic.version = 14 : i64} {
  func.func @_mlp2_body_aliased(%arg0: i32, %arg1: memref<8000x128xf32, #tpu.memory_space<vmem>>, %arg2: memref<128x128xf32, #tpu.memory_space<vmem>>, %arg3: memref<1x128xf32, #tpu.memory_space<vmem>>, %arg4: memref<320000x128xf32, #tpu.memory_space<any>>, %arg5: memref<8000x128xf32, #tpu.memory_space<vmem>>) attributes {dimension_semantics = [#tpu.dimension_semantics<arbitrary>], iteration_bounds = array<i64: 12>, scalar_prefetch = 0 : i64, scratch_operands = 0 : i64, tpu.core_type = #tpu.core_type<tc>, window_params = [{transform_indices = @transform_0, window_bounds = array<i64: 8000, 128>}, {pipeline_mode = #tpu.pipeline_mode<synchronous>, transform_indices = @transform_1, window_bounds = array<i64: 128, 128>}, {pipeline_mode = #tpu.pipeline_mode<synchronous>, transform_indices = @transform_2, window_bounds = array<i64: 1, 128>}, {}, {transform_indices = @transform_4, window_bounds = array<i64: 8000, 128>}]} {
    %get3A = arith.constant 0 : index
    %get3A_0 = arith.constant 0 : index
    %get3A_1 = vector.load %arg1[%get3A, %get3A_0] : memref<8000x128xf32, #tpu.memory_space<vmem>>, vector<8000x128xf32>
    %max3A = arith.constant 0.000000e+00 : f32
    %max3A_2 = vector.broadcast %max3A : f32 to vector<8000x128xf32>
    %max3A_3 = arith.maximumf %get3A_1, %max3A_2 : vector<8000x128xf32>
    %get3A_4 = arith.constant 0 : index
    %get3A_5 = arith.constant 0 : index
    %get3A_6 = vector.load %arg2[%get3A_4, %get3A_5] : memref<128x128xf32, #tpu.memory_space<vmem>>, vector<128x128xf32>
    %dot_general3A = arith.constant dense<0.000000e+00> : vector<8000x128xf32>
    %dot_general3A_7 = tpu.matmul %max3A_3, %get3A_6, %dot_general3A {dimension_numbers = #tpu.dot_dimension_numbers<[1], [0], [0], [1], [0, 0, 1, 1], [], []>, transpose_lhs_hint = false} : vector<8000x128xf32>, vector<128x128xf32>, vector<8000x128xf32> -> vector<8000x128xf32>
    %get3A_8 = arith.constant 0 : index
    %get3A_9 = arith.constant 0 : index
    %get3A_10 = vector.load %arg3[%get3A_8, %get3A_9] : memref<1x128xf32, #tpu.memory_space<vmem>>, vector<1x128xf32>
    %add3A = vector.broadcast %get3A_10 : vector<1x128xf32> to vector<8000x128xf32>
    %add3A_11 = arith.addf %dot_general3A_7, %add3A : vector<8000x128xf32>
    %mul3A = arith.constant 5.000000e-01 : f32
    %mul3A_12 = vector.broadcast %mul3A : f32 to vector<8000x128xf32>
    %mul3A_13 = arith.mulf %mul3A_12, %add3A_11 : vector<8000x128xf32>
    %swap3A = arith.constant 0 : index
    %swap3A_14 = arith.constant 0 : index
    %swap3A_15 = vector.load %arg5[%swap3A, %swap3A_14] : memref<8000x128xf32, #tpu.memory_space<vmem>>, vector<8000x128xf32>
    tpu.vector_store %arg5[%swap3A, %swap3A_14], %mul3A_13 {strides = array<i32>} : memref<8000x128xf32, #tpu.memory_space<vmem>>, vector<8000x128xf32>,
    return
  }
  func.func @transform_0(%arg0: i32) -> (i32, i32) {
    %c0_i32 = arith.constant 0 : i32
    %c0_i32_0 = arith.constant 0 : i32
    return %arg0, %c0_i32 : i32, i32
  }
  func.func @transform_1(%arg0: i32) -> (i32, i32) {
    %c0_i32 = arith.constant 0 : i32
    %c0_i32_0 = arith.constant 0 : i32
    %c0_i32_1 = arith.constant 0 : i32
    return %c0_i32, %c0_i32_0 : i32, i32
  }
  func.func @transform_2(%arg0: i32) -> (i32, i32) {
    %c0_i32 = arith.constant 0 : i32
    %c0_i32_0 = arith.constant 0 : i32
    %c0_i32_1 = arith.constant 0 : i32
    return %c0_i32, %c0_i32_0 : i32, i32
  }
  func.func @transform_4(%arg0: i32) -> (i32, i32) {
    %add3A = arith.constant 28 : i32
    %add3A_0 = arith.addi %add3A, %arg0 : i32
    %c0_i32 = arith.constant 0 : i32
    %c0_i32_1 = arith.constant 0 : i32
    return %add3A_0, %c0_i32 : i32, i32
  }
}

</mosaic_0001>

<sc_bundles>
// kernel: kernel.12.cloned.1.call-start
scs
__scs_entry_jumppad:
0x0: {  	(pc) =	sbr.rel $0x88, $3  }
0x1: {  	(tag) =	ssettag $0x0;
	lr =	simm.s32 $0x1  }
0x2: {  	[smem:$0x3F9B] =	sst lr;
	_ =	strace $0xD0000000  }
0x3: {  	_ = 	snop  }
0x4: {  	_ = 	snop  }
0x5: {  	_ = 	snop  }
0x6: {  	_ = 	snop  }
0x7: {  	_ = 	snop  }
__scs_overlays_trampoline_lowered:
0x8: {  	[smem:$0x3FAA] =	sst s0  }
0x9: {  	[smem:$0x3FAB] =	sst s1  }
0xa: {  	[smem:$0x3FAC] =	sst s2  }
0xb: {  	[smem:$0x3FAD] =	sst s3  }
0xc: {  	[smem:$0x3FAE] =	sst s4  }
0xd: {  	[smem:$0x3FAF] =	sst s5  }
0xe: {  	[smem:$0x3FB0] =	sst s6  }
0xf: {  	[smem:$0x3FB1] =	sst s7  }
0x10: {  	[smem:$0x3FB2] =	sst s8  }
0x11: {  	[smem:$0x3FB3] =	sst s9;
	s0 =	simm.s32 @!p0 $0x0  }
0x12: {  	s1 =	sld [smem:$0x3F99];
	s0 =	simm.s32 @p0 $0x1  }
0x13: {  	[smem:$0x3FB4] =	sst s0;
	s0 =	simm.s32 @!p1 $0x0  }
0x14: {  	s2 =	sld [smem:$0x3F98];
	s0 =	simm.s32 @p1 $0x1  }
0x15: {  	[smem:$0x3FB5] =	sst s0;
	s0 =	simm.s32 @!p2 $0x0  }
0x16: {  	s3 =	sld [smem:$0x3FDB];
	s0 =	simm.s32 @p2 $0x1  }
0x17: {  	s4 =	simm.s32 $0x1BF5;
	[smem:$0x3FB7] =	sst s0  }
0x18: {  	s0 =	sld [smem:$0x3F9A];
	_ =	swait.ge [sflag:s4], $0x0  }
0x19: {  	s7 =	sld [smem:$0x3F9B]  }
0x1a: {  	s8 =	sadd.s32 $0xFFFFE003, lr  }
0x1b: {  	s9 =	sadd.s32 $0xFFFFFEF7, lr;
	s5 =	simm.s32 $0xFFFFFFFF;
	p2 =	slt.u32 s8, $0xFFFFF086  }
0x1c: {  	p1 =	slt.u32 s9, $0xF7A;
	s5 =	simm.s32 @!p2 $0x0  }
0x1d: {  	s5 =	simm.s32 @p1 $0x1;
	p0 =	seq.s32 s7, s2  }
0x1e: {  	s7 =	smul.u32 @!p0 $0xF7A, s2;
	p2 =	seq.s32 @!p0 s5, $0x0  }
0x1f: {  	s9 =	smul.u32 $0xF7A, s1;
	s8 =	simm.s32 @!p0 $0x1BF5;
	p2 =	por !p2, p0  }
0x20: {  	[sflag:s8] =	ssyncset.s32 @!p0 $0xFFFFF086;
	s6 =	sadd.s32 @!p0 s3, s7;
	s7 =	simm.s32 @!p0 $0x108  }
0x21: {  	s3 =	sadd.s32 s3, s9;
	s6 =	sadd.s32 @!p0 $0x88, s6;
	s7 =	simm.s32 @p2 $0x1082  }
0x22: {  	[simem:s7], [sflag:s8] =	dma.local @!p0 [hbm:s6], $0xF7A  }
0x23: {  	s9 =	sor.u32 $0xD0000000, s2;
	s6 =	simm.s32 $0x108;
	_ =	swait.ge @!p0 [sflag:s8], $0x0  }
0x24: {  	s3 =	sadd.s32 $0x88, s3;
	s6 =	simm.s32 @!p1 $0x1082;
	[sflag:s4] =	ssyncset.s32 $0xFFFFF086  }
0x25: {  	[simem:s6], [sflag:s4] =	dma.local [hbm:s3], $0xF7A  }
0x26: {  	[smem:$0x3F9B] =	sst s1;
	(tag) =	ssettag s2;
	_ =	strace s9  }
0x27: {  	s1 =	sld [smem:$0x3FAB]  }
0x28: {  	s2 =	sld [smem:$0x3FAC]  }
0x29: {  	s4 =	sld [smem:$0x3FAE]  }
0x2a: {  	p0 =	seq.s32 s5, $0x0;
	s5 =	sld [smem:$0x3FAF]  }
0x2b: {  	s6 =	sld [smem:$0x3FB0]  }
0x2c: {  	s7 =	sld [smem:$0x3FB1]  }
0x2d: {  	s3 =	simm.s32 $0x108;
	s8 =	sld [smem:$0x3FB2]  }
0x2e: {  	s3 =	simm.s32 @!p0 $0x1082;
	s9 =	sld [smem:$0x3FB3]  }
0x2f: {  	lr =	sadd.s32 s0, s3;
	s0 =	sld [smem:$0x3FAA]  }
0x30: {  	s3 =	sld [smem:$0x3FAD]  }
0x31: {  	[smem:$0x3FB6] =	sst s10  }
0x32: {  	s10 =	sld [smem:$0x3FB4];
	_ =	sdelay $0x3  }
0x33: {  	p0 =	seq.s32 s10, $0x1;
	s10 =	sld [smem:$0x3FB6];
	_ =	sdelay $0x3  }
0x34: {  	[smem:$0x3FB6] =	sst s10  }
0x35: {  	s10 =	sld [smem:$0x3FB5];
	_ =	sdelay $0x3  }
0x36: {  	p1 =	seq.s32 s10, $0x1;
	s10 =	sld [smem:$0x3FB6];
	_ =	sdelay $0x3  }
0x37: {  	[smem:$0x3FB6] =	sst s10  }
0x38: {  	s10 =	sld [smem:$0x3FB7]  }
0x39: {  	_ = 	snop;
	(pc) =	sbr.ind lr, $3  }
0x3a: {  	_ = 	snop  }
0x3b: {  	_ = 	snop  }
0x3c: {  	p2 =	seq.s32 s10, $0x1;
	s10 =	sld [smem:$0x3FB6]  }
0x3d: {  	_ =	shalt  }
0x3e: {  	_ =	shalt  }
0x3f: {  	_ =	shalt  }
0x40: {  	_ =	shalt  }
0x41: {  	_ =	shalt  }
0x42: {  	_ =	shalt  }
0x43: {  	_ =	shalt  }
0x44: {  	_ =	shalt  }
0x45: {  	_ =	shalt  }
0x46: {  	_ =	shalt  }
0x47: {  	_ =	shalt  }
0x48: {  	_ =	shalt  }
0x49: {  	_ =	shalt  }
0x4a: {  	_ =	shalt  }
0x4b: {  	_ =	shalt  }
0x4c: {  	_ =	shalt  }
0x4d: {  	_ =	shalt  }
0x4e: {  	_ =	shalt  }
0x4f: {  	_ =	shalt  }
0x50: {  	_ =	shalt  }
0x51: {  	_ =	shalt  }
0x52: {  	_ =	shalt  }
0x53: {  	_ =	shalt  }
0x54: {  	_ =	shalt  }
0x55: {  	_ =	shalt  }
0x56: {  	_ =	shalt  }
0x57: {  	_ =	shalt  }
0x58: {  	_ =	shalt  }
0x59: {  	_ =	shalt  }
0x5a: {  	_ =	shalt  }
0x5b: {  	_ =	shalt  }
0x5c: {  	_ =	shalt  }
0x5d: {  	_ =	shalt  }
0x5e: {  	_ =	shalt  }
0x5f: {  	_ =	shalt  }
0x60: {  	_ =	shalt  }
0x61: {  	_ =	shalt  }
0x62: {  	_ =	shalt  }
0x63: {  	_ =	shalt  }
0x64: {  	_ =	shalt  }
0x65: {  	_ =	shalt  }
0x66: {  	_ =	shalt  }
0x67: {  	_ =	shalt  }
0x68: {  	_ =	shalt  }
0x69: {  	_ =	shalt  }
0x6a: {  	_ =	shalt  }
0x6b: {  	_ =	shalt  }
0x6c: {  	_ =	shalt  }
0x6d: {  	_ =	shalt  }
0x6e: {  	_ =	shalt  }
0x6f: {  	_ =	shalt  }
0x70: {  	_ =	shalt  }
0x71: {  	_ =	shalt  }
0x72: {  	_ =	shalt  }
0x73: {  	_ =	shalt  }
0x74: {  	_ =	shalt  }
0x75: {  	_ =	shalt  }
0x76: {  	_ =	shalt  }
0x77: {  	_ =	shalt  }
0x78: {  	_ =	shalt  }
0x79: {  	_ =	shalt  }
0x7a: {  	_ =	shalt  }
0x7b: {  	_ =	shalt  }
0x7c: {  	_ =	shalt  }
0x7d: {  	_ =	shalt  }
0x7e: {  	_ =	shalt  }
0x7f: {  	_ =	shalt  }
0x80: {  	_ =	shalt  }
0x81: {  	_ =	shalt  }
0x82: {  	_ =	shalt  }
0x83: {  	_ =	shalt  }
0x84: {  	_ =	shalt  }
0x85: {  	_ =	shalt  }
0x86: {  	_ =	shalt  }
0x87: {  	_ =	shalt  }
.Lfunc_end0:
.L_simem_size_0:
called_computation.1_lowered:
.L_overlay_start_0:
0x88: {  	s2 =	sld [smem:$0x3FD9]  }
0x89: {  	s3 =	sld [smem:$0x3FFE];
	_ =	sdelay $0x1  }
0x8a: {  	s1 =	srdreg.scid  }
0x8b: {  	s0 =	sand.u32 $0x1, s1  }
0x8c: {  	s17 =	sshll.u32 s0, $0xA;
	s2 =	sadd.s32 s3, s2  }
0x8d: {  	s2 =	sadd.s32 s2, s17  }
0x8e: {  	[smem:$0x3FC2] =	sst s2  }
0x8f: {  	_ = 	snop  }
0x90: {  	(tm) =	ssettm $0x1  }
0x91: {  	s18 =	sld [smem:$0x3FFB];
	_ =	sdelay $0x3  }
0x92: {  	_ =	strace s18  }
0x93: {  	s2 =	sld [smem:$0x3FFC];
	_ =	sdelay $0x3  }
0x94: {  	_ =	strace s2  }
0x95: {  	s2 =	sld [smem:$0x3FFD];
	_ =	sdelay $0x3  }
0x96: {  	_ =	strace s2  }
0x97: {  	_ =	strace $0x8FFFFFFF  }
0x98: {  	s19 =	sld [smem:$0x3FDB];
	_ =	sdelay $0x1  }
0x99: {  	s20 =	simm.s32 $_scs_section_size  }
0x9a: {  	s4 =	simm.s32 $_size__tile_overlayer_lowered;
	s5 =	simm.s32 $_tile_overlayer_lowered  }
0x9b: {  	s6 =	simm.s32 $0x1BFF;
	s21 =	sshll.u32 s5, $0x1;
	s3 =	sadd.s32 s20, s19  }
0x9c: {  	s22 =	simm.s32 $0x0;
	s4 =	sshll.u32 s4, $0x1;
	s5 =	sadd.s32 s21, s3  }
0x9d: {  	[timem:s22], [sflag:s6] =	dma.local [hbm:s5], s4  }
0x9e: {  	_ =	swait.ge [sflag:s6], s4  }
0x9f: {  	s4 =	ssub.s32 $0x0, s4;
	[sflag:s6] =	ssyncset.done $0x0  }
0xa0: {  	[sflag:s6] =	ssyncadd.s32 s4;
	_ =	sdelay $0x1  }
0xa1: {  	s23 =	simm.s32 $0x1B8B  }
0xa2: {  	_ =	swait.ge [sflag:s23], $0x1  }
0xa3: {  	[sflag:s23] =	ssyncset.done $0x0  }
0xa4: {  	[sflag:s23] =	ssyncadd.s32 $0xFFFFFFFF  }
0xa5: {  	s4 =	sld [smem:$0x0]  }
0xa6: {  	s5 =	sand.u32 $0xFFFFFFFE, s1  }
0xa7: {  	p0 =	sne.s32 s1, s5  }
0xa8: {  	s5 =	sshll.u32 @p0 s5, $0xE  }
0xa9: {  	s5 =	sadd.s32 @p0 $0x11B8D, s5;
	s6 =	sshll.u32 @p0 s4, $0x11  }
0xaa: {  	s5 =	sor.u32 @p0 s6, s5  }
0xab: {  	[sflag:s5] =	ssyncadd.remote.s32 @p0 $0x1;
	_ =	sdelay $0x1  }
0xac: {  	s5 =	simm.s32 @p0 $0x1B8D  }
0xad: {  	_ =	swait.eq @p0 [sflag:s5], $0x1  }
0xae: {  	[sflag:s5] =	ssyncadd.s32 @p0 $0xFFFFFFFF  }
0xaf: {  	s6 =	sshll.u32 @!p0 s1, $0xE  }
0xb0: {  	s6 =	sor.u32 @!p0 $0x4000, s6;
	s5 =	simm.s32 @!p0 $0x1B8D  }
0xb1: {  	s4 =	sshll.u32 @!p0 s4, $0x11;
	s6 =	sadd.s32 @!p0 $0x11B8D, s6;
	_ =	swait.eq @!p0 [sflag:s5], $0x1  }
0xb2: {  	s4 =	sor.u32 @!p0 s4, s6;
	[sflag:s5] =	ssyncadd.s32 @!p0 $0xFFFFFFFF  }
0xb3: {  	s25 =	simm.s32 $0x1B8E;
	s24 =	sld [smem:$0x3FFE];
	[sflag:s4] =	ssyncadd.remote.s32 @!p0 $0x1  }
0xb4: {  	s26 =	simm.s32 $execute0_lowered;
	[smem:$0x3FD2] =	sst s25  }
0xb5: {  	s5 =	sshll.u32 s26, $0x1;
	_ =	strace $0x80000049;
	[dreg:$0x1] =	wrdreg $0xFFFFFFFF  }
0xb6: {  	s28 =	simm.s32 $_size_execute0_lowered;
	s3 =	sadd.s32 s3, s5;
	[dreg:$0x0] =	wrdreg $0x0  }
0xb7: {  	s5 =	sshll.u32 s28, $0x1;
	[dreg:$0x2] =	wrdreg s3  }
0xb8: {  	[dreg:$0x3] =	wrdreg s5  }
0xb9: {  	[dreg:$0x4] =	wrdreg $0xC0  }
0xba: {  	_ =	task [dreg:s22], $0x5FFFF  }
0xbb: {  	[dreg:$0x1] =	wrdreg $0xFFFFFFFF  }
0xbc: {  	[dreg:$0x0] =	wrdreg $0x60  }
0xbd: {  	[dreg:$0x2] =	wrdreg s24  }
0xbe: {  	[dreg:$0x3] =	wrdreg $0x34000  }
0xbf: {  	[dreg:$0x4] =	wrdreg $0xA  }
0xc0: {  	_ =	task.clear_ibuf [dreg:s22], $0x5FFFF;
	_ =	strace $0x90000049  }
0xc1: {  	s29 =	simm.s32 $0xA;
	_ =	strace $0x8000004B  }
0xc2: {  	_ =	swait.ge [sflag:s29], $0x1  }
0xc3: {  	[sflag:s29] =	ssyncadd.s32 $0xFFFFFFFF  }
0xc4: {  	_ =	strace $0x9000004B  }
0xc5: {  	_ =	sfence  }
0xc6: {  	s30 =	sld [smem:$0x0];
	_ =	sdelay $0x2  }
0xc7: {  	s31 =	sshll.u32 s1, $0xD;
	s1 =	sshrl.u32 s1, $0x2  }
0xc8: {  	s4 =	sand.u32 $0x4000, s31;
	s1 =	sadd.s32 s1, s30  }
0xc9: {  	s0 =	sor.u32 s4, s0;
	s1 =	sshll.u32 s1, $0x11  }
0xca: {  	s0 =	sor.u32 s1, s0  }
0xcb: {  	s0 =	sadd.s32 $0x8F2B, s0  }
0xcc: {  	[sflag:s0] =	ssyncadd.remote.s32 $0x1  }
0xcd: {  	_ =	sfence.sel $0xFFFF  }
0xce: {  	[dreg:$0x0] =	wrdreg $0xFFFFFFFF;
	(pc) =	sbr.abs _section_cstart, $3  }
0xcf: {  	[dreg:$0x1] =	wrdreg $0xFFFFFFFF  }
0xd0: {  	_ =	task.clear_ibuf [dreg:s22], $0x2FFFF;
	_ =	strace $0x9FFFFFFF  }
0xd1: {  	(tm) =	ssettm $0x7FFFFFFF  }
tec
execute0_lowered:
.L_overlay_start_1:
0x0: {  	(tag) =	ssettag $0x1  }
0x1: {  	s0 =	rddreg [dreg:$0x0]  }
0x2: {  	s1 =	rddreg [dreg:$0x1]  }
0x3: {  	s12 =	stileid.u32;
	s2 =	srdreg.scid  }
0x4: {  	s15 =	simm.s32 $0x50;
	s16 =	simm.s32 $0x16C80;
	s18 =	simm.s32 $0x19480  }
0x5: {  	s19 =	simm.s32 $0x1BC80;
	s20 =	simm.s32 $0x1;
	s21 =	simm.s32 $0x4  }
0x6: {  	s22 =	simm.s32 $0x2;
	s23 =	simm.s32 $0x3;
	s24 =	simm.s32 $0x5  }
0x7: {  	s25 =	simm.s32 $0x6;
	s26 =	simm.s32 $0x0;
	s3 =	sand.u32 $0x1, s2  }
0x8: {  	s4 =	sshll.u32 s12, $0x1;
	s2 =	simm.s32 $0x0;
	s5 =	smul.u32 $0x2700, s12  }
0x9: {  	s9 =	smul.u32 $0x4E000, s12;
	s30 =	sshll.u32 s12, $0x6;
	s14 =	sadd.s32 $0x138000, s1  }
0xa: {  	p0 =	sne.s32 s12, $0x0;
	s6 =	sor.u32 s3, s4;
	[smem:$0x7FF] =	sst s2  }
0xb: {  	s7 =	ssub.s32 $0x2, s3;
	s3 =	sadd.s32 $0x1AC000, s0;
	s14 =	sshrl.u32 @!p0 s14, $0x3  }
0xc: {  	s4 =	smul.u32 $0x680, s6;
	_ =	strace $0x8000004A;
	s5 =	sadd.s32 s5, s0  }
0xd: {  	s28 =	sshrl.u32 s7, $0x1;
	s29 =	sshrl.u32 s9, $0x2;
	s10 =	smul.u32 $0x7D000, s6  }
0xe: {  	s11 =	ssub.s32 s7, s28;
	s13 =	sadd.s32 s29, s1;
	s5 =	sadd.s32 $0xE00, s5  }
0xf: {  	s7 =	sadd.s32 $0x27E00, s0;
	s8 =	sadd.s32 s4, s0;
	s4 =	smul.u32 $0xFA0, s6  }
0x10: {  	s6 =	sor.u32 $0x1C07, s30;
	s31 =	sshrl.u32 s10, $0x3;
	s11 =	smax.u32 s11, $0x1  }
0x11: {  	s12 =	sshrl.u32 s13, $0x3;
	s13 =	simm.s32 $0x7;
	s0 =	sadd.s32 s3, s31  }
0x12: {  	s8 =	sadd.s32 $0x19F000, s8;
	s9 =	sadd.s32 $0x28, s4;
	s10 =	sadd.s32 $0xF780, s0  }
.LBB2_1:
0x13: {  	[spmem:s12], [sflag:s6] =	dma.local [hbm:s5], $0x2700  }
0x14: {  	_ =	swait.ge [sflag:s13], $0x2700  }
0x15: {  	[sflag:s13] =	ssyncset.done $0x0  }
0x16: {  	s0 =	simm.s32 @!p0 $0x7;
	[sflag:s13] =	ssyncadd.s32 $0xFFFFD900  }
0x17: {  	[spmem:s14], [sflag:s6] =	dma.local @!p0 [hbm:s7], $0x100  }
0x18: {  	_ =	swait.ge @!p0 [sflag:s0], $0x100  }
0x19: {  	[sflag:s0] =	ssyncset.done @!p0 $0x0  }
0x1a: {  	[sflag:s0] =	ssyncadd.s32 @!p0 $0xFFFFFF00  }
0x1b: {  	[tilespmem:s2], [sflag:$0x7] =	stream.linear.gather [hbm4b:s8+s2], $0x3200, $0x38;
	[tilespmem:$0x1E480] =	vst v63  }
0x1c: {  	_ =	swait.ge [sflag:s13], $0x3200  }
0x1d: {  	[sflag:s13] =	ssyncset.done $0x0  }
0x1e: {  	[sflag:s13] =	ssyncadd.s32 $0xFFFFCE00  }
0x1f: {  	[bflag:$0x0] =	sbarrier.arrive $0xFFFF  }
0x20: {  	[tilespmem:s16], [sflag:$0x1] =	stream.indirect.gather [spmem:s1], $0x80, s2, s15, $0xb8;
	[tilespmem:$0x1E480] =	vst v63  }
0x21: {  	s31 =	simm.s32 $0x80;
	s28 =	simm.s32 $0x0  }
0x22: {  	[tilespmem:s18], [sflag:$0x2] =	stream.indirect.gather [spmem:s1], $0x80, s31, s15, $0xb8;
	[tilespmem:$0x1E480] =	vst v63  }
.LBB2_2:
0x23: {  	s0 =	smul.u32 $0x3, s28;
	p1 =	seq.s32 s28, $0x0  }
0x24: {  	s17 =	simm.s32 @!p1 $0x6  }
0x25: {  	s29 =	sadd.s32 $0x2, s0;
	_ =	swait.ge @!p1 [sflag:s17], $0x1400  }
0x26: {  	[sflag:s17] =	ssyncset.done @!p1 $0x0;
	s0 =	sshll.u32 s29, $0x7  }
0x27: {  	[sflag:s17] =	ssyncadd.s32 @!p1 $0xFFFFEC00;
	s0 =	sand.u32 $0x3FFFFF80, s0  }
0x28: {  	[tilespmem:s19], [sflag:$0x3] =	stream.indirect.gather [spmem:s1], $0x80, s0, s15, $0xb8;
	[tilespmem:$0x1E480] =	vst v63  }
0x29: {  	_ =	swait.ge [sflag:s20], $0x2800  }
0x2a: {  	[sflag:s20] =	ssyncset.done $0x0  }
0x2b: {  	s30 =	simm.s32 $0x18080;
	[sflag:s20] =	ssyncadd.s32 $0xFFFFD800  }
0x2c: {  	v1 =	vld [tilespmem:s30+$0x50]  }
0x2d: {  	v0 =	vld [tilespmem:s30+$0x0]  }
0x2e: {  	v2 =	vld [tilespmem:s30+$0x1D0]  }
0x2f: {  	v3 =	vld [tilespmem:s30+$0x1C0]  }
0x30: {  	v4 =	vld [tilespmem:s30+$0x1F0]  }
0x31: {  	v5 =	vld [tilespmem:s30+$0x1E0]  }
0x32: {  	v6 =	vld [tilespmem:s30+$0x60]  }
0x33: {  	v7 =	vld [tilespmem:s30+$0x1A0]  }
0x34: {  	v55 =	vld [tilespmem:s30+$0x20]  }
0x35: {  	v56 =	vld [tilespmem:s30+$0x30]  }
0x36: {  	v8 =	vld [tilespmem:s30+$0x170]  }
0x37: {  	v57 =	vld [tilespmem:s30+$0x150]  }
0x38: {  	v58 =	vld [tilespmem:s30+$0x140]  }
0x39: {  	v9 =	vld [tilespmem:s30+$0x130]  }
0x3a: {  	v10 =	vld [tilespmem:s30+$0x120]  }
0x3b: {  	v59 =	vld [tilespmem:s30+$0xA0]  }
0x3c: {  	v60 =	vld [tilespmem:s30+$0xB0]  }
0x3d: {  	v61 =	vld [tilespmem:s30+$0xC0]  }
0x3e: {  	v62 =	vld [tilespmem:s30+$0x110]  }
0x3f: {  	v11 =	vld [tilespmem:s30+$0x100]  }
0x40: {  	v12 =	vld [tilespmem:s30+$0xF0]  }
0x41: {  	v13 =	vld [tilespmem:s30+$0xE0]  }
0x42: {  	v14 =	vld [tilespmem:s30+$0xD0]  }
0x43: {  	v63 =	vld [tilespmem:s30+$0x40]  }
0x44: {  	[tilespmem:s30+$0xFFFFEC00] =	vst.add.f32.msk $0xffff, v0  }
0x45: {  	[tilespmem:s30+$0xFFFFEDF0] =	vst.add.f32.msk $0xffff, v4  }
0x46: {  	[tilespmem:s30+$0xFFFFEDE0] =	vst.add.f32.msk $0xffff, v5  }
0x47: {  	v0 =	vld [tilespmem:s30+$0x1B0]  }
0x48: {  	[tilespmem:s30+$0xFFFFEDD0] =	vst.add.f32.msk $0xffff, v2  }
0x49: {  	[tilespmem:s30+$0xFFFFEDC0] =	vst.add.f32.msk $0xffff, v3  }
0x4a: {  	v2 =	vld [tilespmem:s30+$0x190]  }
0x4b: {  	v3 =	vld [tilespmem:s30+$0x180]  }
0x4c: {  	[tilespmem:s30+$0xFFFFEDA0] =	vst.add.f32.msk $0xffff, v7  }
0x4d: {  	[tilespmem:s30+$0xFFFFED70] =	vst.add.f32.msk $0xffff, v8  }
0x4e: {  	[tilespmem:s30+$0xFFFFED50] =	vst.add.f32.msk $0xffff, v57  }
0x4f: {  	[tilespmem:s30+$0xFFFFED40] =	vst.add.f32.msk $0xffff, v58  }
0x50: {  	[tilespmem:s30+$0xFFFFED30] =	vst.add.f32.msk $0xffff, v9  }
0x51: {  	[tilespmem:s30+$0xFFFFED20] =	vst.add.f32.msk $0xffff, v10  }
0x52: {  	[tilespmem:s30+$0xFFFFED10] =	vst.add.f32.msk $0xffff, v62  }
0x53: {  	[tilespmem:s30+$0xFFFFED00] =	vst.add.f32.msk $0xffff, v11  }
0x54: {  	[tilespmem:s30+$0xFFFFECF0] =	vst.add.f32.msk $0xffff, v12  }
0x55: {  	[tilespmem:s30+$0xFFFFECE0] =	vst.add.f32.msk $0xffff, v13  }
0x56: {  	[tilespmem:s30+$0xFFFFECD0] =	vst.add.f32.msk $0xffff, v14  }
0x57: {  	[tilespmem:s30+$0xFFFFECC0] =	vst.add.f32.msk $0xffff, v61  }
0x58: {  	[tilespmem:s30+$0xFFFFECB0] =	vst.add.f32.msk $0xffff, v60  }
0x59: {  	[tilespmem:s30+$0xFFFFECA0] =	vst.add.f32.msk $0xffff, v59  }
0x5a: {  	[tilespmem:s30+$0xFFFFEC60] =	vst.add.f32.msk $0xffff, v6  }
0x5b: {  	[tilespmem:s30+$0xFFFFED90] =	vst.add.f32.msk $0xffff, v2  }
0x5c: {  	[tilespmem:s30+$0xFFFFED80] =	vst.add.f32.msk $0xffff, v3  }
0x5d: {  	v3 =	vld [tilespmem:s30+$0x160]  }
0x5e: {  	v2 =	vld [tilespmem:s30+$0x90]  }
0x5f: {  	[tilespmem:s30+$0xFFFFEC50] =	vst.add.f32.msk $0xffff, v1  }
0x60: {  	[tilespmem:s30+$0xFFFFEC40] =	vst.add.f32.msk $0xffff, v63  }
0x61: {  	[tilespmem:s30+$0xFFFFEDB0] =	vst.add.f32.msk $0xffff, v0  }
0x62: {  	[tilespmem:s30+$0xFFFFED60] =	vst.add.f32.msk $0xffff, v3  }
0x63: {  	[tilespmem:s30+$0xFFFFEC90] =	vst.add.f32.msk $0xffff, v2  }
0x64: {  	v3 =	vld [tilespmem:s30+$0x80]  }
0x65: {  	v2 =	vld [tilespmem:s30+$0x70]  }
0x66: {  	v0 =	vld [tilespmem:s30+$0x10]  }
0x67: {  	[tilespmem:s30+$0xFFFFEC30] =	vst.add.f32.msk $0xffff, v56  }
0x68: {  	[tilespmem:s30+$0xFFFFEC20] =	vst.add.f32.msk $0xffff, v55  }
0x69: {  	[tilespmem:s30+$0xFFFFEC80] =	vst.add.f32.msk $0xffff, v3  }
0x6a: {  	s0 =	simm.s32 $0x0;
	[tilespmem:s30+$0xFFFFEC70] =	vst.add.f32.msk $0xffff, v2  }
.LBB2_3:
0x6b: {  	s0 =	sadd.s32 $0x4, s0;
	[tilespmem:s30+$0xFFFFEC10] =	vst.add.f32.msk $0xffff, v0;
	s30 =	sadd.s32 $0x200, s30  }
0x6c: {  	v1 =	vld [tilespmem:s30+$0x50];
	p1 =	slt.u32 s0, $0x24  }
0x6d: {  	v0 =	vld [tilespmem:s30+$0x0]  }
0x6e: {  	v2 =	vld [tilespmem:s30+$0x1D0]  }
0x6f: {  	v3 =	vld [tilespmem:s30+$0x1C0]  }
0x70: {  	v4 =	vld [tilespmem:s30+$0x1F0]  }
0x71: {  	v5 =	vld [tilespmem:s30+$0x1E0]  }
0x72: {  	[tilespmem:s30+$0xFFFFEC00] =	vst.add.f32.msk $0xffff, v0  }
0x73: {  	v6 =	vld [tilespmem:s30+$0x60]  }
0x74: {  	v7 =	vld [tilespmem:s30+$0x1A0]  }
0x75: {  	[tilespmem:s30+$0xFFFFEDF0] =	vst.add.f32.msk $0xffff, v4  }
0x76: {  	[tilespmem:s30+$0xFFFFEDE0] =	vst.add.f32.msk $0xffff, v5  }
0x77: {  	v0 =	vld [tilespmem:s30+$0x1B0]  }
0x78: {  	v4 =	vld [tilespmem:s30+$0x20]  }
0x79: {  	v5 =	vld [tilespmem:s30+$0x30]  }
0x7a: {  	[tilespmem:s30+$0xFFFFEDD0] =	vst.add.f32.msk $0xffff, v2  }
0x7b: {  	[tilespmem:s30+$0xFFFFEDC0] =	vst.add.f32.msk $0xffff, v3  }
0x7c: {  	[tilespmem:s30+$0xFFFFEDB0] =	vst.add.f32.msk $0xffff, v0  }
0x7d: {  	v2 =	vld [tilespmem:s30+$0x190]  }
0x7e: {  	v3 =	vld [tilespmem:s30+$0x180]  }
0x7f: {  	v8 =	vld [tilespmem:s30+$0x170]  }
0x80: {  	v0 =	vld [tilespmem:s30+$0x10]  }
0x81: {  	[tilespmem:s30+$0xFFFFEDA0] =	vst.add.f32.msk $0xffff, v7  }
0x82: {  	[tilespmem:s30+$0xFFFFED90] =	vst.add.f32.msk $0xffff, v2  }
0x83: {  	[tilespmem:s30+$0xFFFFED80] =	vst.add.f32.msk $0xffff, v3  }
0x84: {  	[tilespmem:s30+$0xFFFFED70] =	vst.add.f32.msk $0xffff, v8  }
0x85: {  	v2 =	vld [tilespmem:s30+$0x90]  }
0x86: {  	v3 =	vld [tilespmem:s30+$0x160]  }
0x87: {  	v7 =	vld [tilespmem:s30+$0x150]  }
0x88: {  	v8 =	vld [tilespmem:s30+$0x140]  }
0x89: {  	v9 =	vld [tilespmem:s30+$0x130]  }
0x8a: {  	v10 =	vld [tilespmem:s30+$0x120]  }
0x8b: {  	[tilespmem:s30+$0xFFFFED60] =	vst.add.f32.msk $0xffff, v3  }
0x8c: {  	[tilespmem:s30+$0xFFFFED50] =	vst.add.f32.msk $0xffff, v7  }
0x8d: {  	[tilespmem:s30+$0xFFFFED40] =	vst.add.f32.msk $0xffff, v8  }
0x8e: {  	[tilespmem:s30+$0xFFFFED30] =	vst.add.f32.msk $0xffff, v9  }
0x8f: {  	[tilespmem:s30+$0xFFFFED20] =	vst.add.f32.msk $0xffff, v10  }
0x90: {  	[tilespmem:s30+$0xFFFFEC90] =	vst.add.f32.msk $0xffff, v2  }
0x91: {  	v2 =	vld [tilespmem:s30+$0x70]  }
0x92: {  	v3 =	vld [tilespmem:s30+$0x80]  }
0x93: {  	v7 =	vld [tilespmem:s30+$0xA0]  }
0x94: {  	v8 =	vld [tilespmem:s30+$0xB0]  }
0x95: {  	v9 =	vld [tilespmem:s30+$0xC0]  }
0x96: {  	v10 =	vld [tilespmem:s30+$0x110]  }
0x97: {  	v11 =	vld [tilespmem:s30+$0x100]  }
0x98: {  	v12 =	vld [tilespmem:s30+$0xF0]  }
0x99: {  	v13 =	vld [tilespmem:s30+$0xE0]  }
0x9a: {  	v14 =	vld [tilespmem:s30+$0xD0]  }
0x9b: {  	[tilespmem:s30+$0xFFFFED10] =	vst.add.f32.msk $0xffff, v10  }
0x9c: {  	[tilespmem:s30+$0xFFFFED00] =	vst.add.f32.msk $0xffff, v11  }
0x9d: {  	[tilespmem:s30+$0xFFFFECF0] =	vst.add.f32.msk $0xffff, v12  }
0x9e: {  	[tilespmem:s30+$0xFFFFECE0] =	vst.add.f32.msk $0xffff, v13  }
0x9f: {  	[tilespmem:s30+$0xFFFFECD0] =	vst.add.f32.msk $0xffff, v14  }
0xa0: {  	[tilespmem:s30+$0xFFFFECC0] =	vst.add.f32.msk $0xffff, v9  }
0xa1: {  	[tilespmem:s30+$0xFFFFECB0] =	vst.add.f32.msk $0xffff, v8  }
0xa2: {  	[tilespmem:s30+$0xFFFFECA0] =	vst.add.f32.msk $0xffff, v7  }
0xa3: {  	v7 =	vld [tilespmem:s30+$0x40]  }
0xa4: {  	[tilespmem:s30+$0xFFFFEC80] =	vst.add.f32.msk $0xffff, v3  }
0xa5: {  	[tilespmem:s30+$0xFFFFEC70] =	vst.add.f32.msk $0xffff, v2  }
.Ltmp0:
0xa6: {  	[tilespmem:s30+$0xFFFFEC60] =	vst.add.f32.msk $0xffff, v6;
	(pc) =	sbr.rel @p1 .LBB2_3-.Ltmp0, $4  }
0xa7: {  	[tilespmem:s30+$0xFFFFEC50] =	vst.add.f32.msk $0xffff, v1  }
0xa8: {  	[tilespmem:s30+$0xFFFFEC40] =	vst.add.f32.msk $0xffff, v7  }
0xa9: {  	[tilespmem:s30+$0xFFFFEC30] =	vst.add.f32.msk $0xffff, v5  }
0xaa: {  	[tilespmem:s30+$0xFFFFEC20] =	vst.add.f32.msk $0xffff, v4  }
0xab: {  	s31 =	smul.u32 $0x78, s28;
	_ =	sdelay $0x1  }
0xac: {  	s0 =	sadd.s32 s4, s31  }
0xad: {  	s0 =	sshll.u32 s0, $0x4  }
0xae: {  	[tilespmem:s30+$0xFFFFEC10] =	vst.add.f32.msk $0xffff, v0;
	s17 =	smul.u32 $0x600, s28;
	s0 =	sadd.s32 s3, s0  }
0xaf: {  	[hbm4b:s0+s2] =	stream.linear.scatter [tilespmem:s16], [sflag:$0x4], $0x1400, $0x38;
	[tilespmem:$0x1E480] =	vst v63  }
0xb0: {  	_ =	swait.ge [sflag:s21], $0x1400  }
0xb1: {  	s30 =	sshra.s32 s17, $0x2;
	[sflag:s21] =	ssyncset.done $0x0  }
0xb2: {  	s0 =	sadd.s32 $0x180, s30;
	[sflag:s21] =	ssyncadd.s32 $0xFFFFEC00  }
0xb3: {  	[tilespmem:s16], [sflag:$0x1] =	stream.indirect.gather [spmem:s1], $0x80, s0, s15, $0xb8;
	[tilespmem:$0x1E480] =	vst v63  }
0xb4: {  	_ =	swait.ge [sflag:s22], $0x2800  }
0xb5: {  	[sflag:s22] =	ssyncset.done $0x0  }
0xb6: {  	s0 =	simm.s32 $0x1A880;
	[sflag:s22] =	ssyncadd.s32 $0xFFFFD800  }
0xb7: {  	v1 =	vld [tilespmem:s0+$0x50]  }
0xb8: {  	v0 =	vld [tilespmem:s0+$0x0]  }
0xb9: {  	v2 =	vld [tilespmem:s0+$0x1D0]  }
0xba: {  	v3 =	vld [tilespmem:s0+$0x1C0]  }
0xbb: {  	v4 =	vld [tilespmem:s0+$0x1F0]  }
0xbc: {  	v5 =	vld [tilespmem:s0+$0x1E0]  }
0xbd: {  	v6 =	vld [tilespmem:s0+$0x60]  }
0xbe: {  	v7 =	vld [tilespmem:s0+$0x1A0]  }
0xbf: {  	v55 =	vld [tilespmem:s0+$0x20]  }
0xc0: {  	v56 =	vld [tilespmem:s0+$0x30]  }
0xc1: {  	v8 =	vld [tilespmem:s0+$0x170]  }
0xc2: {  	v57 =	vld [tilespmem:s0+$0x150]  }
0xc3: {  	v58 =	vld [tilespmem:s0+$0x140]  }
0xc4: {  	v9 =	vld [tilespmem:s0+$0x130]  }
0xc5: {  	v10 =	vld [tilespmem:s0+$0x120]  }
0xc6: {  	v59 =	vld [tilespmem:s0+$0xA0]  }
0xc7: {  	v60 =	vld [tilespmem:s0+$0xB0]  }
0xc8: {  	v61 =	vld [tilespmem:s0+$0xC0]  }
0xc9: {  	v62 =	vld [tilespmem:s0+$0x110]  }
0xca: {  	v11 =	vld [tilespmem:s0+$0x100]  }
0xcb: {  	v12 =	vld [tilespmem:s0+$0xF0]  }
0xcc: {  	v13 =	vld [tilespmem:s0+$0xE0]  }
0xcd: {  	v14 =	vld [tilespmem:s0+$0xD0]  }
0xce: {  	v63 =	vld [tilespmem:s0+$0x40]  }
0xcf: {  	[tilespmem:s0+$0xFFFFEC00] =	vst.add.f32.msk $0xffff, v0  }
0xd0: {  	[tilespmem:s0+$0xFFFFEDF0] =	vst.add.f32.msk $0xffff, v4  }
0xd1: {  	[tilespmem:s0+$0xFFFFEDE0] =	vst.add.f32.msk $0xffff, v5  }
0xd2: {  	v0 =	vld [tilespmem:s0+$0x1B0]  }
0xd3: {  	[tilespmem:s0+$0xFFFFEDD0] =	vst.add.f32.msk $0xffff, v2  }
0xd4: {  	[tilespmem:s0+$0xFFFFEDC0] =	vst.add.f32.msk $0xffff, v3  }
0xd5: {  	v2 =	vld [tilespmem:s0+$0x190]  }
0xd6: {  	v3 =	vld [tilespmem:s0+$0x180]  }
0xd7: {  	[tilespmem:s0+$0xFFFFEDA0] =	vst.add.f32.msk $0xffff, v7  }
0xd8: {  	[tilespmem:s0+$0xFFFFED70] =	vst.add.f32.msk $0xffff, v8  }
0xd9: {  	[tilespmem:s0+$0xFFFFED50] =	vst.add.f32.msk $0xffff, v57  }
0xda: {  	[tilespmem:s0+$0xFFFFED40] =	vst.add.f32.msk $0xffff, v58  }
0xdb: {  	[tilespmem:s0+$0xFFFFED30] =	vst.add.f32.msk $0xffff, v9  }
0xdc: {  	[tilespmem:s0+$0xFFFFED20] =	vst.add.f32.msk $0xffff, v10  }
0xdd: {  	[tilespmem:s0+$0xFFFFED10] =	vst.add.f32.msk $0xffff, v62  }
0xde: {  	[tilespmem:s0+$0xFFFFED00] =	vst.add.f32.msk $0xffff, v11  }
0xdf: {  	[tilespmem:s0+$0xFFFFECF0] =	vst.add.f32.msk $0xffff, v12  }
0xe0: {  	[tilespmem:s0+$0xFFFFECE0] =	vst.add.f32.msk $0xffff, v13  }
0xe1: {  	[tilespmem:s0+$0xFFFFECD0] =	vst.add.f32.msk $0xffff, v14  }
0xe2: {  	[tilespmem:s0+$0xFFFFECC0] =	vst.add.f32.msk $0xffff, v61  }
0xe3: {  	[tilespmem:s0+$0xFFFFECB0] =	vst.add.f32.msk $0xffff, v60  }
0xe4: {  	[tilespmem:s0+$0xFFFFECA0] =	vst.add.f32.msk $0xffff, v59  }
0xe5: {  	[tilespmem:s0+$0xFFFFEC60] =	vst.add.f32.msk $0xffff, v6  }
0xe6: {  	[tilespmem:s0+$0xFFFFED90] =	vst.add.f32.msk $0xffff, v2  }
0xe7: {  	[tilespmem:s0+$0xFFFFED80] =	vst.add.f32.msk $0xffff, v3  }
0xe8: {  	v3 =	vld [tilespmem:s0+$0x160]  }
0xe9: {  	v2 =	vld [tilespmem:s0+$0x90]  }
0xea: {  	[tilespmem:s0+$0xFFFFEC50] =	vst.add.f32.msk $0xffff, v1  }
0xeb: {  	[tilespmem:s0+$0xFFFFEC40] =	vst.add.f32.msk $0xffff, v63  }
0xec: {  	[tilespmem:s0+$0xFFFFEDB0] =	vst.add.f32.msk $0xffff, v0  }
0xed: {  	[tilespmem:s0+$0xFFFFED60] =	vst.add.f32.msk $0xffff, v3  }
0xee: {  	[tilespmem:s0+$0xFFFFEC90] =	vst.add.f32.msk $0xffff, v2  }
0xef: {  	v3 =	vld [tilespmem:s0+$0x80]  }
0xf0: {  	v2 =	vld [tilespmem:s0+$0x70]  }
0xf1: {  	v0 =	vld [tilespmem:s0+$0x10]  }
0xf2: {  	[tilespmem:s0+$0xFFFFEC30] =	vst.add.f32.msk $0xffff, v56  }
0xf3: {  	[tilespmem:s0+$0xFFFFEC20] =	vst.add.f32.msk $0xffff, v55  }
0xf4: {  	[tilespmem:s0+$0xFFFFEC80] =	vst.add.f32.msk $0xffff, v3  }
0xf5: {  	s17 =	simm.s32 $0x0;
	[tilespmem:s0+$0xFFFFEC70] =	vst.add.f32.msk $0xffff, v2  }
.LBB2_5:
0xf6: {  	s17 =	sadd.s32 $0x4, s17;
	[tilespmem:s0+$0xFFFFEC10] =	vst.add.f32.msk $0xffff, v0;
	s0 =	sadd.s32 $0x200, s0  }
0xf7: {  	v1 =	vld [tilespmem:s0+$0x50];
	p1 =	slt.u32 s17, $0x24  }
0xf8: {  	v0 =	vld [tilespmem:s0+$0x0]  }
0xf9: {  	v2 =	vld [tilespmem:s0+$0x1D0]  }
0xfa: {  	v3 =	vld [tilespmem:s0+$0x1C0]  }
0xfb: {  	v4 =	vld [tilespmem:s0+$0x1F0]  }
0xfc: {  	v5 =	vld [tilespmem:s0+$0x1E0]  }
0xfd: {  	[tilespmem:s0+$0xFFFFEC00] =	vst.add.f32.msk $0xffff, v0  }
0xfe: {  	v6 =	vld [tilespmem:s0+$0x60]  }
0xff: {  	v7 =	vld [tilespmem:s0+$0x1A0]  }
0x100: {  	[tilespmem:s0+$0xFFFFEDF0] =	vst.add.f32.msk $0xffff, v4  }
0x101: {  	[tilespmem:s0+$0xFFFFEDE0] =	vst.add.f32.msk $0xffff, v5  }
0x102: {  	v0 =	vld [tilespmem:s0+$0x1B0]  }
0x103: {  	v4 =	vld [tilespmem:s0+$0x20]  }
0x104: {  	v5 =	vld [tilespmem:s0+$0x30]  }
0x105: {  	[tilespmem:s0+$0xFFFFEDD0] =	vst.add.f32.msk $0xffff, v2  }
0x106: {  	[tilespmem:s0+$0xFFFFEDC0] =	vst.add.f32.msk $0xffff, v3  }
0x107: {  	[tilespmem:s0+$0xFFFFEDB0] =	vst.add.f32.msk $0xffff, v0  }
0x108: {  	v2 =	vld [tilespmem:s0+$0x190]  }
0x109: {  	v3 =	vld [tilespmem:s0+$0x180]  }
0x10a: {  	v8 =	vld [tilespmem:s0+$0x170]  }
0x10b: {  	v0 =	vld [tilespmem:s0+$0x10]  }
0x10c: {  	[tilespmem:s0+$0xFFFFEDA0] =	vst.add.f32.msk $0xffff, v7  }
0x10d: {  	[tilespmem:s0+$0xFFFFED90] =	vst.add.f32.msk $0xffff, v2  }
0x10e: {  	[tilespmem:s0+$0xFFFFED80] =	vst.add.f32.msk $0xffff, v3  }
0x10f: {  	[tilespmem:s0+$0xFFFFED70] =	vst.add.f32.msk $0xffff, v8  }
0x110: {  	v2 =	vld [tilespmem:s0+$0x90]  }
0x111: {  	v3 =	vld [tilespmem:s0+$0x160]  }
0x112: {  	v7 =	vld [tilespmem:s0+$0x150]  }
0x113: {  	v8 =	vld [tilespmem:s0+$0x140]  }
0x114: {  	v9 =	vld [tilespmem:s0+$0x130]  }
0x115: {  	v10 =	vld [tilespmem:s0+$0x120]  }
0x116: {  	[tilespmem:s0+$0xFFFFED60] =	vst.add.f32.msk $0xffff, v3  }
0x117: {  	[tilespmem:s0+$0xFFFFED50] =	vst.add.f32.msk $0xffff, v7  }
0x118: {  	[tilespmem:s0+$0xFFFFED40] =	vst.add.f32.msk $0xffff, v8  }
0x119: {  	[tilespmem:s0+$0xFFFFED30] =	vst.add.f32.msk $0xffff, v9  }
0x11a: {  	[tilespmem:s0+$0xFFFFED20] =	vst.add.f32.msk $0xffff, v10  }
0x11b: {  	[tilespmem:s0+$0xFFFFEC90] =	vst.add.f32.msk $0xffff, v2  }
0x11c: {  	v2 =	vld [tilespmem:s0+$0x70]  }
0x11d: {  	v3 =	vld [tilespmem:s0+$0x80]  }
0x11e: {  	v7 =	vld [tilespmem:s0+$0xA0]  }
0x11f: {  	v8 =	vld [tilespmem:s0+$0xB0]  }
0x120: {  	v9 =	vld [tilespmem:s0+$0xC0]  }
0x121: {  	v10 =	vld [tilespmem:s0+$0x110]  }
0x122: {  	v11 =	vld [tilespmem:s0+$0x100]  }
0x123: {  	v12 =	vld [tilespmem:s0+$0xF0]  }
0x124: {  	v13 =	vld [tilespmem:s0+$0xE0]  }
0x125: {  	v14 =	vld [tilespmem:s0+$0xD0]  }
0x126: {  	[tilespmem:s0+$0xFFFFED10] =	vst.add.f32.msk $0xffff, v10  }
0x127: {  	[tilespmem:s0+$0xFFFFED00] =	vst.add.f32.msk $0xffff, v11  }
0x128: {  	[tilespmem:s0+$0xFFFFECF0] =	vst.add.f32.msk $0xffff, v12  }
0x129: {  	[tilespmem:s0+$0xFFFFECE0] =	vst.add.f32.msk $0xffff, v13  }
0x12a: {  	[tilespmem:s0+$0xFFFFECD0] =	vst.add.f32.msk $0xffff, v14  }
0x12b: {  	[tilespmem:s0+$0xFFFFECC0] =	vst.add.f32.msk $0xffff, v9  }
0x12c: {  	[tilespmem:s0+$0xFFFFECB0] =	vst.add.f32.msk $0xffff, v8  }
0x12d: {  	[tilespmem:s0+$0xFFFFECA0] =	vst.add.f32.msk $0xffff, v7  }
0x12e: {  	v7 =	vld [tilespmem:s0+$0x40]  }
0x12f: {  	[tilespmem:s0+$0xFFFFEC80] =	vst.add.f32.msk $0xffff, v3  }
0x130: {  	[tilespmem:s0+$0xFFFFEC70] =	vst.add.f32.msk $0xffff, v2  }
.Ltmp1:
0x131: {  	[tilespmem:s0+$0xFFFFEC60] =	vst.add.f32.msk $0xffff, v6;
	(pc) =	sbr.rel @p1 .LBB2_5-.Ltmp1, $4  }
0x132: {  	[tilespmem:s0+$0xFFFFEC50] =	vst.add.f32.msk $0xffff, v1  }
0x133: {  	[tilespmem:s0+$0xFFFFEC40] =	vst.add.f32.msk $0xffff, v7  }
0x134: {  	[tilespmem:s0+$0xFFFFEC30] =	vst.add.f32.msk $0xffff, v5  }
0x135: {  	[tilespmem:s0+$0xFFFFEC20] =	vst.add.f32.msk $0xffff, v4  }
0x136: {  	s17 =	sadd.s32 s31, s9  }
0x137: {  	p1 =	seq.s32 s28, $0x20;
	s17 =	sshll.u32 s17, $0x4  }
0x138: {  	[tilespmem:s0+$0xFFFFEC10] =	vst.add.f32.msk $0xffff, v0;
	s0 =	simm.s32 @!p1 $0x5;
	s31 =	sadd.s32 s3, s17  }
0x139: {  	[hbm4b:s31+s2] =	stream.linear.scatter [tilespmem:s18], [sflag:$0x5], $0x1400, $0x38;
	[tilespmem:$0x1E480] =	vst v63  }
0x13a: {  	_ =	swait.ge @!p1 [sflag:s0], $0x1400  }
0x13b: {  	s17 =	simm.s32 @!p1 $0x50;
	[sflag:s0] =	ssyncset.done @!p1 $0x0  }
0x13c: {  	[sflag:s0] =	ssyncadd.s32 @!p1 $0xFFFFEC00;
	s0 =	sadd.s32 @!p1 $0x200, s30;
	s30 =	simm.s32 @!p1 $0x19480  }
0x13d: {  	[tilespmem:s30], [sflag:$0x2] =	stream.indirect.gather @!p1 [spmem:s1], $0x80, s0, s17, $0xb8;
	[tilespmem:$0x1E480] =	vst v63  }
0x13e: {  	_ =	swait.ge [sflag:s23], $0x2800  }
0x13f: {  	[sflag:s23] =	ssyncset.done $0x0  }
0x140: {  	s30 =	simm.s32 $0x1D080;
	[sflag:s23] =	ssyncadd.s32 $0xFFFFD800  }
0x141: {  	v1 =	vld [tilespmem:s30+$0x50]  }
0x142: {  	v0 =	vld [tilespmem:s30+$0x0]  }
0x143: {  	v2 =	vld [tilespmem:s30+$0x1D0]  }
0x144: {  	v3 =	vld [tilespmem:s30+$0x1C0]  }
0x145: {  	v4 =	vld [tilespmem:s30+$0x1F0]  }
0x146: {  	v5 =	vld [tilespmem:s30+$0x1E0]  }
0x147: {  	v6 =	vld [tilespmem:s30+$0x60]  }
0x148: {  	v7 =	vld [tilespmem:s30+$0x1A0]  }
0x149: {  	v55 =	vld [tilespmem:s30+$0x20]  }
0x14a: {  	v56 =	vld [tilespmem:s30+$0x30]  }
0x14b: {  	v8 =	vld [tilespmem:s30+$0x170]  }
0x14c: {  	v57 =	vld [tilespmem:s30+$0x150]  }
0x14d: {  	v58 =	vld [tilespmem:s30+$0x140]  }
0x14e: {  	v9 =	vld [tilespmem:s30+$0x130]  }
0x14f: {  	v10 =	vld [tilespmem:s30+$0x120]  }
0x150: {  	v59 =	vld [tilespmem:s30+$0xA0]  }
0x151: {  	v60 =	vld [tilespmem:s30+$0xB0]  }
0x152: {  	v61 =	vld [tilespmem:s30+$0xC0]  }
0x153: {  	v62 =	vld [tilespmem:s30+$0x110]  }
0x154: {  	v11 =	vld [tilespmem:s30+$0x100]  }
0x155: {  	v12 =	vld [tilespmem:s30+$0xF0]  }
0x156: {  	v13 =	vld [tilespmem:s30+$0xE0]  }
0x157: {  	v14 =	vld [tilespmem:s30+$0xD0]  }
0x158: {  	v63 =	vld [tilespmem:s30+$0x40]  }
0x159: {  	[tilespmem:s30+$0xFFFFEC00] =	vst.add.f32.msk $0xffff, v0  }
0x15a: {  	[tilespmem:s30+$0xFFFFEDF0] =	vst.add.f32.msk $0xffff, v4  }
0x15b: {  	[tilespmem:s30+$0xFFFFEDE0] =	vst.add.f32.msk $0xffff, v5  }
0x15c: {  	v0 =	vld [tilespmem:s30+$0x1B0]  }
0x15d: {  	[tilespmem:s30+$0xFFFFEDD0] =	vst.add.f32.msk $0xffff, v2  }
0x15e: {  	[tilespmem:s30+$0xFFFFEDC0] =	vst.add.f32.msk $0xffff, v3  }
0x15f: {  	v2 =	vld [tilespmem:s30+$0x190]  }
0x160: {  	v3 =	vld [tilespmem:s30+$0x180]  }
0x161: {  	[tilespmem:s30+$0xFFFFEDA0] =	vst.add.f32.msk $0xffff, v7  }
0x162: {  	[tilespmem:s30+$0xFFFFED70] =	vst.add.f32.msk $0xffff, v8  }
0x163: {  	[tilespmem:s30+$0xFFFFED50] =	vst.add.f32.msk $0xffff, v57  }
0x164: {  	[tilespmem:s30+$0xFFFFED40] =	vst.add.f32.msk $0xffff, v58  }
0x165: {  	[tilespmem:s30+$0xFFFFED30] =	vst.add.f32.msk $0xffff, v9  }
0x166: {  	[tilespmem:s30+$0xFFFFED20] =	vst.add.f32.msk $0xffff, v10  }
0x167: {  	[tilespmem:s30+$0xFFFFED10] =	vst.add.f32.msk $0xffff, v62  }
0x168: {  	[tilespmem:s30+$0xFFFFED00] =	vst.add.f32.msk $0xffff, v11  }
0x169: {  	[tilespmem:s30+$0xFFFFECF0] =	vst.add.f32.msk $0xffff, v12  }
0x16a: {  	[tilespmem:s30+$0xFFFFECE0] =	vst.add.f32.msk $0xffff, v13  }
0x16b: {  	[tilespmem:s30+$0xFFFFECD0] =	vst.add.f32.msk $0xffff, v14  }
0x16c: {  	[tilespmem:s30+$0xFFFFECC0] =	vst.add.f32.msk $0xffff, v61  }
0x16d: {  	[tilespmem:s30+$0xFFFFECB0] =	vst.add.f32.msk $0xffff, v60  }
0x16e: {  	[tilespmem:s30+$0xFFFFECA0] =	vst.add.f32.msk $0xffff, v59  }
0x16f: {  	[tilespmem:s30+$0xFFFFEC60] =	vst.add.f32.msk $0xffff, v6  }
0x170: {  	[tilespmem:s30+$0xFFFFED90] =	vst.add.f32.msk $0xffff, v2  }
0x171: {  	[tilespmem:s30+$0xFFFFED80] =	vst.add.f32.msk $0xffff, v3  }
0x172: {  	v3 =	vld [tilespmem:s30+$0x160]  }
0x173: {  	v2 =	vld [tilespmem:s30+$0x90]  }
0x174: {  	[tilespmem:s30+$0xFFFFEC50] =	vst.add.f32.msk $0xffff, v1  }
0x175: {  	[tilespmem:s30+$0xFFFFEC40] =	vst.add.f32.msk $0xffff, v63  }
0x176: {  	[tilespmem:s30+$0xFFFFEDB0] =	vst.add.f32.msk $0xffff, v0  }
0x177: {  	[tilespmem:s30+$0xFFFFED60] =	vst.add.f32.msk $0xffff, v3  }
0x178: {  	[tilespmem:s30+$0xFFFFEC90] =	vst.add.f32.msk $0xffff, v2  }
0x179: {  	v3 =	vld [tilespmem:s30+$0x80]  }
0x17a: {  	v2 =	vld [tilespmem:s30+$0x70]  }
0x17b: {  	v0 =	vld [tilespmem:s30+$0x10]  }
0x17c: {  	[tilespmem:s30+$0xFFFFEC30] =	vst.add.f32.msk $0xffff, v56  }
0x17d: {  	[tilespmem:s30+$0xFFFFEC20] =	vst.add.f32.msk $0xffff, v55  }
0x17e: {  	[tilespmem:s30+$0xFFFFEC80] =	vst.add.f32.msk $0xffff, v3  }
0x17f: {  	s0 =	simm.s32 $0x0;
	[tilespmem:s30+$0xFFFFEC70] =	vst.add.f32.msk $0xffff, v2  }
.LBB2_7:
0x180: {  	s0 =	sadd.s32 $0x4, s0;
	[tilespmem:s30+$0xFFFFEC10] =	vst.add.f32.msk $0xffff, v0;
	s30 =	sadd.s32 $0x200, s30  }
0x181: {  	v1 =	vld [tilespmem:s30+$0x50];
	p1 =	slt.u32 s0, $0x24  }
0x182: {  	v0 =	vld [tilespmem:s30+$0x0]  }
0x183: {  	v2 =	vld [tilespmem:s30+$0x1D0]  }
0x184: {  	v3 =	vld [tilespmem:s30+$0x1C0]  }
0x185: {  	v4 =	vld [tilespmem:s30+$0x1F0]  }
0x186: {  	v5 =	vld [tilespmem:s30+$0x1E0]  }
0x187: {  	[tilespmem:s30+$0xFFFFEC00] =	vst.add.f32.msk $0xffff, v0  }
0x188: {  	v6 =	vld [tilespmem:s30+$0x60]  }
0x189: {  	v7 =	vld [tilespmem:s30+$0x1A0]  }
0x18a: {  	[tilespmem:s30+$0xFFFFEDF0] =	vst.add.f32.msk $0xffff, v4  }
0x18b: {  	[tilespmem:s30+$0xFFFFEDE0] =	vst.add.f32.msk $0xffff, v5  }
0x18c: {  	v0 =	vld [tilespmem:s30+$0x1B0]  }
0x18d: {  	v4 =	vld [tilespmem:s30+$0x20]  }
0x18e: {  	v5 =	vld [tilespmem:s30+$0x30]  }
0x18f: {  	[tilespmem:s30+$0xFFFFEDD0] =	vst.add.f32.msk $0xffff, v2  }
0x190: {  	[tilespmem:s30+$0xFFFFEDC0] =	vst.add.f32.msk $0xffff, v3  }
0x191: {  	[tilespmem:s30+$0xFFFFEDB0] =	vst.add.f32.msk $0xffff, v0  }
0x192: {  	v2 =	vld [tilespmem:s30+$0x190]  }
0x193: {  	v3 =	vld [tilespmem:s30+$0x180]  }
0x194: {  	v8 =	vld [tilespmem:s30+$0x170]  }
0x195: {  	v0 =	vld [tilespmem:s30+$0x10]  }
0x196: {  	[tilespmem:s30+$0xFFFFEDA0] =	vst.add.f32.msk $0xffff, v7  }
0x197: {  	[tilespmem:s30+$0xFFFFED90] =	vst.add.f32.msk $0xffff, v2  }
0x198: {  	[tilespmem:s30+$0xFFFFED80] =	vst.add.f32.msk $0xffff, v3  }
0x199: {  	[tilespmem:s30+$0xFFFFED70] =	vst.add.f32.msk $0xffff, v8  }
0x19a: {  	v2 =	vld [tilespmem:s30+$0x90]  }
0x19b: {  	v3 =	vld [tilespmem:s30+$0x160]  }
0x19c: {  	v7 =	vld [tilespmem:s30+$0x150]  }
0x19d: {  	v8 =	vld [tilespmem:s30+$0x140]  }
0x19e: {  	v9 =	vld [tilespmem:s30+$0x130]  }
0x19f: {  	v10 =	vld [tilespmem:s30+$0x120]  }
0x1a0: {  	[tilespmem:s30+$0xFFFFED60] =	vst.add.f32.msk $0xffff, v3  }
0x1a1: {  	[tilespmem:s30+$0xFFFFED50] =	vst.add.f32.msk $0xffff, v7  }
0x1a2: {  	[tilespmem:s30+$0xFFFFED40] =	vst.add.f32.msk $0xffff, v8  }
0x1a3: {  	[tilespmem:s30+$0xFFFFED30] =	vst.add.f32.msk $0xffff, v9  }
0x1a4: {  	[tilespmem:s30+$0xFFFFED20] =	vst.add.f32.msk $0xffff, v10  }
0x1a5: {  	[tilespmem:s30+$0xFFFFEC90] =	vst.add.f32.msk $0xffff, v2  }
0x1a6: {  	v2 =	vld [tilespmem:s30+$0x70]  }
0x1a7: {  	v3 =	vld [tilespmem:s30+$0x80]  }
0x1a8: {  	v7 =	vld [tilespmem:s30+$0xA0]  }
0x1a9: {  	v8 =	vld [tilespmem:s30+$0xB0]  }
0x1aa: {  	v9 =	vld [tilespmem:s30+$0xC0]  }
0x1ab: {  	v10 =	vld [tilespmem:s30+$0x110]  }
0x1ac: {  	v11 =	vld [tilespmem:s30+$0x100]  }
0x1ad: {  	v12 =	vld [tilespmem:s30+$0xF0]  }
0x1ae: {  	v13 =	vld [tilespmem:s30+$0xE0]  }
0x1af: {  	v14 =	vld [tilespmem:s30+$0xD0]  }
0x1b0: {  	[tilespmem:s30+$0xFFFFED10] =	vst.add.f32.msk $0xffff, v10  }
0x1b1: {  	[tilespmem:s30+$0xFFFFED00] =	vst.add.f32.msk $0xffff, v11  }
0x1b2: {  	[tilespmem:s30+$0xFFFFECF0] =	vst.add.f32.msk $0xffff, v12  }
0x1b3: {  	[tilespmem:s30+$0xFFFFECE0] =	vst.add.f32.msk $0xffff, v13  }
0x1b4: {  	[tilespmem:s30+$0xFFFFECD0] =	vst.add.f32.msk $0xffff, v14  }
0x1b5: {  	[tilespmem:s30+$0xFFFFECC0] =	vst.add.f32.msk $0xffff, v9  }
0x1b6: {  	[tilespmem:s30+$0xFFFFECB0] =	vst.add.f32.msk $0xffff, v8  }
0x1b7: {  	[tilespmem:s30+$0xFFFFECA0] =	vst.add.f32.msk $0xffff, v7  }
0x1b8: {  	v7 =	vld [tilespmem:s30+$0x40]  }
0x1b9: {  	[tilespmem:s30+$0xFFFFEC80] =	vst.add.f32.msk $0xffff, v3  }
0x1ba: {  	[tilespmem:s30+$0xFFFFEC70] =	vst.add.f32.msk $0xffff, v2  }
.Ltmp2:
0x1bb: {  	[tilespmem:s30+$0xFFFFEC60] =	vst.add.f32.msk $0xffff, v6;
	(pc) =	sbr.rel @p1 .LBB2_7-.Ltmp2, $4  }
0x1bc: {  	[tilespmem:s30+$0xFFFFEC50] =	vst.add.f32.msk $0xffff, v1  }
0x1bd: {  	[tilespmem:s30+$0xFFFFEC40] =	vst.add.f32.msk $0xffff, v7  }
0x1be: {  	[tilespmem:s30+$0xFFFFEC30] =	vst.add.f32.msk $0xffff, v5  }
0x1bf: {  	[tilespmem:s30+$0xFFFFEC20] =	vst.add.f32.msk $0xffff, v4  }
0x1c0: {  	s28 =	sadd.s32 $0x1, s28  }
0x1c1: {  	s0 =	smul.u32 $0x28, s29;
	p1 =	sne.s32 s28, $0x21  }
.Ltmp3:
0x1c2: {  	_ = 	snop;
	(pc) =	sbr.rel @p1 .LBB2_2-.Ltmp3, $4  }
0x1c3: {  	s0 =	sadd.s32 s4, s0  }
0x1c4: {  	s0 =	sshll.u32 s0, $0x4  }
0x1c5: {  	[tilespmem:s30+$0xFFFFEC10] =	vst.add.f32.msk $0xffff, v0;
	s0 =	sadd.s32 s3, s0  }
0x1c6: {  	[hbm4b:s0+s2] =	stream.linear.scatter [tilespmem:s19], [sflag:$0x6], $0x1400, $0x38;
	[tilespmem:$0x1E480] =	vst v63  }
0x1c7: {  	_ =	swait.ge [sflag:s20], $0x2800  }
0x1c8: {  	[sflag:s20] =	ssyncset.done $0x0  }
0x1c9: {  	s0 =	simm.s32 $0x18080;
	[sflag:s20] =	ssyncadd.s32 $0xFFFFD800  }
0x1ca: {  	v1 =	vld [tilespmem:s0+$0x50]  }
0x1cb: {  	v0 =	vld [tilespmem:s0+$0x0]  }
0x1cc: {  	v2 =	vld [tilespmem:s0+$0x1D0]  }
0x1cd: {  	v3 =	vld [tilespmem:s0+$0x1C0]  }
0x1ce: {  	v4 =	vld [tilespmem:s0+$0x1F0]  }
0x1cf: {  	v5 =	vld [tilespmem:s0+$0x1E0]  }
0x1d0: {  	v6 =	vld [tilespmem:s0+$0x60]  }
0x1d1: {  	v7 =	vld [tilespmem:s0+$0x1A0]  }
0x1d2: {  	v55 =	vld [tilespmem:s0+$0x20]  }
0x1d3: {  	v56 =	vld [tilespmem:s0+$0x30]  }
0x1d4: {  	v8 =	vld [tilespmem:s0+$0x170]  }
0x1d5: {  	v57 =	vld [tilespmem:s0+$0x150]  }
0x1d6: {  	v58 =	vld [tilespmem:s0+$0x140]  }
0x1d7: {  	v9 =	vld [tilespmem:s0+$0x130]  }
0x1d8: {  	v10 =	vld [tilespmem:s0+$0x120]  }
0x1d9: {  	v59 =	vld [tilespmem:s0+$0xA0]  }
0x1da: {  	v60 =	vld [tilespmem:s0+$0xB0]  }
0x1db: {  	v61 =	vld [tilespmem:s0+$0xC0]  }
0x1dc: {  	v62 =	vld [tilespmem:s0+$0x110]  }
0x1dd: {  	v11 =	vld [tilespmem:s0+$0x100]  }
0x1de: {  	v12 =	vld [tilespmem:s0+$0xF0]  }
0x1df: {  	v13 =	vld [tilespmem:s0+$0xE0]  }
0x1e0: {  	v14 =	vld [tilespmem:s0+$0xD0]  }
0x1e1: {  	v63 =	vld [tilespmem:s0+$0x40]  }
0x1e2: {  	[tilespmem:s0+$0xFFFFEC00] =	vst.add.f32.msk $0xffff, v0  }
0x1e3: {  	[tilespmem:s0+$0xFFFFEDF0] =	vst.add.f32.msk $0xffff, v4  }
0x1e4: {  	[tilespmem:s0+$0xFFFFEDE0] =	vst.add.f32.msk $0xffff, v5  }
0x1e5: {  	v0 =	vld [tilespmem:s0+$0x1B0]  }
0x1e6: {  	[tilespmem:s0+$0xFFFFEDD0] =	vst.add.f32.msk $0xffff, v2  }
0x1e7: {  	[tilespmem:s0+$0xFFFFEDC0] =	vst.add.f32.msk $0xffff, v3  }
0x1e8: {  	v2 =	vld [tilespmem:s0+$0x190]  }
0x1e9: {  	v3 =	vld [tilespmem:s0+$0x180]  }
0x1ea: {  	[tilespmem:s0+$0xFFFFEDA0] =	vst.add.f32.msk $0xffff, v7  }
0x1eb: {  	[tilespmem:s0+$0xFFFFED70] =	vst.add.f32.msk $0xffff, v8  }
0x1ec: {  	[tilespmem:s0+$0xFFFFED50] =	vst.add.f32.msk $0xffff, v57  }
0x1ed: {  	[tilespmem:s0+$0xFFFFED40] =	vst.add.f32.msk $0xffff, v58  }
0x1ee: {  	[tilespmem:s0+$0xFFFFED30] =	vst.add.f32.msk $0xffff, v9  }
0x1ef: {  	[tilespmem:s0+$0xFFFFED20] =	vst.add.f32.msk $0xffff, v10  }
0x1f0: {  	[tilespmem:s0+$0xFFFFED10] =	vst.add.f32.msk $0xffff, v62  }
0x1f1: {  	[tilespmem:s0+$0xFFFFED00] =	vst.add.f32.msk $0xffff, v11  }
0x1f2: {  	[tilespmem:s0+$0xFFFFECF0] =	vst.add.f32.msk $0xffff, v12  }
0x1f3: {  	[tilespmem:s0+$0xFFFFECE0] =	vst.add.f32.msk $0xffff, v13  }
0x1f4: {  	[tilespmem:s0+$0xFFFFECD0] =	vst.add.f32.msk $0xffff, v14  }
0x1f5: {  	[tilespmem:s0+$0xFFFFECC0] =	vst.add.f32.msk $0xffff, v61  }
0x1f6: {  	[tilespmem:s0+$0xFFFFECB0] =	vst.add.f32.msk $0xffff, v60  }
0x1f7: {  	[tilespmem:s0+$0xFFFFECA0] =	vst.add.f32.msk $0xffff, v59  }
0x1f8: {  	[tilespmem:s0+$0xFFFFEC60] =	vst.add.f32.msk $0xffff, v6  }
0x1f9: {  	[tilespmem:s0+$0xFFFFED90] =	vst.add.f32.msk $0xffff, v2  }
0x1fa: {  	[tilespmem:s0+$0xFFFFED80] =	vst.add.f32.msk $0xffff, v3  }
0x1fb: {  	v3 =	vld [tilespmem:s0+$0x160]  }
0x1fc: {  	v2 =	vld [tilespmem:s0+$0x90]  }
0x1fd: {  	[tilespmem:s0+$0xFFFFEC50] =	vst.add.f32.msk $0xffff, v1  }
0x1fe: {  	[tilespmem:s0+$0xFFFFEC40] =	vst.add.f32.msk $0xffff, v63  }
0x1ff: {  	[tilespmem:s0+$0xFFFFEDB0] =	vst.add.f32.msk $0xffff, v0  }
0x200: {  	[tilespmem:s0+$0xFFFFED60] =	vst.add.f32.msk $0xffff, v3  }
0x201: {  	[tilespmem:s0+$0xFFFFEC90] =	vst.add.f32.msk $0xffff, v2  }
0x202: {  	v3 =	vld [tilespmem:s0+$0x80]  }
0x203: {  	v2 =	vld [tilespmem:s0+$0x70]  }
0x204: {  	v0 =	vld [tilespmem:s0+$0x10]  }
0x205: {  	[tilespmem:s0+$0xFFFFEC30] =	vst.add.f32.msk $0xffff, v56  }
0x206: {  	[tilespmem:s0+$0xFFFFEC20] =	vst.add.f32.msk $0xffff, v55  }
0x207: {  	[tilespmem:s0+$0xFFFFEC80] =	vst.add.f32.msk $0xffff, v3  }
0x208: {  	s17 =	simm.s32 $0x0;
	[tilespmem:s0+$0xFFFFEC70] =	vst.add.f32.msk $0xffff, v2  }
.LBB2_10:
0x209: {  	s17 =	sadd.s32 $0x4, s17;
	[tilespmem:s0+$0xFFFFEC10] =	vst.add.f32.msk $0xffff, v0;
	s0 =	sadd.s32 $0x200, s0  }
0x20a: {  	v1 =	vld [tilespmem:s0+$0x50];
	p1 =	slt.u32 s17, $0x24  }
0x20b: {  	v0 =	vld [tilespmem:s0+$0x0]  }
0x20c: {  	v2 =	vld [tilespmem:s0+$0x1D0]  }
0x20d: {  	v3 =	vld [tilespmem:s0+$0x1C0]  }
0x20e: {  	v4 =	vld [tilespmem:s0+$0x1F0]  }
0x20f: {  	v5 =	vld [tilespmem:s0+$0x1E0]  }
0x210: {  	[tilespmem:s0+$0xFFFFEC00] =	vst.add.f32.msk $0xffff, v0  }
0x211: {  	v6 =	vld [tilespmem:s0+$0x60]  }
0x212: {  	v7 =	vld [tilespmem:s0+$0x1A0]  }
0x213: {  	[tilespmem:s0+$0xFFFFEDF0] =	vst.add.f32.msk $0xffff, v4  }
0x214: {  	[tilespmem:s0+$0xFFFFEDE0] =	vst.add.f32.msk $0xffff, v5  }
0x215: {  	v0 =	vld [tilespmem:s0+$0x1B0]  }
0x216: {  	v4 =	vld [tilespmem:s0+$0x20]  }
0x217: {  	v5 =	vld [tilespmem:s0+$0x30]  }
0x218: {  	[tilespmem:s0+$0xFFFFEDD0] =	vst.add.f32.msk $0xffff, v2  }
0x219: {  	[tilespmem:s0+$0xFFFFEDC0] =	vst.add.f32.msk $0xffff, v3  }
0x21a: {  	[tilespmem:s0+$0xFFFFEDB0] =	vst.add.f32.msk $0xffff, v0  }
0x21b: {  	v2 =	vld [tilespmem:s0+$0x190]  }
0x21c: {  	v3 =	vld [tilespmem:s0+$0x180]  }
0x21d: {  	v8 =	vld [tilespmem:s0+$0x170]  }
0x21e: {  	v0 =	vld [tilespmem:s0+$0x10]  }
0x21f: {  	[tilespmem:s0+$0xFFFFEDA0] =	vst.add.f32.msk $0xffff, v7  }
0x220: {  	[tilespmem:s0+$0xFFFFED90] =	vst.add.f32.msk $0xffff, v2  }
0x221: {  	[tilespmem:s0+$0xFFFFED80] =	vst.add.f32.msk $0xffff, v3  }
0x222: {  	[tilespmem:s0+$0xFFFFED70] =	vst.add.f32.msk $0xffff, v8  }
0x223: {  	v2 =	vld [tilespmem:s0+$0x90]  }
0x224: {  	v3 =	vld [tilespmem:s0+$0x160]  }
0x225: {  	v7 =	vld [tilespmem:s0+$0x150]  }
0x226: {  	v8 =	vld [tilespmem:s0+$0x140]  }
0x227: {  	v9 =	vld [tilespmem:s0+$0x130]  }
0x228: {  	v10 =	vld [tilespmem:s0+$0x120]  }
0x229: {  	[tilespmem:s0+$0xFFFFED60] =	vst.add.f32.msk $0xffff, v3  }
0x22a: {  	[tilespmem:s0+$0xFFFFED50] =	vst.add.f32.msk $0xffff, v7  }
0x22b: {  	[tilespmem:s0+$0xFFFFED40] =	vst.add.f32.msk $0xffff, v8  }
0x22c: {  	[tilespmem:s0+$0xFFFFED30] =	vst.add.f32.msk $0xffff, v9  }
0x22d: {  	[tilespmem:s0+$0xFFFFED20] =	vst.add.f32.msk $0xffff, v10  }
0x22e: {  	[tilespmem:s0+$0xFFFFEC90] =	vst.add.f32.msk $0xffff, v2  }
0x22f: {  	v2 =	vld [tilespmem:s0+$0x70]  }
0x230: {  	v3 =	vld [tilespmem:s0+$0x80]  }
0x231: {  	v7 =	vld [tilespmem:s0+$0xA0]  }
0x232: {  	v8 =	vld [tilespmem:s0+$0xB0]  }
0x233: {  	v9 =	vld [tilespmem:s0+$0xC0]  }
0x234: {  	v10 =	vld [tilespmem:s0+$0x110]  }
0x235: {  	v11 =	vld [tilespmem:s0+$0x100]  }
0x236: {  	v12 =	vld [tilespmem:s0+$0xF0]  }
0x237: {  	v13 =	vld [tilespmem:s0+$0xE0]  }
0x238: {  	v14 =	vld [tilespmem:s0+$0xD0]  }
0x239: {  	[tilespmem:s0+$0xFFFFED10] =	vst.add.f32.msk $0xffff, v10  }
0x23a: {  	[tilespmem:s0+$0xFFFFED00] =	vst.add.f32.msk $0xffff, v11  }
0x23b: {  	[tilespmem:s0+$0xFFFFECF0] =	vst.add.f32.msk $0xffff, v12  }
0x23c: {  	[tilespmem:s0+$0xFFFFECE0] =	vst.add.f32.msk $0xffff, v13  }
0x23d: {  	[tilespmem:s0+$0xFFFFECD0] =	vst.add.f32.msk $0xffff, v14  }
0x23e: {  	[tilespmem:s0+$0xFFFFECC0] =	vst.add.f32.msk $0xffff, v9  }
0x23f: {  	[tilespmem:s0+$0xFFFFECB0] =	vst.add.f32.msk $0xffff, v8  }
0x240: {  	[tilespmem:s0+$0xFFFFECA0] =	vst.add.f32.msk $0xffff, v7  }
0x241: {  	v7 =	vld [tilespmem:s0+$0x40]  }
0x242: {  	[tilespmem:s0+$0xFFFFEC80] =	vst.add.f32.msk $0xffff, v3  }
0x243: {  	[tilespmem:s0+$0xFFFFEC70] =	vst.add.f32.msk $0xffff, v2  }
.Ltmp4:
0x244: {  	[tilespmem:s0+$0xFFFFEC60] =	vst.add.f32.msk $0xffff, v6;
	(pc) =	sbr.rel @p1 .LBB2_10-.Ltmp4, $4  }
0x245: {  	[tilespmem:s0+$0xFFFFEC50] =	vst.add.f32.msk $0xffff, v1  }
0x246: {  	[tilespmem:s0+$0xFFFFEC40] =	vst.add.f32.msk $0xffff, v7  }
0x247: {  	[tilespmem:s0+$0xFFFFEC30] =	vst.add.f32.msk $0xffff, v5  }
0x248: {  	[tilespmem:s0+$0xFFFFEC20] =	vst.add.f32.msk $0xffff, v4  }
0x249: {  	[tilespmem:s0+$0xFFFFEC10] =	vst.add.f32.msk $0xffff, v0  }
0x24a: {  	[hbm4b:s10+s2] =	stream.linear.scatter [tilespmem:s16], [sflag:$0x4], $0x1400, $0x38;
	[tilespmem:$0x1E480] =	vst v63  }
0x24b: {  	_ =	swait.ge [sflag:s21], $0x1400  }
0x24c: {  	[sflag:s21] =	ssyncset.done $0x0  }
0x24d: {  	s26 =	sadd.s32 $0x1, s26;
	[sflag:s21] =	ssyncadd.s32 $0xFFFFEC00  }
0x24e: {  	p1 =	sne.s32 s26, s11;
	_ =	swait.ge [sflag:s24], $0x1400  }
.Ltmp5:
0x24f: {  	[sflag:s24] =	ssyncset.done $0x0;
	(pc) =	sbr.rel @p1 .LBB2_1-.Ltmp5, $4  }
0x250: {  	[sflag:s24] =	ssyncadd.s32 $0xFFFFEC00  }
0x251: {  	_ =	swait.ge [sflag:s25], $0x1400  }
0x252: {  	[sflag:s25] =	ssyncset.done $0x0  }
0x253: {  	[sflag:s25] =	ssyncadd.s32 $0xFFFFEC00  }
0x254: {  	_ =	sfence.sel $0x180000  }
0x255: {  	[bflag:$0x0] =	sbarrier.arrive $0xFFFF  }
0x256: {  	_ =	strace $0x9000004A  }
0x257: {  	[bflag:$0x2] =	sbarrier.arrive $0xFFFF  }
0x258: {  	s0 =	rddreg [dreg:$0x2]  }
0x259: {  	s0 =	sadd.s32 @!p0 $0x100000, s0  }
0x25a: {  	[sflag:s0] =	ssyncadd.tile.s32 @!p0 $0x1;
	_ =	shalt  }
.Lfunc_end2:
_tile_overlayer_lowered:
.L_overlay_start_2:
0x25b: {  	(tag) =	ssettag $0x2  }
0x25c: {  	s0 =	rddreg [dreg:$0x0];
	s2 =	stileid.u32  }
0x25d: {  	s1 =	rddreg [dreg:$0x1];
	p0 =	sne.s32 s2, $0x0  }
0x25e: {  	s3 =	rddreg [dreg:$0x2];
	[bflag:$0x3] =	sbarrier.arrive $0xFFFF;
	s2 =	simm.s32 @!p0 $0x1C07  }
0x25f: {  	[timem:s3], [sflag:s2] =	dma.local @!p0 [hbm:s0], s1  }
0x260: {  	s0 =	simm.s32 @!p0 $0x7  }
0x261: {  	_ =	swait.ge @!p0 [sflag:s0], s1  }
0x262: {  	s1 =	ssub.s32 @!p0 $0x0, s1;
	[sflag:s0] =	ssyncset.done @!p0 $0x0  }
0x263: {  	[sflag:s0] =	ssyncadd.s32 @!p0 s1  }
0x264: {  	[bflag:$0x3] =	sbarrier.arrive $0xFFFF  }
0x265: {  	_ =	shalt  }

// kernel: kernel.15.cloned.1.call-start
scs
__scs_entry_jumppad:
0x0: {  	(pc) =	sbr.rel $0x88, $3  }
0x1: {  	(tag) =	ssettag $0x0;
	lr =	simm.s32 $0x1  }
0x2: {  	[smem:$0x3F9B] =	sst lr;
	_ =	strace $0xD0000000  }
0x3: {  	_ = 	snop  }
0x4: {  	_ = 	snop  }
0x5: {  	_ = 	snop  }
0x6: {  	_ = 	snop  }
0x7: {  	_ = 	snop  }
__scs_overlays_trampoline_lowered:
0x8: {  	[smem:$0x3FAA] =	sst s0  }
0x9: {  	[smem:$0x3FAB] =	sst s1  }
0xa: {  	[smem:$0x3FAC] =	sst s2  }
0xb: {  	[smem:$0x3FAD] =	sst s3  }
0xc: {  	[smem:$0x3FAE] =	sst s4  }
0xd: {  	[smem:$0x3FAF] =	sst s5  }
0xe: {  	[smem:$0x3FB0] =	sst s6  }
0xf: {  	[smem:$0x3FB1] =	sst s7  }
0x10: {  	[smem:$0x3FB2] =	sst s8  }
0x11: {  	[smem:$0x3FB3] =	sst s9;
	s0 =	simm.s32 @!p0 $0x0  }
0x12: {  	s1 =	sld [smem:$0x3F99];
	s0 =	simm.s32 @p0 $0x1  }
0x13: {  	[smem:$0x3FB4] =	sst s0;
	s0 =	simm.s32 @!p1 $0x0  }
0x14: {  	s2 =	sld [smem:$0x3F98];
	s0 =	simm.s32 @p1 $0x1  }
0x15: {  	[smem:$0x3FB5] =	sst s0;
	s0 =	simm.s32 @!p2 $0x0  }
0x16: {  	s3 =	sld [smem:$0x3FDB];
	s0 =	simm.s32 @p2 $0x1  }
0x17: {  	s4 =	simm.s32 $0x1BF5;
	[smem:$0x3FB7] =	sst s0  }
0x18: {  	s0 =	sld [smem:$0x3F9A];
	_ =	swait.ge [sflag:s4], $0x0  }
0x19: {  	s7 =	sld [smem:$0x3F9B]  }
0x1a: {  	s8 =	sadd.s32 $0xFFFFE003, lr  }
0x1b: {  	s9 =	sadd.s32 $0xFFFFFEF7, lr;
	s5 =	simm.s32 $0xFFFFFFFF;
	p2 =	slt.u32 s8, $0xFFFFF086  }
0x1c: {  	p1 =	slt.u32 s9, $0xF7A;
	s5 =	simm.s32 @!p2 $0x0  }
0x1d: {  	s5 =	simm.s32 @p1 $0x1;
	p0 =	seq.s32 s7, s2  }
0x1e: {  	s7 =	smul.u32 @!p0 $0xF7A, s2;
	p2 =	seq.s32 @!p0 s5, $0x0  }
0x1f: {  	s9 =	smul.u32 $0xF7A, s1;
	s8 =	simm.s32 @!p0 $0x1BF5;
	p2 =	por !p2, p0  }
0x20: {  	[sflag:s8] =	ssyncset.s32 @!p0 $0xFFFFF086;
	s6 =	sadd.s32 @!p0 s3, s7;
	s7 =	simm.s32 @!p0 $0x108  }
0x21: {  	s3 =	sadd.s32 s3, s9;
	s6 =	sadd.s32 @!p0 $0x88, s6;
	s7 =	simm.s32 @p2 $0x1082  }
0x22: {  	[simem:s7], [sflag:s8] =	dma.local @!p0 [hbm:s6], $0xF7A  }
0x23: {  	s9 =	sor.u32 $0xD0000000, s2;
	s6 =	simm.s32 $0x108;
	_ =	swait.ge @!p0 [sflag:s8], $0x0  }
0x24: {  	s3 =	sadd.s32 $0x88, s3;
	s6 =	simm.s32 @!p1 $0x1082;
	[sflag:s4] =	ssyncset.s32 $0xFFFFF086  }
0x25: {  	[simem:s6], [sflag:s4] =	dma.local [hbm:s3], $0xF7A  }
0x26: {  	[smem:$0x3F9B] =	sst s1;
	(tag) =	ssettag s2;
	_ =	strace s9  }
0x27: {  	s1 =	sld [smem:$0x3FAB]  }
0x28: {  	s2 =	sld [smem:$0x3FAC]  }
0x29: {  	s4 =	sld [smem:$0x3FAE]  }
0x2a: {  	p0 =	seq.s32 s5, $0x0;
	s5 =	sld [smem:$0x3FAF]  }
0x2b: {  	s6 =	sld [smem:$0x3FB0]  }
0x2c: {  	s7 =	sld [smem:$0x3FB1]  }
0x2d: {  	s3 =	simm.s32 $0x108;
	s8 =	sld [smem:$0x3FB2]  }
0x2e: {  	s3 =	simm.s32 @!p0 $0x1082;
	s9 =	sld [smem:$0x3FB3]  }
0x2f: {  	lr =	sadd.s32 s0, s3;
	s0 =	sld [smem:$0x3FAA]  }
0x30: {  	s3 =	sld [smem:$0x3FAD]  }
0x31: {  	[smem:$0x3FB6] =	sst s10  }
0x32: {  	s10 =	sld [smem:$0x3FB4];
	_ =	sdelay $0x3  }
0x33: {  	p0 =	seq.s32 s10, $0x1;
	s10 =	sld [smem:$0x3FB6];
	_ =	sdelay $0x3  }
0x34: {  	[smem:$0x3FB6] =	sst s10  }
0x35: {  	s10 =	sld [smem:$0x3FB5];
	_ =	sdelay $0x3  }
0x36: {  	p1 =	seq.s32 s10, $0x1;
	s10 =	sld [smem:$0x3FB6];
	_ =	sdelay $0x3  }
0x37: {  	[smem:$0x3FB6] =	sst s10  }
0x38: {  	s10 =	sld [smem:$0x3FB7]  }
0x39: {  	_ = 	snop;
	(pc) =	sbr.ind lr, $3  }
0x3a: {  	_ = 	snop  }
0x3b: {  	_ = 	snop  }
0x3c: {  	p2 =	seq.s32 s10, $0x1;
	s10 =	sld [smem:$0x3FB6]  }
0x3d: {  	_ =	shalt  }
0x3e: {  	_ =	shalt  }
0x3f: {  	_ =	shalt  }
0x40: {  	_ =	shalt  }
0x41: {  	_ =	shalt  }
0x42: {  	_ =	shalt  }
0x43: {  	_ =	shalt  }
0x44: {  	_ =	shalt  }
0x45: {  	_ =	shalt  }
0x46: {  	_ =	shalt  }
0x47: {  	_ =	shalt  }
0x48: {  	_ =	shalt  }
0x49: {  	_ =	shalt  }
0x4a: {  	_ =	shalt  }
0x4b: {  	_ =	shalt  }
0x4c: {  	_ =	shalt  }
0x4d: {  	_ =	shalt  }
0x4e: {  	_ =	shalt  }
0x4f: {  	_ =	shalt  }
0x50: {  	_ =	shalt  }
0x51: {  	_ =	shalt  }
0x52: {  	_ =	shalt  }
0x53: {  	_ =	shalt  }
0x54: {  	_ =	shalt  }
0x55: {  	_ =	shalt  }
0x56: {  	_ =	shalt  }
0x57: {  	_ =	shalt  }
0x58: {  	_ =	shalt  }
0x59: {  	_ =	shalt  }
0x5a: {  	_ =	shalt  }
0x5b: {  	_ =	shalt  }
0x5c: {  	_ =	shalt  }
0x5d: {  	_ =	shalt  }
0x5e: {  	_ =	shalt  }
0x5f: {  	_ =	shalt  }
0x60: {  	_ =	shalt  }
0x61: {  	_ =	shalt  }
0x62: {  	_ =	shalt  }
0x63: {  	_ =	shalt  }
0x64: {  	_ =	shalt  }
0x65: {  	_ =	shalt  }
0x66: {  	_ =	shalt  }
0x67: {  	_ =	shalt  }
0x68: {  	_ =	shalt  }
0x69: {  	_ =	shalt  }
0x6a: {  	_ =	shalt  }
0x6b: {  	_ =	shalt  }
0x6c: {  	_ =	shalt  }
0x6d: {  	_ =	shalt  }
0x6e: {  	_ =	shalt  }
0x6f: {  	_ =	shalt  }
0x70: {  	_ =	shalt  }
0x71: {  	_ =	shalt  }
0x72: {  	_ =	shalt  }
0x73: {  	_ =	shalt  }
0x74: {  	_ =	shalt  }
0x75: {  	_ =	shalt  }
0x76: {  	_ =	shalt  }
0x77: {  	_ =	shalt  }
0x78: {  	_ =	shalt  }
0x79: {  	_ =	shalt  }
0x7a: {  	_ =	shalt  }
0x7b: {  	_ =	shalt  }
0x7c: {  	_ =	shalt  }
0x7d: {  	_ =	shalt  }
0x7e: {  	_ =	shalt  }
0x7f: {  	_ =	shalt  }
0x80: {  	_ =	shalt  }
0x81: {  	_ =	shalt  }
0x82: {  	_ =	shalt  }
0x83: {  	_ =	shalt  }
0x84: {  	_ =	shalt  }
0x85: {  	_ =	shalt  }
0x86: {  	_ =	shalt  }
0x87: {  	_ =	shalt  }
.Lfunc_end0:
.L_simem_size_0:
called_computation.2_lowered:
.L_overlay_start_0:
0x88: {  	s2 =	sld [smem:$0x3FD9]  }
0x89: {  	s3 =	sld [smem:$0x3FFE];
	_ =	sdelay $0x1  }
0x8a: {  	s1 =	srdreg.scid  }
0x8b: {  	s0 =	sand.u32 $0x1, s1  }
0x8c: {  	s17 =	sshll.u32 s0, $0xA;
	s2 =	sadd.s32 s3, s2  }
0x8d: {  	s2 =	sadd.s32 s2, s17  }
0x8e: {  	[smem:$0x3FC2] =	sst s2  }
0x8f: {  	_ = 	snop  }
0x90: {  	(tm) =	ssettm $0x1  }
0x91: {  	s18 =	sld [smem:$0x3FFB];
	_ =	sdelay $0x3  }
0x92: {  	_ =	strace s18  }
0x93: {  	s2 =	sld [smem:$0x3FFC];
	_ =	sdelay $0x3  }
0x94: {  	_ =	strace s2  }
0x95: {  	s2 =	sld [smem:$0x3FFD];
	_ =	sdelay $0x3  }
0x96: {  	_ =	strace s2  }
0x97: {  	_ =	strace $0x8FFFFFFF  }
0x98: {  	s19 =	sld [smem:$0x3FDB];
	_ =	sdelay $0x1  }
0x99: {  	s20 =	simm.s32 $_scs_section_size  }
0x9a: {  	s4 =	simm.s32 $_size__tile_overlayer_lowered;
	s5 =	simm.s32 $_tile_overlayer_lowered  }
0x9b: {  	s6 =	simm.s32 $0x1BFF;
	s21 =	sshll.u32 s5, $0x1;
	s3 =	sadd.s32 s20, s19  }
0x9c: {  	s22 =	simm.s32 $0x0;
	s4 =	sshll.u32 s4, $0x1;
	s5 =	sadd.s32 s21, s3  }
0x9d: {  	[timem:s22], [sflag:s6] =	dma.local [hbm:s5], s4  }
0x9e: {  	_ =	swait.ge [sflag:s6], s4  }
0x9f: {  	s4 =	ssub.s32 $0x0, s4;
	[sflag:s6] =	ssyncset.done $0x0  }
0xa0: {  	[sflag:s6] =	ssyncadd.s32 s4;
	_ =	sdelay $0x1  }
0xa1: {  	s23 =	simm.s32 $0x1B8B  }
0xa2: {  	_ =	swait.ge [sflag:s23], $0x1  }
0xa3: {  	[sflag:s23] =	ssyncset.done $0x0  }
0xa4: {  	[sflag:s23] =	ssyncadd.s32 $0xFFFFFFFF  }
0xa5: {  	s4 =	sld [smem:$0x0]  }
0xa6: {  	s5 =	sand.u32 $0xFFFFFFFE, s1  }
0xa7: {  	p0 =	sne.s32 s1, s5  }
0xa8: {  	s5 =	sshll.u32 @p0 s5, $0xE  }
0xa9: {  	s5 =	sadd.s32 @p0 $0x11B8D, s5;
	s6 =	sshll.u32 @p0 s4, $0x11  }
0xaa: {  	s5 =	sor.u32 @p0 s6, s5  }
0xab: {  	[sflag:s5] =	ssyncadd.remote.s32 @p0 $0x1;
	_ =	sdelay $0x1  }
0xac: {  	s5 =	simm.s32 @p0 $0x1B8D  }
0xad: {  	_ =	swait.eq @p0 [sflag:s5], $0x1  }
0xae: {  	[sflag:s5] =	ssyncadd.s32 @p0 $0xFFFFFFFF  }
0xaf: {  	s6 =	sshll.u32 @!p0 s1, $0xE  }
0xb0: {  	s6 =	sor.u32 @!p0 $0x4000, s6;
	s5 =	simm.s32 @!p0 $0x1B8D  }
0xb1: {  	s4 =	sshll.u32 @!p0 s4, $0x11;
	s6 =	sadd.s32 @!p0 $0x11B8D, s6;
	_ =	swait.eq @!p0 [sflag:s5], $0x1  }
0xb2: {  	s4 =	sor.u32 @!p0 s4, s6;
	[sflag:s5] =	ssyncadd.s32 @!p0 $0xFFFFFFFF  }
0xb3: {  	s25 =	simm.s32 $0x1B8E;
	s24 =	sld [smem:$0x3FFE];
	[sflag:s4] =	ssyncadd.remote.s32 @!p0 $0x1  }
0xb4: {  	s26 =	simm.s32 $execute0_lowered;
	[smem:$0x3FD2] =	sst s25  }
0xb5: {  	s5 =	sshll.u32 s26, $0x1;
	_ =	strace $0x8000004C;
	[dreg:$0x1] =	wrdreg $0xFFFFFFFF  }
0xb6: {  	s28 =	simm.s32 $_size_execute0_lowered;
	s3 =	sadd.s32 s3, s5;
	[dreg:$0x0] =	wrdreg $0x0  }
0xb7: {  	s5 =	sshll.u32 s28, $0x1;
	[dreg:$0x2] =	wrdreg s3  }
0xb8: {  	[dreg:$0x3] =	wrdreg s5  }
0xb9: {  	[dreg:$0x4] =	wrdreg $0xC0  }
0xba: {  	_ =	task [dreg:s22], $0x5FFFF  }
0xbb: {  	[dreg:$0x1] =	wrdreg $0xFFFFFFFF  }
0xbc: {  	[dreg:$0x0] =	wrdreg $0x60  }
0xbd: {  	[dreg:$0x2] =	wrdreg s24  }
0xbe: {  	[dreg:$0x3] =	wrdreg $0x28000  }
0xbf: {  	[dreg:$0x4] =	wrdreg $0xB  }
0xc0: {  	_ =	task.clear_ibuf [dreg:s22], $0x5FFFF;
	_ =	strace $0x9000004C  }
0xc1: {  	s29 =	simm.s32 $0xB;
	_ =	strace $0x8000004E  }
0xc2: {  	_ =	swait.ge [sflag:s29], $0x1  }
0xc3: {  	[sflag:s29] =	ssyncadd.s32 $0xFFFFFFFF  }
0xc4: {  	_ =	strace $0x9000004E  }
0xc5: {  	_ =	sfence  }
0xc6: {  	s30 =	sld [smem:$0x0];
	_ =	sdelay $0x2  }
0xc7: {  	s31 =	sshll.u32 s1, $0xD;
	s1 =	sshrl.u32 s1, $0x2  }
0xc8: {  	s4 =	sand.u32 $0x4000, s31;
	s1 =	sadd.s32 s1, s30  }
0xc9: {  	s0 =	sor.u32 s4, s0;
	s1 =	sshll.u32 s1, $0x11  }
0xca: {  	s0 =	sor.u32 s1, s0  }
0xcb: {  	s0 =	sadd.s32 $0x8F2B, s0  }
0xcc: {  	[sflag:s0] =	ssyncadd.remote.s32 $0x1  }
0xcd: {  	_ =	sfence.sel $0xFFFF  }
0xce: {  	[dreg:$0x0] =	wrdreg $0xFFFFFFFF;
	(pc) =	sbr.abs _section_cstart, $3  }
0xcf: {  	[dreg:$0x1] =	wrdreg $0xFFFFFFFF  }
0xd0: {  	_ =	task.clear_ibuf [dreg:s22], $0x2FFFF;
	_ =	strace $0x9FFFFFFF  }
0xd1: {  	(tm) =	ssettm $0x7FFFFFFF  }
tec
execute0_lowered:
.L_overlay_start_1:
0x0: {  	(tag) =	ssettag $0x1  }
0x1: {  	s0 =	rddreg [dreg:$0x0]  }
0x2: {  	s1 =	rddreg [dreg:$0x1];
	s11 =	stileid.u32  }
0x3: {  	s3 =	srdreg.scid;
	s2 =	simm.s32 $0x0;
	s15 =	simm.s32 $0x16080  }
0x4: {  	s17 =	simm.s32 $0x18880;
	s18 =	simm.s32 $0x1B080;
	s19 =	simm.s32 $0x1  }
0x5: {  	s20 =	simm.s32 $0x2;
	s21 =	simm.s32 $0x3;
	s22 =	simm.s32 $0x4  }
0x6: {  	s23 =	simm.s32 $0x5;
	s24 =	simm.s32 $0x6;
	s25 =	simm.s32 $0x0  }
0x7: {  	s3 =	sand.u32 $0x1, s3;
	s4 =	sshll.u32 s11, $0x1;
	s5 =	smul.u32 $0x2700, s11  }
0x8: {  	[smem:$0x7FF] =	sst s2;
	s9 =	smul.u32 $0x4E000, s11;
	s31 =	sshll.u32 s11, $0x6  }
0x9: {  	s14 =	sadd.s32 $0x138000, s1;
	p0 =	sne.s32 s11, $0x0;
	s4 =	sor.u32 s3, s4  }
0xa: {  	_ =	strace $0x8000004D;
	s7 =	ssub.s32 $0x2, s3;
	s3 =	sadd.s32 $0x3AA000, s0  }
0xb: {  	s6 =	smul.u32 $0x500, s4;
	s5 =	sadd.s32 s5, s0;
	s8 =	sshrl.u32 s7, $0x1  }
0xc: {  	s4 =	smul.u32 $0xBB8, s4;
	s30 =	sshrl.u32 s9, $0x2;
	s12 =	ssub.s32 s7, s8  }
0xd: {  	s13 =	sadd.s32 s30, s1;
	s5 =	sadd.s32 $0xE00, s5;
	s7 =	sadd.s32 $0x27E00, s0  }
0xe: {  	s10 =	sadd.s32 s6, s0;
	s6 =	sor.u32 $0x1C07, s31;
	s9 =	sadd.s32 $0x28, s4  }
0xf: {  	s11 =	sshrl.u32 s13, $0x3;
	s13 =	sshrl.u32 @!p0 s14, $0x3;
	s14 =	simm.s32 $0x50  }
0x10: {  	s8 =	sadd.s32 $0x3A0000, s10;
	s10 =	smax.u32 s12, $0x1;
	s12 =	simm.s32 $0x7  }
.LBB2_1:
0x11: {  	[spmem:s11], [sflag:s6] =	dma.local [hbm:s5], $0x2700  }
0x12: {  	_ =	swait.ge [sflag:s12], $0x2700  }
0x13: {  	[sflag:s12] =	ssyncset.done $0x0  }
0x14: {  	s0 =	simm.s32 @!p0 $0x7;
	[sflag:s12] =	ssyncadd.s32 $0xFFFFD900  }
0x15: {  	[spmem:s13], [sflag:s6] =	dma.local @!p0 [hbm:s7], $0x100  }
0x16: {  	_ =	swait.ge @!p0 [sflag:s0], $0x100  }
0x17: {  	[sflag:s0] =	ssyncset.done @!p0 $0x0  }
0x18: {  	[sflag:s0] =	ssyncadd.s32 @!p0 $0xFFFFFF00  }
0x19: {  	[tilespmem:s2], [sflag:$0x7] =	stream.linear.gather [hbm4b:s8+s2], $0x2580, $0x38;
	[tilespmem:$0x1D880] =	vst v63  }
0x1a: {  	_ =	swait.ge [sflag:s12], $0x2580  }
0x1b: {  	[sflag:s12] =	ssyncset.done $0x0  }
0x1c: {  	[sflag:s12] =	ssyncadd.s32 $0xFFFFDA80  }
0x1d: {  	[bflag:$0x0] =	sbarrier.arrive $0xFFFF  }
0x1e: {  	[tilespmem:s15], [sflag:$0x1] =	stream.indirect.gather [spmem:s1], $0x80, s2, s14, $0xb8;
	[tilespmem:$0x1D880] =	vst v63  }
0x1f: {  	s31 =	simm.s32 $0x80;
	s26 =	simm.s32 $0x0  }
0x20: {  	[tilespmem:s17], [sflag:$0x2] =	stream.indirect.gather [spmem:s1], $0x80, s31, s14, $0xb8;
	[tilespmem:$0x1D880] =	vst v63  }
.LBB2_2:
0x21: {  	s0 =	smul.u32 $0x3, s26;
	p1 =	seq.s32 s26, $0x0  }
0x22: {  	s29 =	simm.s32 @!p1 $0x6  }
0x23: {  	s28 =	sadd.s32 $0x2, s0;
	_ =	swait.ge @!p1 [sflag:s29], $0x1400  }
0x24: {  	[sflag:s29] =	ssyncset.done @!p1 $0x0;
	s0 =	sshll.u32 s28, $0x7  }
0x25: {  	[sflag:s29] =	ssyncadd.s32 @!p1 $0xFFFFEC00;
	s0 =	sand.u32 $0x3FFFFF80, s0  }
0x26: {  	[tilespmem:s18], [sflag:$0x3] =	stream.indirect.gather [spmem:s1], $0x80, s0, s14, $0xb8;
	[tilespmem:$0x1D880] =	vst v63  }
0x27: {  	_ =	swait.ge [sflag:s19], $0x2800  }
0x28: {  	[sflag:s19] =	ssyncset.done $0x0  }
0x29: {  	s30 =	simm.s32 $0x17480;
	[sflag:s19] =	ssyncadd.s32 $0xFFFFD800  }
0x2a: {  	v1 =	vld [tilespmem:s30+$0x50]  }
0x2b: {  	v0 =	vld [tilespmem:s30+$0x0]  }
0x2c: {  	v2 =	vld [tilespmem:s30+$0x1D0]  }
0x2d: {  	v3 =	vld [tilespmem:s30+$0x1C0]  }
0x2e: {  	v4 =	vld [tilespmem:s30+$0x1F0]  }
0x2f: {  	v5 =	vld [tilespmem:s30+$0x1E0]  }
0x30: {  	v6 =	vld [tilespmem:s30+$0x60]  }
0x31: {  	v7 =	vld [tilespmem:s30+$0x1A0]  }
0x32: {  	v55 =	vld [tilespmem:s30+$0x20]  }
0x33: {  	v56 =	vld [tilespmem:s30+$0x30]  }
0x34: {  	v8 =	vld [tilespmem:s30+$0x170]  }
0x35: {  	v57 =	vld [tilespmem:s30+$0x150]  }
0x36: {  	v58 =	vld [tilespmem:s30+$0x140]  }
0x37: {  	v9 =	vld [tilespmem:s30+$0x130]  }
0x38: {  	v10 =	vld [tilespmem:s30+$0x120]  }
0x39: {  	v59 =	vld [tilespmem:s30+$0xA0]  }
0x3a: {  	v60 =	vld [tilespmem:s30+$0xB0]  }
0x3b: {  	v61 =	vld [tilespmem:s30+$0xC0]  }
0x3c: {  	v62 =	vld [tilespmem:s30+$0x110]  }
0x3d: {  	v11 =	vld [tilespmem:s30+$0x100]  }
0x3e: {  	v12 =	vld [tilespmem:s30+$0xF0]  }
0x3f: {  	v13 =	vld [tilespmem:s30+$0xE0]  }
0x40: {  	v14 =	vld [tilespmem:s30+$0xD0]  }
0x41: {  	v63 =	vld [tilespmem:s30+$0x40]  }
0x42: {  	[tilespmem:s30+$0xFFFFEC00] =	vst.add.f32.msk $0xffff, v0  }
0x43: {  	[tilespmem:s30+$0xFFFFEDF0] =	vst.add.f32.msk $0xffff, v4  }
0x44: {  	[tilespmem:s30+$0xFFFFEDE0] =	vst.add.f32.msk $0xffff, v5  }
0x45: {  	v0 =	vld [tilespmem:s30+$0x1B0]  }
0x46: {  	[tilespmem:s30+$0xFFFFEDD0] =	vst.add.f32.msk $0xffff, v2  }
0x47: {  	[tilespmem:s30+$0xFFFFEDC0] =	vst.add.f32.msk $0xffff, v3  }
0x48: {  	v2 =	vld [tilespmem:s30+$0x190]  }
0x49: {  	v3 =	vld [tilespmem:s30+$0x180]  }
0x4a: {  	[tilespmem:s30+$0xFFFFEDA0] =	vst.add.f32.msk $0xffff, v7  }
0x4b: {  	[tilespmem:s30+$0xFFFFED70] =	vst.add.f32.msk $0xffff, v8  }
0x4c: {  	[tilespmem:s30+$0xFFFFED50] =	vst.add.f32.msk $0xffff, v57  }
0x4d: {  	[tilespmem:s30+$0xFFFFED40] =	vst.add.f32.msk $0xffff, v58  }
0x4e: {  	[tilespmem:s30+$0xFFFFED30] =	vst.add.f32.msk $0xffff, v9  }
0x4f: {  	[tilespmem:s30+$0xFFFFED20] =	vst.add.f32.msk $0xffff, v10  }
0x50: {  	[tilespmem:s30+$0xFFFFED10] =	vst.add.f32.msk $0xffff, v62  }
0x51: {  	[tilespmem:s30+$0xFFFFED00] =	vst.add.f32.msk $0xffff, v11  }
0x52: {  	[tilespmem:s30+$0xFFFFECF0] =	vst.add.f32.msk $0xffff, v12  }
0x53: {  	[tilespmem:s30+$0xFFFFECE0] =	vst.add.f32.msk $0xffff, v13  }
0x54: {  	[tilespmem:s30+$0xFFFFECD0] =	vst.add.f32.msk $0xffff, v14  }
0x55: {  	[tilespmem:s30+$0xFFFFECC0] =	vst.add.f32.msk $0xffff, v61  }
0x56: {  	[tilespmem:s30+$0xFFFFECB0] =	vst.add.f32.msk $0xffff, v60  }
0x57: {  	[tilespmem:s30+$0xFFFFECA0] =	vst.add.f32.msk $0xffff, v59  }
0x58: {  	[tilespmem:s30+$0xFFFFEC60] =	vst.add.f32.msk $0xffff, v6  }
0x59: {  	[tilespmem:s30+$0xFFFFED90] =	vst.add.f32.msk $0xffff, v2  }
0x5a: {  	[tilespmem:s30+$0xFFFFED80] =	vst.add.f32.msk $0xffff, v3  }
0x5b: {  	v3 =	vld [tilespmem:s30+$0x160]  }
0x5c: {  	v2 =	vld [tilespmem:s30+$0x90]  }
0x5d: {  	[tilespmem:s30+$0xFFFFEC50] =	vst.add.f32.msk $0xffff, v1  }
0x5e: {  	[tilespmem:s30+$0xFFFFEC40] =	vst.add.f32.msk $0xffff, v63  }
0x5f: {  	[tilespmem:s30+$0xFFFFEDB0] =	vst.add.f32.msk $0xffff, v0  }
0x60: {  	[tilespmem:s30+$0xFFFFED60] =	vst.add.f32.msk $0xffff, v3  }
0x61: {  	[tilespmem:s30+$0xFFFFEC90] =	vst.add.f32.msk $0xffff, v2  }
0x62: {  	v3 =	vld [tilespmem:s30+$0x80]  }
0x63: {  	v2 =	vld [tilespmem:s30+$0x70]  }
0x64: {  	v0 =	vld [tilespmem:s30+$0x10]  }
0x65: {  	[tilespmem:s30+$0xFFFFEC30] =	vst.add.f32.msk $0xffff, v56  }
0x66: {  	[tilespmem:s30+$0xFFFFEC20] =	vst.add.f32.msk $0xffff, v55  }
0x67: {  	[tilespmem:s30+$0xFFFFEC80] =	vst.add.f32.msk $0xffff, v3  }
0x68: {  	s29 =	simm.s32 $0x0;
	[tilespmem:s30+$0xFFFFEC70] =	vst.add.f32.msk $0xffff, v2  }
.LBB2_3:
0x69: {  	s29 =	sadd.s32 $0x4, s29;
	[tilespmem:s30+$0xFFFFEC10] =	vst.add.f32.msk $0xffff, v0;
	s30 =	sadd.s32 $0x200, s30  }
0x6a: {  	v1 =	vld [tilespmem:s30+$0x50];
	p1 =	slt.u32 s29, $0x24  }
0x6b: {  	v0 =	vld [tilespmem:s30+$0x0]  }
0x6c: {  	v2 =	vld [tilespmem:s30+$0x1D0]  }
0x6d: {  	v3 =	vld [tilespmem:s30+$0x1C0]  }
0x6e: {  	v4 =	vld [tilespmem:s30+$0x1F0]  }
0x6f: {  	v5 =	vld [tilespmem:s30+$0x1E0]  }
0x70: {  	[tilespmem:s30+$0xFFFFEC00] =	vst.add.f32.msk $0xffff, v0  }
0x71: {  	v6 =	vld [tilespmem:s30+$0x60]  }
0x72: {  	v7 =	vld [tilespmem:s30+$0x1A0]  }
0x73: {  	[tilespmem:s30+$0xFFFFEDF0] =	vst.add.f32.msk $0xffff, v4  }
0x74: {  	[tilespmem:s30+$0xFFFFEDE0] =	vst.add.f32.msk $0xffff, v5  }
0x75: {  	v0 =	vld [tilespmem:s30+$0x1B0]  }
0x76: {  	v4 =	vld [tilespmem:s30+$0x20]  }
0x77: {  	v5 =	vld [tilespmem:s30+$0x30]  }
0x78: {  	[tilespmem:s30+$0xFFFFEDD0] =	vst.add.f32.msk $0xffff, v2  }
0x79: {  	[tilespmem:s30+$0xFFFFEDC0] =	vst.add.f32.msk $0xffff, v3  }
0x7a: {  	[tilespmem:s30+$0xFFFFEDB0] =	vst.add.f32.msk $0xffff, v0  }
0x7b: {  	v2 =	vld [tilespmem:s30+$0x190]  }
0x7c: {  	v3 =	vld [tilespmem:s30+$0x180]  }
0x7d: {  	v8 =	vld [tilespmem:s30+$0x170]  }
0x7e: {  	v0 =	vld [tilespmem:s30+$0x10]  }
0x7f: {  	[tilespmem:s30+$0xFFFFEDA0] =	vst.add.f32.msk $0xffff, v7  }
0x80: {  	[tilespmem:s30+$0xFFFFED90] =	vst.add.f32.msk $0xffff, v2  }
0x81: {  	[tilespmem:s30+$0xFFFFED80] =	vst.add.f32.msk $0xffff, v3  }
0x82: {  	[tilespmem:s30+$0xFFFFED70] =	vst.add.f32.msk $0xffff, v8  }
0x83: {  	v2 =	vld [tilespmem:s30+$0x90]  }
0x84: {  	v3 =	vld [tilespmem:s30+$0x160]  }
0x85: {  	v7 =	vld [tilespmem:s30+$0x150]  }
0x86: {  	v8 =	vld [tilespmem:s30+$0x140]  }
0x87: {  	v9 =	vld [tilespmem:s30+$0x130]  }
0x88: {  	v10 =	vld [tilespmem:s30+$0x120]  }
0x89: {  	[tilespmem:s30+$0xFFFFED60] =	vst.add.f32.msk $0xffff, v3  }
0x8a: {  	[tilespmem:s30+$0xFFFFED50] =	vst.add.f32.msk $0xffff, v7  }
0x8b: {  	[tilespmem:s30+$0xFFFFED40] =	vst.add.f32.msk $0xffff, v8  }
0x8c: {  	[tilespmem:s30+$0xFFFFED30] =	vst.add.f32.msk $0xffff, v9  }
0x8d: {  	[tilespmem:s30+$0xFFFFED20] =	vst.add.f32.msk $0xffff, v10  }
0x8e: {  	[tilespmem:s30+$0xFFFFEC90] =	vst.add.f32.msk $0xffff, v2  }
0x8f: {  	v2 =	vld [tilespmem:s30+$0x70]  }
0x90: {  	v3 =	vld [tilespmem:s30+$0x80]  }
0x91: {  	v7 =	vld [tilespmem:s30+$0xA0]  }
0x92: {  	v8 =	vld [tilespmem:s30+$0xB0]  }
0x93: {  	v9 =	vld [tilespmem:s30+$0xC0]  }
0x94: {  	v10 =	vld [tilespmem:s30+$0x110]  }
0x95: {  	v11 =	vld [tilespmem:s30+$0x100]  }
0x96: {  	v12 =	vld [tilespmem:s30+$0xF0]  }
0x97: {  	v13 =	vld [tilespmem:s30+$0xE0]  }
0x98: {  	v14 =	vld [tilespmem:s30+$0xD0]  }
0x99: {  	[tilespmem:s30+$0xFFFFED10] =	vst.add.f32.msk $0xffff, v10  }
0x9a: {  	[tilespmem:s30+$0xFFFFED00] =	vst.add.f32.msk $0xffff, v11  }
0x9b: {  	[tilespmem:s30+$0xFFFFECF0] =	vst.add.f32.msk $0xffff, v12  }
0x9c: {  	[tilespmem:s30+$0xFFFFECE0] =	vst.add.f32.msk $0xffff, v13  }
0x9d: {  	[tilespmem:s30+$0xFFFFECD0] =	vst.add.f32.msk $0xffff, v14  }
0x9e: {  	[tilespmem:s30+$0xFFFFECC0] =	vst.add.f32.msk $0xffff, v9  }
0x9f: {  	[tilespmem:s30+$0xFFFFECB0] =	vst.add.f32.msk $0xffff, v8  }
0xa0: {  	[tilespmem:s30+$0xFFFFECA0] =	vst.add.f32.msk $0xffff, v7  }
0xa1: {  	v7 =	vld [tilespmem:s30+$0x40]  }
0xa2: {  	[tilespmem:s30+$0xFFFFEC80] =	vst.add.f32.msk $0xffff, v3  }
0xa3: {  	[tilespmem:s30+$0xFFFFEC70] =	vst.add.f32.msk $0xffff, v2  }
.Ltmp0:
0xa4: {  	[tilespmem:s30+$0xFFFFEC60] =	vst.add.f32.msk $0xffff, v6;
	(pc) =	sbr.rel @p1 .LBB2_3-.Ltmp0, $4  }
0xa5: {  	[tilespmem:s30+$0xFFFFEC50] =	vst.add.f32.msk $0xffff, v1  }
0xa6: {  	[tilespmem:s30+$0xFFFFEC40] =	vst.add.f32.msk $0xffff, v7  }
0xa7: {  	[tilespmem:s30+$0xFFFFEC30] =	vst.add.f32.msk $0xffff, v5  }
0xa8: {  	[tilespmem:s30+$0xFFFFEC20] =	vst.add.f32.msk $0xffff, v4  }
0xa9: {  	s29 =	smul.u32 $0x78, s26;
	_ =	sdelay $0x1  }
0xaa: {  	s0 =	sadd.s32 s4, s29  }
0xab: {  	s0 =	sshll.u32 s0, $0x4  }
0xac: {  	[tilespmem:s30+$0xFFFFEC10] =	vst.add.f32.msk $0xffff, v0;
	p1 =	seq.s32 s26, $0x18;
	s0 =	sadd.s32 s3, s0  }
0xad: {  	[hbm4b:s0+s2] =	stream.linear.scatter [tilespmem:s15], [sflag:$0x4], $0x1400, $0x38;
	[tilespmem:$0x1D880] =	vst v63  }
0xae: {  	s30 =	smul.u32 @!p1 $0x600, s26;
	s0 =	simm.s32 @!p1 $0x4  }
0xaf: {  	_ =	swait.ge @!p1 [sflag:s0], $0x1400  }
0xb0: {  	s31 =	simm.s32 @!p1 $0x50;
	s30 =	sshra.s32 @!p1 s30, $0x2;
	[sflag:s0] =	ssyncset.done @!p1 $0x0  }
0xb1: {  	s16 =	simm.s32 @!p1 $0x16080;
	[sflag:s0] =	ssyncadd.s32 @!p1 $0xFFFFEC00;
	s0 =	sadd.s32 @!p1 $0x180, s30  }
0xb2: {  	[tilespmem:s16], [sflag:$0x1] =	stream.indirect.gather @!p1 [spmem:s1], $0x80, s0, s31, $0xb8;
	[tilespmem:$0x1D880] =	vst v63  }
0xb3: {  	_ =	swait.ge [sflag:s20], $0x2800  }
0xb4: {  	[sflag:s20] =	ssyncset.done $0x0  }
0xb5: {  	s31 =	simm.s32 $0x19C80;
	[sflag:s20] =	ssyncadd.s32 $0xFFFFD800  }
0xb6: {  	v1 =	vld [tilespmem:s31+$0x50]  }
0xb7: {  	v0 =	vld [tilespmem:s31+$0x0]  }
0xb8: {  	v2 =	vld [tilespmem:s31+$0x1D0]  }
0xb9: {  	v3 =	vld [tilespmem:s31+$0x1C0]  }
0xba: {  	v4 =	vld [tilespmem:s31+$0x1F0]  }
0xbb: {  	v5 =	vld [tilespmem:s31+$0x1E0]  }
0xbc: {  	v6 =	vld [tilespmem:s31+$0x60]  }
0xbd: {  	v7 =	vld [tilespmem:s31+$0x1A0]  }
0xbe: {  	v55 =	vld [tilespmem:s31+$0x20]  }
0xbf: {  	v56 =	vld [tilespmem:s31+$0x30]  }
0xc0: {  	v8 =	vld [tilespmem:s31+$0x170]  }
0xc1: {  	v57 =	vld [tilespmem:s31+$0x150]  }
0xc2: {  	v58 =	vld [tilespmem:s31+$0x140]  }
0xc3: {  	v9 =	vld [tilespmem:s31+$0x130]  }
0xc4: {  	v10 =	vld [tilespmem:s31+$0x120]  }
0xc5: {  	v59 =	vld [tilespmem:s31+$0xA0]  }
0xc6: {  	v60 =	vld [tilespmem:s31+$0xB0]  }
0xc7: {  	v61 =	vld [tilespmem:s31+$0xC0]  }
0xc8: {  	v62 =	vld [tilespmem:s31+$0x110]  }
0xc9: {  	v11 =	vld [tilespmem:s31+$0x100]  }
0xca: {  	v12 =	vld [tilespmem:s31+$0xF0]  }
0xcb: {  	v13 =	vld [tilespmem:s31+$0xE0]  }
0xcc: {  	v14 =	vld [tilespmem:s31+$0xD0]  }
0xcd: {  	v63 =	vld [tilespmem:s31+$0x40]  }
0xce: {  	[tilespmem:s31+$0xFFFFEC00] =	vst.add.f32.msk $0xffff, v0  }
0xcf: {  	[tilespmem:s31+$0xFFFFEDF0] =	vst.add.f32.msk $0xffff, v4  }
0xd0: {  	[tilespmem:s31+$0xFFFFEDE0] =	vst.add.f32.msk $0xffff, v5  }
0xd1: {  	v0 =	vld [tilespmem:s31+$0x1B0]  }
0xd2: {  	[tilespmem:s31+$0xFFFFEDD0] =	vst.add.f32.msk $0xffff, v2  }
0xd3: {  	[tilespmem:s31+$0xFFFFEDC0] =	vst.add.f32.msk $0xffff, v3  }
0xd4: {  	v2 =	vld [tilespmem:s31+$0x190]  }
0xd5: {  	v3 =	vld [tilespmem:s31+$0x180]  }
0xd6: {  	[tilespmem:s31+$0xFFFFEDA0] =	vst.add.f32.msk $0xffff, v7  }
0xd7: {  	[tilespmem:s31+$0xFFFFED70] =	vst.add.f32.msk $0xffff, v8  }
0xd8: {  	[tilespmem:s31+$0xFFFFED50] =	vst.add.f32.msk $0xffff, v57  }
0xd9: {  	[tilespmem:s31+$0xFFFFED40] =	vst.add.f32.msk $0xffff, v58  }
0xda: {  	[tilespmem:s31+$0xFFFFED30] =	vst.add.f32.msk $0xffff, v9  }
0xdb: {  	[tilespmem:s31+$0xFFFFED20] =	vst.add.f32.msk $0xffff, v10  }
0xdc: {  	[tilespmem:s31+$0xFFFFED10] =	vst.add.f32.msk $0xffff, v62  }
0xdd: {  	[tilespmem:s31+$0xFFFFED00] =	vst.add.f32.msk $0xffff, v11  }
0xde: {  	[tilespmem:s31+$0xFFFFECF0] =	vst.add.f32.msk $0xffff, v12  }
0xdf: {  	[tilespmem:s31+$0xFFFFECE0] =	vst.add.f32.msk $0xffff, v13  }
0xe0: {  	[tilespmem:s31+$0xFFFFECD0] =	vst.add.f32.msk $0xffff, v14  }
0xe1: {  	[tilespmem:s31+$0xFFFFECC0] =	vst.add.f32.msk $0xffff, v61  }
0xe2: {  	[tilespmem:s31+$0xFFFFECB0] =	vst.add.f32.msk $0xffff, v60  }
0xe3: {  	[tilespmem:s31+$0xFFFFECA0] =	vst.add.f32.msk $0xffff, v59  }
0xe4: {  	[tilespmem:s31+$0xFFFFEC60] =	vst.add.f32.msk $0xffff, v6  }
0xe5: {  	[tilespmem:s31+$0xFFFFED90] =	vst.add.f32.msk $0xffff, v2  }
0xe6: {  	[tilespmem:s31+$0xFFFFED80] =	vst.add.f32.msk $0xffff, v3  }
0xe7: {  	v3 =	vld [tilespmem:s31+$0x160]  }
0xe8: {  	v2 =	vld [tilespmem:s31+$0x90]  }
0xe9: {  	[tilespmem:s31+$0xFFFFEC50] =	vst.add.f32.msk $0xffff, v1  }
0xea: {  	[tilespmem:s31+$0xFFFFEC40] =	vst.add.f32.msk $0xffff, v63  }
0xeb: {  	[tilespmem:s31+$0xFFFFEDB0] =	vst.add.f32.msk $0xffff, v0  }
0xec: {  	[tilespmem:s31+$0xFFFFED60] =	vst.add.f32.msk $0xffff, v3  }
0xed: {  	[tilespmem:s31+$0xFFFFEC90] =	vst.add.f32.msk $0xffff, v2  }
0xee: {  	v3 =	vld [tilespmem:s31+$0x80]  }
0xef: {  	v2 =	vld [tilespmem:s31+$0x70]  }
0xf0: {  	v0 =	vld [tilespmem:s31+$0x10]  }
0xf1: {  	[tilespmem:s31+$0xFFFFEC30] =	vst.add.f32.msk $0xffff, v56  }
0xf2: {  	[tilespmem:s31+$0xFFFFEC20] =	vst.add.f32.msk $0xffff, v55  }
0xf3: {  	[tilespmem:s31+$0xFFFFEC80] =	vst.add.f32.msk $0xffff, v3  }
0xf4: {  	s0 =	simm.s32 $0x0;
	[tilespmem:s31+$0xFFFFEC70] =	vst.add.f32.msk $0xffff, v2  }
.LBB2_5:
0xf5: {  	s0 =	sadd.s32 $0x4, s0;
	[tilespmem:s31+$0xFFFFEC10] =	vst.add.f32.msk $0xffff, v0;
	s31 =	sadd.s32 $0x200, s31  }
0xf6: {  	v1 =	vld [tilespmem:s31+$0x50];
	p2 =	slt.u32 s0, $0x24  }
0xf7: {  	v0 =	vld [tilespmem:s31+$0x0]  }
0xf8: {  	v2 =	vld [tilespmem:s31+$0x1D0]  }
0xf9: {  	v3 =	vld [tilespmem:s31+$0x1C0]  }
0xfa: {  	v4 =	vld [tilespmem:s31+$0x1F0]  }
0xfb: {  	v5 =	vld [tilespmem:s31+$0x1E0]  }
0xfc: {  	[tilespmem:s31+$0xFFFFEC00] =	vst.add.f32.msk $0xffff, v0  }
0xfd: {  	v6 =	vld [tilespmem:s31+$0x60]  }
0xfe: {  	v7 =	vld [tilespmem:s31+$0x1A0]  }
0xff: {  	[tilespmem:s31+$0xFFFFEDF0] =	vst.add.f32.msk $0xffff, v4  }
0x100: {  	[tilespmem:s31+$0xFFFFEDE0] =	vst.add.f32.msk $0xffff, v5  }
0x101: {  	v0 =	vld [tilespmem:s31+$0x1B0]  }
0x102: {  	v4 =	vld [tilespmem:s31+$0x20]  }
0x103: {  	v5 =	vld [tilespmem:s31+$0x30]  }
0x104: {  	[tilespmem:s31+$0xFFFFEDD0] =	vst.add.f32.msk $0xffff, v2  }
0x105: {  	[tilespmem:s31+$0xFFFFEDC0] =	vst.add.f32.msk $0xffff, v3  }
0x106: {  	[tilespmem:s31+$0xFFFFEDB0] =	vst.add.f32.msk $0xffff, v0  }
0x107: {  	v2 =	vld [tilespmem:s31+$0x190]  }
0x108: {  	v3 =	vld [tilespmem:s31+$0x180]  }
0x109: {  	v8 =	vld [tilespmem:s31+$0x170]  }
0x10a: {  	v0 =	vld [tilespmem:s31+$0x10]  }
0x10b: {  	[tilespmem:s31+$0xFFFFEDA0] =	vst.add.f32.msk $0xffff, v7  }
0x10c: {  	[tilespmem:s31+$0xFFFFED90] =	vst.add.f32.msk $0xffff, v2  }
0x10d: {  	[tilespmem:s31+$0xFFFFED80] =	vst.add.f32.msk $0xffff, v3  }
0x10e: {  	[tilespmem:s31+$0xFFFFED70] =	vst.add.f32.msk $0xffff, v8  }
0x10f: {  	v2 =	vld [tilespmem:s31+$0x90]  }
0x110: {  	v3 =	vld [tilespmem:s31+$0x160]  }
0x111: {  	v7 =	vld [tilespmem:s31+$0x150]  }
0x112: {  	v8 =	vld [tilespmem:s31+$0x140]  }
0x113: {  	v9 =	vld [tilespmem:s31+$0x130]  }
0x114: {  	v10 =	vld [tilespmem:s31+$0x120]  }
0x115: {  	[tilespmem:s31+$0xFFFFED60] =	vst.add.f32.msk $0xffff, v3  }
0x116: {  	[tilespmem:s31+$0xFFFFED50] =	vst.add.f32.msk $0xffff, v7  }
0x117: {  	[tilespmem:s31+$0xFFFFED40] =	vst.add.f32.msk $0xffff, v8  }
0x118: {  	[tilespmem:s31+$0xFFFFED30] =	vst.add.f32.msk $0xffff, v9  }
0x119: {  	[tilespmem:s31+$0xFFFFED20] =	vst.add.f32.msk $0xffff, v10  }
0x11a: {  	[tilespmem:s31+$0xFFFFEC90] =	vst.add.f32.msk $0xffff, v2  }
0x11b: {  	v2 =	vld [tilespmem:s31+$0x70]  }
0x11c: {  	v3 =	vld [tilespmem:s31+$0x80]  }
0x11d: {  	v7 =	vld [tilespmem:s31+$0xA0]  }
0x11e: {  	v8 =	vld [tilespmem:s31+$0xB0]  }
0x11f: {  	v9 =	vld [tilespmem:s31+$0xC0]  }
0x120: {  	v10 =	vld [tilespmem:s31+$0x110]  }
0x121: {  	v11 =	vld [tilespmem:s31+$0x100]  }
0x122: {  	v12 =	vld [tilespmem:s31+$0xF0]  }
0x123: {  	v13 =	vld [tilespmem:s31+$0xE0]  }
0x124: {  	v14 =	vld [tilespmem:s31+$0xD0]  }
0x125: {  	[tilespmem:s31+$0xFFFFED10] =	vst.add.f32.msk $0xffff, v10  }
0x126: {  	[tilespmem:s31+$0xFFFFED00] =	vst.add.f32.msk $0xffff, v11  }
0x127: {  	[tilespmem:s31+$0xFFFFECF0] =	vst.add.f32.msk $0xffff, v12  }
0x128: {  	[tilespmem:s31+$0xFFFFECE0] =	vst.add.f32.msk $0xffff, v13  }
0x129: {  	[tilespmem:s31+$0xFFFFECD0] =	vst.add.f32.msk $0xffff, v14  }
0x12a: {  	[tilespmem:s31+$0xFFFFECC0] =	vst.add.f32.msk $0xffff, v9  }
0x12b: {  	[tilespmem:s31+$0xFFFFECB0] =	vst.add.f32.msk $0xffff, v8  }
0x12c: {  	[tilespmem:s31+$0xFFFFECA0] =	vst.add.f32.msk $0xffff, v7  }
0x12d: {  	v7 =	vld [tilespmem:s31+$0x40]  }
0x12e: {  	[tilespmem:s31+$0xFFFFEC80] =	vst.add.f32.msk $0xffff, v3  }
0x12f: {  	[tilespmem:s31+$0xFFFFEC70] =	vst.add.f32.msk $0xffff, v2  }
.Ltmp1:
0x130: {  	[tilespmem:s31+$0xFFFFEC60] =	vst.add.f32.msk $0xffff, v6;
	(pc) =	sbr.rel @p2 .LBB2_5-.Ltmp1, $4  }
0x131: {  	[tilespmem:s31+$0xFFFFEC50] =	vst.add.f32.msk $0xffff, v1  }
0x132: {  	[tilespmem:s31+$0xFFFFEC40] =	vst.add.f32.msk $0xffff, v7  }
0x133: {  	[tilespmem:s31+$0xFFFFEC30] =	vst.add.f32.msk $0xffff, v5  }
0x134: {  	[tilespmem:s31+$0xFFFFEC20] =	vst.add.f32.msk $0xffff, v4  }
0x135: {  	s0 =	sadd.s32 s29, s9  }
0x136: {  	s0 =	sshll.u32 s0, $0x4  }
0x137: {  	[tilespmem:s31+$0xFFFFEC10] =	vst.add.f32.msk $0xffff, v0;
	s0 =	sadd.s32 s3, s0  }
0x138: {  	[hbm4b:s0+s2] =	stream.linear.scatter [tilespmem:s17], [sflag:$0x5], $0x1400, $0x38;
	[tilespmem:$0x1D880] =	vst v63  }
0x139: {  	s0 =	simm.s32 @!p1 $0x5  }
0x13a: {  	_ =	swait.ge @!p1 [sflag:s0], $0x1400  }
0x13b: {  	s16 =	simm.s32 @!p1 $0x50;
	[sflag:s0] =	ssyncset.done @!p1 $0x0  }
0x13c: {  	s29 =	simm.s32 @!p1 $0x18880;
	[sflag:s0] =	ssyncadd.s32 @!p1 $0xFFFFEC00;
	s0 =	sadd.s32 @!p1 $0x200, s30  }
0x13d: {  	[tilespmem:s29], [sflag:$0x2] =	stream.indirect.gather @!p1 [spmem:s1], $0x80, s0, s16, $0xb8;
	[tilespmem:$0x1D880] =	vst v63  }
0x13e: {  	_ =	swait.ge [sflag:s21], $0x2800  }
0x13f: {  	[sflag:s21] =	ssyncset.done $0x0  }
0x140: {  	s29 =	simm.s32 $0x1C480;
	[sflag:s21] =	ssyncadd.s32 $0xFFFFD800  }
0x141: {  	v1 =	vld [tilespmem:s29+$0x50]  }
0x142: {  	v0 =	vld [tilespmem:s29+$0x0]  }
0x143: {  	v2 =	vld [tilespmem:s29+$0x1D0]  }
0x144: {  	v3 =	vld [tilespmem:s29+$0x1C0]  }
0x145: {  	v4 =	vld [tilespmem:s29+$0x1F0]  }
0x146: {  	v5 =	vld [tilespmem:s29+$0x1E0]  }
0x147: {  	v6 =	vld [tilespmem:s29+$0x60]  }
0x148: {  	v7 =	vld [tilespmem:s29+$0x1A0]  }
0x149: {  	v55 =	vld [tilespmem:s29+$0x20]  }
0x14a: {  	v56 =	vld [tilespmem:s29+$0x30]  }
0x14b: {  	v8 =	vld [tilespmem:s29+$0x170]  }
0x14c: {  	v57 =	vld [tilespmem:s29+$0x150]  }
0x14d: {  	v58 =	vld [tilespmem:s29+$0x140]  }
0x14e: {  	v9 =	vld [tilespmem:s29+$0x130]  }
0x14f: {  	v10 =	vld [tilespmem:s29+$0x120]  }
0x150: {  	v59 =	vld [tilespmem:s29+$0xA0]  }
0x151: {  	v60 =	vld [tilespmem:s29+$0xB0]  }
0x152: {  	v61 =	vld [tilespmem:s29+$0xC0]  }
0x153: {  	v62 =	vld [tilespmem:s29+$0x110]  }
0x154: {  	v11 =	vld [tilespmem:s29+$0x100]  }
0x155: {  	v12 =	vld [tilespmem:s29+$0xF0]  }
0x156: {  	v13 =	vld [tilespmem:s29+$0xE0]  }
0x157: {  	v14 =	vld [tilespmem:s29+$0xD0]  }
0x158: {  	v63 =	vld [tilespmem:s29+$0x40]  }
0x159: {  	[tilespmem:s29+$0xFFFFEC00] =	vst.add.f32.msk $0xffff, v0  }
0x15a: {  	[tilespmem:s29+$0xFFFFEDF0] =	vst.add.f32.msk $0xffff, v4  }
0x15b: {  	[tilespmem:s29+$0xFFFFEDE0] =	vst.add.f32.msk $0xffff, v5  }
0x15c: {  	v0 =	vld [tilespmem:s29+$0x1B0]  }
0x15d: {  	[tilespmem:s29+$0xFFFFEDD0] =	vst.add.f32.msk $0xffff, v2  }
0x15e: {  	[tilespmem:s29+$0xFFFFEDC0] =	vst.add.f32.msk $0xffff, v3  }
0x15f: {  	v2 =	vld [tilespmem:s29+$0x190]  }
0x160: {  	v3 =	vld [tilespmem:s29+$0x180]  }
0x161: {  	[tilespmem:s29+$0xFFFFEDA0] =	vst.add.f32.msk $0xffff, v7  }
0x162: {  	[tilespmem:s29+$0xFFFFED70] =	vst.add.f32.msk $0xffff, v8  }
0x163: {  	[tilespmem:s29+$0xFFFFED50] =	vst.add.f32.msk $0xffff, v57  }
0x164: {  	[tilespmem:s29+$0xFFFFED40] =	vst.add.f32.msk $0xffff, v58  }
0x165: {  	[tilespmem:s29+$0xFFFFED30] =	vst.add.f32.msk $0xffff, v9  }
0x166: {  	[tilespmem:s29+$0xFFFFED20] =	vst.add.f32.msk $0xffff, v10  }
0x167: {  	[tilespmem:s29+$0xFFFFED10] =	vst.add.f32.msk $0xffff, v62  }
0x168: {  	[tilespmem:s29+$0xFFFFED00] =	vst.add.f32.msk $0xffff, v11  }
0x169: {  	[tilespmem:s29+$0xFFFFECF0] =	vst.add.f32.msk $0xffff, v12  }
0x16a: {  	[tilespmem:s29+$0xFFFFECE0] =	vst.add.f32.msk $0xffff, v13  }
0x16b: {  	[tilespmem:s29+$0xFFFFECD0] =	vst.add.f32.msk $0xffff, v14  }
0x16c: {  	[tilespmem:s29+$0xFFFFECC0] =	vst.add.f32.msk $0xffff, v61  }
0x16d: {  	[tilespmem:s29+$0xFFFFECB0] =	vst.add.f32.msk $0xffff, v60  }
0x16e: {  	[tilespmem:s29+$0xFFFFECA0] =	vst.add.f32.msk $0xffff, v59  }
0x16f: {  	[tilespmem:s29+$0xFFFFEC60] =	vst.add.f32.msk $0xffff, v6  }
0x170: {  	[tilespmem:s29+$0xFFFFED90] =	vst.add.f32.msk $0xffff, v2  }
0x171: {  	[tilespmem:s29+$0xFFFFED80] =	vst.add.f32.msk $0xffff, v3  }
0x172: {  	v3 =	vld [tilespmem:s29+$0x160]  }
0x173: {  	v2 =	vld [tilespmem:s29+$0x90]  }
0x174: {  	[tilespmem:s29+$0xFFFFEC50] =	vst.add.f32.msk $0xffff, v1  }
0x175: {  	[tilespmem:s29+$0xFFFFEC40] =	vst.add.f32.msk $0xffff, v63  }
0x176: {  	[tilespmem:s29+$0xFFFFEDB0] =	vst.add.f32.msk $0xffff, v0  }
0x177: {  	[tilespmem:s29+$0xFFFFED60] =	vst.add.f32.msk $0xffff, v3  }
0x178: {  	[tilespmem:s29+$0xFFFFEC90] =	vst.add.f32.msk $0xffff, v2  }
0x179: {  	v3 =	vld [tilespmem:s29+$0x80]  }
0x17a: {  	v2 =	vld [tilespmem:s29+$0x70]  }
0x17b: {  	v0 =	vld [tilespmem:s29+$0x10]  }
0x17c: {  	[tilespmem:s29+$0xFFFFEC30] =	vst.add.f32.msk $0xffff, v56  }
0x17d: {  	[tilespmem:s29+$0xFFFFEC20] =	vst.add.f32.msk $0xffff, v55  }
0x17e: {  	[tilespmem:s29+$0xFFFFEC80] =	vst.add.f32.msk $0xffff, v3  }
0x17f: {  	s0 =	simm.s32 $0x0;
	[tilespmem:s29+$0xFFFFEC70] =	vst.add.f32.msk $0xffff, v2  }
.LBB2_7:
0x180: {  	s0 =	sadd.s32 $0x4, s0;
	[tilespmem:s29+$0xFFFFEC10] =	vst.add.f32.msk $0xffff, v0;
	s29 =	sadd.s32 $0x200, s29  }
0x181: {  	v1 =	vld [tilespmem:s29+$0x50];
	p1 =	slt.u32 s0, $0x24  }
0x182: {  	v0 =	vld [tilespmem:s29+$0x0]  }
0x183: {  	v2 =	vld [tilespmem:s29+$0x1D0]  }
0x184: {  	v3 =	vld [tilespmem:s29+$0x1C0]  }
0x185: {  	v4 =	vld [tilespmem:s29+$0x1F0]  }
0x186: {  	v5 =	vld [tilespmem:s29+$0x1E0]  }
0x187: {  	[tilespmem:s29+$0xFFFFEC00] =	vst.add.f32.msk $0xffff, v0  }
0x188: {  	v6 =	vld [tilespmem:s29+$0x60]  }
0x189: {  	v7 =	vld [tilespmem:s29+$0x1A0]  }
0x18a: {  	[tilespmem:s29+$0xFFFFEDF0] =	vst.add.f32.msk $0xffff, v4  }
0x18b: {  	[tilespmem:s29+$0xFFFFEDE0] =	vst.add.f32.msk $0xffff, v5  }
0x18c: {  	v0 =	vld [tilespmem:s29+$0x1B0]  }
0x18d: {  	v4 =	vld [tilespmem:s29+$0x20]  }
0x18e: {  	v5 =	vld [tilespmem:s29+$0x30]  }
0x18f: {  	[tilespmem:s29+$0xFFFFEDD0] =	vst.add.f32.msk $0xffff, v2  }
0x190: {  	[tilespmem:s29+$0xFFFFEDC0] =	vst.add.f32.msk $0xffff, v3  }
0x191: {  	[tilespmem:s29+$0xFFFFEDB0] =	vst.add.f32.msk $0xffff, v0  }
0x192: {  	v2 =	vld [tilespmem:s29+$0x190]  }
0x193: {  	v3 =	vld [tilespmem:s29+$0x180]  }
0x194: {  	v8 =	vld [tilespmem:s29+$0x170]  }
0x195: {  	v0 =	vld [tilespmem:s29+$0x10]  }
0x196: {  	[tilespmem:s29+$0xFFFFEDA0] =	vst.add.f32.msk $0xffff, v7  }
0x197: {  	[tilespmem:s29+$0xFFFFED90] =	vst.add.f32.msk $0xffff, v2  }
0x198: {  	[tilespmem:s29+$0xFFFFED80] =	vst.add.f32.msk $0xffff, v3  }
0x199: {  	[tilespmem:s29+$0xFFFFED70] =	vst.add.f32.msk $0xffff, v8  }
0x19a: {  	v2 =	vld [tilespmem:s29+$0x90]  }
0x19b: {  	v3 =	vld [tilespmem:s29+$0x160]  }
0x19c: {  	v7 =	vld [tilespmem:s29+$0x150]  }
0x19d: {  	v8 =	vld [tilespmem:s29+$0x140]  }
0x19e: {  	v9 =	vld [tilespmem:s29+$0x130]  }
0x19f: {  	v10 =	vld [tilespmem:s29+$0x120]  }
0x1a0: {  	[tilespmem:s29+$0xFFFFED60] =	vst.add.f32.msk $0xffff, v3  }
0x1a1: {  	[tilespmem:s29+$0xFFFFED50] =	vst.add.f32.msk $0xffff, v7  }
0x1a2: {  	[tilespmem:s29+$0xFFFFED40] =	vst.add.f32.msk $0xffff, v8  }
0x1a3: {  	[tilespmem:s29+$0xFFFFED30] =	vst.add.f32.msk $0xffff, v9  }
0x1a4: {  	[tilespmem:s29+$0xFFFFED20] =	vst.add.f32.msk $0xffff, v10  }
0x1a5: {  	[tilespmem:s29+$0xFFFFEC90] =	vst.add.f32.msk $0xffff, v2  }
0x1a6: {  	v2 =	vld [tilespmem:s29+$0x70]  }
0x1a7: {  	v3 =	vld [tilespmem:s29+$0x80]  }
0x1a8: {  	v7 =	vld [tilespmem:s29+$0xA0]  }
0x1a9: {  	v8 =	vld [tilespmem:s29+$0xB0]  }
0x1aa: {  	v9 =	vld [tilespmem:s29+$0xC0]  }
0x1ab: {  	v10 =	vld [tilespmem:s29+$0x110]  }
0x1ac: {  	v11 =	vld [tilespmem:s29+$0x100]  }
0x1ad: {  	v12 =	vld [tilespmem:s29+$0xF0]  }
0x1ae: {  	v13 =	vld [tilespmem:s29+$0xE0]  }
0x1af: {  	v14 =	vld [tilespmem:s29+$0xD0]  }
0x1b0: {  	[tilespmem:s29+$0xFFFFED10] =	vst.add.f32.msk $0xffff, v10  }
0x1b1: {  	[tilespmem:s29+$0xFFFFED00] =	vst.add.f32.msk $0xffff, v11  }
0x1b2: {  	[tilespmem:s29+$0xFFFFECF0] =	vst.add.f32.msk $0xffff, v12  }
0x1b3: {  	[tilespmem:s29+$0xFFFFECE0] =	vst.add.f32.msk $0xffff, v13  }
0x1b4: {  	[tilespmem:s29+$0xFFFFECD0] =	vst.add.f32.msk $0xffff, v14  }
0x1b5: {  	[tilespmem:s29+$0xFFFFECC0] =	vst.add.f32.msk $0xffff, v9  }
0x1b6: {  	[tilespmem:s29+$0xFFFFECB0] =	vst.add.f32.msk $0xffff, v8  }
0x1b7: {  	[tilespmem:s29+$0xFFFFECA0] =	vst.add.f32.msk $0xffff, v7  }
0x1b8: {  	v7 =	vld [tilespmem:s29+$0x40]  }
0x1b9: {  	[tilespmem:s29+$0xFFFFEC80] =	vst.add.f32.msk $0xffff, v3  }
0x1ba: {  	[tilespmem:s29+$0xFFFFEC70] =	vst.add.f32.msk $0xffff, v2  }
.Ltmp2:
0x1bb: {  	[tilespmem:s29+$0xFFFFEC60] =	vst.add.f32.msk $0xffff, v6;
	(pc) =	sbr.rel @p1 .LBB2_7-.Ltmp2, $4  }
0x1bc: {  	[tilespmem:s29+$0xFFFFEC50] =	vst.add.f32.msk $0xffff, v1  }
0x1bd: {  	[tilespmem:s29+$0xFFFFEC40] =	vst.add.f32.msk $0xffff, v7  }
0x1be: {  	[tilespmem:s29+$0xFFFFEC30] =	vst.add.f32.msk $0xffff, v5  }
0x1bf: {  	[tilespmem:s29+$0xFFFFEC20] =	vst.add.f32.msk $0xffff, v4  }
0x1c0: {  	s26 =	sadd.s32 $0x1, s26  }
0x1c1: {  	s0 =	smul.u32 $0x28, s28;
	p1 =	sne.s32 s26, $0x19  }
.Ltmp3:
0x1c2: {  	_ = 	snop;
	(pc) =	sbr.rel @p1 .LBB2_2-.Ltmp3, $4  }
0x1c3: {  	s0 =	sadd.s32 s4, s0  }
0x1c4: {  	s0 =	sshll.u32 s0, $0x4  }
0x1c5: {  	[tilespmem:s29+$0xFFFFEC10] =	vst.add.f32.msk $0xffff, v0;
	s0 =	sadd.s32 s3, s0  }
0x1c6: {  	[hbm4b:s0+s2] =	stream.linear.scatter [tilespmem:s18], [sflag:$0x6], $0x1400, $0x38;
	[tilespmem:$0x1D880] =	vst v63  }
0x1c7: {  	_ =	swait.ge [sflag:s22], $0x1400  }
0x1c8: {  	[sflag:s22] =	ssyncset.done $0x0  }
0x1c9: {  	s25 =	sadd.s32 $0x1, s25;
	[sflag:s22] =	ssyncadd.s32 $0xFFFFEC00  }
0x1ca: {  	p1 =	sne.s32 s25, s10;
	_ =	swait.ge [sflag:s23], $0x1400  }
.Ltmp4:
0x1cb: {  	[sflag:s23] =	ssyncset.done $0x0;
	(pc) =	sbr.rel @p1 .LBB2_1-.Ltmp4, $4  }
0x1cc: {  	[sflag:s23] =	ssyncadd.s32 $0xFFFFEC00  }
0x1cd: {  	_ =	swait.ge [sflag:s24], $0x1400  }
0x1ce: {  	[sflag:s24] =	ssyncset.done $0x0  }
0x1cf: {  	[sflag:s24] =	ssyncadd.s32 $0xFFFFEC00  }
0x1d0: {  	_ =	sfence.sel $0x180000  }
0x1d1: {  	[bflag:$0x0] =	sbarrier.arrive $0xFFFF  }
0x1d2: {  	_ =	strace $0x9000004D  }
0x1d3: {  	[bflag:$0x2] =	sbarrier.arrive $0xFFFF  }
0x1d4: {  	s0 =	rddreg [dreg:$0x2]  }
0x1d5: {  	s0 =	sadd.s32 @!p0 $0x100000, s0  }
0x1d6: {  	[sflag:s0] =	ssyncadd.tile.s32 @!p0 $0x1;
	_ =	shalt  }
.Lfunc_end2:
_tile_overlayer_lowered:
.L_overlay_start_2:
0x1d7: {  	(tag) =	ssettag $0x2  }
0x1d8: {  	s0 =	rddreg [dreg:$0x0];
	s2 =	stileid.u32  }
0x1d9: {  	s1 =	rddreg [dreg:$0x1];
	p0 =	sne.s32 s2, $0x0  }
0x1da: {  	s3 =	rddreg [dreg:$0x2];
	[bflag:$0x3] =	sbarrier.arrive $0xFFFF;
	s2 =	simm.s32 @!p0 $0x1C07  }
0x1db: {  	[timem:s3], [sflag:s2] =	dma.local @!p0 [hbm:s0], s1  }
0x1dc: {  	s0 =	simm.s32 @!p0 $0x7  }
0x1dd: {  	_ =	swait.ge @!p0 [sflag:s0], s1  }
0x1de: {  	s1 =	ssub.s32 @!p0 $0x0, s1;
	[sflag:s0] =	ssyncset.done @!p0 $0x0  }
0x1df: {  	[sflag:s0] =	ssyncadd.s32 @!p0 s1  }
0x1e0: {  	[bflag:$0x3] =	sbarrier.arrive $0xFFFF  }
0x1e1: {  	_ =	shalt  }

// kernel: kernel.9.cloned.1.call-start
scs
__scs_entry_jumppad:
0x0: {  	(pc) =	sbr.rel $0x88, $3  }
0x1: {  	(tag) =	ssettag $0x0;
	lr =	simm.s32 $0x1  }
0x2: {  	[smem:$0x3F9B] =	sst lr;
	_ =	strace $0xD0000000  }
0x3: {  	_ = 	snop  }
0x4: {  	_ = 	snop  }
0x5: {  	_ = 	snop  }
0x6: {  	_ = 	snop  }
0x7: {  	_ = 	snop  }
__scs_overlays_trampoline_lowered:
0x8: {  	[smem:$0x3FAA] =	sst s0  }
0x9: {  	[smem:$0x3FAB] =	sst s1  }
0xa: {  	[smem:$0x3FAC] =	sst s2  }
0xb: {  	[smem:$0x3FAD] =	sst s3  }
0xc: {  	[smem:$0x3FAE] =	sst s4  }
0xd: {  	[smem:$0x3FAF] =	sst s5  }
0xe: {  	[smem:$0x3FB0] =	sst s6  }
0xf: {  	[smem:$0x3FB1] =	sst s7  }
0x10: {  	[smem:$0x3FB2] =	sst s8  }
0x11: {  	[smem:$0x3FB3] =	sst s9;
	s0 =	simm.s32 @!p0 $0x0  }
0x12: {  	s1 =	sld [smem:$0x3F99];
	s0 =	simm.s32 @p0 $0x1  }
0x13: {  	[smem:$0x3FB4] =	sst s0;
	s0 =	simm.s32 @!p1 $0x0  }
0x14: {  	s2 =	sld [smem:$0x3F98];
	s0 =	simm.s32 @p1 $0x1  }
0x15: {  	[smem:$0x3FB5] =	sst s0;
	s0 =	simm.s32 @!p2 $0x0  }
0x16: {  	s3 =	sld [smem:$0x3FDB];
	s0 =	simm.s32 @p2 $0x1  }
0x17: {  	s4 =	simm.s32 $0x1BF5;
	[smem:$0x3FB7] =	sst s0  }
0x18: {  	s0 =	sld [smem:$0x3F9A];
	_ =	swait.ge [sflag:s4], $0x0  }
0x19: {  	s7 =	sld [smem:$0x3F9B]  }
0x1a: {  	s8 =	sadd.s32 $0xFFFFE003, lr  }
0x1b: {  	s9 =	sadd.s32 $0xFFFFFEF7, lr;
	s5 =	simm.s32 $0xFFFFFFFF;
	p2 =	slt.u32 s8, $0xFFFFF086  }
0x1c: {  	p1 =	slt.u32 s9, $0xF7A;
	s5 =	simm.s32 @!p2 $0x0  }
0x1d: {  	s5 =	simm.s32 @p1 $0x1;
	p0 =	seq.s32 s7, s2  }
0x1e: {  	s7 =	smul.u32 @!p0 $0xF7A, s2;
	p2 =	seq.s32 @!p0 s5, $0x0  }
0x1f: {  	s9 =	smul.u32 $0xF7A, s1;
	s8 =	simm.s32 @!p0 $0x1BF5;
	p2 =	por !p2, p0  }
0x20: {  	[sflag:s8] =	ssyncset.s32 @!p0 $0xFFFFF086;
	s6 =	sadd.s32 @!p0 s3, s7;
	s7 =	simm.s32 @!p0 $0x108  }
0x21: {  	s3 =	sadd.s32 s3, s9;
	s6 =	sadd.s32 @!p0 $0x88, s6;
	s7 =	simm.s32 @p2 $0x1082  }
0x22: {  	[simem:s7], [sflag:s8] =	dma.local @!p0 [hbm:s6], $0xF7A  }
0x23: {  	s9 =	sor.u32 $0xD0000000, s2;
	s6 =	simm.s32 $0x108;
	_ =	swait.ge @!p0 [sflag:s8], $0x0  }
0x24: {  	s3 =	sadd.s32 $0x88, s3;
	s6 =	simm.s32 @!p1 $0x1082;
	[sflag:s4] =	ssyncset.s32 $0xFFFFF086  }
0x25: {  	[simem:s6], [sflag:s4] =	dma.local [hbm:s3], $0xF7A  }
0x26: {  	[smem:$0x3F9B] =	sst s1;
	(tag) =	ssettag s2;
	_ =	strace s9  }
0x27: {  	s1 =	sld [smem:$0x3FAB]  }
0x28: {  	s2 =	sld [smem:$0x3FAC]  }
0x29: {  	s4 =	sld [smem:$0x3FAE]  }
0x2a: {  	p0 =	seq.s32 s5, $0x0;
	s5 =	sld [smem:$0x3FAF]  }
0x2b: {  	s6 =	sld [smem:$0x3FB0]  }
0x2c: {  	s7 =	sld [smem:$0x3FB1]  }
0x2d: {  	s3 =	simm.s32 $0x108;
	s8 =	sld [smem:$0x3FB2]  }
0x2e: {  	s3 =	simm.s32 @!p0 $0x1082;
	s9 =	sld [smem:$0x3FB3]  }
0x2f: {  	lr =	sadd.s32 s0, s3;
	s0 =	sld [smem:$0x3FAA]  }
0x30: {  	s3 =	sld [smem:$0x3FAD]  }
0x31: {  	[smem:$0x3FB6] =	sst s10  }
0x32: {  	s10 =	sld [smem:$0x3FB4];
	_ =	sdelay $0x3  }
0x33: {  	p0 =	seq.s32 s10, $0x1;
	s10 =	sld [smem:$0x3FB6];
	_ =	sdelay $0x3  }
0x34: {  	[smem:$0x3FB6] =	sst s10  }
0x35: {  	s10 =	sld [smem:$0x3FB5];
	_ =	sdelay $0x3  }
0x36: {  	p1 =	seq.s32 s10, $0x1;
	s10 =	sld [smem:$0x3FB6];
	_ =	sdelay $0x3  }
0x37: {  	[smem:$0x3FB6] =	sst s10  }
0x38: {  	s10 =	sld [smem:$0x3FB7]  }
0x39: {  	_ = 	snop;
	(pc) =	sbr.ind lr, $3  }
0x3a: {  	_ = 	snop  }
0x3b: {  	_ = 	snop  }
0x3c: {  	p2 =	seq.s32 s10, $0x1;
	s10 =	sld [smem:$0x3FB6]  }
0x3d: {  	_ =	shalt  }
0x3e: {  	_ =	shalt  }
0x3f: {  	_ =	shalt  }
0x40: {  	_ =	shalt  }
0x41: {  	_ =	shalt  }
0x42: {  	_ =	shalt  }
0x43: {  	_ =	shalt  }
0x44: {  	_ =	shalt  }
0x45: {  	_ =	shalt  }
0x46: {  	_ =	shalt  }
0x47: {  	_ =	shalt  }
0x48: {  	_ =	shalt  }
0x49: {  	_ =	shalt  }
0x4a: {  	_ =	shalt  }
0x4b: {  	_ =	shalt  }
0x4c: {  	_ =	shalt  }
0x4d: {  	_ =	shalt  }
0x4e: {  	_ =	shalt  }
0x4f: {  	_ =	shalt  }
0x50: {  	_ =	shalt  }
0x51: {  	_ =	shalt  }
0x52: {  	_ =	shalt  }
0x53: {  	_ =	shalt  }
0x54: {  	_ =	shalt  }
0x55: {  	_ =	shalt  }
0x56: {  	_ =	shalt  }
0x57: {  	_ =	shalt  }
0x58: {  	_ =	shalt  }
0x59: {  	_ =	shalt  }
0x5a: {  	_ =	shalt  }
0x5b: {  	_ =	shalt  }
0x5c: {  	_ =	shalt  }
0x5d: {  	_ =	shalt  }
0x5e: {  	_ =	shalt  }
0x5f: {  	_ =	shalt  }
0x60: {  	_ =	shalt  }
0x61: {  	_ =	shalt  }
0x62: {  	_ =	shalt  }
0x63: {  	_ =	shalt  }
0x64: {  	_ =	shalt  }
0x65: {  	_ =	shalt  }
0x66: {  	_ =	shalt  }
0x67: {  	_ =	shalt  }
0x68: {  	_ =	shalt  }
0x69: {  	_ =	shalt  }
0x6a: {  	_ =	shalt  }
0x6b: {  	_ =	shalt  }
0x6c: {  	_ =	shalt  }
0x6d: {  	_ =	shalt  }
0x6e: {  	_ =	shalt  }
0x6f: {  	_ =	shalt  }
0x70: {  	_ =	shalt  }
0x71: {  	_ =	shalt  }
0x72: {  	_ =	shalt  }
0x73: {  	_ =	shalt  }
0x74: {  	_ =	shalt  }
0x75: {  	_ =	shalt  }
0x76: {  	_ =	shalt  }
0x77: {  	_ =	shalt  }
0x78: {  	_ =	shalt  }
0x79: {  	_ =	shalt  }
0x7a: {  	_ =	shalt  }
0x7b: {  	_ =	shalt  }
0x7c: {  	_ =	shalt  }
0x7d: {  	_ =	shalt  }
0x7e: {  	_ =	shalt  }
0x7f: {  	_ =	shalt  }
0x80: {  	_ =	shalt  }
0x81: {  	_ =	shalt  }
0x82: {  	_ =	shalt  }
0x83: {  	_ =	shalt  }
0x84: {  	_ =	shalt  }
0x85: {  	_ =	shalt  }
0x86: {  	_ =	shalt  }
0x87: {  	_ =	shalt  }
.Lfunc_end0:
.L_simem_size_0:
called_computation_lowered:
.L_overlay_start_0:
0x88: {  	s2 =	sld [smem:$0x3FD9]  }
0x89: {  	s3 =	sld [smem:$0x3FFE];
	_ =	sdelay $0x1  }
0x8a: {  	s1 =	srdreg.scid  }
0x8b: {  	s0 =	sand.u32 $0x1, s1  }
0x8c: {  	s17 =	sshll.u32 s0, $0xA;
	s2 =	sadd.s32 s3, s2  }
0x8d: {  	s2 =	sadd.s32 s2, s17  }
0x8e: {  	[smem:$0x3FC2] =	sst s2  }
0x8f: {  	_ = 	snop  }
0x90: {  	s2 =	sld [smem:$0x3FD0];
	(tm) =	ssettm $0x1  }
0x91: {  	s18 =	sld [smem:$0x3FFB];
	_ =	sdelay $0x3  }
0x92: {  	_ =	strace s18  }
0x93: {  	s3 =	sld [smem:$0x3FFC];
	_ =	sdelay $0x3  }
0x94: {  	_ =	strace s3  }
0x95: {  	s3 =	sld [smem:$0x3FFD];
	_ =	sdelay $0x3  }
0x96: {  	_ =	strace s3  }
0x97: {  	_ =	strace $0x8FFFFFFF  }
0x98: {  	s19 =	sld [smem:$0x3FDB];
	_ =	sdelay $0x1  }
0x99: {  	s4 =	simm.s32 $_scs_section_size  }
0x9a: {  	s5 =	simm.s32 $_size__tile_overlayer_lowered;
	s6 =	simm.s32 $_tile_overlayer_lowered  }
0x9b: {  	s22 =	simm.s32 $0x1BFF;
	s21 =	sshll.u32 s6, $0x1;
	s3 =	sadd.s32 s4, s19  }
0x9c: {  	s7 =	simm.s32 $0x0;
	s20 =	sshll.u32 s5, $0x1;
	s5 =	sadd.s32 s21, s3  }
0x9d: {  	[timem:s7], [sflag:s22] =	dma.local [hbm:s5], s20  }
0x9e: {  	_ =	swait.ge [sflag:s22], s20  }
0x9f: {  	s4 =	ssub.s32 $0x0, s20;
	[sflag:s22] =	ssyncset.done $0x0  }
0xa0: {  	[sflag:s22] =	ssyncadd.s32 s4;
	_ =	sdelay $0x1  }
0xa1: {  	s23 =	simm.s32 $0x1B8B  }
0xa2: {  	_ =	swait.ge [sflag:s23], $0x1  }
0xa3: {  	[sflag:s23] =	ssyncset.done $0x0  }
0xa4: {  	s25 =	simm.s32 $0x1B8E;
	s24 =	sld [smem:$0x3FFE];
	[sflag:s23] =	ssyncadd.s32 $0xFFFFFFFF  }
0xa5: {  	s26 =	simm.s32 $execute0_lowered;
	[smem:$0x3FD2] =	sst s25  }
0xa6: {  	s5 =	sshll.u32 s26, $0x1;
	_ =	strace $0x80000046;
	[dreg:$0x1] =	wrdreg $0xFFFFFFFF  }
0xa7: {  	s28 =	simm.s32 $_size_execute0_lowered;
	s3 =	sadd.s32 s3, s5;
	[dreg:$0x0] =	wrdreg $0x0  }
0xa8: {  	s5 =	sshll.u32 s28, $0x1;
	[dreg:$0x2] =	wrdreg s3  }
0xa9: {  	[dreg:$0x3] =	wrdreg s5  }
0xaa: {  	[dreg:$0x4] =	wrdreg $0xC0  }
0xab: {  	_ =	task [dreg:s7], $0x5FFFF  }
0xac: {  	[dreg:$0x1] =	wrdreg $0xFFFFFFFF  }
0xad: {  	[dreg:$0x0] =	wrdreg $0x60  }
0xae: {  	[dreg:$0x2] =	wrdreg s24  }
0xaf: {  	[dreg:$0x3] =	wrdreg s2  }
0xb0: {  	[dreg:$0x4] =	wrdreg $0x28000  }
0xb1: {  	[dreg:$0x5] =	wrdreg $0x9  }
0xb2: {  	_ =	task.clear_ibuf [dreg:s7], $0x6FFFF;
	_ =	strace $0x90000046  }
0xb3: {  	s29 =	simm.s32 $0x9;
	_ =	strace $0x80000048  }
0xb4: {  	_ =	swait.ge [sflag:s29], $0x1  }
0xb5: {  	[sflag:s29] =	ssyncadd.s32 $0xFFFFFFFF  }
0xb6: {  	_ =	strace $0x90000048  }
0xb7: {  	_ =	sfence  }
0xb8: {  	s30 =	sld [smem:$0x0];
	_ =	sdelay $0x2  }
0xb9: {  	s31 =	sshll.u32 s1, $0xD;
	s1 =	sshrl.u32 s1, $0x2  }
0xba: {  	s3 =	sand.u32 $0x4000, s31;
	s1 =	sadd.s32 s1, s30  }
0xbb: {  	s0 =	sor.u32 s3, s0;
	s1 =	sshll.u32 s1, $0x11  }
0xbc: {  	s0 =	sor.u32 s1, s0  }
0xbd: {  	s0 =	sadd.s32 $0x8F2B, s0  }
0xbe: {  	[sflag:s0] =	ssyncadd.remote.s32 $0x1  }
0xbf: {  	_ =	sfence.sel $0xFFFF  }
0xc0: {  	[dreg:$0x0] =	wrdreg $0xFFFFFFFF;
	(pc) =	sbr.abs _section_cstart, $3  }
0xc1: {  	[dreg:$0x1] =	wrdreg $0xFFFFFFFF  }
0xc2: {  	_ =	task.clear_ibuf [dreg:s7], $0x2FFFF;
	_ =	strace $0x9FFFFFFF  }
0xc3: {  	(tm) =	ssettm $0x7FFFFFFF  }
tec
execute0_lowered:
.L_overlay_start_1:
0x0: {  	(tag) =	ssettag $0x1  }
0x1: {  	s0 =	rddreg [dreg:$0x0]  }
0x2: {  	s8 =	rddreg [dreg:$0x1]  }
0x3: {  	s1 =	rddreg [dreg:$0x2]  }
0x4: {  	s2 =	simm.s32 $0x0;
	s11 =	stileid.u32;
	s4 =	srdreg.scid  }
0x5: {  	s15 =	simm.s32 $0x16080;
	s17 =	simm.s32 $0x18880;
	s18 =	simm.s32 $0x1B080  }
0x6: {  	s19 =	simm.s32 $0x1;
	s20 =	simm.s32 $0x2;
	s21 =	simm.s32 $0x3  }
0x7: {  	s22 =	simm.s32 $0x4;
	s23 =	simm.s32 $0x5;
	s24 =	simm.s32 $0x6  }
0x8: {  	s25 =	simm.s32 $0x0;
	[smem:$0x7FF] =	sst s2;
	s3 =	smul.u32 $0x2700, s11  }
0x9: {  	s4 =	sand.u32 $0x1, s4;
	s29 =	sshll.u32 s11, $0x1;
	s10 =	smul.u32 $0x4E000, s11  }
0xa: {  	s31 =	sshll.u32 s11, $0x6;
	s14 =	sadd.s32 $0x138000, s1;
	p0 =	sne.s32 s11, $0x0  }
0xb: {  	_ =	strace $0x80000047;
	s6 =	ssub.s32 $0x2, s4;
	s9 =	sor.u32 s4, s29  }
0xc: {  	s5 =	sadd.s32 s3, s0;
	s7 =	sshrl.u32 s6, $0x1;
	s4 =	smul.u32 $0xBB8, s9  }
0xd: {  	s3 =	sadd.s32 $0x28000, s0;
	s30 =	sshrl.u32 s10, $0x2;
	s9 =	smul.u32 $0x500, s9  }
0xe: {  	s12 =	ssub.s32 s6, s7;
	s13 =	sadd.s32 s30, s1;
	s5 =	sadd.s32 $0xE00, s5  }
0xf: {  	s6 =	sor.u32 $0x1C07, s31;
	s7 =	sadd.s32 $0x27E00, s0;
	s8 =	sadd.s32 s8, s9  }
0x10: {  	s9 =	sadd.s32 $0x28, s4;
	s10 =	smax.u32 s12, $0x1;
	s11 =	sshrl.u32 s13, $0x3  }
0x11: {  	s12 =	simm.s32 $0x7;
	s13 =	sshrl.u32 @!p0 s14, $0x3;
	s14 =	simm.s32 $0x50  }
.LBB2_1:
0x12: {  	[spmem:s11], [sflag:s6] =	dma.local [hbm:s5], $0x2700  }
0x13: {  	_ =	swait.ge [sflag:s12], $0x2700  }
0x14: {  	[sflag:s12] =	ssyncset.done $0x0  }
0x15: {  	s0 =	simm.s32 @!p0 $0x7;
	[sflag:s12] =	ssyncadd.s32 $0xFFFFD900  }
0x16: {  	[spmem:s13], [sflag:s6] =	dma.local @!p0 [hbm:s7], $0x100  }
0x17: {  	_ =	swait.ge @!p0 [sflag:s0], $0x100  }
0x18: {  	[sflag:s0] =	ssyncset.done @!p0 $0x0  }
0x19: {  	[sflag:s0] =	ssyncadd.s32 @!p0 $0xFFFFFF00  }
0x1a: {  	[tilespmem:s2], [sflag:$0x7] =	stream.linear.gather [hbm4b:s8+s2], $0x2580, $0x38;
	[tilespmem:$0x1D880] =	vst v63  }
0x1b: {  	_ =	swait.ge [sflag:s12], $0x2580  }
0x1c: {  	[sflag:s12] =	ssyncset.done $0x0  }
0x1d: {  	[sflag:s12] =	ssyncadd.s32 $0xFFFFDA80  }
0x1e: {  	[bflag:$0x0] =	sbarrier.arrive $0xFFFF  }
0x1f: {  	[tilespmem:s15], [sflag:$0x1] =	stream.indirect.gather [spmem:s1], $0x80, s2, s14, $0xb8;
	[tilespmem:$0x1D880] =	vst v63  }
0x20: {  	s31 =	simm.s32 $0x80;
	s26 =	simm.s32 $0x0  }
0x21: {  	[tilespmem:s17], [sflag:$0x2] =	stream.indirect.gather [spmem:s1], $0x80, s31, s14, $0xb8;
	[tilespmem:$0x1D880] =	vst v63  }
.LBB2_2:
0x22: {  	s0 =	smul.u32 $0x3, s26;
	p1 =	seq.s32 s26, $0x0  }
0x23: {  	s29 =	simm.s32 @!p1 $0x6  }
0x24: {  	s28 =	sadd.s32 $0x2, s0;
	_ =	swait.ge @!p1 [sflag:s29], $0x1400  }
0x25: {  	[sflag:s29] =	ssyncset.done @!p1 $0x0;
	s0 =	sshll.u32 s28, $0x7  }
0x26: {  	[sflag:s29] =	ssyncadd.s32 @!p1 $0xFFFFEC00;
	s0 =	sand.u32 $0x3FFFFF80, s0  }
0x27: {  	[tilespmem:s18], [sflag:$0x3] =	stream.indirect.gather [spmem:s1], $0x80, s0, s14, $0xb8;
	[tilespmem:$0x1D880] =	vst v63  }
0x28: {  	_ =	swait.ge [sflag:s19], $0x2800  }
0x29: {  	[sflag:s19] =	ssyncset.done $0x0  }
0x2a: {  	s30 =	simm.s32 $0x17480;
	[sflag:s19] =	ssyncadd.s32 $0xFFFFD800  }
0x2b: {  	v1 =	vld [tilespmem:s30+$0x50]  }
0x2c: {  	v0 =	vld [tilespmem:s30+$0x0]  }
0x2d: {  	v2 =	vld [tilespmem:s30+$0x1D0]  }
0x2e: {  	v3 =	vld [tilespmem:s30+$0x1C0]  }
0x2f: {  	v4 =	vld [tilespmem:s30+$0x1F0]  }
0x30: {  	v5 =	vld [tilespmem:s30+$0x1E0]  }
0x31: {  	v6 =	vld [tilespmem:s30+$0x60]  }
0x32: {  	v7 =	vld [tilespmem:s30+$0x1A0]  }
0x33: {  	v55 =	vld [tilespmem:s30+$0x20]  }
0x34: {  	v56 =	vld [tilespmem:s30+$0x30]  }
0x35: {  	v8 =	vld [tilespmem:s30+$0x170]  }
0x36: {  	v57 =	vld [tilespmem:s30+$0x150]  }
0x37: {  	v58 =	vld [tilespmem:s30+$0x140]  }
0x38: {  	v9 =	vld [tilespmem:s30+$0x130]  }
0x39: {  	v10 =	vld [tilespmem:s30+$0x120]  }
0x3a: {  	v59 =	vld [tilespmem:s30+$0xA0]  }
0x3b: {  	v60 =	vld [tilespmem:s30+$0xB0]  }
0x3c: {  	v61 =	vld [tilespmem:s30+$0xC0]  }
0x3d: {  	v62 =	vld [tilespmem:s30+$0x110]  }
0x3e: {  	v11 =	vld [tilespmem:s30+$0x100]  }
0x3f: {  	v12 =	vld [tilespmem:s30+$0xF0]  }
0x40: {  	v13 =	vld [tilespmem:s30+$0xE0]  }
0x41: {  	v14 =	vld [tilespmem:s30+$0xD0]  }
0x42: {  	v63 =	vld [tilespmem:s30+$0x40]  }
0x43: {  	[tilespmem:s30+$0xFFFFEC00] =	vst.add.f32.msk $0xffff, v0  }
0x44: {  	[tilespmem:s30+$0xFFFFEDF0] =	vst.add.f32.msk $0xffff, v4  }
0x45: {  	[tilespmem:s30+$0xFFFFEDE0] =	vst.add.f32.msk $0xffff, v5  }
0x46: {  	v0 =	vld [tilespmem:s30+$0x1B0]  }
0x47: {  	[tilespmem:s30+$0xFFFFEDD0] =	vst.add.f32.msk $0xffff, v2  }
0x48: {  	[tilespmem:s30+$0xFFFFEDC0] =	vst.add.f32.msk $0xffff, v3  }
0x49: {  	v2 =	vld [tilespmem:s30+$0x190]  }
0x4a: {  	v3 =	vld [tilespmem:s30+$0x180]  }
0x4b: {  	[tilespmem:s30+$0xFFFFEDA0] =	vst.add.f32.msk $0xffff, v7  }
0x4c: {  	[tilespmem:s30+$0xFFFFED70] =	vst.add.f32.msk $0xffff, v8  }
0x4d: {  	[tilespmem:s30+$0xFFFFED50] =	vst.add.f32.msk $0xffff, v57  }
0x4e: {  	[tilespmem:s30+$0xFFFFED40] =	vst.add.f32.msk $0xffff, v58  }
0x4f: {  	[tilespmem:s30+$0xFFFFED30] =	vst.add.f32.msk $0xffff, v9  }
0x50: {  	[tilespmem:s30+$0xFFFFED20] =	vst.add.f32.msk $0xffff, v10  }
0x51: {  	[tilespmem:s30+$0xFFFFED10] =	vst.add.f32.msk $0xffff, v62  }
0x52: {  	[tilespmem:s30+$0xFFFFED00] =	vst.add.f32.msk $0xffff, v11  }
0x53: {  	[tilespmem:s30+$0xFFFFECF0] =	vst.add.f32.msk $0xffff, v12  }
0x54: {  	[tilespmem:s30+$0xFFFFECE0] =	vst.add.f32.msk $0xffff, v13  }
0x55: {  	[tilespmem:s30+$0xFFFFECD0] =	vst.add.f32.msk $0xffff, v14  }
0x56: {  	[tilespmem:s30+$0xFFFFECC0] =	vst.add.f32.msk $0xffff, v61  }
0x57: {  	[tilespmem:s30+$0xFFFFECB0] =	vst.add.f32.msk $0xffff, v60  }
0x58: {  	[tilespmem:s30+$0xFFFFECA0] =	vst.add.f32.msk $0xffff, v59  }
0x59: {  	[tilespmem:s30+$0xFFFFEC60] =	vst.add.f32.msk $0xffff, v6  }
0x5a: {  	[tilespmem:s30+$0xFFFFED90] =	vst.add.f32.msk $0xffff, v2  }
0x5b: {  	[tilespmem:s30+$0xFFFFED80] =	vst.add.f32.msk $0xffff, v3  }
0x5c: {  	v3 =	vld [tilespmem:s30+$0x160]  }
0x5d: {  	v2 =	vld [tilespmem:s30+$0x90]  }
0x5e: {  	[tilespmem:s30+$0xFFFFEC50] =	vst.add.f32.msk $0xffff, v1  }
0x5f: {  	[tilespmem:s30+$0xFFFFEC40] =	vst.add.f32.msk $0xffff, v63  }
0x60: {  	[tilespmem:s30+$0xFFFFEDB0] =	vst.add.f32.msk $0xffff, v0  }
0x61: {  	[tilespmem:s30+$0xFFFFED60] =	vst.add.f32.msk $0xffff, v3  }
0x62: {  	[tilespmem:s30+$0xFFFFEC90] =	vst.add.f32.msk $0xffff, v2  }
0x63: {  	v3 =	vld [tilespmem:s30+$0x80]  }
0x64: {  	v2 =	vld [tilespmem:s30+$0x70]  }
0x65: {  	v0 =	vld [tilespmem:s30+$0x10]  }
0x66: {  	[tilespmem:s30+$0xFFFFEC30] =	vst.add.f32.msk $0xffff, v56  }
0x67: {  	[tilespmem:s30+$0xFFFFEC20] =	vst.add.f32.msk $0xffff, v55  }
0x68: {  	[tilespmem:s30+$0xFFFFEC80] =	vst.add.f32.msk $0xffff, v3  }
0x69: {  	s29 =	simm.s32 $0x0;
	[tilespmem:s30+$0xFFFFEC70] =	vst.add.f32.msk $0xffff, v2  }
.LBB2_3:
0x6a: {  	s29 =	sadd.s32 $0x4, s29;
	[tilespmem:s30+$0xFFFFEC10] =	vst.add.f32.msk $0xffff, v0;
	s30 =	sadd.s32 $0x200, s30  }
0x6b: {  	v1 =	vld [tilespmem:s30+$0x50];
	p1 =	slt.u32 s29, $0x24  }
0x6c: {  	v0 =	vld [tilespmem:s30+$0x0]  }
0x6d: {  	v2 =	vld [tilespmem:s30+$0x1D0]  }
0x6e: {  	v3 =	vld [tilespmem:s30+$0x1C0]  }
0x6f: {  	v4 =	vld [tilespmem:s30+$0x1F0]  }
0x70: {  	v5 =	vld [tilespmem:s30+$0x1E0]  }
0x71: {  	[tilespmem:s30+$0xFFFFEC00] =	vst.add.f32.msk $0xffff, v0  }
0x72: {  	v6 =	vld [tilespmem:s30+$0x60]  }
0x73: {  	v7 =	vld [tilespmem:s30+$0x1A0]  }
0x74: {  	[tilespmem:s30+$0xFFFFEDF0] =	vst.add.f32.msk $0xffff, v4  }
0x75: {  	[tilespmem:s30+$0xFFFFEDE0] =	vst.add.f32.msk $0xffff, v5  }
0x76: {  	v0 =	vld [tilespmem:s30+$0x1B0]  }
0x77: {  	v4 =	vld [tilespmem:s30+$0x20]  }
0x78: {  	v5 =	vld [tilespmem:s30+$0x30]  }
0x79: {  	[tilespmem:s30+$0xFFFFEDD0] =	vst.add.f32.msk $0xffff, v2  }
0x7a: {  	[tilespmem:s30+$0xFFFFEDC0] =	vst.add.f32.msk $0xffff, v3  }
0x7b: {  	[tilespmem:s30+$0xFFFFEDB0] =	vst.add.f32.msk $0xffff, v0  }
0x7c: {  	v2 =	vld [tilespmem:s30+$0x190]  }
0x7d: {  	v3 =	vld [tilespmem:s30+$0x180]  }
0x7e: {  	v8 =	vld [tilespmem:s30+$0x170]  }
0x7f: {  	v0 =	vld [tilespmem:s30+$0x10]  }
0x80: {  	[tilespmem:s30+$0xFFFFEDA0] =	vst.add.f32.msk $0xffff, v7  }
0x81: {  	[tilespmem:s30+$0xFFFFED90] =	vst.add.f32.msk $0xffff, v2  }
0x82: {  	[tilespmem:s30+$0xFFFFED80] =	vst.add.f32.msk $0xffff, v3  }
0x83: {  	[tilespmem:s30+$0xFFFFED70] =	vst.add.f32.msk $0xffff, v8  }
0x84: {  	v2 =	vld [tilespmem:s30+$0x90]  }
0x85: {  	v3 =	vld [tilespmem:s30+$0x160]  }
0x86: {  	v7 =	vld [tilespmem:s30+$0x150]  }
0x87: {  	v8 =	vld [tilespmem:s30+$0x140]  }
0x88: {  	v9 =	vld [tilespmem:s30+$0x130]  }
0x89: {  	v10 =	vld [tilespmem:s30+$0x120]  }
0x8a: {  	[tilespmem:s30+$0xFFFFED60] =	vst.add.f32.msk $0xffff, v3  }
0x8b: {  	[tilespmem:s30+$0xFFFFED50] =	vst.add.f32.msk $0xffff, v7  }
0x8c: {  	[tilespmem:s30+$0xFFFFED40] =	vst.add.f32.msk $0xffff, v8  }
0x8d: {  	[tilespmem:s30+$0xFFFFED30] =	vst.add.f32.msk $0xffff, v9  }
0x8e: {  	[tilespmem:s30+$0xFFFFED20] =	vst.add.f32.msk $0xffff, v10  }
0x8f: {  	[tilespmem:s30+$0xFFFFEC90] =	vst.add.f32.msk $0xffff, v2  }
0x90: {  	v2 =	vld [tilespmem:s30+$0x70]  }
0x91: {  	v3 =	vld [tilespmem:s30+$0x80]  }
0x92: {  	v7 =	vld [tilespmem:s30+$0xA0]  }
0x93: {  	v8 =	vld [tilespmem:s30+$0xB0]  }
0x94: {  	v9 =	vld [tilespmem:s30+$0xC0]  }
0x95: {  	v10 =	vld [tilespmem:s30+$0x110]  }
0x96: {  	v11 =	vld [tilespmem:s30+$0x100]  }
0x97: {  	v12 =	vld [tilespmem:s30+$0xF0]  }
0x98: {  	v13 =	vld [tilespmem:s30+$0xE0]  }
0x99: {  	v14 =	vld [tilespmem:s30+$0xD0]  }
0x9a: {  	[tilespmem:s30+$0xFFFFED10] =	vst.add.f32.msk $0xffff, v10  }
0x9b: {  	[tilespmem:s30+$0xFFFFED00] =	vst.add.f32.msk $0xffff, v11  }
0x9c: {  	[tilespmem:s30+$0xFFFFECF0] =	vst.add.f32.msk $0xffff, v12  }
0x9d: {  	[tilespmem:s30+$0xFFFFECE0] =	vst.add.f32.msk $0xffff, v13  }
0x9e: {  	[tilespmem:s30+$0xFFFFECD0] =	vst.add.f32.msk $0xffff, v14  }
0x9f: {  	[tilespmem:s30+$0xFFFFECC0] =	vst.add.f32.msk $0xffff, v9  }
0xa0: {  	[tilespmem:s30+$0xFFFFECB0] =	vst.add.f32.msk $0xffff, v8  }
0xa1: {  	[tilespmem:s30+$0xFFFFECA0] =	vst.add.f32.msk $0xffff, v7  }
0xa2: {  	v7 =	vld [tilespmem:s30+$0x40]  }
0xa3: {  	[tilespmem:s30+$0xFFFFEC80] =	vst.add.f32.msk $0xffff, v3  }
0xa4: {  	[tilespmem:s30+$0xFFFFEC70] =	vst.add.f32.msk $0xffff, v2  }
.Ltmp0:
0xa5: {  	[tilespmem:s30+$0xFFFFEC60] =	vst.add.f32.msk $0xffff, v6;
	(pc) =	sbr.rel @p1 .LBB2_3-.Ltmp0, $4  }
0xa6: {  	[tilespmem:s30+$0xFFFFEC50] =	vst.add.f32.msk $0xffff, v1  }
0xa7: {  	[tilespmem:s30+$0xFFFFEC40] =	vst.add.f32.msk $0xffff, v7  }
0xa8: {  	[tilespmem:s30+$0xFFFFEC30] =	vst.add.f32.msk $0xffff, v5  }
0xa9: {  	[tilespmem:s30+$0xFFFFEC20] =	vst.add.f32.msk $0xffff, v4  }
0xaa: {  	s29 =	smul.u32 $0x78, s26;
	_ =	sdelay $0x1  }
0xab: {  	s0 =	sadd.s32 s4, s29  }
0xac: {  	s0 =	sshll.u32 s0, $0x4  }
0xad: {  	[tilespmem:s30+$0xFFFFEC10] =	vst.add.f32.msk $0xffff, v0;
	p1 =	seq.s32 s26, $0x18;
	s0 =	sadd.s32 s3, s0  }
0xae: {  	[hbm4b:s0+s2] =	stream.linear.scatter [tilespmem:s15], [sflag:$0x4], $0x1400, $0x38;
	[tilespmem:$0x1D880] =	vst v63  }
0xaf: {  	s30 =	smul.u32 @!p1 $0x600, s26;
	s0 =	simm.s32 @!p1 $0x4  }
0xb0: {  	_ =	swait.ge @!p1 [sflag:s0], $0x1400  }
0xb1: {  	s31 =	simm.s32 @!p1 $0x50;
	s30 =	sshra.s32 @!p1 s30, $0x2;
	[sflag:s0] =	ssyncset.done @!p1 $0x0  }
0xb2: {  	s16 =	simm.s32 @!p1 $0x16080;
	[sflag:s0] =	ssyncadd.s32 @!p1 $0xFFFFEC00;
	s0 =	sadd.s32 @!p1 $0x180, s30  }
0xb3: {  	[tilespmem:s16], [sflag:$0x1] =	stream.indirect.gather @!p1 [spmem:s1], $0x80, s0, s31, $0xb8;
	[tilespmem:$0x1D880] =	vst v63  }
0xb4: {  	_ =	swait.ge [sflag:s20], $0x2800  }
0xb5: {  	[sflag:s20] =	ssyncset.done $0x0  }
0xb6: {  	s31 =	simm.s32 $0x19C80;
	[sflag:s20] =	ssyncadd.s32 $0xFFFFD800  }
0xb7: {  	v1 =	vld [tilespmem:s31+$0x50]  }
0xb8: {  	v0 =	vld [tilespmem:s31+$0x0]  }
0xb9: {  	v2 =	vld [tilespmem:s31+$0x1D0]  }
0xba: {  	v3 =	vld [tilespmem:s31+$0x1C0]  }
0xbb: {  	v4 =	vld [tilespmem:s31+$0x1F0]  }
0xbc: {  	v5 =	vld [tilespmem:s31+$0x1E0]  }
0xbd: {  	v6 =	vld [tilespmem:s31+$0x60]  }
0xbe: {  	v7 =	vld [tilespmem:s31+$0x1A0]  }
0xbf: {  	v55 =	vld [tilespmem:s31+$0x20]  }
0xc0: {  	v56 =	vld [tilespmem:s31+$0x30]  }
0xc1: {  	v8 =	vld [tilespmem:s31+$0x170]  }
0xc2: {  	v57 =	vld [tilespmem:s31+$0x150]  }
0xc3: {  	v58 =	vld [tilespmem:s31+$0x140]  }
0xc4: {  	v9 =	vld [tilespmem:s31+$0x130]  }
0xc5: {  	v10 =	vld [tilespmem:s31+$0x120]  }
0xc6: {  	v59 =	vld [tilespmem:s31+$0xA0]  }
0xc7: {  	v60 =	vld [tilespmem:s31+$0xB0]  }
0xc8: {  	v61 =	vld [tilespmem:s31+$0xC0]  }
0xc9: {  	v62 =	vld [tilespmem:s31+$0x110]  }
0xca: {  	v11 =	vld [tilespmem:s31+$0x100]  }
0xcb: {  	v12 =	vld [tilespmem:s31+$0xF0]  }
0xcc: {  	v13 =	vld [tilespmem:s31+$0xE0]  }
0xcd: {  	v14 =	vld [tilespmem:s31+$0xD0]  }
0xce: {  	v63 =	vld [tilespmem:s31+$0x40]  }
0xcf: {  	[tilespmem:s31+$0xFFFFEC00] =	vst.add.f32.msk $0xffff, v0  }
0xd0: {  	[tilespmem:s31+$0xFFFFEDF0] =	vst.add.f32.msk $0xffff, v4  }
0xd1: {  	[tilespmem:s31+$0xFFFFEDE0] =	vst.add.f32.msk $0xffff, v5  }
0xd2: {  	v0 =	vld [tilespmem:s31+$0x1B0]  }
0xd3: {  	[tilespmem:s31+$0xFFFFEDD0] =	vst.add.f32.msk $0xffff, v2  }
0xd4: {  	[tilespmem:s31+$0xFFFFEDC0] =	vst.add.f32.msk $0xffff, v3  }
0xd5: {  	v2 =	vld [tilespmem:s31+$0x190]  }
0xd6: {  	v3 =	vld [tilespmem:s31+$0x180]  }
0xd7: {  	[tilespmem:s31+$0xFFFFEDA0] =	vst.add.f32.msk $0xffff, v7  }
0xd8: {  	[tilespmem:s31+$0xFFFFED70] =	vst.add.f32.msk $0xffff, v8  }
0xd9: {  	[tilespmem:s31+$0xFFFFED50] =	vst.add.f32.msk $0xffff, v57  }
0xda: {  	[tilespmem:s31+$0xFFFFED40] =	vst.add.f32.msk $0xffff, v58  }
0xdb: {  	[tilespmem:s31+$0xFFFFED30] =	vst.add.f32.msk $0xffff, v9  }
0xdc: {  	[tilespmem:s31+$0xFFFFED20] =	vst.add.f32.msk $0xffff, v10  }
0xdd: {  	[tilespmem:s31+$0xFFFFED10] =	vst.add.f32.msk $0xffff, v62  }
0xde: {  	[tilespmem:s31+$0xFFFFED00] =	vst.add.f32.msk $0xffff, v11  }
0xdf: {  	[tilespmem:s31+$0xFFFFECF0] =	vst.add.f32.msk $0xffff, v12  }
0xe0: {  	[tilespmem:s31+$0xFFFFECE0] =	vst.add.f32.msk $0xffff, v13  }
0xe1: {  	[tilespmem:s31+$0xFFFFECD0] =	vst.add.f32.msk $0xffff, v14  }
0xe2: {  	[tilespmem:s31+$0xFFFFECC0] =	vst.add.f32.msk $0xffff, v61  }
0xe3: {  	[tilespmem:s31+$0xFFFFECB0] =	vst.add.f32.msk $0xffff, v60  }
0xe4: {  	[tilespmem:s31+$0xFFFFECA0] =	vst.add.f32.msk $0xffff, v59  }
0xe5: {  	[tilespmem:s31+$0xFFFFEC60] =	vst.add.f32.msk $0xffff, v6  }
0xe6: {  	[tilespmem:s31+$0xFFFFED90] =	vst.add.f32.msk $0xffff, v2  }
0xe7: {  	[tilespmem:s31+$0xFFFFED80] =	vst.add.f32.msk $0xffff, v3  }
0xe8: {  	v3 =	vld [tilespmem:s31+$0x160]  }
0xe9: {  	v2 =	vld [tilespmem:s31+$0x90]  }
0xea: {  	[tilespmem:s31+$0xFFFFEC50] =	vst.add.f32.msk $0xffff, v1  }
0xeb: {  	[tilespmem:s31+$0xFFFFEC40] =	vst.add.f32.msk $0xffff, v63  }
0xec: {  	[tilespmem:s31+$0xFFFFEDB0] =	vst.add.f32.msk $0xffff, v0  }
0xed: {  	[tilespmem:s31+$0xFFFFED60] =	vst.add.f32.msk $0xffff, v3  }
0xee: {  	[tilespmem:s31+$0xFFFFEC90] =	vst.add.f32.msk $0xffff, v2  }
0xef: {  	v3 =	vld [tilespmem:s31+$0x80]  }
0xf0: {  	v2 =	vld [tilespmem:s31+$0x70]  }
0xf1: {  	v0 =	vld [tilespmem:s31+$0x10]  }
0xf2: {  	[tilespmem:s31+$0xFFFFEC30] =	vst.add.f32.msk $0xffff, v56  }
0xf3: {  	[tilespmem:s31+$0xFFFFEC20] =	vst.add.f32.msk $0xffff, v55  }
0xf4: {  	[tilespmem:s31+$0xFFFFEC80] =	vst.add.f32.msk $0xffff, v3  }
0xf5: {  	s0 =	simm.s32 $0x0;
	[tilespmem:s31+$0xFFFFEC70] =	vst.add.f32.msk $0xffff, v2  }
.LBB2_5:
0xf6: {  	s0 =	sadd.s32 $0x4, s0;
	[tilespmem:s31+$0xFFFFEC10] =	vst.add.f32.msk $0xffff, v0;
	s31 =	sadd.s32 $0x200, s31  }
0xf7: {  	v1 =	vld [tilespmem:s31+$0x50];
	p2 =	slt.u32 s0, $0x24  }
0xf8: {  	v0 =	vld [tilespmem:s31+$0x0]  }
0xf9: {  	v2 =	vld [tilespmem:s31+$0x1D0]  }
0xfa: {  	v3 =	vld [tilespmem:s31+$0x1C0]  }
0xfb: {  	v4 =	vld [tilespmem:s31+$0x1F0]  }
0xfc: {  	v5 =	vld [tilespmem:s31+$0x1E0]  }
0xfd: {  	[tilespmem:s31+$0xFFFFEC00] =	vst.add.f32.msk $0xffff, v0  }
0xfe: {  	v6 =	vld [tilespmem:s31+$0x60]  }
0xff: {  	v7 =	vld [tilespmem:s31+$0x1A0]  }
0x100: {  	[tilespmem:s31+$0xFFFFEDF0] =	vst.add.f32.msk $0xffff, v4  }
0x101: {  	[tilespmem:s31+$0xFFFFEDE0] =	vst.add.f32.msk $0xffff, v5  }
0x102: {  	v0 =	vld [tilespmem:s31+$0x1B0]  }
0x103: {  	v4 =	vld [tilespmem:s31+$0x20]  }
0x104: {  	v5 =	vld [tilespmem:s31+$0x30]  }
0x105: {  	[tilespmem:s31+$0xFFFFEDD0] =	vst.add.f32.msk $0xffff, v2  }
0x106: {  	[tilespmem:s31+$0xFFFFEDC0] =	vst.add.f32.msk $0xffff, v3  }
0x107: {  	[tilespmem:s31+$0xFFFFEDB0] =	vst.add.f32.msk $0xffff, v0  }
0x108: {  	v2 =	vld [tilespmem:s31+$0x190]  }
0x109: {  	v3 =	vld [tilespmem:s31+$0x180]  }
0x10a: {  	v8 =	vld [tilespmem:s31+$0x170]  }
0x10b: {  	v0 =	vld [tilespmem:s31+$0x10]  }
0x10c: {  	[tilespmem:s31+$0xFFFFEDA0] =	vst.add.f32.msk $0xffff, v7  }
0x10d: {  	[tilespmem:s31+$0xFFFFED90] =	vst.add.f32.msk $0xffff, v2  }
0x10e: {  	[tilespmem:s31+$0xFFFFED80] =	vst.add.f32.msk $0xffff, v3  }
0x10f: {  	[tilespmem:s31+$0xFFFFED70] =	vst.add.f32.msk $0xffff, v8  }
0x110: {  	v2 =	vld [tilespmem:s31+$0x90]  }
0x111: {  	v3 =	vld [tilespmem:s31+$0x160]  }
0x112: {  	v7 =	vld [tilespmem:s31+$0x150]  }
0x113: {  	v8 =	vld [tilespmem:s31+$0x140]  }
0x114: {  	v9 =	vld [tilespmem:s31+$0x130]  }
0x115: {  	v10 =	vld [tilespmem:s31+$0x120]  }
0x116: {  	[tilespmem:s31+$0xFFFFED60] =	vst.add.f32.msk $0xffff, v3  }
0x117: {  	[tilespmem:s31+$0xFFFFED50] =	vst.add.f32.msk $0xffff, v7  }
0x118: {  	[tilespmem:s31+$0xFFFFED40] =	vst.add.f32.msk $0xffff, v8  }
0x119: {  	[tilespmem:s31+$0xFFFFED30] =	vst.add.f32.msk $0xffff, v9  }
0x11a: {  	[tilespmem:s31+$0xFFFFED20] =	vst.add.f32.msk $0xffff, v10  }
0x11b: {  	[tilespmem:s31+$0xFFFFEC90] =	vst.add.f32.msk $0xffff, v2  }
0x11c: {  	v2 =	vld [tilespmem:s31+$0x70]  }
0x11d: {  	v3 =	vld [tilespmem:s31+$0x80]  }
0x11e: {  	v7 =	vld [tilespmem:s31+$0xA0]  }
0x11f: {  	v8 =	vld [tilespmem:s31+$0xB0]  }
0x120: {  	v9 =	vld [tilespmem:s31+$0xC0]  }
0x121: {  	v10 =	vld [tilespmem:s31+$0x110]  }
0x122: {  	v11 =	vld [tilespmem:s31+$0x100]  }
0x123: {  	v12 =	vld [tilespmem:s31+$0xF0]  }
0x124: {  	v13 =	vld [tilespmem:s31+$0xE0]  }
0x125: {  	v14 =	vld [tilespmem:s31+$0xD0]  }
0x126: {  	[tilespmem:s31+$0xFFFFED10] =	vst.add.f32.msk $0xffff, v10  }
0x127: {  	[tilespmem:s31+$0xFFFFED00] =	vst.add.f32.msk $0xffff, v11  }
0x128: {  	[tilespmem:s31+$0xFFFFECF0] =	vst.add.f32.msk $0xffff, v12  }
0x129: {  	[tilespmem:s31+$0xFFFFECE0] =	vst.add.f32.msk $0xffff, v13  }
0x12a: {  	[tilespmem:s31+$0xFFFFECD0] =	vst.add.f32.msk $0xffff, v14  }
0x12b: {  	[tilespmem:s31+$0xFFFFECC0] =	vst.add.f32.msk $0xffff, v9  }
0x12c: {  	[tilespmem:s31+$0xFFFFECB0] =	vst.add.f32.msk $0xffff, v8  }
0x12d: {  	[tilespmem:s31+$0xFFFFECA0] =	vst.add.f32.msk $0xffff, v7  }
0x12e: {  	v7 =	vld [tilespmem:s31+$0x40]  }
0x12f: {  	[tilespmem:s31+$0xFFFFEC80] =	vst.add.f32.msk $0xffff, v3  }
0x130: {  	[tilespmem:s31+$0xFFFFEC70] =	vst.add.f32.msk $0xffff, v2  }
.Ltmp1:
0x131: {  	[tilespmem:s31+$0xFFFFEC60] =	vst.add.f32.msk $0xffff, v6;
	(pc) =	sbr.rel @p2 .LBB2_5-.Ltmp1, $4  }
0x132: {  	[tilespmem:s31+$0xFFFFEC50] =	vst.add.f32.msk $0xffff, v1  }
0x133: {  	[tilespmem:s31+$0xFFFFEC40] =	vst.add.f32.msk $0xffff, v7  }
0x134: {  	[tilespmem:s31+$0xFFFFEC30] =	vst.add.f32.msk $0xffff, v5  }
0x135: {  	[tilespmem:s31+$0xFFFFEC20] =	vst.add.f32.msk $0xffff, v4  }
0x136: {  	s0 =	sadd.s32 s29, s9  }
0x137: {  	s0 =	sshll.u32 s0, $0x4  }
0x138: {  	[tilespmem:s31+$0xFFFFEC10] =	vst.add.f32.msk $0xffff, v0;
	s0 =	sadd.s32 s3, s0  }
0x139: {  	[hbm4b:s0+s2] =	stream.linear.scatter [tilespmem:s17], [sflag:$0x5], $0x1400, $0x38;
	[tilespmem:$0x1D880] =	vst v63  }
0x13a: {  	s0 =	simm.s32 @!p1 $0x5  }
0x13b: {  	_ =	swait.ge @!p1 [sflag:s0], $0x1400  }
0x13c: {  	s16 =	simm.s32 @!p1 $0x50;
	[sflag:s0] =	ssyncset.done @!p1 $0x0  }
0x13d: {  	s29 =	simm.s32 @!p1 $0x18880;
	[sflag:s0] =	ssyncadd.s32 @!p1 $0xFFFFEC00;
	s0 =	sadd.s32 @!p1 $0x200, s30  }
0x13e: {  	[tilespmem:s29], [sflag:$0x2] =	stream.indirect.gather @!p1 [spmem:s1], $0x80, s0, s16, $0xb8;
	[tilespmem:$0x1D880] =	vst v63  }
0x13f: {  	_ =	swait.ge [sflag:s21], $0x2800  }
0x140: {  	[sflag:s21] =	ssyncset.done $0x0  }
0x141: {  	s29 =	simm.s32 $0x1C480;
	[sflag:s21] =	ssyncadd.s32 $0xFFFFD800  }
0x142: {  	v1 =	vld [tilespmem:s29+$0x50]  }
0x143: {  	v0 =	vld [tilespmem:s29+$0x0]  }
0x144: {  	v2 =	vld [tilespmem:s29+$0x1D0]  }
0x145: {  	v3 =	vld [tilespmem:s29+$0x1C0]  }
0x146: {  	v4 =	vld [tilespmem:s29+$0x1F0]  }
0x147: {  	v5 =	vld [tilespmem:s29+$0x1E0]  }
0x148: {  	v6 =	vld [tilespmem:s29+$0x60]  }
0x149: {  	v7 =	vld [tilespmem:s29+$0x1A0]  }
0x14a: {  	v55 =	vld [tilespmem:s29+$0x20]  }
0x14b: {  	v56 =	vld [tilespmem:s29+$0x30]  }
0x14c: {  	v8 =	vld [tilespmem:s29+$0x170]  }
0x14d: {  	v57 =	vld [tilespmem:s29+$0x150]  }
0x14e: {  	v58 =	vld [tilespmem:s29+$0x140]  }
0x14f: {  	v9 =	vld [tilespmem:s29+$0x130]  }
0x150: {  	v10 =	vld [tilespmem:s29+$0x120]  }
0x151: {  	v59 =	vld [tilespmem:s29+$0xA0]  }
0x152: {  	v60 =	vld [tilespmem:s29+$0xB0]  }
0x153: {  	v61 =	vld [tilespmem:s29+$0xC0]  }
0x154: {  	v62 =	vld [tilespmem:s29+$0x110]  }
0x155: {  	v11 =	vld [tilespmem:s29+$0x100]  }
0x156: {  	v12 =	vld [tilespmem:s29+$0xF0]  }
0x157: {  	v13 =	vld [tilespmem:s29+$0xE0]  }
0x158: {  	v14 =	vld [tilespmem:s29+$0xD0]  }
0x159: {  	v63 =	vld [tilespmem:s29+$0x40]  }
0x15a: {  	[tilespmem:s29+$0xFFFFEC00] =	vst.add.f32.msk $0xffff, v0  }
0x15b: {  	[tilespmem:s29+$0xFFFFEDF0] =	vst.add.f32.msk $0xffff, v4  }
0x15c: {  	[tilespmem:s29+$0xFFFFEDE0] =	vst.add.f32.msk $0xffff, v5  }
0x15d: {  	v0 =	vld [tilespmem:s29+$0x1B0]  }
0x15e: {  	[tilespmem:s29+$0xFFFFEDD0] =	vst.add.f32.msk $0xffff, v2  }
0x15f: {  	[tilespmem:s29+$0xFFFFEDC0] =	vst.add.f32.msk $0xffff, v3  }
0x160: {  	v2 =	vld [tilespmem:s29+$0x190]  }
0x161: {  	v3 =	vld [tilespmem:s29+$0x180]  }
0x162: {  	[tilespmem:s29+$0xFFFFEDA0] =	vst.add.f32.msk $0xffff, v7  }
0x163: {  	[tilespmem:s29+$0xFFFFED70] =	vst.add.f32.msk $0xffff, v8  }
0x164: {  	[tilespmem:s29+$0xFFFFED50] =	vst.add.f32.msk $0xffff, v57  }
0x165: {  	[tilespmem:s29+$0xFFFFED40] =	vst.add.f32.msk $0xffff, v58  }
0x166: {  	[tilespmem:s29+$0xFFFFED30] =	vst.add.f32.msk $0xffff, v9  }
0x167: {  	[tilespmem:s29+$0xFFFFED20] =	vst.add.f32.msk $0xffff, v10  }
0x168: {  	[tilespmem:s29+$0xFFFFED10] =	vst.add.f32.msk $0xffff, v62  }
0x169: {  	[tilespmem:s29+$0xFFFFED00] =	vst.add.f32.msk $0xffff, v11  }
0x16a: {  	[tilespmem:s29+$0xFFFFECF0] =	vst.add.f32.msk $0xffff, v12  }
0x16b: {  	[tilespmem:s29+$0xFFFFECE0] =	vst.add.f32.msk $0xffff, v13  }
0x16c: {  	[tilespmem:s29+$0xFFFFECD0] =	vst.add.f32.msk $0xffff, v14  }
0x16d: {  	[tilespmem:s29+$0xFFFFECC0] =	vst.add.f32.msk $0xffff, v61  }
0x16e: {  	[tilespmem:s29+$0xFFFFECB0] =	vst.add.f32.msk $0xffff, v60  }
0x16f: {  	[tilespmem:s29+$0xFFFFECA0] =	vst.add.f32.msk $0xffff, v59  }
0x170: {  	[tilespmem:s29+$0xFFFFEC60] =	vst.add.f32.msk $0xffff, v6  }
0x171: {  	[tilespmem:s29+$0xFFFFED90] =	vst.add.f32.msk $0xffff, v2  }
0x172: {  	[tilespmem:s29+$0xFFFFED80] =	vst.add.f32.msk $0xffff, v3  }
0x173: {  	v3 =	vld [tilespmem:s29+$0x160]  }
0x174: {  	v2 =	vld [tilespmem:s29+$0x90]  }
0x175: {  	[tilespmem:s29+$0xFFFFEC50] =	vst.add.f32.msk $0xffff, v1  }
0x176: {  	[tilespmem:s29+$0xFFFFEC40] =	vst.add.f32.msk $0xffff, v63  }
0x177: {  	[tilespmem:s29+$0xFFFFEDB0] =	vst.add.f32.msk $0xffff, v0  }
0x178: {  	[tilespmem:s29+$0xFFFFED60] =	vst.add.f32.msk $0xffff, v3  }
0x179: {  	[tilespmem:s29+$0xFFFFEC90] =	vst.add.f32.msk $0xffff, v2  }
0x17a: {  	v3 =	vld [tilespmem:s29+$0x80]  }
0x17b: {  	v2 =	vld [tilespmem:s29+$0x70]  }
0x17c: {  	v0 =	vld [tilespmem:s29+$0x10]  }
0x17d: {  	[tilespmem:s29+$0xFFFFEC30] =	vst.add.f32.msk $0xffff, v56  }
0x17e: {  	[tilespmem:s29+$0xFFFFEC20] =	vst.add.f32.msk $0xffff, v55  }
0x17f: {  	[tilespmem:s29+$0xFFFFEC80] =	vst.add.f32.msk $0xffff, v3  }
0x180: {  	s0 =	simm.s32 $0x0;
	[tilespmem:s29+$0xFFFFEC70] =	vst.add.f32.msk $0xffff, v2  }
.LBB2_7:
0x181: {  	s0 =	sadd.s32 $0x4, s0;
	[tilespmem:s29+$0xFFFFEC10] =	vst.add.f32.msk $0xffff, v0;
	s29 =	sadd.s32 $0x200, s29  }
0x182: {  	v1 =	vld [tilespmem:s29+$0x50];
	p1 =	slt.u32 s0, $0x24  }
0x183: {  	v0 =	vld [tilespmem:s29+$0x0]  }
0x184: {  	v2 =	vld [tilespmem:s29+$0x1D0]  }
0x185: {  	v3 =	vld [tilespmem:s29+$0x1C0]  }
0x186: {  	v4 =	vld [tilespmem:s29+$0x1F0]  }
0x187: {  	v5 =	vld [tilespmem:s29+$0x1E0]  }
0x188: {  	[tilespmem:s29+$0xFFFFEC00] =	vst.add.f32.msk $0xffff, v0  }
0x189: {  	v6 =	vld [tilespmem:s29+$0x60]  }
0x18a: {  	v7 =	vld [tilespmem:s29+$0x1A0]  }
0x18b: {  	[tilespmem:s29+$0xFFFFEDF0] =	vst.add.f32.msk $0xffff, v4  }
0x18c: {  	[tilespmem:s29+$0xFFFFEDE0] =	vst.add.f32.msk $0xffff, v5  }
0x18d: {  	v0 =	vld [tilespmem:s29+$0x1B0]  }
0x18e: {  	v4 =	vld [tilespmem:s29+$0x20]  }
0x18f: {  	v5 =	vld [tilespmem:s29+$0x30]  }
0x190: {  	[tilespmem:s29+$0xFFFFEDD0] =	vst.add.f32.msk $0xffff, v2  }
0x191: {  	[tilespmem:s29+$0xFFFFEDC0] =	vst.add.f32.msk $0xffff, v3  }
0x192: {  	[tilespmem:s29+$0xFFFFEDB0] =	vst.add.f32.msk $0xffff, v0  }
0x193: {  	v2 =	vld [tilespmem:s29+$0x190]  }
0x194: {  	v3 =	vld [tilespmem:s29+$0x180]  }
0x195: {  	v8 =	vld [tilespmem:s29+$0x170]  }
0x196: {  	v0 =	vld [tilespmem:s29+$0x10]  }
0x197: {  	[tilespmem:s29+$0xFFFFEDA0] =	vst.add.f32.msk $0xffff, v7  }
0x198: {  	[tilespmem:s29+$0xFFFFED90] =	vst.add.f32.msk $0xffff, v2  }
0x199: {  	[tilespmem:s29+$0xFFFFED80] =	vst.add.f32.msk $0xffff, v3  }
0x19a: {  	[tilespmem:s29+$0xFFFFED70] =	vst.add.f32.msk $0xffff, v8  }
0x19b: {  	v2 =	vld [tilespmem:s29+$0x90]  }
0x19c: {  	v3 =	vld [tilespmem:s29+$0x160]  }
0x19d: {  	v7 =	vld [tilespmem:s29+$0x150]  }
0x19e: {  	v8 =	vld [tilespmem:s29+$0x140]  }
0x19f: {  	v9 =	vld [tilespmem:s29+$0x130]  }
0x1a0: {  	v10 =	vld [tilespmem:s29+$0x120]  }
0x1a1: {  	[tilespmem:s29+$0xFFFFED60] =	vst.add.f32.msk $0xffff, v3  }
0x1a2: {  	[tilespmem:s29+$0xFFFFED50] =	vst.add.f32.msk $0xffff, v7  }
0x1a3: {  	[tilespmem:s29+$0xFFFFED40] =	vst.add.f32.msk $0xffff, v8  }
0x1a4: {  	[tilespmem:s29+$0xFFFFED30] =	vst.add.f32.msk $0xffff, v9  }
0x1a5: {  	[tilespmem:s29+$0xFFFFED20] =	vst.add.f32.msk $0xffff, v10  }
0x1a6: {  	[tilespmem:s29+$0xFFFFEC90] =	vst.add.f32.msk $0xffff, v2  }
0x1a7: {  	v2 =	vld [tilespmem:s29+$0x70]  }
0x1a8: {  	v3 =	vld [tilespmem:s29+$0x80]  }
0x1a9: {  	v7 =	vld [tilespmem:s29+$0xA0]  }
0x1aa: {  	v8 =	vld [tilespmem:s29+$0xB0]  }
0x1ab: {  	v9 =	vld [tilespmem:s29+$0xC0]  }
0x1ac: {  	v10 =	vld [tilespmem:s29+$0x110]  }
0x1ad: {  	v11 =	vld [tilespmem:s29+$0x100]  }
0x1ae: {  	v12 =	vld [tilespmem:s29+$0xF0]  }
0x1af: {  	v13 =	vld [tilespmem:s29+$0xE0]  }
0x1b0: {  	v14 =	vld [tilespmem:s29+$0xD0]  }
0x1b1: {  	[tilespmem:s29+$0xFFFFED10] =	vst.add.f32.msk $0xffff, v10  }
0x1b2: {  	[tilespmem:s29+$0xFFFFED00] =	vst.add.f32.msk $0xffff, v11  }
0x1b3: {  	[tilespmem:s29+$0xFFFFECF0] =	vst.add.f32.msk $0xffff, v12  }
0x1b4: {  	[tilespmem:s29+$0xFFFFECE0] =	vst.add.f32.msk $0xffff, v13  }
0x1b5: {  	[tilespmem:s29+$0xFFFFECD0] =	vst.add.f32.msk $0xffff, v14  }
0x1b6: {  	[tilespmem:s29+$0xFFFFECC0] =	vst.add.f32.msk $0xffff, v9  }
0x1b7: {  	[tilespmem:s29+$0xFFFFECB0] =	vst.add.f32.msk $0xffff, v8  }
0x1b8: {  	[tilespmem:s29+$0xFFFFECA0] =	vst.add.f32.msk $0xffff, v7  }
0x1b9: {  	v7 =	vld [tilespmem:s29+$0x40]  }
0x1ba: {  	[tilespmem:s29+$0xFFFFEC80] =	vst.add.f32.msk $0xffff, v3  }
0x1bb: {  	[tilespmem:s29+$0xFFFFEC70] =	vst.add.f32.msk $0xffff, v2  }
.Ltmp2:
0x1bc: {  	[tilespmem:s29+$0xFFFFEC60] =	vst.add.f32.msk $0xffff, v6;
	(pc) =	sbr.rel @p1 .LBB2_7-.Ltmp2, $4  }
0x1bd: {  	[tilespmem:s29+$0xFFFFEC50] =	vst.add.f32.msk $0xffff, v1  }
0x1be: {  	[tilespmem:s29+$0xFFFFEC40] =	vst.add.f32.msk $0xffff, v7  }
0x1bf: {  	[tilespmem:s29+$0xFFFFEC30] =	vst.add.f32.msk $0xffff, v5  }
0x1c0: {  	[tilespmem:s29+$0xFFFFEC20] =	vst.add.f32.msk $0xffff, v4  }
0x1c1: {  	s26 =	sadd.s32 $0x1, s26  }
0x1c2: {  	s0 =	smul.u32 $0x28, s28;
	p1 =	sne.s32 s26, $0x19  }
.Ltmp3:
0x1c3: {  	_ = 	snop;
	(pc) =	sbr.rel @p1 .LBB2_2-.Ltmp3, $4  }
0x1c4: {  	s0 =	sadd.s32 s4, s0  }
0x1c5: {  	s0 =	sshll.u32 s0, $0x4  }
0x1c6: {  	[tilespmem:s29+$0xFFFFEC10] =	vst.add.f32.msk $0xffff, v0;
	s0 =	sadd.s32 s3, s0  }
0x1c7: {  	[hbm4b:s0+s2] =	stream.linear.scatter [tilespmem:s18], [sflag:$0x6], $0x1400, $0x38;
	[tilespmem:$0x1D880] =	vst v63  }
0x1c8: {  	_ =	swait.ge [sflag:s22], $0x1400  }
0x1c9: {  	[sflag:s22] =	ssyncset.done $0x0  }
0x1ca: {  	s25 =	sadd.s32 $0x1, s25;
	[sflag:s22] =	ssyncadd.s32 $0xFFFFEC00  }
0x1cb: {  	p1 =	sne.s32 s25, s10;
	_ =	swait.ge [sflag:s23], $0x1400  }
.Ltmp4:
0x1cc: {  	[sflag:s23] =	ssyncset.done $0x0;
	(pc) =	sbr.rel @p1 .LBB2_1-.Ltmp4, $4  }
0x1cd: {  	[sflag:s23] =	ssyncadd.s32 $0xFFFFEC00  }
0x1ce: {  	_ =	swait.ge [sflag:s24], $0x1400  }
0x1cf: {  	[sflag:s24] =	ssyncset.done $0x0  }
0x1d0: {  	[sflag:s24] =	ssyncadd.s32 $0xFFFFEC00  }
0x1d1: {  	_ =	sfence.sel $0x180000  }
0x1d2: {  	[bflag:$0x0] =	sbarrier.arrive $0xFFFF  }
0x1d3: {  	_ =	strace $0x90000047  }
0x1d4: {  	[bflag:$0x2] =	sbarrier.arrive $0xFFFF  }
0x1d5: {  	s0 =	rddreg [dreg:$0x3]  }
0x1d6: {  	s0 =	sadd.s32 @!p0 $0x100000, s0  }
0x1d7: {  	[sflag:s0] =	ssyncadd.tile.s32 @!p0 $0x1;
	_ =	shalt  }
.Lfunc_end2:
_tile_overlayer_lowered:
.L_overlay_start_2:
0x1d8: {  	(tag) =	ssettag $0x2  }
0x1d9: {  	s0 =	rddreg [dreg:$0x0];
	s2 =	stileid.u32  }
0x1da: {  	s1 =	rddreg [dreg:$0x1];
	p0 =	sne.s32 s2, $0x0  }
0x1db: {  	s3 =	rddreg [dreg:$0x2];
	[bflag:$0x3] =	sbarrier.arrive $0xFFFF;
	s2 =	simm.s32 @!p0 $0x1C07  }
0x1dc: {  	[timem:s3], [sflag:s2] =	dma.local @!p0 [hbm:s0], s1  }
0x1dd: {  	s0 =	simm.s32 @!p0 $0x7  }
0x1de: {  	_ =	swait.ge @!p0 [sflag:s0], s1  }
0x1df: {  	s1 =	ssub.s32 @!p0 $0x0, s1;
	[sflag:s0] =	ssyncset.done @!p0 $0x0  }
0x1e0: {  	[sflag:s0] =	ssyncadd.s32 @!p0 s1  }
0x1e1: {  	[bflag:$0x3] =	sbarrier.arrive $0xFFFF  }
0x1e2: {  	_ =	shalt  }

</sc_bundles>
